<compile_context>
chip_gen: v7x
topology: tpu7x:2x2x1
jax: 0.10.2.dev20260603
libtpu: 0.0.44.dev20260713+nightly
codegen_flags: <defaults>
</compile_context>

<pallas_src>
import functools

import jax
import jax.numpy as jnp
from jax import lax
from jax.experimental import pallas as pl
from jax.experimental.pallas import tpu as pltpu
from jax.experimental.pallas import tpu_sc as plsc

N = 10000
E = 320000
D = 128

NW = 32
BD = 80
ROWS_WD = E // BD // NW
B = 125
ROWS_W = E // B // NW
NBUF = 2
NIDX = 4
NGRPI = ROWS_W // NIDX
NPAD = 10240
NT = 16
ROWS_T = NPAD // NT
RB = 1000
GRID = N // RB

_f32 = jnp.float32



def _deg_body(dst_hbm, ones_hbm, zeros1_hbm, out_hbm, idx_v, ones_v, deg_sh):
    cid = lax.axis_index("c")
    sid = lax.axis_index("s")
    wid = cid * NT + sid
    pltpu.sync_copy(zeros1_hbm, deg_sh.at[pl.ds(sid * 640, 640)])
    pltpu.sync_copy(dst_hbm.at[wid], idx_v)
    pltpu.sync_copy(ones_hbm, ones_v)
    plsc.subcore_barrier()

    @pl.loop(0, ROWS_WD)
    def _(j):
        pltpu.sync_copy(ones_v, deg_sh.at[idx_v.at[j]], add=True)

    plsc.subcore_barrier()
    pltpu.sync_copy(deg_sh.at[pl.ds(sid * 640, 640)],
                    out_hbm.at[cid, 0, pl.ds(sid * 640, 640)])


def _scatter_body(h_hbm, ei_hbm, zeros2_hbm, out_hbm,
                  idx_v, rows_v, acc_sh, isem, gsem):
    cid = lax.axis_index("c")
    sid = lax.axis_index("s")
    wid = cid * NT + sid
    pltpu.sync_copy(zeros2_hbm, acc_sh.at[pl.ds(sid * ROWS_T, ROWS_T)])
    plsc.subcore_barrier()

    for k in range(NIDX):
        pltpu.async_copy(ei_hbm.at[wid, k], idx_v.at[k], isem.at[k])
    for b in range(NBUF):
        pltpu.make_async_copy(ei_hbm.at[wid, b], idx_v.at[b],
                              isem.at[b]).wait()
        pltpu.async_copy(h_hbm.at[idx_v.at[b, 0]], rows_v.at[b], gsem.at[b])

    @pl.loop(0, NGRPI - 1)
    def _(g):
        j0 = g * NIDX
        for k in range(NIDX):
            b = k % NBUF
            ks = (k + NBUF) % NIDX
            pltpu.make_async_copy(h_hbm.at[idx_v.at[k, 0]], rows_v.at[b],
                                  gsem.at[b]).wait()
            pltpu.sync_copy(rows_v.at[b], acc_sh.at[idx_v.at[k, 1]], add=True)
            pltpu.async_copy(ei_hbm.at[wid, j0 + k + NIDX], idx_v.at[k],
                             isem.at[k])
            pltpu.make_async_copy(ei_hbm.at[wid, k], idx_v.at[ks],
                                  isem.at[ks]).wait()
            pltpu.async_copy(h_hbm.at[idx_v.at[ks, 0]], rows_v.at[b],
                             gsem.at[b])

    for k in range(NIDX):
        b = k % NBUF
        ks = (k + NBUF) % NIDX
        pltpu.make_async_copy(h_hbm.at[idx_v.at[k, 0]], rows_v.at[b],
                              gsem.at[b]).wait()
        pltpu.sync_copy(rows_v.at[b], acc_sh.at[idx_v.at[k, 1]], add=True)
        if k < NIDX - NBUF:
            pltpu.make_async_copy(ei_hbm.at[wid, k], idx_v.at[ks],
                                  isem.at[ks]).wait()
            pltpu.async_copy(h_hbm.at[idx_v.at[ks, 0]], rows_v.at[b],
                             gsem.at[b])

    plsc.subcore_barrier()
    pltpu.sync_copy(acc_sh.at[pl.ds(sid * ROWS_T, ROWS_T)],
                    out_hbm.at[cid, pl.ds(sid * ROWS_T, ROWS_T)])


@functools.lru_cache(maxsize=None)
def _sc_kernels():
    mesh = plsc.VectorSubcoreMesh(core_axis_name="c", subcore_axis_name="s",
                                  num_cores=2, num_subcores=NT)
    deg = pl.kernel(
        _deg_body,
        out_type=jax.ShapeDtypeStruct((2, 1, NPAD), _f32),
        mesh=mesh,
        scratch_types=[
            pltpu.VMEM((ROWS_WD, BD), jnp.int32),
            pltpu.VMEM((BD,), _f32),
            pltpu.VMEM_SHARED((NPAD,), _f32),
        ],
    )
    scat = pl.kernel(
        _scatter_body,
        out_type=jax.ShapeDtypeStruct((2, NPAD, D), _f32),
        mesh=mesh,
        scratch_types=[
            pltpu.VMEM((NIDX, 2, B), jnp.int32),
            pltpu.VMEM((NBUF, B, D), _f32),
            pltpu.VMEM_SHARED((NPAD, D), _f32),
            pltpu.SemaphoreType.DMA((NIDX,)),
            pltpu.SemaphoreType.DMA((NBUF,)),
        ],
    )
    return deg, scat



def _tc1_body(x_ref, w_ref, d0_ref, d1_ref, hs_ref, dinv_ref):
    deg = d0_ref[...] + d1_ref[...] + 1.0
    dinv = lax.rsqrt(deg)
    dinv_ref[...] = dinv
    h = jnp.dot(x_ref[...], w_ref[...], preferred_element_type=_f32)
    hs_ref[...] = h * dinv


_tc1 = pl.pallas_call(
    _tc1_body,
    grid=(GRID,),
    in_specs=[
        pl.BlockSpec((RB, D), lambda i: (i, 0)),
        pl.BlockSpec((D, D), lambda i: (0, 0)),
        pl.BlockSpec((RB, 1), lambda i: (i, 0)),
        pl.BlockSpec((RB, 1), lambda i: (i, 0)),
    ],
    out_specs=[
        pl.BlockSpec((RB, D), lambda i: (i, 0)),
        pl.BlockSpec((RB, 1), lambda i: (i, 0)),
    ],
    out_shape=[
        jax.ShapeDtypeStruct((N, D), _f32),
        jax.ShapeDtypeStruct((N, 1), _f32),
    ],
)


def _tc2_body(acc_ref, hs_ref, dinv_ref, b_ref, w_ref, out_ref):
    dinv = dinv_ref[...]
    pre = dinv * (acc_ref[0] + acc_ref[1] + hs_ref[...]) + b_ref[...]
    h = jnp.where(pre >= 0, pre, 0.01 * pre)
    out_ref[...] = jnp.dot(h, w_ref[...], preferred_element_type=_f32) * dinv


_tc2 = pl.pallas_call(
    _tc2_body,
    grid=(GRID,),
    in_specs=[
        pl.BlockSpec((2, RB, D), lambda i: (0, i, 0)),
        pl.BlockSpec((RB, D), lambda i: (i, 0)),
        pl.BlockSpec((RB, 1), lambda i: (i, 0)),
        pl.BlockSpec((1, D), lambda i: (0, 0)),
        pl.BlockSpec((D, D), lambda i: (0, 0)),
    ],
    out_specs=pl.BlockSpec((RB, D), lambda i: (i, 0)),
    out_shape=jax.ShapeDtypeStruct((N, D), _f32),
)


def _tc3_body(acc_ref, hs_ref, dinv_ref, b_ref, wo_ref, bo_ref,
              wm1_ref, bm1_ref, wm2_ref, bm2_ref, y_ref, vn_ref, sum_ref):
    i = pl.program_id(0)
    pre = dinv_ref[...] * (acc_ref[0] + acc_ref[1] + hs_ref[...]) + b_ref[...]
    h2 = jnp.where(pre >= 0, pre, 0.01 * pre)
    y_ref[...] = jnp.dot(h2, wo_ref[...], preferred_element_type=_f32) + bo_ref[...]
    part = jnp.sum(h2, axis=0, keepdims=True)

    @pl.when(i == 0)
    def _():
        sum_ref[...] = part
        vn_ref[...] = jnp.zeros((1, D), _f32)

    @pl.when(i > 0)
    def _():
        sum_ref[...] += part

    @pl.when(i == GRID - 1)
    def _():
        v = jnp.dot(sum_ref[...], wm1_ref[...], preferred_element_type=_f32)
        v = jnp.maximum(v + bm1_ref[...], 0.0)
        v = jnp.dot(v, wm2_ref[...], preferred_element_type=_f32)
        vn_ref[...] = jnp.maximum(v + bm2_ref[...], 0.0)


_tc3 = pl.pallas_call(
    _tc3_body,
    grid=(GRID,),
    in_specs=[
        pl.BlockSpec((2, RB, D), lambda i: (0, i, 0)),
        pl.BlockSpec((RB, D), lambda i: (i, 0)),
        pl.BlockSpec((RB, 1), lambda i: (i, 0)),
        pl.BlockSpec((1, D), lambda i: (0, 0)),
        pl.BlockSpec((D, D), lambda i: (0, 0)),
        pl.BlockSpec((1, D), lambda i: (0, 0)),
        pl.BlockSpec((D, D), lambda i: (0, 0)),
        pl.BlockSpec((1, D), lambda i: (0, 0)),
        pl.BlockSpec((D, D), lambda i: (0, 0)),
        pl.BlockSpec((1, D), lambda i: (0, 0)),
    ],
    out_specs=[
        pl.BlockSpec((RB, D), lambda i: (i, 0)),
        pl.BlockSpec((1, D), lambda i: (0, 0)),
    ],
    out_shape=[
        jax.ShapeDtypeStruct((N, D), _f32),
        jax.ShapeDtypeStruct((1, D), _f32),
    ],
    scratch_shapes=[pltpu.VMEM((1, D), _f32)],
    compiler_params=pltpu.CompilerParams(
        dimension_semantics=("arbitrary",)),
)



@jax.jit
def kernel(x, edge_index, W0, b0, W1, b1, Wout, bout, Wm1, bm1, Wm2, bm2):
    ei3d = jnp.stack([edge_index[0].reshape(NW, ROWS_W, B),
                      edge_index[1].reshape(NW, ROWS_W, B)], axis=2)
    dst3d_deg = edge_index[1].reshape(NW, ROWS_WD, BD)
    ones_b = jnp.ones((BD,), _f32)
    zeros1 = jnp.zeros((640,), _f32)
    zeros2 = jnp.zeros((ROWS_T, D), _f32)

    deg_sc, scatter_sc = _sc_kernels()
    degp = deg_sc(dst3d_deg, ones_b, zeros1)
    d0 = degp[0, 0, :N].reshape(N, 1)
    d1 = degp[1, 0, :N].reshape(N, 1)

    h0s, dinv = _tc1(x, W0, d0, d1)
    acc0 = scatter_sc(h0s, ei3d, zeros2)
    h1s = _tc2(acc0, h0s, dinv, b0.reshape(1, D), W1)
    acc1 = scatter_sc(h1s, ei3d, zeros2)
    y, vn = _tc3(acc1, h1s, dinv, b1.reshape(1, D),
                 Wout, bout.reshape(1, D), Wm1, bm1.reshape(1, D),
                 Wm2, bm2.reshape(1, D))
    return y, vn.reshape(D)

# --- scband reference (transcript-rebuilt; emitter-appended) ---
"""Pipeline reference for scband-cnn-final-vn-model-89094801588809 (READ-ONLY COPY).

The authoritative reference and input builder live on the scoring server;
editing this copy changes nothing except your own understanding.
"""

import jax, jax.numpy as jnp
import numpy as np

N = 10000
E = 320000
D_IN = 128
HID = 128
OUT = 128

def _glorot(key, shape):
    lim = float(np.sqrt(6.0 / (shape[0] + shape[1])))
    return jax.random.uniform(key, shape, jnp.float32, -lim, lim)

def setup_inputs(seed: int = 0):
    key = jax.random.key(seed)
    ks = jax.random.split(key, 12)
    inp = {}
    inp["x"] = jax.random.normal(ks[0], (N, D_IN), dtype=jnp.float32)
    inp["edge_index"] = jax.random.randint(ks[1], (2, E), 0, N, dtype=jnp.int32)
    inp["W0"] = _glorot(ks[2], (D_IN, HID)); inp["b0"] = jnp.zeros((HID,), jnp.float32)
    inp["W1"] = _glorot(ks[3], (HID, HID)); inp["b1"] = jnp.zeros((HID,), jnp.float32)
    inp["Wout"] = _glorot(ks[4], (HID, OUT)); inp["bout"] = jnp.zeros((OUT,), jnp.float32)
    inp["Wm1"] = _glorot(ks[5], (HID, HID)); inp["bm1"] = jnp.zeros((HID,), jnp.float32)
    inp["Wm2"] = _glorot(ks[6], (HID, OUT)); inp["bm2"] = jnp.zeros((OUT,), jnp.float32)
    return inp

def _gcn_conv(x, src, dst, W, b):
    # PyG GCNConv with add_self_loops (self loops already appended to src/dst)
    n = x.shape[0]
    deg = jnp.zeros((n,), x.dtype).at[dst].add(1.0)
    dinv = jnp.where(deg > 0, 1.0 / jnp.sqrt(deg), 0.0)
    norm = dinv[src] * dinv[dst]
    h = x @ W
    msg = h[src] * norm[:, None]
    out = jnp.zeros((n, W.shape[1]), x.dtype).at[dst].add(msg)
    return out + b

def reference(x, edge_index, W0, b0, W1, b1, Wout, bout, Wm1, bm1, Wm2, bm2):
    n = x.shape[0]
    loop = jnp.arange(n, dtype=edge_index.dtype)
    src = jnp.concatenate([edge_index[0], loop])
    dst = jnp.concatenate([edge_index[1], loop])
    h = jax.nn.leaky_relu(_gcn_conv(x, src, dst, W0, b0), 0.01)
    h = jax.nn.leaky_relu(_gcn_conv(h, src, dst, W1, b1), 0.01)
    out = h  # per-node hidden features [N, HID]
    # virtual-node embedding: sum-pool over all nodes (batch=None path)
    vn = jnp.sum(h, axis=0)
    # mlp_virtualnode_list (layers-2 == 0 extra blocks, then final block)
    vn = jax.nn.relu(vn @ Wm1 + bm1)
    vn = jax.nn.relu(vn @ Wm2 + bm2)
    y = out @ Wout + bout
    return (y, vn)

if __name__ == "__main__":
    import jax
    _d = setup_inputs()
    print(jax.jit(kernel)(*tuple(_d.values())))

</pallas_src>

<mosaic_0001>
#map = affine_map<(d0, d1) -> (0, 0, 0)>
#map1 = affine_map<(d0, d1) -> (0)>
module attributes {stable_mosaic.version = 14 : i64} {
  func.func @_deg_body(%arg0: i32, %arg1: i32, %arg2: memref<32x125x80xi32, #tpu.memory_space<hbm>>, %arg3: memref<80xf32, #tpu.memory_space<hbm>>, %arg4: memref<640xf32, #tpu.memory_space<hbm>>, %arg5: memref<2x1x10240xf32, #tpu.memory_space<hbm>>, %arg6: memref<125x80xi32, #tpu.memory_space<vmem>>, %arg7: memref<80xf32, #tpu.memory_space<vmem>>, %arg8: memref<10240xf32, #tpu.memory_space<vmem_shared>>) attributes {dimension_semantics = [#tpu.dimension_semantics<core_parallel>, #tpu.dimension_semantics<subcore_parallel>], iteration_bounds = array<i64: 2, 16>, scalar_prefetch = 0 : i64, scratch_operands = 3 : i64, tpu.core_type = #tpu.core_type<sc_vector_subcore>, window_params = [{transform_indices = #map}, {transform_indices = #map1}, {transform_indices = #map1}, {transform_indices = #map}]} {
    %mul3A = arith.constant 16 : i32
    %mul3A_0 = arith.muli %arg0, %mul3A : i32
    %add3A = arith.addi %mul3A_0, %arg1 : i32
    %mul3A_1 = arith.constant 640 : i32
    %mul3A_2 = arith.muli %arg1, %mul3A_1 : i32
    "tpu.region"() ({
      %run_scoped3A_12 = tpu.sem_alloc : memref<!tpu.dma_semaphore, #tpu.memory_space<semaphore_mem>>
      %dma_start3A = tpu.memref_slice %arg8[%mul3A_2] : memref<10240xf32, #tpu.memory_space<vmem_shared>> -> memref<640xf32, #tpu.memory_space<vmem_shared>>
      tpu.enqueue_dma source(%arg4 : memref<640xf32, #tpu.memory_space<hbm>>) target(%dma_start3A : memref<640xf32, #tpu.memory_space<vmem_shared>>) target_semaphore(%run_scoped3A_12 : memref<!tpu.dma_semaphore, #tpu.memory_space<semaphore_mem>>)
      %dma_wait3A = tpu.memref_slice %arg8[%mul3A_2] : memref<10240xf32, #tpu.memory_space<vmem_shared>> -> memref<640xf32, #tpu.memory_space<vmem_shared>>
      tpu.wait_dma2 semaphore(%run_scoped3A_12 : memref<!tpu.dma_semaphore, #tpu.memory_space<semaphore_mem>>) src(%arg4 : memref<640xf32, #tpu.memory_space<hbm>>) dst(%dma_wait3A : memref<640xf32, #tpu.memory_space<vmem_shared>>)
      tpu.yield
    }) : () -> ()
    "tpu.region"() ({
      %run_scoped3A_12 = tpu.sem_alloc : memref<!tpu.dma_semaphore, #tpu.memory_space<semaphore_mem>>
      %dma_start3A = arith.constant 0 : i32
      %dma_start3A_13 = arith.constant 0 : i32
      %dma_start3A_14 = tpu.memref_slice %arg2[%add3A, %dma_start3A, %dma_start3A_13] : memref<32x125x80xi32, #tpu.memory_space<hbm>> -> memref<1x125x80xi32, #tpu.memory_space<hbm>>
      %dma_start3A_15 = tpu.memref_squeeze %dma_start3A_14 : memref<1x125x80xi32, #tpu.memory_space<hbm>> -> memref<125x80xi32, #tpu.memory_space<hbm>>
      %dma_start3A_16 = arith.constant 0 : i32
      %dma_start3A_17 = arith.constant 0 : i32
      %dma_start3A_18 = tpu.memref_slice %arg2[%add3A, %dma_start3A_16, %dma_start3A_17] : memref<32x125x80xi32, #tpu.memory_space<hbm>> -> memref<1x125x80xi32, #tpu.memory_space<hbm>>
      %dma_start3A_19 = tpu.memref_squeeze %dma_start3A_18 : memref<1x125x80xi32, #tpu.memory_space<hbm>> -> memref<125x80xi32, #tpu.memory_space<hbm>>
      tpu.enqueue_dma source(%dma_start3A_19 : memref<125x80xi32, #tpu.memory_space<hbm>>) target(%arg6 : memref<125x80xi32, #tpu.memory_space<vmem>>) target_semaphore(%run_scoped3A_12 : memref<!tpu.dma_semaphore, #tpu.memory_space<semaphore_mem>>)
      %dma_wait3A = arith.constant 0 : i32
      %dma_wait3A_20 = arith.constant 0 : i32
      %dma_wait3A_21 = tpu.memref_slice %arg2[%add3A, %dma_wait3A, %dma_wait3A_20] : memref<32x125x80xi32, #tpu.memory_space<hbm>> -> memref<1x125x80xi32, #tpu.memory_space<hbm>>
      %dma_wait3A_22 = tpu.memref_squeeze %dma_wait3A_21 : memref<1x125x80xi32, #tpu.memory_space<hbm>> -> memref<125x80xi32, #tpu.memory_space<hbm>>
      %dma_wait3A_23 = arith.constant 0 : i32
      %dma_wait3A_24 = arith.constant 0 : i32
      %dma_wait3A_25 = tpu.memref_slice %arg2[%add3A, %dma_wait3A_23, %dma_wait3A_24] : memref<32x125x80xi32, #tpu.memory_space<hbm>> -> memref<1x125x80xi32, #tpu.memory_space<hbm>>
      %dma_wait3A_26 = tpu.memref_squeeze %dma_wait3A_25 : memref<1x125x80xi32, #tpu.memory_space<hbm>> -> memref<125x80xi32, #tpu.memory_space<hbm>>
      tpu.wait_dma2 semaphore(%run_scoped3A_12 : memref<!tpu.dma_semaphore, #tpu.memory_space<semaphore_mem>>) src(%dma_wait3A_26 : memref<125x80xi32, #tpu.memory_space<hbm>>) dst(%arg6 : memref<125x80xi32, #tpu.memory_space<vmem>>)
      tpu.yield
    }) : () -> ()
    "tpu.region"() ({
      %run_scoped3A_12 = tpu.sem_alloc : memref<!tpu.dma_semaphore, #tpu.memory_space<semaphore_mem>>
      tpu.enqueue_dma source(%arg3 : memref<80xf32, #tpu.memory_space<hbm>>) target(%arg7 : memref<80xf32, #tpu.memory_space<vmem>>) target_semaphore(%run_scoped3A_12 : memref<!tpu.dma_semaphore, #tpu.memory_space<semaphore_mem>>)
      tpu.wait_dma2 semaphore(%run_scoped3A_12 : memref<!tpu.dma_semaphore, #tpu.memory_space<semaphore_mem>>) src(%arg3 : memref<80xf32, #tpu.memory_space<hbm>>) dst(%arg7 : memref<80xf32, #tpu.memory_space<vmem>>)
      tpu.yield
    }) : () -> ()
    %barrier3A = arith.constant 0 : index
    tpu.barrier barrier_id(%barrier3A)
    %scan3A = arith.constant 0 : i32
    %scan3A_3 = arith.constant 125 : i32
    %scan3A_4 = arith.addi %scan3A, %scan3A_3 : i32
    %scan3A_5 = arith.constant 1 : i32
    scf.for %scan3A_12 = %scan3A to %scan3A_4 step %scan3A_5  : i32 {
      %mul3A_13 = arith.constant 1 : i32
      %mul3A_14 = arith.muli %scan3A_12, %mul3A_13 : i32
      %add3A_15 = arith.constant 0 : i32
      %add3A_16 = arith.addi %add3A_15, %mul3A_14 : i32
      "tpu.region"() ({
        %run_scoped3A_17 = tpu.sem_alloc : memref<!tpu.dma_semaphore, #tpu.memory_space<semaphore_mem>>
        %dma_start3A = arith.constant 0 : i32
        %dma_start3A_18 = tpu.memref_slice %arg6[%add3A_16, %dma_start3A] : memref<125x80xi32, #tpu.memory_space<vmem>> -> memref<1x80xi32, #tpu.memory_space<vmem>>
        %dma_start3A_19 = tpu.memref_squeeze %dma_start3A_18 : memref<1x80xi32, #tpu.memory_space<vmem>> -> memref<80xi32, #tpu.memory_space<vmem>>
        %dma_start3A_20 = arith.constant 0 : i32
        %dma_start3A_21 = tpu.memref_slice %arg8[%dma_start3A_20] : memref<10240xf32, #tpu.memory_space<vmem_shared>> -> memref<10240xf32, #tpu.memory_space<vmem_shared>>
        tpu.enqueue_indirect_dma source(%arg7 : memref<80xf32, #tpu.memory_space<vmem>>) target(%dma_start3A_21 : memref<10240xf32, #tpu.memory_space<vmem_shared>>) offsets(%dma_start3A_19 : memref<80xi32, #tpu.memory_space<vmem>>) semaphore(%run_scoped3A_17 : memref<!tpu.dma_semaphore, #tpu.memory_space<semaphore_mem>>) {add = true}
        %dma_wait3A = arith.constant 0 : i32
        %dma_wait3A_22 = tpu.memref_slice %arg6[%add3A_16, %dma_wait3A] : memref<125x80xi32, #tpu.memory_space<vmem>> -> memref<1x80xi32, #tpu.memory_space<vmem>>
        %dma_wait3A_23 = tpu.memref_squeeze %dma_wait3A_22 : memref<1x80xi32, #tpu.memory_space<vmem>> -> memref<80xi32, #tpu.memory_space<vmem>>
        %dma_wait3A_24 = arith.constant 0 : i32
        %dma_wait3A_25 = tpu.memref_slice %arg8[%dma_wait3A_24] : memref<10240xf32, #tpu.memory_space<vmem_shared>> -> memref<10240xf32, #tpu.memory_space<vmem_shared>>
        tpu.wait_indirect_dma semaphore(%run_scoped3A_17 : memref<!tpu.dma_semaphore, #tpu.memory_space<semaphore_mem>>) src(%arg7 : memref<80xf32, #tpu.memory_space<vmem>>) dst(%dma_wait3A_25 : memref<10240xf32, #tpu.memory_space<vmem_shared>>)
        tpu.yield
      }) : () -> ()
    }
    %scan3A_6 = arith.constant 125 : i32
    %barrier3A_7 = arith.constant 0 : index
    tpu.barrier barrier_id(%barrier3A_7)
    %mul3A_8 = arith.constant 640 : i32
    %mul3A_9 = arith.muli %arg1, %mul3A_8 : i32
    %mul3A_10 = arith.constant 640 : i32
    %mul3A_11 = arith.muli %arg1, %mul3A_10 : i32
    %run_scoped3A = arith.constant 0 : i32
    "tpu.region"() ({
      %run_scoped3A_12 = tpu.sem_alloc : memref<!tpu.dma_semaphore, #tpu.memory_space<semaphore_mem>>
      %dma_start3A = tpu.memref_slice %arg5[%arg0, %run_scoped3A, %mul3A_11] : memref<2x1x10240xf32, #tpu.memory_space<hbm>> -> memref<1x1x640xf32, #tpu.memory_space<hbm>>
      %dma_start3A_13 = tpu.memref_squeeze %dma_start3A : memref<1x1x640xf32, #tpu.memory_space<hbm>> -> memref<640xf32, #tpu.memory_space<hbm>>
      %dma_start3A_14 = tpu.memref_slice %arg8[%mul3A_9] : memref<10240xf32, #tpu.memory_space<vmem_shared>> -> memref<640xf32, #tpu.memory_space<vmem_shared>>
      tpu.enqueue_dma source(%dma_start3A_14 : memref<640xf32, #tpu.memory_space<vmem_shared>>) target(%dma_start3A_13 : memref<640xf32, #tpu.memory_space<hbm>>) target_semaphore(%run_scoped3A_12 : memref<!tpu.dma_semaphore, #tpu.memory_space<semaphore_mem>>)
      %dma_wait3A = tpu.memref_slice %arg5[%arg0, %run_scoped3A, %mul3A_11] : memref<2x1x10240xf32, #tpu.memory_space<hbm>> -> memref<1x1x640xf32, #tpu.memory_space<hbm>>
      %dma_wait3A_15 = tpu.memref_squeeze %dma_wait3A : memref<1x1x640xf32, #tpu.memory_space<hbm>> -> memref<640xf32, #tpu.memory_space<hbm>>
      %dma_wait3A_16 = tpu.memref_slice %arg8[%mul3A_9] : memref<10240xf32, #tpu.memory_space<vmem_shared>> -> memref<640xf32, #tpu.memory_space<vmem_shared>>
      tpu.wait_dma2 semaphore(%run_scoped3A_12 : memref<!tpu.dma_semaphore, #tpu.memory_space<semaphore_mem>>) src(%dma_wait3A_16 : memref<640xf32, #tpu.memory_space<vmem_shared>>) dst(%dma_wait3A_15 : memref<640xf32, #tpu.memory_space<hbm>>)
      tpu.yield
    }) : () -> ()
    return
  }
}

#map = affine_map<(d0, d1) -> (0, 0)>
#map1 = affine_map<(d0, d1) -> (0, 0, 0, 0)>
#map2 = affine_map<(d0, d1) -> (0, 0, 0)>
module attributes {stable_mosaic.version = 14 : i64} {
  func.func @_scatter_body(%arg0: i32, %arg1: i32, %arg2: memref<10000x128xf32, #tpu.memory_space<hbm>>, %arg3: memref<32x80x2x125xi32, #tpu.memory_space<hbm>>, %arg4: memref<640x128xf32, #tpu.memory_space<hbm>>, %arg5: memref<2x10240x128xf32, #tpu.memory_space<hbm>>, %arg6: memref<4x2x125xi32, #tpu.memory_space<vmem>>, %arg7: memref<2x125x128xf32, #tpu.memory_space<vmem>>, %arg8: memref<10240x128xf32, #tpu.memory_space<vmem_shared>>, %arg9: memref<4x!tpu.dma_semaphore, #tpu.memory_space<semaphore_mem>>, %arg10: memref<2x!tpu.dma_semaphore, #tpu.memory_space<semaphore_mem>>) attributes {dimension_semantics = [#tpu.dimension_semantics<core_parallel>, #tpu.dimension_semantics<subcore_parallel>], iteration_bounds = array<i64: 2, 16>, scalar_prefetch = 0 : i64, scratch_operands = 5 : i64, tpu.core_type = #tpu.core_type<sc_vector_subcore>, window_params = [{transform_indices = #map}, {transform_indices = #map1}, {transform_indices = #map}, {transform_indices = #map2}]} {
    %mul3A = arith.constant 16 : i32
    %mul3A_0 = arith.muli %arg0, %mul3A : i32
    %add3A = arith.addi %mul3A_0, %arg1 : i32
    %mul3A_1 = arith.constant 640 : i32
    %mul3A_2 = arith.muli %arg1, %mul3A_1 : i32
    "tpu.region"() ({
      %run_scoped3A_317 = tpu.sem_alloc : memref<!tpu.dma_semaphore, #tpu.memory_space<semaphore_mem>>
      %dma_start3A_318 = arith.constant 0 : i32
      %dma_start3A_319 = tpu.memref_slice %arg8[%mul3A_2, %dma_start3A_318] : memref<10240x128xf32, #tpu.memory_space<vmem_shared>> -> memref<640x128xf32, #tpu.memory_space<vmem_shared>>
      tpu.enqueue_dma source(%arg4 : memref<640x128xf32, #tpu.memory_space<hbm>>) target(%dma_start3A_319 : memref<640x128xf32, #tpu.memory_space<vmem_shared>>) target_semaphore(%run_scoped3A_317 : memref<!tpu.dma_semaphore, #tpu.memory_space<semaphore_mem>>)
      %dma_wait3A_320 = arith.constant 0 : i32
      %dma_wait3A_321 = tpu.memref_slice %arg8[%mul3A_2, %dma_wait3A_320] : memref<10240x128xf32, #tpu.memory_space<vmem_shared>> -> memref<640x128xf32, #tpu.memory_space<vmem_shared>>
      tpu.wait_dma2 semaphore(%run_scoped3A_317 : memref<!tpu.dma_semaphore, #tpu.memory_space<semaphore_mem>>) src(%arg4 : memref<640x128xf32, #tpu.memory_space<hbm>>) dst(%dma_wait3A_321 : memref<640x128xf32, #tpu.memory_space<vmem_shared>>)
      tpu.yield
    }) : () -> ()
    %barrier3A = arith.constant 0 : index
    tpu.barrier barrier_id(%barrier3A)
    %dma_start3A = arith.constant 0 : i32
    %dma_start3A_3 = arith.constant 0 : i32
    %dma_start3A_4 = arith.constant 0 : i32
    %dma_start3A_5 = arith.constant 0 : i32
    %dma_start3A_6 = arith.constant 0 : i32
    %dma_start3A_7 = tpu.memref_slice %arg6[%dma_start3A_3, %dma_start3A_5, %dma_start3A_6] : memref<4x2x125xi32, #tpu.memory_space<vmem>> -> memref<1x2x125xi32, #tpu.memory_space<vmem>>
    %dma_start3A_8 = tpu.memref_squeeze %dma_start3A_7 : memref<1x2x125xi32, #tpu.memory_space<vmem>> -> memref<2x125xi32, #tpu.memory_space<vmem>>
    %dma_start3A_9 = arith.constant 0 : i32
    %dma_start3A_10 = arith.constant 0 : i32
    %dma_start3A_11 = tpu.memref_slice %arg3[%add3A, %dma_start3A, %dma_start3A_9, %dma_start3A_10] : memref<32x80x2x125xi32, #tpu.memory_space<hbm>> -> memref<1x1x2x125xi32, #tpu.memory_space<hbm>>
    %dma_start3A_12 = tpu.memref_squeeze %dma_start3A_11 : memref<1x1x2x125xi32, #tpu.memory_space<hbm>> -> memref<2x125xi32, #tpu.memory_space<hbm>>
    %dma_start3A_13 = tpu.memref_slice %arg9[%dma_start3A_4] : memref<4x!tpu.dma_semaphore, #tpu.memory_space<semaphore_mem>> -> memref<1x!tpu.dma_semaphore, #tpu.memory_space<semaphore_mem>>
    %dma_start3A_14 = tpu.memref_squeeze %dma_start3A_13 : memref<1x!tpu.dma_semaphore, #tpu.memory_space<semaphore_mem>> -> memref<!tpu.dma_semaphore, #tpu.memory_space<semaphore_mem>>
    %dma_start3A_15 = arith.constant 0 : i32
    %dma_start3A_16 = arith.constant 0 : i32
    %dma_start3A_17 = tpu.memref_slice %arg6[%dma_start3A_3, %dma_start3A_15, %dma_start3A_16] : memref<4x2x125xi32, #tpu.memory_space<vmem>> -> memref<1x2x125xi32, #tpu.memory_space<vmem>>
    %dma_start3A_18 = tpu.memref_squeeze %dma_start3A_17 : memref<1x2x125xi32, #tpu.memory_space<vmem>> -> memref<2x125xi32, #tpu.memory_space<vmem>>
    %dma_start3A_19 = arith.constant 0 : i32
    %dma_start3A_20 = arith.constant 0 : i32
    %dma_start3A_21 = tpu.memref_slice %arg3[%add3A, %dma_start3A, %dma_start3A_19, %dma_start3A_20] : memref<32x80x2x125xi32, #tpu.memory_space<hbm>> -> memref<1x1x2x125xi32, #tpu.memory_space<hbm>>
    %dma_start3A_22 = tpu.memref_squeeze %dma_start3A_21 : memref<1x1x2x125xi32, #tpu.memory_space<hbm>> -> memref<2x125xi32, #tpu.memory_space<hbm>>
    tpu.enqueue_dma source(%dma_start3A_22 : memref<2x125xi32, #tpu.memory_space<hbm>>) target(%dma_start3A_18 : memref<2x125xi32, #tpu.memory_space<vmem>>) target_semaphore(%dma_start3A_14 : memref<!tpu.dma_semaphore, #tpu.memory_space<semaphore_mem>>)
    %dma_start3A_23 = arith.constant 1 : i32
    %dma_start3A_24 = arith.constant 1 : i32
    %dma_start3A_25 = arith.constant 1 : i32
    %dma_start3A_26 = arith.constant 0 : i32
    %dma_start3A_27 = arith.constant 0 : i32
    %dma_start3A_28 = tpu.memref_slice %arg6[%dma_start3A_24, %dma_start3A_26, %dma_start3A_27] : memref<4x2x125xi32, #tpu.memory_space<vmem>> -> memref<1x2x125xi32, #tpu.memory_space<vmem>>
    %dma_start3A_29 = tpu.memref_squeeze %dma_start3A_28 : memref<1x2x125xi32, #tpu.memory_space<vmem>> -> memref<2x125xi32, #tpu.memory_space<vmem>>
    %dma_start3A_30 = arith.constant 0 : i32
    %dma_start3A_31 = arith.constant 0 : i32
    %dma_start3A_32 = tpu.memref_slice %arg3[%add3A, %dma_start3A_23, %dma_start3A_30, %dma_start3A_31] : memref<32x80x2x125xi32, #tpu.memory_space<hbm>> -> memref<1x1x2x125xi32, #tpu.memory_space<hbm>>
    %dma_start3A_33 = tpu.memref_squeeze %dma_start3A_32 : memref<1x1x2x125xi32, #tpu.memory_space<hbm>> -> memref<2x125xi32, #tpu.memory_space<hbm>>
    %dma_start3A_34 = tpu.memref_slice %arg9[%dma_start3A_25] : memref<4x!tpu.dma_semaphore, #tpu.memory_space<semaphore_mem>> -> memref<1x!tpu.dma_semaphore, #tpu.memory_space<semaphore_mem>>
    %dma_start3A_35 = tpu.memref_squeeze %dma_start3A_34 : memref<1x!tpu.dma_semaphore, #tpu.memory_space<semaphore_mem>> -> memref<!tpu.dma_semaphore, #tpu.memory_space<semaphore_mem>>
    %dma_start3A_36 = arith.constant 0 : i32
    %dma_start3A_37 = arith.constant 0 : i32
    %dma_start3A_38 = tpu.memref_slice %arg6[%dma_start3A_24, %dma_start3A_36, %dma_start3A_37] : memref<4x2x125xi32, #tpu.memory_space<vmem>> -> memref<1x2x125xi32, #tpu.memory_space<vmem>>
    %dma_start3A_39 = tpu.memref_squeeze %dma_start3A_38 : memref<1x2x125xi32, #tpu.memory_space<vmem>> -> memref<2x125xi32, #tpu.memory_space<vmem>>
    %dma_start3A_40 = arith.constant 0 : i32
    %dma_start3A_41 = arith.constant 0 : i32
    %dma_start3A_42 = tpu.memref_slice %arg3[%add3A, %dma_start3A_23, %dma_start3A_40, %dma_start3A_41] : memref<32x80x2x125xi32, #tpu.memory_space<hbm>> -> memref<1x1x2x125xi32, #tpu.memory_space<hbm>>
    %dma_start3A_43 = tpu.memref_squeeze %dma_start3A_42 : memref<1x1x2x125xi32, #tpu.memory_space<hbm>> -> memref<2x125xi32, #tpu.memory_space<hbm>>
    tpu.enqueue_dma source(%dma_start3A_43 : memref<2x125xi32, #tpu.memory_space<hbm>>) target(%dma_start3A_39 : memref<2x125xi32, #tpu.memory_space<vmem>>) target_semaphore(%dma_start3A_35 : memref<!tpu.dma_semaphore, #tpu.memory_space<semaphore_mem>>)
    %dma_start3A_44 = arith.constant 2 : i32
    %dma_start3A_45 = arith.constant 2 : i32
    %dma_start3A_46 = arith.constant 2 : i32
    %dma_start3A_47 = arith.constant 0 : i32
    %dma_start3A_48 = arith.constant 0 : i32
    %dma_start3A_49 = tpu.memref_slice %arg6[%dma_start3A_45, %dma_start3A_47, %dma_start3A_48] : memref<4x2x125xi32, #tpu.memory_space<vmem>> -> memref<1x2x125xi32, #tpu.memory_space<vmem>>
    %dma_start3A_50 = tpu.memref_squeeze %dma_start3A_49 : memref<1x2x125xi32, #tpu.memory_space<vmem>> -> memref<2x125xi32, #tpu.memory_space<vmem>>
    %dma_start3A_51 = arith.constant 0 : i32
    %dma_start3A_52 = arith.constant 0 : i32
    %dma_start3A_53 = tpu.memref_slice %arg3[%add3A, %dma_start3A_44, %dma_start3A_51, %dma_start3A_52] : memref<32x80x2x125xi32, #tpu.memory_space<hbm>> -> memref<1x1x2x125xi32, #tpu.memory_space<hbm>>
    %dma_start3A_54 = tpu.memref_squeeze %dma_start3A_53 : memref<1x1x2x125xi32, #tpu.memory_space<hbm>> -> memref<2x125xi32, #tpu.memory_space<hbm>>
    %dma_start3A_55 = tpu.memref_slice %arg9[%dma_start3A_46] : memref<4x!tpu.dma_semaphore, #tpu.memory_space<semaphore_mem>> -> memref<1x!tpu.dma_semaphore, #tpu.memory_space<semaphore_mem>>
    %dma_start3A_56 = tpu.memref_squeeze %dma_start3A_55 : memref<1x!tpu.dma_semaphore, #tpu.memory_space<semaphore_mem>> -> memref<!tpu.dma_semaphore, #tpu.memory_space<semaphore_mem>>
    %dma_start3A_57 = arith.constant 0 : i32
    %dma_start3A_58 = arith.constant 0 : i32
    %dma_start3A_59 = tpu.memref_slice %arg6[%dma_start3A_45, %dma_start3A_57, %dma_start3A_58] : memref<4x2x125xi32, #tpu.memory_space<vmem>> -> memref<1x2x125xi32, #tpu.memory_space<vmem>>
    %dma_start3A_60 = tpu.memref_squeeze %dma_start3A_59 : memref<1x2x125xi32, #tpu.memory_space<vmem>> -> memref<2x125xi32, #tpu.memory_space<vmem>>
    %dma_start3A_61 = arith.constant 0 : i32
    %dma_start3A_62 = arith.constant 0 : i32
    %dma_start3A_63 = tpu.memref_slice %arg3[%add3A, %dma_start3A_44, %dma_start3A_61, %dma_start3A_62] : memref<32x80x2x125xi32, #tpu.memory_space<hbm>> -> memref<1x1x2x125xi32, #tpu.memory_space<hbm>>
    %dma_start3A_64 = tpu.memref_squeeze %dma_start3A_63 : memref<1x1x2x125xi32, #tpu.memory_space<hbm>> -> memref<2x125xi32, #tpu.memory_space<hbm>>
    tpu.enqueue_dma source(%dma_start3A_64 : memref<2x125xi32, #tpu.memory_space<hbm>>) target(%dma_start3A_60 : memref<2x125xi32, #tpu.memory_space<vmem>>) target_semaphore(%dma_start3A_56 : memref<!tpu.dma_semaphore, #tpu.memory_space<semaphore_mem>>)
    %dma_start3A_65 = arith.constant 3 : i32
    %dma_start3A_66 = arith.constant 3 : i32
    %dma_start3A_67 = arith.constant 3 : i32
    %dma_start3A_68 = arith.constant 0 : i32
    %dma_start3A_69 = arith.constant 0 : i32
    %dma_start3A_70 = tpu.memref_slice %arg6[%dma_start3A_66, %dma_start3A_68, %dma_start3A_69] : memref<4x2x125xi32, #tpu.memory_space<vmem>> -> memref<1x2x125xi32, #tpu.memory_space<vmem>>
    %dma_start3A_71 = tpu.memref_squeeze %dma_start3A_70 : memref<1x2x125xi32, #tpu.memory_space<vmem>> -> memref<2x125xi32, #tpu.memory_space<vmem>>
    %dma_start3A_72 = arith.constant 0 : i32
    %dma_start3A_73 = arith.constant 0 : i32
    %dma_start3A_74 = tpu.memref_slice %arg3[%add3A, %dma_start3A_65, %dma_start3A_72, %dma_start3A_73] : memref<32x80x2x125xi32, #tpu.memory_space<hbm>> -> memref<1x1x2x125xi32, #tpu.memory_space<hbm>>
    %dma_start3A_75 = tpu.memref_squeeze %dma_start3A_74 : memref<1x1x2x125xi32, #tpu.memory_space<hbm>> -> memref<2x125xi32, #tpu.memory_space<hbm>>
    %dma_start3A_76 = tpu.memref_slice %arg9[%dma_start3A_67] : memref<4x!tpu.dma_semaphore, #tpu.memory_space<semaphore_mem>> -> memref<1x!tpu.dma_semaphore, #tpu.memory_space<semaphore_mem>>
    %dma_start3A_77 = tpu.memref_squeeze %dma_start3A_76 : memref<1x!tpu.dma_semaphore, #tpu.memory_space<semaphore_mem>> -> memref<!tpu.dma_semaphore, #tpu.memory_space<semaphore_mem>>
    %dma_start3A_78 = arith.constant 0 : i32
    %dma_start3A_79 = arith.constant 0 : i32
    %dma_start3A_80 = tpu.memref_slice %arg6[%dma_start3A_66, %dma_start3A_78, %dma_start3A_79] : memref<4x2x125xi32, #tpu.memory_space<vmem>> -> memref<1x2x125xi32, #tpu.memory_space<vmem>>
    %dma_start3A_81 = tpu.memref_squeeze %dma_start3A_80 : memref<1x2x125xi32, #tpu.memory_space<vmem>> -> memref<2x125xi32, #tpu.memory_space<vmem>>
    %dma_start3A_82 = arith.constant 0 : i32
    %dma_start3A_83 = arith.constant 0 : i32
    %dma_start3A_84 = tpu.memref_slice %arg3[%add3A, %dma_start3A_65, %dma_start3A_82, %dma_start3A_83] : memref<32x80x2x125xi32, #tpu.memory_space<hbm>> -> memref<1x1x2x125xi32, #tpu.memory_space<hbm>>
    %dma_start3A_85 = tpu.memref_squeeze %dma_start3A_84 : memref<1x1x2x125xi32, #tpu.memory_space<hbm>> -> memref<2x125xi32, #tpu.memory_space<hbm>>
    tpu.enqueue_dma source(%dma_start3A_85 : memref<2x125xi32, #tpu.memory_space<hbm>>) target(%dma_start3A_81 : memref<2x125xi32, #tpu.memory_space<vmem>>) target_semaphore(%dma_start3A_77 : memref<!tpu.dma_semaphore, #tpu.memory_space<semaphore_mem>>)
    %dma_wait3A = arith.constant 0 : i32
    %dma_wait3A_86 = arith.constant 0 : i32
    %dma_wait3A_87 = arith.constant 0 : i32
    %dma_wait3A_88 = arith.constant 0 : i32
    %dma_wait3A_89 = arith.constant 0 : i32
    %dma_wait3A_90 = tpu.memref_slice %arg6[%dma_wait3A_86, %dma_wait3A_88, %dma_wait3A_89] : memref<4x2x125xi32, #tpu.memory_space<vmem>> -> memref<1x2x125xi32, #tpu.memory_space<vmem>>
    %dma_wait3A_91 = tpu.memref_squeeze %dma_wait3A_90 : memref<1x2x125xi32, #tpu.memory_space<vmem>> -> memref<2x125xi32, #tpu.memory_space<vmem>>
    %dma_wait3A_92 = arith.constant 0 : i32
    %dma_wait3A_93 = arith.constant 0 : i32
    %dma_wait3A_94 = tpu.memref_slice %arg3[%add3A, %dma_wait3A, %dma_wait3A_92, %dma_wait3A_93] : memref<32x80x2x125xi32, #tpu.memory_space<hbm>> -> memref<1x1x2x125xi32, #tpu.memory_space<hbm>>
    %dma_wait3A_95 = tpu.memref_squeeze %dma_wait3A_94 : memref<1x1x2x125xi32, #tpu.memory_space<hbm>> -> memref<2x125xi32, #tpu.memory_space<hbm>>
    %dma_wait3A_96 = tpu.memref_slice %arg9[%dma_wait3A_87] : memref<4x!tpu.dma_semaphore, #tpu.memory_space<semaphore_mem>> -> memref<1x!tpu.dma_semaphore, #tpu.memory_space<semaphore_mem>>
    %dma_wait3A_97 = tpu.memref_squeeze %dma_wait3A_96 : memref<1x!tpu.dma_semaphore, #tpu.memory_space<semaphore_mem>> -> memref<!tpu.dma_semaphore, #tpu.memory_space<semaphore_mem>>
    %dma_wait3A_98 = arith.constant 0 : i32
    %dma_wait3A_99 = arith.constant 0 : i32
    %dma_wait3A_100 = tpu.memref_slice %arg6[%dma_wait3A_86, %dma_wait3A_98, %dma_wait3A_99] : memref<4x2x125xi32, #tpu.memory_space<vmem>> -> memref<1x2x125xi32, #tpu.memory_space<vmem>>
    %dma_wait3A_101 = tpu.memref_squeeze %dma_wait3A_100 : memref<1x2x125xi32, #tpu.memory_space<vmem>> -> memref<2x125xi32, #tpu.memory_space<vmem>>
    %dma_wait3A_102 = arith.constant 0 : i32
    %dma_wait3A_103 = arith.constant 0 : i32
    %dma_wait3A_104 = tpu.memref_slice %arg3[%add3A, %dma_wait3A, %dma_wait3A_102, %dma_wait3A_103] : memref<32x80x2x125xi32, #tpu.memory_space<hbm>> -> memref<1x1x2x125xi32, #tpu.memory_space<hbm>>
    %dma_wait3A_105 = tpu.memref_squeeze %dma_wait3A_104 : memref<1x1x2x125xi32, #tpu.memory_space<hbm>> -> memref<2x125xi32, #tpu.memory_space<hbm>>
    tpu.wait_dma2 semaphore(%dma_wait3A_97 : memref<!tpu.dma_semaphore, #tpu.memory_space<semaphore_mem>>) src(%dma_wait3A_105 : memref<2x125xi32, #tpu.memory_space<hbm>>) dst(%dma_wait3A_101 : memref<2x125xi32, #tpu.memory_space<vmem>>)
    %dma_start3A_106 = arith.constant 0 : i32
    %dma_start3A_107 = arith.constant 0 : i32
    %dma_start3A_108 = arith.constant 0 : i32
    %dma_start3A_109 = arith.constant 0 : i32
    %dma_start3A_110 = arith.constant 0 : i32
    %dma_start3A_111 = arith.constant 0 : i32
    %dma_start3A_112 = tpu.memref_slice %arg7[%dma_start3A_108, %dma_start3A_110, %dma_start3A_111] : memref<2x125x128xf32, #tpu.memory_space<vmem>> -> memref<1x125x128xf32, #tpu.memory_space<vmem>>
    %dma_start3A_113 = tpu.memref_squeeze %dma_start3A_112 : memref<1x125x128xf32, #tpu.memory_space<vmem>> -> memref<125x128xf32, #tpu.memory_space<vmem>>
    %dma_start3A_114 = arith.constant 0 : i32
    %dma_start3A_115 = tpu.memref_slice %arg6[%dma_start3A_106, %dma_start3A_107, %dma_start3A_114] : memref<4x2x125xi32, #tpu.memory_space<vmem>> -> memref<1x1x125xi32, #tpu.memory_space<vmem>>
    %dma_start3A_116 = tpu.memref_squeeze %dma_start3A_115 : memref<1x1x125xi32, #tpu.memory_space<vmem>> -> memref<125xi32, #tpu.memory_space<vmem>>
    %dma_start3A_117 = arith.constant 0 : i32
    %dma_start3A_118 = arith.constant 0 : i32
    %dma_start3A_119 = tpu.memref_slice %arg2[%dma_start3A_117, %dma_start3A_118] : memref<10000x128xf32, #tpu.memory_space<hbm>> -> memref<10000x128xf32, #tpu.memory_space<hbm>>
    %dma_start3A_120 = tpu.memref_slice %arg10[%dma_start3A_109] : memref<2x!tpu.dma_semaphore, #tpu.memory_space<semaphore_mem>> -> memref<1x!tpu.dma_semaphore, #tpu.memory_space<semaphore_mem>>
    %dma_start3A_121 = tpu.memref_squeeze %dma_start3A_120 : memref<1x!tpu.dma_semaphore, #tpu.memory_space<semaphore_mem>> -> memref<!tpu.dma_semaphore, #tpu.memory_space<semaphore_mem>>
    tpu.enqueue_indirect_dma source(%dma_start3A_119 : memref<10000x128xf32, #tpu.memory_space<hbm>>) target(%dma_start3A_113 : memref<125x128xf32, #tpu.memory_space<vmem>>) offsets(%dma_start3A_116 : memref<125xi32, #tpu.memory_space<vmem>>) semaphore(%dma_start3A_121 : memref<!tpu.dma_semaphore, #tpu.memory_space<semaphore_mem>>)
    %dma_wait3A_122 = arith.constant 1 : i32
    %dma_wait3A_123 = arith.constant 1 : i32
    %dma_wait3A_124 = arith.constant 1 : i32
    %dma_wait3A_125 = arith.constant 0 : i32
    %dma_wait3A_126 = arith.constant 0 : i32
    %dma_wait3A_127 = tpu.memref_slice %arg6[%dma_wait3A_123, %dma_wait3A_125, %dma_wait3A_126] : memref<4x2x125xi32, #tpu.memory_space<vmem>> -> memref<1x2x125xi32, #tpu.memory_space<vmem>>
    %dma_wait3A_128 = tpu.memref_squeeze %dma_wait3A_127 : memref<1x2x125xi32, #tpu.memory_space<vmem>> -> memref<2x125xi32, #tpu.memory_space<vmem>>
    %dma_wait3A_129 = arith.constant 0 : i32
    %dma_wait3A_130 = arith.constant 0 : i32
    %dma_wait3A_131 = tpu.memref_slice %arg3[%add3A, %dma_wait3A_122, %dma_wait3A_129, %dma_wait3A_130] : memref<32x80x2x125xi32, #tpu.memory_space<hbm>> -> memref<1x1x2x125xi32, #tpu.memory_space<hbm>>
    %dma_wait3A_132 = tpu.memref_squeeze %dma_wait3A_131 : memref<1x1x2x125xi32, #tpu.memory_space<hbm>> -> memref<2x125xi32, #tpu.memory_space<hbm>>
    %dma_wait3A_133 = tpu.memref_slice %arg9[%dma_wait3A_124] : memref<4x!tpu.dma_semaphore, #tpu.memory_space<semaphore_mem>> -> memref<1x!tpu.dma_semaphore, #tpu.memory_space<semaphore_mem>>
    %dma_wait3A_134 = tpu.memref_squeeze %dma_wait3A_133 : memref<1x!tpu.dma_semaphore, #tpu.memory_space<semaphore_mem>> -> memref<!tpu.dma_semaphore, #tpu.memory_space<semaphore_mem>>
    %dma_wait3A_135 = arith.constant 0 : i32
    %dma_wait3A_136 = arith.constant 0 : i32
    %dma_wait3A_137 = tpu.memref_slice %arg6[%dma_wait3A_123, %dma_wait3A_135, %dma_wait3A_136] : memref<4x2x125xi32, #tpu.memory_space<vmem>> -> memref<1x2x125xi32, #tpu.memory_space<vmem>>
    %dma_wait3A_138 = tpu.memref_squeeze %dma_wait3A_137 : memref<1x2x125xi32, #tpu.memory_space<vmem>> -> memref<2x125xi32, #tpu.memory_space<vmem>>
    %dma_wait3A_139 = arith.constant 0 : i32
    %dma_wait3A_140 = arith.constant 0 : i32
    %dma_wait3A_141 = tpu.memref_slice %arg3[%add3A, %dma_wait3A_122, %dma_wait3A_139, %dma_wait3A_140] : memref<32x80x2x125xi32, #tpu.memory_space<hbm>> -> memref<1x1x2x125xi32, #tpu.memory_space<hbm>>
    %dma_wait3A_142 = tpu.memref_squeeze %dma_wait3A_141 : memref<1x1x2x125xi32, #tpu.memory_space<hbm>> -> memref<2x125xi32, #tpu.memory_space<hbm>>
    tpu.wait_dma2 semaphore(%dma_wait3A_134 : memref<!tpu.dma_semaphore, #tpu.memory_space<semaphore_mem>>) src(%dma_wait3A_142 : memref<2x125xi32, #tpu.memory_space<hbm>>) dst(%dma_wait3A_138 : memref<2x125xi32, #tpu.memory_space<vmem>>)
    %dma_start3A_143 = arith.constant 1 : i32
    %dma_start3A_144 = arith.constant 0 : i32
    %dma_start3A_145 = arith.constant 1 : i32
    %dma_start3A_146 = arith.constant 1 : i32
    %dma_start3A_147 = arith.constant 0 : i32
    %dma_start3A_148 = arith.constant 0 : i32
    %dma_start3A_149 = tpu.memref_slice %arg7[%dma_start3A_145, %dma_start3A_147, %dma_start3A_148] : memref<2x125x128xf32, #tpu.memory_space<vmem>> -> memref<1x125x128xf32, #tpu.memory_space<vmem>>
    %dma_start3A_150 = tpu.memref_squeeze %dma_start3A_149 : memref<1x125x128xf32, #tpu.memory_space<vmem>> -> memref<125x128xf32, #tpu.memory_space<vmem>>
    %dma_start3A_151 = arith.constant 0 : i32
    %dma_start3A_152 = tpu.memref_slice %arg6[%dma_start3A_143, %dma_start3A_144, %dma_start3A_151] : memref<4x2x125xi32, #tpu.memory_space<vmem>> -> memref<1x1x125xi32, #tpu.memory_space<vmem>>
    %dma_start3A_153 = tpu.memref_squeeze %dma_start3A_152 : memref<1x1x125xi32, #tpu.memory_space<vmem>> -> memref<125xi32, #tpu.memory_space<vmem>>
    %dma_start3A_154 = arith.constant 0 : i32
    %dma_start3A_155 = arith.constant 0 : i32
    %dma_start3A_156 = tpu.memref_slice %arg2[%dma_start3A_154, %dma_start3A_155] : memref<10000x128xf32, #tpu.memory_space<hbm>> -> memref<10000x128xf32, #tpu.memory_space<hbm>>
    %dma_start3A_157 = tpu.memref_slice %arg10[%dma_start3A_146] : memref<2x!tpu.dma_semaphore, #tpu.memory_space<semaphore_mem>> -> memref<1x!tpu.dma_semaphore, #tpu.memory_space<semaphore_mem>>
    %dma_start3A_158 = tpu.memref_squeeze %dma_start3A_157 : memref<1x!tpu.dma_semaphore, #tpu.memory_space<semaphore_mem>> -> memref<!tpu.dma_semaphore, #tpu.memory_space<semaphore_mem>>
    tpu.enqueue_indirect_dma source(%dma_start3A_156 : memref<10000x128xf32, #tpu.memory_space<hbm>>) target(%dma_start3A_150 : memref<125x128xf32, #tpu.memory_space<vmem>>) offsets(%dma_start3A_153 : memref<125xi32, #tpu.memory_space<vmem>>) semaphore(%dma_start3A_158 : memref<!tpu.dma_semaphore, #tpu.memory_space<semaphore_mem>>)
    %scan3A = arith.constant 0 : i32
    %scan3A_159 = arith.constant 19 : i32
    %scan3A_160 = arith.addi %scan3A, %scan3A_159 : i32
    %scan3A_161 = arith.constant 1 : i32
    scf.for %scan3A_317 = %scan3A to %scan3A_160 step %scan3A_161  : i32 {
      %mul3A_318 = arith.constant 1 : i32
      %mul3A_319 = arith.muli %scan3A_317, %mul3A_318 : i32
      %add3A_320 = arith.constant 0 : i32
      %add3A_321 = arith.addi %add3A_320, %mul3A_319 : i32
      %mul3A_322 = arith.constant 4 : i32
      %mul3A_323 = arith.muli %add3A_321, %mul3A_322 : i32
      %dma_wait3A_324 = arith.constant 0 : i32
      %dma_wait3A_325 = arith.constant 0 : i32
      %dma_wait3A_326 = arith.constant 0 : i32
      %dma_wait3A_327 = arith.constant 0 : i32
      %dma_wait3A_328 = arith.constant 0 : i32
      %dma_wait3A_329 = arith.constant 0 : i32
      %dma_wait3A_330 = tpu.memref_slice %arg7[%dma_wait3A_326, %dma_wait3A_328, %dma_wait3A_329] : memref<2x125x128xf32, #tpu.memory_space<vmem>> -> memref<1x125x128xf32, #tpu.memory_space<vmem>>
      %dma_wait3A_331 = tpu.memref_squeeze %dma_wait3A_330 : memref<1x125x128xf32, #tpu.memory_space<vmem>> -> memref<125x128xf32, #tpu.memory_space<vmem>>
      %dma_wait3A_332 = arith.constant 0 : i32
      %dma_wait3A_333 = tpu.memref_slice %arg6[%dma_wait3A_324, %dma_wait3A_325, %dma_wait3A_332] : memref<4x2x125xi32, #tpu.memory_space<vmem>> -> memref<1x1x125xi32, #tpu.memory_space<vmem>>
      %dma_wait3A_334 = tpu.memref_squeeze %dma_wait3A_333 : memref<1x1x125xi32, #tpu.memory_space<vmem>> -> memref<125xi32, #tpu.memory_space<vmem>>
      %dma_wait3A_335 = arith.constant 0 : i32
      %dma_wait3A_336 = arith.constant 0 : i32
      %dma_wait3A_337 = tpu.memref_slice %arg2[%dma_wait3A_335, %dma_wait3A_336] : memref<10000x128xf32, #tpu.memory_space<hbm>> -> memref<10000x128xf32, #tpu.memory_space<hbm>>
      %dma_wait3A_338 = tpu.memref_slice %arg10[%dma_wait3A_327] : memref<2x!tpu.dma_semaphore, #tpu.memory_space<semaphore_mem>> -> memref<1x!tpu.dma_semaphore, #tpu.memory_space<semaphore_mem>>
      %dma_wait3A_339 = tpu.memref_squeeze %dma_wait3A_338 : memref<1x!tpu.dma_semaphore, #tpu.memory_space<semaphore_mem>> -> memref<!tpu.dma_semaphore, #tpu.memory_space<semaphore_mem>>
      tpu.wait_indirect_dma semaphore(%dma_wait3A_339 : memref<!tpu.dma_semaphore, #tpu.memory_space<semaphore_mem>>) src(%dma_wait3A_337 : memref<10000x128xf32, #tpu.memory_space<hbm>>) dst(%dma_wait3A_331 : memref<125x128xf32, #tpu.memory_space<vmem>>)
      %run_scoped3A_340 = arith.constant 0 : i32
      %run_scoped3A_341 = arith.constant 0 : i32
      %run_scoped3A_342 = arith.constant 1 : i32
      "tpu.region"() ({
        %run_scoped3A_644 = tpu.sem_alloc : memref<!tpu.dma_semaphore, #tpu.memory_space<semaphore_mem>>
        %dma_start3A_645 = arith.constant 0 : i32
        %dma_start3A_646 = arith.constant 0 : i32
        %dma_start3A_647 = tpu.memref_slice %arg7[%run_scoped3A_340, %dma_start3A_645, %dma_start3A_646] : memref<2x125x128xf32, #tpu.memory_space<vmem>> -> memref<1x125x128xf32, #tpu.memory_space<vmem>>
        %dma_start3A_648 = tpu.memref_squeeze %dma_start3A_647 : memref<1x125x128xf32, #tpu.memory_space<vmem>> -> memref<125x128xf32, #tpu.memory_space<vmem>>
        %dma_start3A_649 = arith.constant 0 : i32
        %dma_start3A_650 = tpu.memref_slice %arg6[%run_scoped3A_341, %run_scoped3A_342, %dma_start3A_649] : memref<4x2x125xi32, #tpu.memory_space<vmem>> -> memref<1x1x125xi32, #tpu.memory_space<vmem>>
        %dma_start3A_651 = tpu.memref_squeeze %dma_start3A_650 : memref<1x1x125xi32, #tpu.memory_space<vmem>> -> memref<125xi32, #tpu.memory_space<vmem>>
        %dma_start3A_652 = arith.constant 0 : i32
        %dma_start3A_653 = arith.constant 0 : i32
        %dma_start3A_654 = tpu.memref_slice %arg8[%dma_start3A_652, %dma_start3A_653] : memref<10240x128xf32, #tpu.memory_space<vmem_shared>> -> memref<10240x128xf32, #tpu.memory_space<vmem_shared>>
        tpu.enqueue_indirect_dma source(%dma_start3A_648 : memref<125x128xf32, #tpu.memory_space<vmem>>) target(%dma_start3A_654 : memref<10240x128xf32, #tpu.memory_space<vmem_shared>>) offsets(%dma_start3A_651 : memref<125xi32, #tpu.memory_space<vmem>>) semaphore(%run_scoped3A_644 : memref<!tpu.dma_semaphore, #tpu.memory_space<semaphore_mem>>) {add = true}
        %dma_wait3A_655 = arith.constant 0 : i32
        %dma_wait3A_656 = arith.constant 0 : i32
        %dma_wait3A_657 = tpu.memref_slice %arg7[%run_scoped3A_340, %dma_wait3A_655, %dma_wait3A_656] : memref<2x125x128xf32, #tpu.memory_space<vmem>> -> memref<1x125x128xf32, #tpu.memory_space<vmem>>
        %dma_wait3A_658 = tpu.memref_squeeze %dma_wait3A_657 : memref<1x125x128xf32, #tpu.memory_space<vmem>> -> memref<125x128xf32, #tpu.memory_space<vmem>>
        %dma_wait3A_659 = arith.constant 0 : i32
        %dma_wait3A_660 = tpu.memref_slice %arg6[%run_scoped3A_341, %run_scoped3A_342, %dma_wait3A_659] : memref<4x2x125xi32, #tpu.memory_space<vmem>> -> memref<1x1x125xi32, #tpu.memory_space<vmem>>
        %dma_wait3A_661 = tpu.memref_squeeze %dma_wait3A_660 : memref<1x1x125xi32, #tpu.memory_space<vmem>> -> memref<125xi32, #tpu.memory_space<vmem>>
        %dma_wait3A_662 = arith.constant 0 : i32
        %dma_wait3A_663 = arith.constant 0 : i32
        %dma_wait3A_664 = tpu.memref_slice %arg8[%dma_wait3A_662, %dma_wait3A_663] : memref<10240x128xf32, #tpu.memory_space<vmem_shared>> -> memref<10240x128xf32, #tpu.memory_space<vmem_shared>>
        tpu.wait_indirect_dma semaphore(%run_scoped3A_644 : memref<!tpu.dma_semaphore, #tpu.memory_space<semaphore_mem>>) src(%dma_wait3A_658 : memref<125x128xf32, #tpu.memory_space<vmem>>) dst(%dma_wait3A_664 : memref<10240x128xf32, #tpu.memory_space<vmem_shared>>)
        tpu.yield
      }) : () -> ()
      %add3A_343 = arith.constant 0 : i32
      %add3A_344 = arith.addi %mul3A_323, %add3A_343 : i32
      %add3A_345 = arith.constant 4 : i32
      %add3A_346 = arith.addi %add3A_344, %add3A_345 : i32
      %dma_start3A_347 = arith.constant 0 : i32
      %dma_start3A_348 = arith.constant 0 : i32
      %dma_start3A_349 = arith.constant 0 : i32
      %dma_start3A_350 = arith.constant 0 : i32
      %dma_start3A_351 = tpu.memref_slice %arg6[%dma_start3A_347, %dma_start3A_349, %dma_start3A_350] : memref<4x2x125xi32, #tpu.memory_space<vmem>> -> memref<1x2x125xi32, #tpu.memory_space<vmem>>
      %dma_start3A_352 = tpu.memref_squeeze %dma_start3A_351 : memref<1x2x125xi32, #tpu.memory_space<vmem>> -> memref<2x125xi32, #tpu.memory_space<vmem>>
      %dma_start3A_353 = arith.constant 0 : i32
      %dma_start3A_354 = arith.constant 0 : i32
      %dma_start3A_355 = tpu.memref_slice %arg3[%add3A, %add3A_346, %dma_start3A_353, %dma_start3A_354] : memref<32x80x2x125xi32, #tpu.memory_space<hbm>> -> memref<1x1x2x125xi32, #tpu.memory_space<hbm>>
      %dma_start3A_356 = tpu.memref_squeeze %dma_start3A_355 : memref<1x1x2x125xi32, #tpu.memory_space<hbm>> -> memref<2x125xi32, #tpu.memory_space<hbm>>
      %dma_start3A_357 = tpu.memref_slice %arg9[%dma_start3A_348] : memref<4x!tpu.dma_semaphore, #tpu.memory_space<semaphore_mem>> -> memref<1x!tpu.dma_semaphore, #tpu.memory_space<semaphore_mem>>
      %dma_start3A_358 = tpu.memref_squeeze %dma_start3A_357 : memref<1x!tpu.dma_semaphore, #tpu.memory_space<semaphore_mem>> -> memref<!tpu.dma_semaphore, #tpu.memory_space<semaphore_mem>>
      %dma_start3A_359 = arith.constant 0 : i32
      %dma_start3A_360 = arith.constant 0 : i32
      %dma_start3A_361 = tpu.memref_slice %arg6[%dma_start3A_347, %dma_start3A_359, %dma_start3A_360] : memref<4x2x125xi32, #tpu.memory_space<vmem>> -> memref<1x2x125xi32, #tpu.memory_space<vmem>>
      %dma_start3A_362 = tpu.memref_squeeze %dma_start3A_361 : memref<1x2x125xi32, #tpu.memory_space<vmem>> -> memref<2x125xi32, #tpu.memory_space<vmem>>
      %dma_start3A_363 = arith.constant 0 : i32
      %dma_start3A_364 = arith.constant 0 : i32
      %dma_start3A_365 = tpu.memref_slice %arg3[%add3A, %add3A_346, %dma_start3A_363, %dma_start3A_364] : memref<32x80x2x125xi32, #tpu.memory_space<hbm>> -> memref<1x1x2x125xi32, #tpu.memory_space<hbm>>
      %dma_start3A_366 = tpu.memref_squeeze %dma_start3A_365 : memref<1x1x2x125xi32, #tpu.memory_space<hbm>> -> memref<2x125xi32, #tpu.memory_space<hbm>>
      tpu.enqueue_dma source(%dma_start3A_366 : memref<2x125xi32, #tpu.memory_space<hbm>>) target(%dma_start3A_362 : memref<2x125xi32, #tpu.memory_space<vmem>>) target_semaphore(%dma_start3A_358 : memref<!tpu.dma_semaphore, #tpu.memory_space<semaphore_mem>>)
      %dma_wait3A_367 = arith.constant 0 : i32
      %dma_wait3A_368 = arith.constant 2 : i32
      %dma_wait3A_369 = arith.constant 2 : i32
      %dma_wait3A_370 = arith.constant 0 : i32
      %dma_wait3A_371 = arith.constant 0 : i32
      %dma_wait3A_372 = tpu.memref_slice %arg6[%dma_wait3A_368, %dma_wait3A_370, %dma_wait3A_371] : memref<4x2x125xi32, #tpu.memory_space<vmem>> -> memref<1x2x125xi32, #tpu.memory_space<vmem>>
      %dma_wait3A_373 = tpu.memref_squeeze %dma_wait3A_372 : memref<1x2x125xi32, #tpu.memory_space<vmem>> -> memref<2x125xi32, #tpu.memory_space<vmem>>
      %dma_wait3A_374 = arith.constant 0 : i32
      %dma_wait3A_375 = arith.constant 0 : i32
      %dma_wait3A_376 = tpu.memref_slice %arg3[%add3A, %dma_wait3A_367, %dma_wait3A_374, %dma_wait3A_375] : memref<32x80x2x125xi32, #tpu.memory_space<hbm>> -> memref<1x1x2x125xi32, #tpu.memory_space<hbm>>
      %dma_wait3A_377 = tpu.memref_squeeze %dma_wait3A_376 : memref<1x1x2x125xi32, #tpu.memory_space<hbm>> -> memref<2x125xi32, #tpu.memory_space<hbm>>
      %dma_wait3A_378 = tpu.memref_slice %arg9[%dma_wait3A_369] : memref<4x!tpu.dma_semaphore, #tpu.memory_space<semaphore_mem>> -> memref<1x!tpu.dma_semaphore, #tpu.memory_space<semaphore_mem>>
      %dma_wait3A_379 = tpu.memref_squeeze %dma_wait3A_378 : memref<1x!tpu.dma_semaphore, #tpu.memory_space<semaphore_mem>> -> memref<!tpu.dma_semaphore, #tpu.memory_space<semaphore_mem>>
      %dma_wait3A_380 = arith.constant 0 : i32
      %dma_wait3A_381 = arith.constant 0 : i32
      %dma_wait3A_382 = tpu.memref_slice %arg6[%dma_wait3A_368, %dma_wait3A_380, %dma_wait3A_381] : memref<4x2x125xi32, #tpu.memory_space<vmem>> -> memref<1x2x125xi32, #tpu.memory_space<vmem>>
      %dma_wait3A_383 = tpu.memref_squeeze %dma_wait3A_382 : memref<1x2x125xi32, #tpu.memory_space<vmem>> -> memref<2x125xi32, #tpu.memory_space<vmem>>
      %dma_wait3A_384 = arith.constant 0 : i32
      %dma_wait3A_385 = arith.constant 0 : i32
      %dma_wait3A_386 = tpu.memref_slice %arg3[%add3A, %dma_wait3A_367, %dma_wait3A_384, %dma_wait3A_385] : memref<32x80x2x125xi32, #tpu.memory_space<hbm>> -> memref<1x1x2x125xi32, #tpu.memory_space<hbm>>
      %dma_wait3A_387 = tpu.memref_squeeze %dma_wait3A_386 : memref<1x1x2x125xi32, #tpu.memory_space<hbm>> -> memref<2x125xi32, #tpu.memory_space<hbm>>
      tpu.wait_dma2 semaphore(%dma_wait3A_379 : memref<!tpu.dma_semaphore, #tpu.memory_space<semaphore_mem>>) src(%dma_wait3A_387 : memref<2x125xi32, #tpu.memory_space<hbm>>) dst(%dma_wait3A_383 : memref<2x125xi32, #tpu.memory_space<vmem>>)
      %dma_start3A_388 = arith.constant 2 : i32
      %dma_start3A_389 = arith.constant 0 : i32
      %dma_start3A_390 = arith.constant 0 : i32
      %dma_start3A_391 = arith.constant 0 : i32
      %dma_start3A_392 = arith.constant 0 : i32
      %dma_start3A_393 = arith.constant 0 : i32
      %dma_start3A_394 = tpu.memref_slice %arg7[%dma_start3A_390, %dma_start3A_392, %dma_start3A_393] : memref<2x125x128xf32, #tpu.memory_space<vmem>> -> memref<1x125x128xf32, #tpu.memory_space<vmem>>
      %dma_start3A_395 = tpu.memref_squeeze %dma_start3A_394 : memref<1x125x128xf32, #tpu.memory_space<vmem>> -> memref<125x128xf32, #tpu.memory_space<vmem>>
      %dma_start3A_396 = arith.constant 0 : i32
      %dma_start3A_397 = tpu.memref_slice %arg6[%dma_start3A_388, %dma_start3A_389, %dma_start3A_396] : memref<4x2x125xi32, #tpu.memory_space<vmem>> -> memref<1x1x125xi32, #tpu.memory_space<vmem>>
      %dma_start3A_398 = tpu.memref_squeeze %dma_start3A_397 : memref<1x1x125xi32, #tpu.memory_space<vmem>> -> memref<125xi32, #tpu.memory_space<vmem>>
      %dma_start3A_399 = arith.constant 0 : i32
      %dma_start3A_400 = arith.constant 0 : i32
      %dma_start3A_401 = tpu.memref_slice %arg2[%dma_start3A_399, %dma_start3A_400] : memref<10000x128xf32, #tpu.memory_space<hbm>> -> memref<10000x128xf32, #tpu.memory_space<hbm>>
      %dma_start3A_402 = tpu.memref_slice %arg10[%dma_start3A_391] : memref<2x!tpu.dma_semaphore, #tpu.memory_space<semaphore_mem>> -> memref<1x!tpu.dma_semaphore, #tpu.memory_space<semaphore_mem>>
      %dma_start3A_403 = tpu.memref_squeeze %dma_start3A_402 : memref<1x!tpu.dma_semaphore, #tpu.memory_space<semaphore_mem>> -> memref<!tpu.dma_semaphore, #tpu.memory_space<semaphore_mem>>
      tpu.enqueue_indirect_dma source(%dma_start3A_401 : memref<10000x128xf32, #tpu.memory_space<hbm>>) target(%dma_start3A_395 : memref<125x128xf32, #tpu.memory_space<vmem>>) offsets(%dma_start3A_398 : memref<125xi32, #tpu.memory_space<vmem>>) semaphore(%dma_start3A_403 : memref<!tpu.dma_semaphore, #tpu.memory_space<semaphore_mem>>)
      %dma_wait3A_404 = arith.constant 1 : i32
      %dma_wait3A_405 = arith.constant 0 : i32
      %dma_wait3A_406 = arith.constant 1 : i32
      %dma_wait3A_407 = arith.constant 1 : i32
      %dma_wait3A_408 = arith.constant 0 : i32
      %dma_wait3A_409 = arith.constant 0 : i32
      %dma_wait3A_410 = tpu.memref_slice %arg7[%dma_wait3A_406, %dma_wait3A_408, %dma_wait3A_409] : memref<2x125x128xf32, #tpu.memory_space<vmem>> -> memref<1x125x128xf32, #tpu.memory_space<vmem>>
      %dma_wait3A_411 = tpu.memref_squeeze %dma_wait3A_410 : memref<1x125x128xf32, #tpu.memory_space<vmem>> -> memref<125x128xf32, #tpu.memory_space<vmem>>
      %dma_wait3A_412 = arith.constant 0 : i32
      %dma_wait3A_413 = tpu.memref_slice %arg6[%dma_wait3A_404, %dma_wait3A_405, %dma_wait3A_412] : memref<4x2x125xi32, #tpu.memory_space<vmem>> -> memref<1x1x125xi32, #tpu.memory_space<vmem>>
      %dma_wait3A_414 = tpu.memref_squeeze %dma_wait3A_413 : memref<1x1x125xi32, #tpu.memory_space<vmem>> -> memref<125xi32, #tpu.memory_space<vmem>>
      %dma_wait3A_415 = arith.constant 0 : i32
      %dma_wait3A_416 = arith.constant 0 : i32
      %dma_wait3A_417 = tpu.memref_slice %arg2[%dma_wait3A_415, %dma_wait3A_416] : memref<10000x128xf32, #tpu.memory_space<hbm>> -> memref<10000x128xf32, #tpu.memory_space<hbm>>
      %dma_wait3A_418 = tpu.memref_slice %arg10[%dma_wait3A_407] : memref<2x!tpu.dma_semaphore, #tpu.memory_space<semaphore_mem>> -> memref<1x!tpu.dma_semaphore, #tpu.memory_space<semaphore_mem>>
      %dma_wait3A_419 = tpu.memref_squeeze %dma_wait3A_418 : memref<1x!tpu.dma_semaphore, #tpu.memory_space<semaphore_mem>> -> memref<!tpu.dma_semaphore, #tpu.memory_space<semaphore_mem>>
      tpu.wait_indirect_dma semaphore(%dma_wait3A_419 : memref<!tpu.dma_semaphore, #tpu.memory_space<semaphore_mem>>) src(%dma_wait3A_417 : memref<10000x128xf32, #tpu.memory_space<hbm>>) dst(%dma_wait3A_411 : memref<125x128xf32, #tpu.memory_space<vmem>>)
      %run_scoped3A_420 = arith.constant 1 : i32
      %run_scoped3A_421 = arith.constant 1 : i32
      %run_scoped3A_422 = arith.constant 1 : i32
      "tpu.region"() ({
        %run_scoped3A_644 = tpu.sem_alloc : memref<!tpu.dma_semaphore, #tpu.memory_space<semaphore_mem>>
        %dma_start3A_645 = arith.constant 0 : i32
        %dma_start3A_646 = arith.constant 0 : i32
        %dma_start3A_647 = tpu.memref_slice %arg7[%run_scoped3A_420, %dma_start3A_645, %dma_start3A_646] : memref<2x125x128xf32, #tpu.memory_space<vmem>> -> memref<1x125x128xf32, #tpu.memory_space<vmem>>
        %dma_start3A_648 = tpu.memref_squeeze %dma_start3A_647 : memref<1x125x128xf32, #tpu.memory_space<vmem>> -> memref<125x128xf32, #tpu.memory_space<vmem>>
        %dma_start3A_649 = arith.constant 0 : i32
        %dma_start3A_650 = tpu.memref_slice %arg6[%run_scoped3A_421, %run_scoped3A_422, %dma_start3A_649] : memref<4x2x125xi32, #tpu.memory_space<vmem>> -> memref<1x1x125xi32, #tpu.memory_space<vmem>>
        %dma_start3A_651 = tpu.memref_squeeze %dma_start3A_650 : memref<1x1x125xi32, #tpu.memory_space<vmem>> -> memref<125xi32, #tpu.memory_space<vmem>>
        %dma_start3A_652 = arith.constant 0 : i32
        %dma_start3A_653 = arith.constant 0 : i32
        %dma_start3A_654 = tpu.memref_slice %arg8[%dma_start3A_652, %dma_start3A_653] : memref<10240x128xf32, #tpu.memory_space<vmem_shared>> -> memref<10240x128xf32, #tpu.memory_space<vmem_shared>>
        tpu.enqueue_indirect_dma source(%dma_start3A_648 : memref<125x128xf32, #tpu.memory_space<vmem>>) target(%dma_start3A_654 : memref<10240x128xf32, #tpu.memory_space<vmem_shared>>) offsets(%dma_start3A_651 : memref<125xi32, #tpu.memory_space<vmem>>) semaphore(%run_scoped3A_644 : memref<!tpu.dma_semaphore, #tpu.memory_space<semaphore_mem>>) {add = true}
        %dma_wait3A_655 = arith.constant 0 : i32
        %dma_wait3A_656 = arith.constant 0 : i32
        %dma_wait3A_657 = tpu.memref_slice %arg7[%run_scoped3A_420, %dma_wait3A_655, %dma_wait3A_656] : memref<2x125x128xf32, #tpu.memory_space<vmem>> -> memref<1x125x128xf32, #tpu.memory_space<vmem>>
        %dma_wait3A_658 = tpu.memref_squeeze %dma_wait3A_657 : memref<1x125x128xf32, #tpu.memory_space<vmem>> -> memref<125x128xf32, #tpu.memory_space<vmem>>
        %dma_wait3A_659 = arith.constant 0 : i32
        %dma_wait3A_660 = tpu.memref_slice %arg6[%run_scoped3A_421, %run_scoped3A_422, %dma_wait3A_659] : memref<4x2x125xi32, #tpu.memory_space<vmem>> -> memref<1x1x125xi32, #tpu.memory_space<vmem>>
        %dma_wait3A_661 = tpu.memref_squeeze %dma_wait3A_660 : memref<1x1x125xi32, #tpu.memory_space<vmem>> -> memref<125xi32, #tpu.memory_space<vmem>>
        %dma_wait3A_662 = arith.constant 0 : i32
        %dma_wait3A_663 = arith.constant 0 : i32
        %dma_wait3A_664 = tpu.memref_slice %arg8[%dma_wait3A_662, %dma_wait3A_663] : memref<10240x128xf32, #tpu.memory_space<vmem_shared>> -> memref<10240x128xf32, #tpu.memory_space<vmem_shared>>
        tpu.wait_indirect_dma semaphore(%run_scoped3A_644 : memref<!tpu.dma_semaphore, #tpu.memory_space<semaphore_mem>>) src(%dma_wait3A_658 : memref<125x128xf32, #tpu.memory_space<vmem>>) dst(%dma_wait3A_664 : memref<10240x128xf32, #tpu.memory_space<vmem_shared>>)
        tpu.yield
      }) : () -> ()
      %add3A_423 = arith.constant 1 : i32
      %add3A_424 = arith.addi %mul3A_323, %add3A_423 : i32
      %add3A_425 = arith.constant 4 : i32
      %add3A_426 = arith.addi %add3A_424, %add3A_425 : i32
      %dma_start3A_427 = arith.constant 1 : i32
      %dma_start3A_428 = arith.constant 1 : i32
      %dma_start3A_429 = arith.constant 0 : i32
      %dma_start3A_430 = arith.constant 0 : i32
      %dma_start3A_431 = tpu.memref_slice %arg6[%dma_start3A_427, %dma_start3A_429, %dma_start3A_430] : memref<4x2x125xi32, #tpu.memory_space<vmem>> -> memref<1x2x125xi32, #tpu.memory_space<vmem>>
      %dma_start3A_432 = tpu.memref_squeeze %dma_start3A_431 : memref<1x2x125xi32, #tpu.memory_space<vmem>> -> memref<2x125xi32, #tpu.memory_space<vmem>>
      %dma_start3A_433 = arith.constant 0 : i32
      %dma_start3A_434 = arith.constant 0 : i32
      %dma_start3A_435 = tpu.memref_slice %arg3[%add3A, %add3A_426, %dma_start3A_433, %dma_start3A_434] : memref<32x80x2x125xi32, #tpu.memory_space<hbm>> -> memref<1x1x2x125xi32, #tpu.memory_space<hbm>>
      %dma_start3A_436 = tpu.memref_squeeze %dma_start3A_435 : memref<1x1x2x125xi32, #tpu.memory_space<hbm>> -> memref<2x125xi32, #tpu.memory_space<hbm>>
      %dma_start3A_437 = tpu.memref_slice %arg9[%dma_start3A_428] : memref<4x!tpu.dma_semaphore, #tpu.memory_space<semaphore_mem>> -> memref<1x!tpu.dma_semaphore, #tpu.memory_space<semaphore_mem>>
      %dma_start3A_438 = tpu.memref_squeeze %dma_start3A_437 : memref<1x!tpu.dma_semaphore, #tpu.memory_space<semaphore_mem>> -> memref<!tpu.dma_semaphore, #tpu.memory_space<semaphore_mem>>
      %dma_start3A_439 = arith.constant 0 : i32
      %dma_start3A_440 = arith.constant 0 : i32
      %dma_start3A_441 = tpu.memref_slice %arg6[%dma_start3A_427, %dma_start3A_439, %dma_start3A_440] : memref<4x2x125xi32, #tpu.memory_space<vmem>> -> memref<1x2x125xi32, #tpu.memory_space<vmem>>
      %dma_start3A_442 = tpu.memref_squeeze %dma_start3A_441 : memref<1x2x125xi32, #tpu.memory_space<vmem>> -> memref<2x125xi32, #tpu.memory_space<vmem>>
      %dma_start3A_443 = arith.constant 0 : i32
      %dma_start3A_444 = arith.constant 0 : i32
      %dma_start3A_445 = tpu.memref_slice %arg3[%add3A, %add3A_426, %dma_start3A_443, %dma_start3A_444] : memref<32x80x2x125xi32, #tpu.memory_space<hbm>> -> memref<1x1x2x125xi32, #tpu.memory_space<hbm>>
      %dma_start3A_446 = tpu.memref_squeeze %dma_start3A_445 : memref<1x1x2x125xi32, #tpu.memory_space<hbm>> -> memref<2x125xi32, #tpu.memory_space<hbm>>
      tpu.enqueue_dma source(%dma_start3A_446 : memref<2x125xi32, #tpu.memory_space<hbm>>) target(%dma_start3A_442 : memref<2x125xi32, #tpu.memory_space<vmem>>) target_semaphore(%dma_start3A_438 : memref<!tpu.dma_semaphore, #tpu.memory_space<semaphore_mem>>)
      %dma_wait3A_447 = arith.constant 1 : i32
      %dma_wait3A_448 = arith.constant 3 : i32
      %dma_wait3A_449 = arith.constant 3 : i32
      %dma_wait3A_450 = arith.constant 0 : i32
      %dma_wait3A_451 = arith.constant 0 : i32
      %dma_wait3A_452 = tpu.memref_slice %arg6[%dma_wait3A_448, %dma_wait3A_450, %dma_wait3A_451] : memref<4x2x125xi32, #tpu.memory_space<vmem>> -> memref<1x2x125xi32, #tpu.memory_space<vmem>>
      %dma_wait3A_453 = tpu.memref_squeeze %dma_wait3A_452 : memref<1x2x125xi32, #tpu.memory_space<vmem>> -> memref<2x125xi32, #tpu.memory_space<vmem>>
      %dma_wait3A_454 = arith.constant 0 : i32
      %dma_wait3A_455 = arith.constant 0 : i32
      %dma_wait3A_456 = tpu.memref_slice %arg3[%add3A, %dma_wait3A_447, %dma_wait3A_454, %dma_wait3A_455] : memref<32x80x2x125xi32, #tpu.memory_space<hbm>> -> memref<1x1x2x125xi32, #tpu.memory_space<hbm>>
      %dma_wait3A_457 = tpu.memref_squeeze %dma_wait3A_456 : memref<1x1x2x125xi32, #tpu.memory_space<hbm>> -> memref<2x125xi32, #tpu.memory_space<hbm>>
      %dma_wait3A_458 = tpu.memref_slice %arg9[%dma_wait3A_449] : memref<4x!tpu.dma_semaphore, #tpu.memory_space<semaphore_mem>> -> memref<1x!tpu.dma_semaphore, #tpu.memory_space<semaphore_mem>>
      %dma_wait3A_459 = tpu.memref_squeeze %dma_wait3A_458 : memref<1x!tpu.dma_semaphore, #tpu.memory_space<semaphore_mem>> -> memref<!tpu.dma_semaphore, #tpu.memory_space<semaphore_mem>>
      %dma_wait3A_460 = arith.constant 0 : i32
      %dma_wait3A_461 = arith.constant 0 : i32
      %dma_wait3A_462 = tpu.memref_slice %arg6[%dma_wait3A_448, %dma_wait3A_460, %dma_wait3A_461] : memref<4x2x125xi32, #tpu.memory_space<vmem>> -> memref<1x2x125xi32, #tpu.memory_space<vmem>>
      %dma_wait3A_463 = tpu.memref_squeeze %dma_wait3A_462 : memref<1x2x125xi32, #tpu.memory_space<vmem>> -> memref<2x125xi32, #tpu.memory_space<vmem>>
      %dma_wait3A_464 = arith.constant 0 : i32
      %dma_wait3A_465 = arith.constant 0 : i32
      %dma_wait3A_466 = tpu.memref_slice %arg3[%add3A, %dma_wait3A_447, %dma_wait3A_464, %dma_wait3A_465] : memref<32x80x2x125xi32, #tpu.memory_space<hbm>> -> memref<1x1x2x125xi32, #tpu.memory_space<hbm>>
      %dma_wait3A_467 = tpu.memref_squeeze %dma_wait3A_466 : memref<1x1x2x125xi32, #tpu.memory_space<hbm>> -> memref<2x125xi32, #tpu.memory_space<hbm>>
      tpu.wait_dma2 semaphore(%dma_wait3A_459 : memref<!tpu.dma_semaphore, #tpu.memory_space<semaphore_mem>>) src(%dma_wait3A_467 : memref<2x125xi32, #tpu.memory_space<hbm>>) dst(%dma_wait3A_463 : memref<2x125xi32, #tpu.memory_space<vmem>>)
      %dma_start3A_468 = arith.constant 3 : i32
      %dma_start3A_469 = arith.constant 0 : i32
      %dma_start3A_470 = arith.constant 1 : i32
      %dma_start3A_471 = arith.constant 1 : i32
      %dma_start3A_472 = arith.constant 0 : i32
      %dma_start3A_473 = arith.constant 0 : i32
      %dma_start3A_474 = tpu.memref_slice %arg7[%dma_start3A_470, %dma_start3A_472, %dma_start3A_473] : memref<2x125x128xf32, #tpu.memory_space<vmem>> -> memref<1x125x128xf32, #tpu.memory_space<vmem>>
      %dma_start3A_475 = tpu.memref_squeeze %dma_start3A_474 : memref<1x125x128xf32, #tpu.memory_space<vmem>> -> memref<125x128xf32, #tpu.memory_space<vmem>>
      %dma_start3A_476 = arith.constant 0 : i32
      %dma_start3A_477 = tpu.memref_slice %arg6[%dma_start3A_468, %dma_start3A_469, %dma_start3A_476] : memref<4x2x125xi32, #tpu.memory_space<vmem>> -> memref<1x1x125xi32, #tpu.memory_space<vmem>>
      %dma_start3A_478 = tpu.memref_squeeze %dma_start3A_477 : memref<1x1x125xi32, #tpu.memory_space<vmem>> -> memref<125xi32, #tpu.memory_space<vmem>>
      %dma_start3A_479 = arith.constant 0 : i32
      %dma_start3A_480 = arith.constant 0 : i32
      %dma_start3A_481 = tpu.memref_slice %arg2[%dma_start3A_479, %dma_start3A_480] : memref<10000x128xf32, #tpu.memory_space<hbm>> -> memref<10000x128xf32, #tpu.memory_space<hbm>>
      %dma_start3A_482 = tpu.memref_slice %arg10[%dma_start3A_471] : memref<2x!tpu.dma_semaphore, #tpu.memory_space<semaphore_mem>> -> memref<1x!tpu.dma_semaphore, #tpu.memory_space<semaphore_mem>>
      %dma_start3A_483 = tpu.memref_squeeze %dma_start3A_482 : memref<1x!tpu.dma_semaphore, #tpu.memory_space<semaphore_mem>> -> memref<!tpu.dma_semaphore, #tpu.memory_space<semaphore_mem>>
      tpu.enqueue_indirect_dma source(%dma_start3A_481 : memref<10000x128xf32, #tpu.memory_space<hbm>>) target(%dma_start3A_475 : memref<125x128xf32, #tpu.memory_space<vmem>>) offsets(%dma_start3A_478 : memref<125xi32, #tpu.memory_space<vmem>>) semaphore(%dma_start3A_483 : memref<!tpu.dma_semaphore, #tpu.memory_space<semaphore_mem>>)
      %dma_wait3A_484 = arith.constant 2 : i32
      %dma_wait3A_485 = arith.constant 0 : i32
      %dma_wait3A_486 = arith.constant 0 : i32
      %dma_wait3A_487 = arith.constant 0 : i32
      %dma_wait3A_488 = arith.constant 0 : i32
      %dma_wait3A_489 = arith.constant 0 : i32
      %dma_wait3A_490 = tpu.memref_slice %arg7[%dma_wait3A_486, %dma_wait3A_488, %dma_wait3A_489] : memref<2x125x128xf32, #tpu.memory_space<vmem>> -> memref<1x125x128xf32, #tpu.memory_space<vmem>>
      %dma_wait3A_491 = tpu.memref_squeeze %dma_wait3A_490 : memref<1x125x128xf32, #tpu.memory_space<vmem>> -> memref<125x128xf32, #tpu.memory_space<vmem>>
      %dma_wait3A_492 = arith.constant 0 : i32
      %dma_wait3A_493 = tpu.memref_slice %arg6[%dma_wait3A_484, %dma_wait3A_485, %dma_wait3A_492] : memref<4x2x125xi32, #tpu.memory_space<vmem>> -> memref<1x1x125xi32, #tpu.memory_space<vmem>>
      %dma_wait3A_494 = tpu.memref_squeeze %dma_wait3A_493 : memref<1x1x125xi32, #tpu.memory_space<vmem>> -> memref<125xi32, #tpu.memory_space<vmem>>
      %dma_wait3A_495 = arith.constant 0 : i32
      %dma_wait3A_496 = arith.constant 0 : i32
      %dma_wait3A_497 = tpu.memref_slice %arg2[%dma_wait3A_495, %dma_wait3A_496] : memref<10000x128xf32, #tpu.memory_space<hbm>> -> memref<10000x128xf32, #tpu.memory_space<hbm>>
      %dma_wait3A_498 = tpu.memref_slice %arg10[%dma_wait3A_487] : memref<2x!tpu.dma_semaphore, #tpu.memory_space<semaphore_mem>> -> memref<1x!tpu.dma_semaphore, #tpu.memory_space<semaphore_mem>>
      %dma_wait3A_499 = tpu.memref_squeeze %dma_wait3A_498 : memref<1x!tpu.dma_semaphore, #tpu.memory_space<semaphore_mem>> -> memref<!tpu.dma_semaphore, #tpu.memory_space<semaphore_mem>>
      tpu.wait_indirect_dma semaphore(%dma_wait3A_499 : memref<!tpu.dma_semaphore, #tpu.memory_space<semaphore_mem>>) src(%dma_wait3A_497 : memref<10000x128xf32, #tpu.memory_space<hbm>>) dst(%dma_wait3A_491 : memref<125x128xf32, #tpu.memory_space<vmem>>)
      %run_scoped3A_500 = arith.constant 0 : i32
      %run_scoped3A_501 = arith.constant 2 : i32
      %run_scoped3A_502 = arith.constant 1 : i32
      "tpu.region"() ({
        %run_scoped3A_644 = tpu.sem_alloc : memref<!tpu.dma_semaphore, #tpu.memory_space<semaphore_mem>>
        %dma_start3A_645 = arith.constant 0 : i32
        %dma_start3A_646 = arith.constant 0 : i32
        %dma_start3A_647 = tpu.memref_slice %arg7[%run_scoped3A_500, %dma_start3A_645, %dma_start3A_646] : memref<2x125x128xf32, #tpu.memory_space<vmem>> -> memref<1x125x128xf32, #tpu.memory_space<vmem>>
        %dma_start3A_648 = tpu.memref_squeeze %dma_start3A_647 : memref<1x125x128xf32, #tpu.memory_space<vmem>> -> memref<125x128xf32, #tpu.memory_space<vmem>>
        %dma_start3A_649 = arith.constant 0 : i32
        %dma_start3A_650 = tpu.memref_slice %arg6[%run_scoped3A_501, %run_scoped3A_502, %dma_start3A_649] : memref<4x2x125xi32, #tpu.memory_space<vmem>> -> memref<1x1x125xi32, #tpu.memory_space<vmem>>
        %dma_start3A_651 = tpu.memref_squeeze %dma_start3A_650 : memref<1x1x125xi32, #tpu.memory_space<vmem>> -> memref<125xi32, #tpu.memory_space<vmem>>
        %dma_start3A_652 = arith.constant 0 : i32
        %dma_start3A_653 = arith.constant 0 : i32
        %dma_start3A_654 = tpu.memref_slice %arg8[%dma_start3A_652, %dma_start3A_653] : memref<10240x128xf32, #tpu.memory_space<vmem_shared>> -> memref<10240x128xf32, #tpu.memory_space<vmem_shared>>
        tpu.enqueue_indirect_dma source(%dma_start3A_648 : memref<125x128xf32, #tpu.memory_space<vmem>>) target(%dma_start3A_654 : memref<10240x128xf32, #tpu.memory_space<vmem_shared>>) offsets(%dma_start3A_651 : memref<125xi32, #tpu.memory_space<vmem>>) semaphore(%run_scoped3A_644 : memref<!tpu.dma_semaphore, #tpu.memory_space<semaphore_mem>>) {add = true}
        %dma_wait3A_655 = arith.constant 0 : i32
        %dma_wait3A_656 = arith.constant 0 : i32
        %dma_wait3A_657 = tpu.memref_slice %arg7[%run_scoped3A_500, %dma_wait3A_655, %dma_wait3A_656] : memref<2x125x128xf32, #tpu.memory_space<vmem>> -> memref<1x125x128xf32, #tpu.memory_space<vmem>>
        %dma_wait3A_658 = tpu.memref_squeeze %dma_wait3A_657 : memref<1x125x128xf32, #tpu.memory_space<vmem>> -> memref<125x128xf32, #tpu.memory_space<vmem>>
        %dma_wait3A_659 = arith.constant 0 : i32
        %dma_wait3A_660 = tpu.memref_slice %arg6[%run_scoped3A_501, %run_scoped3A_502, %dma_wait3A_659] : memref<4x2x125xi32, #tpu.memory_space<vmem>> -> memref<1x1x125xi32, #tpu.memory_space<vmem>>
        %dma_wait3A_661 = tpu.memref_squeeze %dma_wait3A_660 : memref<1x1x125xi32, #tpu.memory_space<vmem>> -> memref<125xi32, #tpu.memory_space<vmem>>
        %dma_wait3A_662 = arith.constant 0 : i32
        %dma_wait3A_663 = arith.constant 0 : i32
        %dma_wait3A_664 = tpu.memref_slice %arg8[%dma_wait3A_662, %dma_wait3A_663] : memref<10240x128xf32, #tpu.memory_space<vmem_shared>> -> memref<10240x128xf32, #tpu.memory_space<vmem_shared>>
        tpu.wait_indirect_dma semaphore(%run_scoped3A_644 : memref<!tpu.dma_semaphore, #tpu.memory_space<semaphore_mem>>) src(%dma_wait3A_658 : memref<125x128xf32, #tpu.memory_space<vmem>>) dst(%dma_wait3A_664 : memref<10240x128xf32, #tpu.memory_space<vmem_shared>>)
        tpu.yield
      }) : () -> ()
      %add3A_503 = arith.constant 2 : i32
      %add3A_504 = arith.addi %mul3A_323, %add3A_503 : i32
      %add3A_505 = arith.constant 4 : i32
      %add3A_506 = arith.addi %add3A_504, %add3A_505 : i32
      %dma_start3A_507 = arith.constant 2 : i32
      %dma_start3A_508 = arith.constant 2 : i32
      %dma_start3A_509 = arith.constant 0 : i32
      %dma_start3A_510 = arith.constant 0 : i32
      %dma_start3A_511 = tpu.memref_slice %arg6[%dma_start3A_507, %dma_start3A_509, %dma_start3A_510] : memref<4x2x125xi32, #tpu.memory_space<vmem>> -> memref<1x2x125xi32, #tpu.memory_space<vmem>>
      %dma_start3A_512 = tpu.memref_squeeze %dma_start3A_511 : memref<1x2x125xi32, #tpu.memory_space<vmem>> -> memref<2x125xi32, #tpu.memory_space<vmem>>
      %dma_start3A_513 = arith.constant 0 : i32
      %dma_start3A_514 = arith.constant 0 : i32
      %dma_start3A_515 = tpu.memref_slice %arg3[%add3A, %add3A_506, %dma_start3A_513, %dma_start3A_514] : memref<32x80x2x125xi32, #tpu.memory_space<hbm>> -> memref<1x1x2x125xi32, #tpu.memory_space<hbm>>
      %dma_start3A_516 = tpu.memref_squeeze %dma_start3A_515 : memref<1x1x2x125xi32, #tpu.memory_space<hbm>> -> memref<2x125xi32, #tpu.memory_space<hbm>>
      %dma_start3A_517 = tpu.memref_slice %arg9[%dma_start3A_508] : memref<4x!tpu.dma_semaphore, #tpu.memory_space<semaphore_mem>> -> memref<1x!tpu.dma_semaphore, #tpu.memory_space<semaphore_mem>>
      %dma_start3A_518 = tpu.memref_squeeze %dma_start3A_517 : memref<1x!tpu.dma_semaphore, #tpu.memory_space<semaphore_mem>> -> memref<!tpu.dma_semaphore, #tpu.memory_space<semaphore_mem>>
      %dma_start3A_519 = arith.constant 0 : i32
      %dma_start3A_520 = arith.constant 0 : i32
      %dma_start3A_521 = tpu.memref_slice %arg6[%dma_start3A_507, %dma_start3A_519, %dma_start3A_520] : memref<4x2x125xi32, #tpu.memory_space<vmem>> -> memref<1x2x125xi32, #tpu.memory_space<vmem>>
      %dma_start3A_522 = tpu.memref_squeeze %dma_start3A_521 : memref<1x2x125xi32, #tpu.memory_space<vmem>> -> memref<2x125xi32, #tpu.memory_space<vmem>>
      %dma_start3A_523 = arith.constant 0 : i32
      %dma_start3A_524 = arith.constant 0 : i32
      %dma_start3A_525 = tpu.memref_slice %arg3[%add3A, %add3A_506, %dma_start3A_523, %dma_start3A_524] : memref<32x80x2x125xi32, #tpu.memory_space<hbm>> -> memref<1x1x2x125xi32, #tpu.memory_space<hbm>>
      %dma_start3A_526 = tpu.memref_squeeze %dma_start3A_525 : memref<1x1x2x125xi32, #tpu.memory_space<hbm>> -> memref<2x125xi32, #tpu.memory_space<hbm>>
      tpu.enqueue_dma source(%dma_start3A_526 : memref<2x125xi32, #tpu.memory_space<hbm>>) target(%dma_start3A_522 : memref<2x125xi32, #tpu.memory_space<vmem>>) target_semaphore(%dma_start3A_518 : memref<!tpu.dma_semaphore, #tpu.memory_space<semaphore_mem>>)
      %dma_wait3A_527 = arith.constant 2 : i32
      %dma_wait3A_528 = arith.constant 0 : i32
      %dma_wait3A_529 = arith.constant 0 : i32
      %dma_wait3A_530 = arith.constant 0 : i32
      %dma_wait3A_531 = arith.constant 0 : i32
      %dma_wait3A_532 = tpu.memref_slice %arg6[%dma_wait3A_528, %dma_wait3A_530, %dma_wait3A_531] : memref<4x2x125xi32, #tpu.memory_space<vmem>> -> memref<1x2x125xi32, #tpu.memory_space<vmem>>
      %dma_wait3A_533 = tpu.memref_squeeze %dma_wait3A_532 : memref<1x2x125xi32, #tpu.memory_space<vmem>> -> memref<2x125xi32, #tpu.memory_space<vmem>>
      %dma_wait3A_534 = arith.constant 0 : i32
      %dma_wait3A_535 = arith.constant 0 : i32
      %dma_wait3A_536 = tpu.memref_slice %arg3[%add3A, %dma_wait3A_527, %dma_wait3A_534, %dma_wait3A_535] : memref<32x80x2x125xi32, #tpu.memory_space<hbm>> -> memref<1x1x2x125xi32, #tpu.memory_space<hbm>>
      %dma_wait3A_537 = tpu.memref_squeeze %dma_wait3A_536 : memref<1x1x2x125xi32, #tpu.memory_space<hbm>> -> memref<2x125xi32, #tpu.memory_space<hbm>>
      %dma_wait3A_538 = tpu.memref_slice %arg9[%dma_wait3A_529] : memref<4x!tpu.dma_semaphore, #tpu.memory_space<semaphore_mem>> -> memref<1x!tpu.dma_semaphore, #tpu.memory_space<semaphore_mem>>
      %dma_wait3A_539 = tpu.memref_squeeze %dma_wait3A_538 : memref<1x!tpu.dma_semaphore, #tpu.memory_space<semaphore_mem>> -> memref<!tpu.dma_semaphore, #tpu.memory_space<semaphore_mem>>
      %dma_wait3A_540 = arith.constant 0 : i32
      %dma_wait3A_541 = arith.constant 0 : i32
      %dma_wait3A_542 = tpu.memref_slice %arg6[%dma_wait3A_528, %dma_wait3A_540, %dma_wait3A_541] : memref<4x2x125xi32, #tpu.memory_space<vmem>> -> memref<1x2x125xi32, #tpu.memory_space<vmem>>
      %dma_wait3A_543 = tpu.memref_squeeze %dma_wait3A_542 : memref<1x2x125xi32, #tpu.memory_space<vmem>> -> memref<2x125xi32, #tpu.memory_space<vmem>>
      %dma_wait3A_544 = arith.constant 0 : i32
      %dma_wait3A_545 = arith.constant 0 : i32
      %dma_wait3A_546 = tpu.memref_slice %arg3[%add3A, %dma_wait3A_527, %dma_wait3A_544, %dma_wait3A_545] : memref<32x80x2x125xi32, #tpu.memory_space<hbm>> -> memref<1x1x2x125xi32, #tpu.memory_space<hbm>>
      %dma_wait3A_547 = tpu.memref_squeeze %dma_wait3A_546 : memref<1x1x2x125xi32, #tpu.memory_space<hbm>> -> memref<2x125xi32, #tpu.memory_space<hbm>>
      tpu.wait_dma2 semaphore(%dma_wait3A_539 : memref<!tpu.dma_semaphore, #tpu.memory_space<semaphore_mem>>) src(%dma_wait3A_547 : memref<2x125xi32, #tpu.memory_space<hbm>>) dst(%dma_wait3A_543 : memref<2x125xi32, #tpu.memory_space<vmem>>)
      %dma_start3A_548 = arith.constant 0 : i32
      %dma_start3A_549 = arith.constant 0 : i32
      %dma_start3A_550 = arith.constant 0 : i32
      %dma_start3A_551 = arith.constant 0 : i32
      %dma_start3A_552 = arith.constant 0 : i32
      %dma_start3A_553 = arith.constant 0 : i32
      %dma_start3A_554 = tpu.memref_slice %arg7[%dma_start3A_550, %dma_start3A_552, %dma_start3A_553] : memref<2x125x128xf32, #tpu.memory_space<vmem>> -> memref<1x125x128xf32, #tpu.memory_space<vmem>>
      %dma_start3A_555 = tpu.memref_squeeze %dma_start3A_554 : memref<1x125x128xf32, #tpu.memory_space<vmem>> -> memref<125x128xf32, #tpu.memory_space<vmem>>
      %dma_start3A_556 = arith.constant 0 : i32
      %dma_start3A_557 = tpu.memref_slice %arg6[%dma_start3A_548, %dma_start3A_549, %dma_start3A_556] : memref<4x2x125xi32, #tpu.memory_space<vmem>> -> memref<1x1x125xi32, #tpu.memory_space<vmem>>
      %dma_start3A_558 = tpu.memref_squeeze %dma_start3A_557 : memref<1x1x125xi32, #tpu.memory_space<vmem>> -> memref<125xi32, #tpu.memory_space<vmem>>
      %dma_start3A_559 = arith.constant 0 : i32
      %dma_start3A_560 = arith.constant 0 : i32
      %dma_start3A_561 = tpu.memref_slice %arg2[%dma_start3A_559, %dma_start3A_560] : memref<10000x128xf32, #tpu.memory_space<hbm>> -> memref<10000x128xf32, #tpu.memory_space<hbm>>
      %dma_start3A_562 = tpu.memref_slice %arg10[%dma_start3A_551] : memref<2x!tpu.dma_semaphore, #tpu.memory_space<semaphore_mem>> -> memref<1x!tpu.dma_semaphore, #tpu.memory_space<semaphore_mem>>
      %dma_start3A_563 = tpu.memref_squeeze %dma_start3A_562 : memref<1x!tpu.dma_semaphore, #tpu.memory_space<semaphore_mem>> -> memref<!tpu.dma_semaphore, #tpu.memory_space<semaphore_mem>>
      tpu.enqueue_indirect_dma source(%dma_start3A_561 : memref<10000x128xf32, #tpu.memory_space<hbm>>) target(%dma_start3A_555 : memref<125x128xf32, #tpu.memory_space<vmem>>) offsets(%dma_start3A_558 : memref<125xi32, #tpu.memory_space<vmem>>) semaphore(%dma_start3A_563 : memref<!tpu.dma_semaphore, #tpu.memory_space<semaphore_mem>>)
      %dma_wait3A_564 = arith.constant 3 : i32
      %dma_wait3A_565 = arith.constant 0 : i32
      %dma_wait3A_566 = arith.constant 1 : i32
      %dma_wait3A_567 = arith.constant 1 : i32
      %dma_wait3A_568 = arith.constant 0 : i32
      %dma_wait3A_569 = arith.constant 0 : i32
      %dma_wait3A_570 = tpu.memref_slice %arg7[%dma_wait3A_566, %dma_wait3A_568, %dma_wait3A_569] : memref<2x125x128xf32, #tpu.memory_space<vmem>> -> memref<1x125x128xf32, #tpu.memory_space<vmem>>
      %dma_wait3A_571 = tpu.memref_squeeze %dma_wait3A_570 : memref<1x125x128xf32, #tpu.memory_space<vmem>> -> memref<125x128xf32, #tpu.memory_space<vmem>>
      %dma_wait3A_572 = arith.constant 0 : i32
      %dma_wait3A_573 = tpu.memref_slice %arg6[%dma_wait3A_564, %dma_wait3A_565, %dma_wait3A_572] : memref<4x2x125xi32, #tpu.memory_space<vmem>> -> memref<1x1x125xi32, #tpu.memory_space<vmem>>
      %dma_wait3A_574 = tpu.memref_squeeze %dma_wait3A_573 : memref<1x1x125xi32, #tpu.memory_space<vmem>> -> memref<125xi32, #tpu.memory_space<vmem>>
      %dma_wait3A_575 = arith.constant 0 : i32
      %dma_wait3A_576 = arith.constant 0 : i32
      %dma_wait3A_577 = tpu.memref_slice %arg2[%dma_wait3A_575, %dma_wait3A_576] : memref<10000x128xf32, #tpu.memory_space<hbm>> -> memref<10000x128xf32, #tpu.memory_space<hbm>>
      %dma_wait3A_578 = tpu.memref_slice %arg10[%dma_wait3A_567] : memref<2x!tpu.dma_semaphore, #tpu.memory_space<semaphore_mem>> -> memref<1x!tpu.dma_semaphore, #tpu.memory_space<semaphore_mem>>
      %dma_wait3A_579 = tpu.memref_squeeze %dma_wait3A_578 : memref<1x!tpu.dma_semaphore, #tpu.memory_space<semaphore_mem>> -> memref<!tpu.dma_semaphore, #tpu.memory_space<semaphore_mem>>
      tpu.wait_indirect_dma semaphore(%dma_wait3A_579 : memref<!tpu.dma_semaphore, #tpu.memory_space<semaphore_mem>>) src(%dma_wait3A_577 : memref<10000x128xf32, #tpu.memory_space<hbm>>) dst(%dma_wait3A_571 : memref<125x128xf32, #tpu.memory_space<vmem>>)
      %run_scoped3A_580 = arith.constant 1 : i32
      %run_scoped3A_581 = arith.constant 3 : i32
      %run_scoped3A_582 = arith.constant 1 : i32
      "tpu.region"() ({
        %run_scoped3A_644 = tpu.sem_alloc : memref<!tpu.dma_semaphore, #tpu.memory_space<semaphore_mem>>
        %dma_start3A_645 = arith.constant 0 : i32
        %dma_start3A_646 = arith.constant 0 : i32
        %dma_start3A_647 = tpu.memref_slice %arg7[%run_scoped3A_580, %dma_start3A_645, %dma_start3A_646] : memref<2x125x128xf32, #tpu.memory_space<vmem>> -> memref<1x125x128xf32, #tpu.memory_space<vmem>>
        %dma_start3A_648 = tpu.memref_squeeze %dma_start3A_647 : memref<1x125x128xf32, #tpu.memory_space<vmem>> -> memref<125x128xf32, #tpu.memory_space<vmem>>
        %dma_start3A_649 = arith.constant 0 : i32
        %dma_start3A_650 = tpu.memref_slice %arg6[%run_scoped3A_581, %run_scoped3A_582, %dma_start3A_649] : memref<4x2x125xi32, #tpu.memory_space<vmem>> -> memref<1x1x125xi32, #tpu.memory_space<vmem>>
        %dma_start3A_651 = tpu.memref_squeeze %dma_start3A_650 : memref<1x1x125xi32, #tpu.memory_space<vmem>> -> memref<125xi32, #tpu.memory_space<vmem>>
        %dma_start3A_652 = arith.constant 0 : i32
        %dma_start3A_653 = arith.constant 0 : i32
        %dma_start3A_654 = tpu.memref_slice %arg8[%dma_start3A_652, %dma_start3A_653] : memref<10240x128xf32, #tpu.memory_space<vmem_shared>> -> memref<10240x128xf32, #tpu.memory_space<vmem_shared>>
        tpu.enqueue_indirect_dma source(%dma_start3A_648 : memref<125x128xf32, #tpu.memory_space<vmem>>) target(%dma_start3A_654 : memref<10240x128xf32, #tpu.memory_space<vmem_shared>>) offsets(%dma_start3A_651 : memref<125xi32, #tpu.memory_space<vmem>>) semaphore(%run_scoped3A_644 : memref<!tpu.dma_semaphore, #tpu.memory_space<semaphore_mem>>) {add = true}
        %dma_wait3A_655 = arith.constant 0 : i32
        %dma_wait3A_656 = arith.constant 0 : i32
        %dma_wait3A_657 = tpu.memref_slice %arg7[%run_scoped3A_580, %dma_wait3A_655, %dma_wait3A_656] : memref<2x125x128xf32, #tpu.memory_space<vmem>> -> memref<1x125x128xf32, #tpu.memory_space<vmem>>
        %dma_wait3A_658 = tpu.memref_squeeze %dma_wait3A_657 : memref<1x125x128xf32, #tpu.memory_space<vmem>> -> memref<125x128xf32, #tpu.memory_space<vmem>>
        %dma_wait3A_659 = arith.constant 0 : i32
        %dma_wait3A_660 = tpu.memref_slice %arg6[%run_scoped3A_581, %run_scoped3A_582, %dma_wait3A_659] : memref<4x2x125xi32, #tpu.memory_space<vmem>> -> memref<1x1x125xi32, #tpu.memory_space<vmem>>
        %dma_wait3A_661 = tpu.memref_squeeze %dma_wait3A_660 : memref<1x1x125xi32, #tpu.memory_space<vmem>> -> memref<125xi32, #tpu.memory_space<vmem>>
        %dma_wait3A_662 = arith.constant 0 : i32
        %dma_wait3A_663 = arith.constant 0 : i32
        %dma_wait3A_664 = tpu.memref_slice %arg8[%dma_wait3A_662, %dma_wait3A_663] : memref<10240x128xf32, #tpu.memory_space<vmem_shared>> -> memref<10240x128xf32, #tpu.memory_space<vmem_shared>>
        tpu.wait_indirect_dma semaphore(%run_scoped3A_644 : memref<!tpu.dma_semaphore, #tpu.memory_space<semaphore_mem>>) src(%dma_wait3A_658 : memref<125x128xf32, #tpu.memory_space<vmem>>) dst(%dma_wait3A_664 : memref<10240x128xf32, #tpu.memory_space<vmem_shared>>)
        tpu.yield
      }) : () -> ()
      %add3A_583 = arith.constant 3 : i32
      %add3A_584 = arith.addi %mul3A_323, %add3A_583 : i32
      %add3A_585 = arith.constant 4 : i32
      %add3A_586 = arith.addi %add3A_584, %add3A_585 : i32
      %dma_start3A_587 = arith.constant 3 : i32
      %dma_start3A_588 = arith.constant 3 : i32
      %dma_start3A_589 = arith.constant 0 : i32
      %dma_start3A_590 = arith.constant 0 : i32
      %dma_start3A_591 = tpu.memref_slice %arg6[%dma_start3A_587, %dma_start3A_589, %dma_start3A_590] : memref<4x2x125xi32, #tpu.memory_space<vmem>> -> memref<1x2x125xi32, #tpu.memory_space<vmem>>
      %dma_start3A_592 = tpu.memref_squeeze %dma_start3A_591 : memref<1x2x125xi32, #tpu.memory_space<vmem>> -> memref<2x125xi32, #tpu.memory_space<vmem>>
      %dma_start3A_593 = arith.constant 0 : i32
      %dma_start3A_594 = arith.constant 0 : i32
      %dma_start3A_595 = tpu.memref_slice %arg3[%add3A, %add3A_586, %dma_start3A_593, %dma_start3A_594] : memref<32x80x2x125xi32, #tpu.memory_space<hbm>> -> memref<1x1x2x125xi32, #tpu.memory_space<hbm>>
      %dma_start3A_596 = tpu.memref_squeeze %dma_start3A_595 : memref<1x1x2x125xi32, #tpu.memory_space<hbm>> -> memref<2x125xi32, #tpu.memory_space<hbm>>
      %dma_start3A_597 = tpu.memref_slice %arg9[%dma_start3A_588] : memref<4x!tpu.dma_semaphore, #tpu.memory_space<semaphore_mem>> -> memref<1x!tpu.dma_semaphore, #tpu.memory_space<semaphore_mem>>
      %dma_start3A_598 = tpu.memref_squeeze %dma_start3A_597 : memref<1x!tpu.dma_semaphore, #tpu.memory_space<semaphore_mem>> -> memref<!tpu.dma_semaphore, #tpu.memory_space<semaphore_mem>>
      %dma_start3A_599 = arith.constant 0 : i32
      %dma_start3A_600 = arith.constant 0 : i32
      %dma_start3A_601 = tpu.memref_slice %arg6[%dma_start3A_587, %dma_start3A_599, %dma_start3A_600] : memref<4x2x125xi32, #tpu.memory_space<vmem>> -> memref<1x2x125xi32, #tpu.memory_space<vmem>>
      %dma_start3A_602 = tpu.memref_squeeze %dma_start3A_601 : memref<1x2x125xi32, #tpu.memory_space<vmem>> -> memref<2x125xi32, #tpu.memory_space<vmem>>
      %dma_start3A_603 = arith.constant 0 : i32
      %dma_start3A_604 = arith.constant 0 : i32
      %dma_start3A_605 = tpu.memref_slice %arg3[%add3A, %add3A_586, %dma_start3A_603, %dma_start3A_604] : memref<32x80x2x125xi32, #tpu.memory_space<hbm>> -> memref<1x1x2x125xi32, #tpu.memory_space<hbm>>
      %dma_start3A_606 = tpu.memref_squeeze %dma_start3A_605 : memref<1x1x2x125xi32, #tpu.memory_space<hbm>> -> memref<2x125xi32, #tpu.memory_space<hbm>>
      tpu.enqueue_dma source(%dma_start3A_606 : memref<2x125xi32, #tpu.memory_space<hbm>>) target(%dma_start3A_602 : memref<2x125xi32, #tpu.memory_space<vmem>>) target_semaphore(%dma_start3A_598 : memref<!tpu.dma_semaphore, #tpu.memory_space<semaphore_mem>>)
      %dma_wait3A_607 = arith.constant 3 : i32
      %dma_wait3A_608 = arith.constant 1 : i32
      %dma_wait3A_609 = arith.constant 1 : i32
      %dma_wait3A_610 = arith.constant 0 : i32
      %dma_wait3A_611 = arith.constant 0 : i32
      %dma_wait3A_612 = tpu.memref_slice %arg6[%dma_wait3A_608, %dma_wait3A_610, %dma_wait3A_611] : memref<4x2x125xi32, #tpu.memory_space<vmem>> -> memref<1x2x125xi32, #tpu.memory_space<vmem>>
      %dma_wait3A_613 = tpu.memref_squeeze %dma_wait3A_612 : memref<1x2x125xi32, #tpu.memory_space<vmem>> -> memref<2x125xi32, #tpu.memory_space<vmem>>
      %dma_wait3A_614 = arith.constant 0 : i32
      %dma_wait3A_615 = arith.constant 0 : i32
      %dma_wait3A_616 = tpu.memref_slice %arg3[%add3A, %dma_wait3A_607, %dma_wait3A_614, %dma_wait3A_615] : memref<32x80x2x125xi32, #tpu.memory_space<hbm>> -> memref<1x1x2x125xi32, #tpu.memory_space<hbm>>
      %dma_wait3A_617 = tpu.memref_squeeze %dma_wait3A_616 : memref<1x1x2x125xi32, #tpu.memory_space<hbm>> -> memref<2x125xi32, #tpu.memory_space<hbm>>
      %dma_wait3A_618 = tpu.memref_slice %arg9[%dma_wait3A_609] : memref<4x!tpu.dma_semaphore, #tpu.memory_space<semaphore_mem>> -> memref<1x!tpu.dma_semaphore, #tpu.memory_space<semaphore_mem>>
      %dma_wait3A_619 = tpu.memref_squeeze %dma_wait3A_618 : memref<1x!tpu.dma_semaphore, #tpu.memory_space<semaphore_mem>> -> memref<!tpu.dma_semaphore, #tpu.memory_space<semaphore_mem>>
      %dma_wait3A_620 = arith.constant 0 : i32
      %dma_wait3A_621 = arith.constant 0 : i32
      %dma_wait3A_622 = tpu.memref_slice %arg6[%dma_wait3A_608, %dma_wait3A_620, %dma_wait3A_621] : memref<4x2x125xi32, #tpu.memory_space<vmem>> -> memref<1x2x125xi32, #tpu.memory_space<vmem>>
      %dma_wait3A_623 = tpu.memref_squeeze %dma_wait3A_622 : memref<1x2x125xi32, #tpu.memory_space<vmem>> -> memref<2x125xi32, #tpu.memory_space<vmem>>
      %dma_wait3A_624 = arith.constant 0 : i32
      %dma_wait3A_625 = arith.constant 0 : i32
      %dma_wait3A_626 = tpu.memref_slice %arg3[%add3A, %dma_wait3A_607, %dma_wait3A_624, %dma_wait3A_625] : memref<32x80x2x125xi32, #tpu.memory_space<hbm>> -> memref<1x1x2x125xi32, #tpu.memory_space<hbm>>
      %dma_wait3A_627 = tpu.memref_squeeze %dma_wait3A_626 : memref<1x1x2x125xi32, #tpu.memory_space<hbm>> -> memref<2x125xi32, #tpu.memory_space<hbm>>
      tpu.wait_dma2 semaphore(%dma_wait3A_619 : memref<!tpu.dma_semaphore, #tpu.memory_space<semaphore_mem>>) src(%dma_wait3A_627 : memref<2x125xi32, #tpu.memory_space<hbm>>) dst(%dma_wait3A_623 : memref<2x125xi32, #tpu.memory_space<vmem>>)
      %dma_start3A_628 = arith.constant 1 : i32
      %dma_start3A_629 = arith.constant 0 : i32
      %dma_start3A_630 = arith.constant 1 : i32
      %dma_start3A_631 = arith.constant 1 : i32
      %dma_start3A_632 = arith.constant 0 : i32
      %dma_start3A_633 = arith.constant 0 : i32
      %dma_start3A_634 = tpu.memref_slice %arg7[%dma_start3A_630, %dma_start3A_632, %dma_start3A_633] : memref<2x125x128xf32, #tpu.memory_space<vmem>> -> memref<1x125x128xf32, #tpu.memory_space<vmem>>
      %dma_start3A_635 = tpu.memref_squeeze %dma_start3A_634 : memref<1x125x128xf32, #tpu.memory_space<vmem>> -> memref<125x128xf32, #tpu.memory_space<vmem>>
      %dma_start3A_636 = arith.constant 0 : i32
      %dma_start3A_637 = tpu.memref_slice %arg6[%dma_start3A_628, %dma_start3A_629, %dma_start3A_636] : memref<4x2x125xi32, #tpu.memory_space<vmem>> -> memref<1x1x125xi32, #tpu.memory_space<vmem>>
      %dma_start3A_638 = tpu.memref_squeeze %dma_start3A_637 : memref<1x1x125xi32, #tpu.memory_space<vmem>> -> memref<125xi32, #tpu.memory_space<vmem>>
      %dma_start3A_639 = arith.constant 0 : i32
      %dma_start3A_640 = arith.constant 0 : i32
      %dma_start3A_641 = tpu.memref_slice %arg2[%dma_start3A_639, %dma_start3A_640] : memref<10000x128xf32, #tpu.memory_space<hbm>> -> memref<10000x128xf32, #tpu.memory_space<hbm>>
      %dma_start3A_642 = tpu.memref_slice %arg10[%dma_start3A_631] : memref<2x!tpu.dma_semaphore, #tpu.memory_space<semaphore_mem>> -> memref<1x!tpu.dma_semaphore, #tpu.memory_space<semaphore_mem>>
      %dma_start3A_643 = tpu.memref_squeeze %dma_start3A_642 : memref<1x!tpu.dma_semaphore, #tpu.memory_space<semaphore_mem>> -> memref<!tpu.dma_semaphore, #tpu.memory_space<semaphore_mem>>
      tpu.enqueue_indirect_dma source(%dma_start3A_641 : memref<10000x128xf32, #tpu.memory_space<hbm>>) target(%dma_start3A_635 : memref<125x128xf32, #tpu.memory_space<vmem>>) offsets(%dma_start3A_638 : memref<125xi32, #tpu.memory_space<vmem>>) semaphore(%dma_start3A_643 : memref<!tpu.dma_semaphore, #tpu.memory_space<semaphore_mem>>)
    }
    %scan3A_162 = arith.constant 19 : i32
    %dma_wait3A_163 = arith.constant 0 : i32
    %dma_wait3A_164 = arith.constant 0 : i32
    %dma_wait3A_165 = arith.constant 0 : i32
    %dma_wait3A_166 = arith.constant 0 : i32
    %dma_wait3A_167 = arith.constant 0 : i32
    %dma_wait3A_168 = arith.constant 0 : i32
    %dma_wait3A_169 = tpu.memref_slice %arg7[%dma_wait3A_165, %dma_wait3A_167, %dma_wait3A_168] : memref<2x125x128xf32, #tpu.memory_space<vmem>> -> memref<1x125x128xf32, #tpu.memory_space<vmem>>
    %dma_wait3A_170 = tpu.memref_squeeze %dma_wait3A_169 : memref<1x125x128xf32, #tpu.memory_space<vmem>> -> memref<125x128xf32, #tpu.memory_space<vmem>>
    %dma_wait3A_171 = arith.constant 0 : i32
    %dma_wait3A_172 = tpu.memref_slice %arg6[%dma_wait3A_163, %dma_wait3A_164, %dma_wait3A_171] : memref<4x2x125xi32, #tpu.memory_space<vmem>> -> memref<1x1x125xi32, #tpu.memory_space<vmem>>
    %dma_wait3A_173 = tpu.memref_squeeze %dma_wait3A_172 : memref<1x1x125xi32, #tpu.memory_space<vmem>> -> memref<125xi32, #tpu.memory_space<vmem>>
    %dma_wait3A_174 = arith.constant 0 : i32
    %dma_wait3A_175 = arith.constant 0 : i32
    %dma_wait3A_176 = tpu.memref_slice %arg2[%dma_wait3A_174, %dma_wait3A_175] : memref<10000x128xf32, #tpu.memory_space<hbm>> -> memref<10000x128xf32, #tpu.memory_space<hbm>>
    %dma_wait3A_177 = tpu.memref_slice %arg10[%dma_wait3A_166] : memref<2x!tpu.dma_semaphore, #tpu.memory_space<semaphore_mem>> -> memref<1x!tpu.dma_semaphore, #tpu.memory_space<semaphore_mem>>
    %dma_wait3A_178 = tpu.memref_squeeze %dma_wait3A_177 : memref<1x!tpu.dma_semaphore, #tpu.memory_space<semaphore_mem>> -> memref<!tpu.dma_semaphore, #tpu.memory_space<semaphore_mem>>
    tpu.wait_indirect_dma semaphore(%dma_wait3A_178 : memref<!tpu.dma_semaphore, #tpu.memory_space<semaphore_mem>>) src(%dma_wait3A_176 : memref<10000x128xf32, #tpu.memory_space<hbm>>) dst(%dma_wait3A_170 : memref<125x128xf32, #tpu.memory_space<vmem>>)
    %run_scoped3A = arith.constant 0 : i32
    %run_scoped3A_179 = arith.constant 0 : i32
    %run_scoped3A_180 = arith.constant 1 : i32
    "tpu.region"() ({
      %run_scoped3A_317 = tpu.sem_alloc : memref<!tpu.dma_semaphore, #tpu.memory_space<semaphore_mem>>
      %dma_start3A_318 = arith.constant 0 : i32
      %dma_start3A_319 = arith.constant 0 : i32
      %dma_start3A_320 = tpu.memref_slice %arg7[%run_scoped3A, %dma_start3A_318, %dma_start3A_319] : memref<2x125x128xf32, #tpu.memory_space<vmem>> -> memref<1x125x128xf32, #tpu.memory_space<vmem>>
      %dma_start3A_321 = tpu.memref_squeeze %dma_start3A_320 : memref<1x125x128xf32, #tpu.memory_space<vmem>> -> memref<125x128xf32, #tpu.memory_space<vmem>>
      %dma_start3A_322 = arith.constant 0 : i32
      %dma_start3A_323 = tpu.memref_slice %arg6[%run_scoped3A_179, %run_scoped3A_180, %dma_start3A_322] : memref<4x2x125xi32, #tpu.memory_space<vmem>> -> memref<1x1x125xi32, #tpu.memory_space<vmem>>
      %dma_start3A_324 = tpu.memref_squeeze %dma_start3A_323 : memref<1x1x125xi32, #tpu.memory_space<vmem>> -> memref<125xi32, #tpu.memory_space<vmem>>
      %dma_start3A_325 = arith.constant 0 : i32
      %dma_start3A_326 = arith.constant 0 : i32
      %dma_start3A_327 = tpu.memref_slice %arg8[%dma_start3A_325, %dma_start3A_326] : memref<10240x128xf32, #tpu.memory_space<vmem_shared>> -> memref<10240x128xf32, #tpu.memory_space<vmem_shared>>
      tpu.enqueue_indirect_dma source(%dma_start3A_321 : memref<125x128xf32, #tpu.memory_space<vmem>>) target(%dma_start3A_327 : memref<10240x128xf32, #tpu.memory_space<vmem_shared>>) offsets(%dma_start3A_324 : memref<125xi32, #tpu.memory_space<vmem>>) semaphore(%run_scoped3A_317 : memref<!tpu.dma_semaphore, #tpu.memory_space<semaphore_mem>>) {add = true}
      %dma_wait3A_328 = arith.constant 0 : i32
      %dma_wait3A_329 = arith.constant 0 : i32
      %dma_wait3A_330 = tpu.memref_slice %arg7[%run_scoped3A, %dma_wait3A_328, %dma_wait3A_329] : memref<2x125x128xf32, #tpu.memory_space<vmem>> -> memref<1x125x128xf32, #tpu.memory_space<vmem>>
      %dma_wait3A_331 = tpu.memref_squeeze %dma_wait3A_330 : memref<1x125x128xf32, #tpu.memory_space<vmem>> -> memref<125x128xf32, #tpu.memory_space<vmem>>
      %dma_wait3A_332 = arith.constant 0 : i32
      %dma_wait3A_333 = tpu.memref_slice %arg6[%run_scoped3A_179, %run_scoped3A_180, %dma_wait3A_332] : memref<4x2x125xi32, #tpu.memory_space<vmem>> -> memref<1x1x125xi32, #tpu.memory_space<vmem>>
      %dma_wait3A_334 = tpu.memref_squeeze %dma_wait3A_333 : memref<1x1x125xi32, #tpu.memory_space<vmem>> -> memref<125xi32, #tpu.memory_space<vmem>>
      %dma_wait3A_335 = arith.constant 0 : i32
      %dma_wait3A_336 = arith.constant 0 : i32
      %dma_wait3A_337 = tpu.memref_slice %arg8[%dma_wait3A_335, %dma_wait3A_336] : memref<10240x128xf32, #tpu.memory_space<vmem_shared>> -> memref<10240x128xf32, #tpu.memory_space<vmem_shared>>
      tpu.wait_indirect_dma semaphore(%run_scoped3A_317 : memref<!tpu.dma_semaphore, #tpu.memory_space<semaphore_mem>>) src(%dma_wait3A_331 : memref<125x128xf32, #tpu.memory_space<vmem>>) dst(%dma_wait3A_337 : memref<10240x128xf32, #tpu.memory_space<vmem_shared>>)
      tpu.yield
    }) : () -> ()
    %dma_wait3A_181 = arith.constant 0 : i32
    %dma_wait3A_182 = arith.constant 2 : i32
    %dma_wait3A_183 = arith.constant 2 : i32
    %dma_wait3A_184 = arith.constant 0 : i32
    %dma_wait3A_185 = arith.constant 0 : i32
    %dma_wait3A_186 = tpu.memref_slice %arg6[%dma_wait3A_182, %dma_wait3A_184, %dma_wait3A_185] : memref<4x2x125xi32, #tpu.memory_space<vmem>> -> memref<1x2x125xi32, #tpu.memory_space<vmem>>
    %dma_wait3A_187 = tpu.memref_squeeze %dma_wait3A_186 : memref<1x2x125xi32, #tpu.memory_space<vmem>> -> memref<2x125xi32, #tpu.memory_space<vmem>>
    %dma_wait3A_188 = arith.constant 0 : i32
    %dma_wait3A_189 = arith.constant 0 : i32
    %dma_wait3A_190 = tpu.memref_slice %arg3[%add3A, %dma_wait3A_181, %dma_wait3A_188, %dma_wait3A_189] : memref<32x80x2x125xi32, #tpu.memory_space<hbm>> -> memref<1x1x2x125xi32, #tpu.memory_space<hbm>>
    %dma_wait3A_191 = tpu.memref_squeeze %dma_wait3A_190 : memref<1x1x2x125xi32, #tpu.memory_space<hbm>> -> memref<2x125xi32, #tpu.memory_space<hbm>>
    %dma_wait3A_192 = tpu.memref_slice %arg9[%dma_wait3A_183] : memref<4x!tpu.dma_semaphore, #tpu.memory_space<semaphore_mem>> -> memref<1x!tpu.dma_semaphore, #tpu.memory_space<semaphore_mem>>
    %dma_wait3A_193 = tpu.memref_squeeze %dma_wait3A_192 : memref<1x!tpu.dma_semaphore, #tpu.memory_space<semaphore_mem>> -> memref<!tpu.dma_semaphore, #tpu.memory_space<semaphore_mem>>
    %dma_wait3A_194 = arith.constant 0 : i32
    %dma_wait3A_195 = arith.constant 0 : i32
    %dma_wait3A_196 = tpu.memref_slice %arg6[%dma_wait3A_182, %dma_wait3A_194, %dma_wait3A_195] : memref<4x2x125xi32, #tpu.memory_space<vmem>> -> memref<1x2x125xi32, #tpu.memory_space<vmem>>
    %dma_wait3A_197 = tpu.memref_squeeze %dma_wait3A_196 : memref<1x2x125xi32, #tpu.memory_space<vmem>> -> memref<2x125xi32, #tpu.memory_space<vmem>>
    %dma_wait3A_198 = arith.constant 0 : i32
    %dma_wait3A_199 = arith.constant 0 : i32
    %dma_wait3A_200 = tpu.memref_slice %arg3[%add3A, %dma_wait3A_181, %dma_wait3A_198, %dma_wait3A_199] : memref<32x80x2x125xi32, #tpu.memory_space<hbm>> -> memref<1x1x2x125xi32, #tpu.memory_space<hbm>>
    %dma_wait3A_201 = tpu.memref_squeeze %dma_wait3A_200 : memref<1x1x2x125xi32, #tpu.memory_space<hbm>> -> memref<2x125xi32, #tpu.memory_space<hbm>>
    tpu.wait_dma2 semaphore(%dma_wait3A_193 : memref<!tpu.dma_semaphore, #tpu.memory_space<semaphore_mem>>) src(%dma_wait3A_201 : memref<2x125xi32, #tpu.memory_space<hbm>>) dst(%dma_wait3A_197 : memref<2x125xi32, #tpu.memory_space<vmem>>)
    %dma_start3A_202 = arith.constant 2 : i32
    %dma_start3A_203 = arith.constant 0 : i32
    %dma_start3A_204 = arith.constant 0 : i32
    %dma_start3A_205 = arith.constant 0 : i32
    %dma_start3A_206 = arith.constant 0 : i32
    %dma_start3A_207 = arith.constant 0 : i32
    %dma_start3A_208 = tpu.memref_slice %arg7[%dma_start3A_204, %dma_start3A_206, %dma_start3A_207] : memref<2x125x128xf32, #tpu.memory_space<vmem>> -> memref<1x125x128xf32, #tpu.memory_space<vmem>>
    %dma_start3A_209 = tpu.memref_squeeze %dma_start3A_208 : memref<1x125x128xf32, #tpu.memory_space<vmem>> -> memref<125x128xf32, #tpu.memory_space<vmem>>
    %dma_start3A_210 = arith.constant 0 : i32
    %dma_start3A_211 = tpu.memref_slice %arg6[%dma_start3A_202, %dma_start3A_203, %dma_start3A_210] : memref<4x2x125xi32, #tpu.memory_space<vmem>> -> memref<1x1x125xi32, #tpu.memory_space<vmem>>
    %dma_start3A_212 = tpu.memref_squeeze %dma_start3A_211 : memref<1x1x125xi32, #tpu.memory_space<vmem>> -> memref<125xi32, #tpu.memory_space<vmem>>
    %dma_start3A_213 = arith.constant 0 : i32
    %dma_start3A_214 = arith.constant 0 : i32
    %dma_start3A_215 = tpu.memref_slice %arg2[%dma_start3A_213, %dma_start3A_214] : memref<10000x128xf32, #tpu.memory_space<hbm>> -> memref<10000x128xf32, #tpu.memory_space<hbm>>
    %dma_start3A_216 = tpu.memref_slice %arg10[%dma_start3A_205] : memref<2x!tpu.dma_semaphore, #tpu.memory_space<semaphore_mem>> -> memref<1x!tpu.dma_semaphore, #tpu.memory_space<semaphore_mem>>
    %dma_start3A_217 = tpu.memref_squeeze %dma_start3A_216 : memref<1x!tpu.dma_semaphore, #tpu.memory_space<semaphore_mem>> -> memref<!tpu.dma_semaphore, #tpu.memory_space<semaphore_mem>>
    tpu.enqueue_indirect_dma source(%dma_start3A_215 : memref<10000x128xf32, #tpu.memory_space<hbm>>) target(%dma_start3A_209 : memref<125x128xf32, #tpu.memory_space<vmem>>) offsets(%dma_start3A_212 : memref<125xi32, #tpu.memory_space<vmem>>) semaphore(%dma_start3A_217 : memref<!tpu.dma_semaphore, #tpu.memory_space<semaphore_mem>>)
    %dma_wait3A_218 = arith.constant 1 : i32
    %dma_wait3A_219 = arith.constant 0 : i32
    %dma_wait3A_220 = arith.constant 1 : i32
    %dma_wait3A_221 = arith.constant 1 : i32
    %dma_wait3A_222 = arith.constant 0 : i32
    %dma_wait3A_223 = arith.constant 0 : i32
    %dma_wait3A_224 = tpu.memref_slice %arg7[%dma_wait3A_220, %dma_wait3A_222, %dma_wait3A_223] : memref<2x125x128xf32, #tpu.memory_space<vmem>> -> memref<1x125x128xf32, #tpu.memory_space<vmem>>
    %dma_wait3A_225 = tpu.memref_squeeze %dma_wait3A_224 : memref<1x125x128xf32, #tpu.memory_space<vmem>> -> memref<125x128xf32, #tpu.memory_space<vmem>>
    %dma_wait3A_226 = arith.constant 0 : i32
    %dma_wait3A_227 = tpu.memref_slice %arg6[%dma_wait3A_218, %dma_wait3A_219, %dma_wait3A_226] : memref<4x2x125xi32, #tpu.memory_space<vmem>> -> memref<1x1x125xi32, #tpu.memory_space<vmem>>
    %dma_wait3A_228 = tpu.memref_squeeze %dma_wait3A_227 : memref<1x1x125xi32, #tpu.memory_space<vmem>> -> memref<125xi32, #tpu.memory_space<vmem>>
    %dma_wait3A_229 = arith.constant 0 : i32
    %dma_wait3A_230 = arith.constant 0 : i32
    %dma_wait3A_231 = tpu.memref_slice %arg2[%dma_wait3A_229, %dma_wait3A_230] : memref<10000x128xf32, #tpu.memory_space<hbm>> -> memref<10000x128xf32, #tpu.memory_space<hbm>>
    %dma_wait3A_232 = tpu.memref_slice %arg10[%dma_wait3A_221] : memref<2x!tpu.dma_semaphore, #tpu.memory_space<semaphore_mem>> -> memref<1x!tpu.dma_semaphore, #tpu.memory_space<semaphore_mem>>
    %dma_wait3A_233 = tpu.memref_squeeze %dma_wait3A_232 : memref<1x!tpu.dma_semaphore, #tpu.memory_space<semaphore_mem>> -> memref<!tpu.dma_semaphore, #tpu.memory_space<semaphore_mem>>
    tpu.wait_indirect_dma semaphore(%dma_wait3A_233 : memref<!tpu.dma_semaphore, #tpu.memory_space<semaphore_mem>>) src(%dma_wait3A_231 : memref<10000x128xf32, #tpu.memory_space<hbm>>) dst(%dma_wait3A_225 : memref<125x128xf32, #tpu.memory_space<vmem>>)
    %run_scoped3A_234 = arith.constant 1 : i32
    %run_scoped3A_235 = arith.constant 1 : i32
    %run_scoped3A_236 = arith.constant 1 : i32
    "tpu.region"() ({
      %run_scoped3A_317 = tpu.sem_alloc : memref<!tpu.dma_semaphore, #tpu.memory_space<semaphore_mem>>
      %dma_start3A_318 = arith.constant 0 : i32
      %dma_start3A_319 = arith.constant 0 : i32
      %dma_start3A_320 = tpu.memref_slice %arg7[%run_scoped3A_234, %dma_start3A_318, %dma_start3A_319] : memref<2x125x128xf32, #tpu.memory_space<vmem>> -> memref<1x125x128xf32, #tpu.memory_space<vmem>>
      %dma_start3A_321 = tpu.memref_squeeze %dma_start3A_320 : memref<1x125x128xf32, #tpu.memory_space<vmem>> -> memref<125x128xf32, #tpu.memory_space<vmem>>
      %dma_start3A_322 = arith.constant 0 : i32
      %dma_start3A_323 = tpu.memref_slice %arg6[%run_scoped3A_235, %run_scoped3A_236, %dma_start3A_322] : memref<4x2x125xi32, #tpu.memory_space<vmem>> -> memref<1x1x125xi32, #tpu.memory_space<vmem>>
      %dma_start3A_324 = tpu.memref_squeeze %dma_start3A_323 : memref<1x1x125xi32, #tpu.memory_space<vmem>> -> memref<125xi32, #tpu.memory_space<vmem>>
      %dma_start3A_325 = arith.constant 0 : i32
      %dma_start3A_326 = arith.constant 0 : i32
      %dma_start3A_327 = tpu.memref_slice %arg8[%dma_start3A_325, %dma_start3A_326] : memref<10240x128xf32, #tpu.memory_space<vmem_shared>> -> memref<10240x128xf32, #tpu.memory_space<vmem_shared>>
      tpu.enqueue_indirect_dma source(%dma_start3A_321 : memref<125x128xf32, #tpu.memory_space<vmem>>) target(%dma_start3A_327 : memref<10240x128xf32, #tpu.memory_space<vmem_shared>>) offsets(%dma_start3A_324 : memref<125xi32, #tpu.memory_space<vmem>>) semaphore(%run_scoped3A_317 : memref<!tpu.dma_semaphore, #tpu.memory_space<semaphore_mem>>) {add = true}
      %dma_wait3A_328 = arith.constant 0 : i32
      %dma_wait3A_329 = arith.constant 0 : i32
      %dma_wait3A_330 = tpu.memref_slice %arg7[%run_scoped3A_234, %dma_wait3A_328, %dma_wait3A_329] : memref<2x125x128xf32, #tpu.memory_space<vmem>> -> memref<1x125x128xf32, #tpu.memory_space<vmem>>
      %dma_wait3A_331 = tpu.memref_squeeze %dma_wait3A_330 : memref<1x125x128xf32, #tpu.memory_space<vmem>> -> memref<125x128xf32, #tpu.memory_space<vmem>>
      %dma_wait3A_332 = arith.constant 0 : i32
      %dma_wait3A_333 = tpu.memref_slice %arg6[%run_scoped3A_235, %run_scoped3A_236, %dma_wait3A_332] : memref<4x2x125xi32, #tpu.memory_space<vmem>> -> memref<1x1x125xi32, #tpu.memory_space<vmem>>
      %dma_wait3A_334 = tpu.memref_squeeze %dma_wait3A_333 : memref<1x1x125xi32, #tpu.memory_space<vmem>> -> memref<125xi32, #tpu.memory_space<vmem>>
      %dma_wait3A_335 = arith.constant 0 : i32
      %dma_wait3A_336 = arith.constant 0 : i32
      %dma_wait3A_337 = tpu.memref_slice %arg8[%dma_wait3A_335, %dma_wait3A_336] : memref<10240x128xf32, #tpu.memory_space<vmem_shared>> -> memref<10240x128xf32, #tpu.memory_space<vmem_shared>>
      tpu.wait_indirect_dma semaphore(%run_scoped3A_317 : memref<!tpu.dma_semaphore, #tpu.memory_space<semaphore_mem>>) src(%dma_wait3A_331 : memref<125x128xf32, #tpu.memory_space<vmem>>) dst(%dma_wait3A_337 : memref<10240x128xf32, #tpu.memory_space<vmem_shared>>)
      tpu.yield
    }) : () -> ()
    %dma_wait3A_237 = arith.constant 1 : i32
    %dma_wait3A_238 = arith.constant 3 : i32
    %dma_wait3A_239 = arith.constant 3 : i32
    %dma_wait3A_240 = arith.constant 0 : i32
    %dma_wait3A_241 = arith.constant 0 : i32
    %dma_wait3A_242 = tpu.memref_slice %arg6[%dma_wait3A_238, %dma_wait3A_240, %dma_wait3A_241] : memref<4x2x125xi32, #tpu.memory_space<vmem>> -> memref<1x2x125xi32, #tpu.memory_space<vmem>>
    %dma_wait3A_243 = tpu.memref_squeeze %dma_wait3A_242 : memref<1x2x125xi32, #tpu.memory_space<vmem>> -> memref<2x125xi32, #tpu.memory_space<vmem>>
    %dma_wait3A_244 = arith.constant 0 : i32
    %dma_wait3A_245 = arith.constant 0 : i32
    %dma_wait3A_246 = tpu.memref_slice %arg3[%add3A, %dma_wait3A_237, %dma_wait3A_244, %dma_wait3A_245] : memref<32x80x2x125xi32, #tpu.memory_space<hbm>> -> memref<1x1x2x125xi32, #tpu.memory_space<hbm>>
    %dma_wait3A_247 = tpu.memref_squeeze %dma_wait3A_246 : memref<1x1x2x125xi32, #tpu.memory_space<hbm>> -> memref<2x125xi32, #tpu.memory_space<hbm>>
    %dma_wait3A_248 = tpu.memref_slice %arg9[%dma_wait3A_239] : memref<4x!tpu.dma_semaphore, #tpu.memory_space<semaphore_mem>> -> memref<1x!tpu.dma_semaphore, #tpu.memory_space<semaphore_mem>>
    %dma_wait3A_249 = tpu.memref_squeeze %dma_wait3A_248 : memref<1x!tpu.dma_semaphore, #tpu.memory_space<semaphore_mem>> -> memref<!tpu.dma_semaphore, #tpu.memory_space<semaphore_mem>>
    %dma_wait3A_250 = arith.constant 0 : i32
    %dma_wait3A_251 = arith.constant 0 : i32
    %dma_wait3A_252 = tpu.memref_slice %arg6[%dma_wait3A_238, %dma_wait3A_250, %dma_wait3A_251] : memref<4x2x125xi32, #tpu.memory_space<vmem>> -> memref<1x2x125xi32, #tpu.memory_space<vmem>>
    %dma_wait3A_253 = tpu.memref_squeeze %dma_wait3A_252 : memref<1x2x125xi32, #tpu.memory_space<vmem>> -> memref<2x125xi32, #tpu.memory_space<vmem>>
    %dma_wait3A_254 = arith.constant 0 : i32
    %dma_wait3A_255 = arith.constant 0 : i32
    %dma_wait3A_256 = tpu.memref_slice %arg3[%add3A, %dma_wait3A_237, %dma_wait3A_254, %dma_wait3A_255] : memref<32x80x2x125xi32, #tpu.memory_space<hbm>> -> memref<1x1x2x125xi32, #tpu.memory_space<hbm>>
    %dma_wait3A_257 = tpu.memref_squeeze %dma_wait3A_256 : memref<1x1x2x125xi32, #tpu.memory_space<hbm>> -> memref<2x125xi32, #tpu.memory_space<hbm>>
    tpu.wait_dma2 semaphore(%dma_wait3A_249 : memref<!tpu.dma_semaphore, #tpu.memory_space<semaphore_mem>>) src(%dma_wait3A_257 : memref<2x125xi32, #tpu.memory_space<hbm>>) dst(%dma_wait3A_253 : memref<2x125xi32, #tpu.memory_space<vmem>>)
    %dma_start3A_258 = arith.constant 3 : i32
    %dma_start3A_259 = arith.constant 0 : i32
    %dma_start3A_260 = arith.constant 1 : i32
    %dma_start3A_261 = arith.constant 1 : i32
    %dma_start3A_262 = arith.constant 0 : i32
    %dma_start3A_263 = arith.constant 0 : i32
    %dma_start3A_264 = tpu.memref_slice %arg7[%dma_start3A_260, %dma_start3A_262, %dma_start3A_263] : memref<2x125x128xf32, #tpu.memory_space<vmem>> -> memref<1x125x128xf32, #tpu.memory_space<vmem>>
    %dma_start3A_265 = tpu.memref_squeeze %dma_start3A_264 : memref<1x125x128xf32, #tpu.memory_space<vmem>> -> memref<125x128xf32, #tpu.memory_space<vmem>>
    %dma_start3A_266 = arith.constant 0 : i32
    %dma_start3A_267 = tpu.memref_slice %arg6[%dma_start3A_258, %dma_start3A_259, %dma_start3A_266] : memref<4x2x125xi32, #tpu.memory_space<vmem>> -> memref<1x1x125xi32, #tpu.memory_space<vmem>>
    %dma_start3A_268 = tpu.memref_squeeze %dma_start3A_267 : memref<1x1x125xi32, #tpu.memory_space<vmem>> -> memref<125xi32, #tpu.memory_space<vmem>>
    %dma_start3A_269 = arith.constant 0 : i32
    %dma_start3A_270 = arith.constant 0 : i32
    %dma_start3A_271 = tpu.memref_slice %arg2[%dma_start3A_269, %dma_start3A_270] : memref<10000x128xf32, #tpu.memory_space<hbm>> -> memref<10000x128xf32, #tpu.memory_space<hbm>>
    %dma_start3A_272 = tpu.memref_slice %arg10[%dma_start3A_261] : memref<2x!tpu.dma_semaphore, #tpu.memory_space<semaphore_mem>> -> memref<1x!tpu.dma_semaphore, #tpu.memory_space<semaphore_mem>>
    %dma_start3A_273 = tpu.memref_squeeze %dma_start3A_272 : memref<1x!tpu.dma_semaphore, #tpu.memory_space<semaphore_mem>> -> memref<!tpu.dma_semaphore, #tpu.memory_space<semaphore_mem>>
    tpu.enqueue_indirect_dma source(%dma_start3A_271 : memref<10000x128xf32, #tpu.memory_space<hbm>>) target(%dma_start3A_265 : memref<125x128xf32, #tpu.memory_space<vmem>>) offsets(%dma_start3A_268 : memref<125xi32, #tpu.memory_space<vmem>>) semaphore(%dma_start3A_273 : memref<!tpu.dma_semaphore, #tpu.memory_space<semaphore_mem>>)
    %dma_wait3A_274 = arith.constant 2 : i32
    %dma_wait3A_275 = arith.constant 0 : i32
    %dma_wait3A_276 = arith.constant 0 : i32
    %dma_wait3A_277 = arith.constant 0 : i32
    %dma_wait3A_278 = arith.constant 0 : i32
    %dma_wait3A_279 = arith.constant 0 : i32
    %dma_wait3A_280 = tpu.memref_slice %arg7[%dma_wait3A_276, %dma_wait3A_278, %dma_wait3A_279] : memref<2x125x128xf32, #tpu.memory_space<vmem>> -> memref<1x125x128xf32, #tpu.memory_space<vmem>>
    %dma_wait3A_281 = tpu.memref_squeeze %dma_wait3A_280 : memref<1x125x128xf32, #tpu.memory_space<vmem>> -> memref<125x128xf32, #tpu.memory_space<vmem>>
    %dma_wait3A_282 = arith.constant 0 : i32
    %dma_wait3A_283 = tpu.memref_slice %arg6[%dma_wait3A_274, %dma_wait3A_275, %dma_wait3A_282] : memref<4x2x125xi32, #tpu.memory_space<vmem>> -> memref<1x1x125xi32, #tpu.memory_space<vmem>>
    %dma_wait3A_284 = tpu.memref_squeeze %dma_wait3A_283 : memref<1x1x125xi32, #tpu.memory_space<vmem>> -> memref<125xi32, #tpu.memory_space<vmem>>
    %dma_wait3A_285 = arith.constant 0 : i32
    %dma_wait3A_286 = arith.constant 0 : i32
    %dma_wait3A_287 = tpu.memref_slice %arg2[%dma_wait3A_285, %dma_wait3A_286] : memref<10000x128xf32, #tpu.memory_space<hbm>> -> memref<10000x128xf32, #tpu.memory_space<hbm>>
    %dma_wait3A_288 = tpu.memref_slice %arg10[%dma_wait3A_277] : memref<2x!tpu.dma_semaphore, #tpu.memory_space<semaphore_mem>> -> memref<1x!tpu.dma_semaphore, #tpu.memory_space<semaphore_mem>>
    %dma_wait3A_289 = tpu.memref_squeeze %dma_wait3A_288 : memref<1x!tpu.dma_semaphore, #tpu.memory_space<semaphore_mem>> -> memref<!tpu.dma_semaphore, #tpu.memory_space<semaphore_mem>>
    tpu.wait_indirect_dma semaphore(%dma_wait3A_289 : memref<!tpu.dma_semaphore, #tpu.memory_space<semaphore_mem>>) src(%dma_wait3A_287 : memref<10000x128xf32, #tpu.memory_space<hbm>>) dst(%dma_wait3A_281 : memref<125x128xf32, #tpu.memory_space<vmem>>)
    %run_scoped3A_290 = arith.constant 0 : i32
    %run_scoped3A_291 = arith.constant 2 : i32
    %run_scoped3A_292 = arith.constant 1 : i32
    "tpu.region"() ({
      %run_scoped3A_317 = tpu.sem_alloc : memref<!tpu.dma_semaphore, #tpu.memory_space<semaphore_mem>>
      %dma_start3A_318 = arith.constant 0 : i32
      %dma_start3A_319 = arith.constant 0 : i32
      %dma_start3A_320 = tpu.memref_slice %arg7[%run_scoped3A_290, %dma_start3A_318, %dma_start3A_319] : memref<2x125x128xf32, #tpu.memory_space<vmem>> -> memref<1x125x128xf32, #tpu.memory_space<vmem>>
      %dma_start3A_321 = tpu.memref_squeeze %dma_start3A_320 : memref<1x125x128xf32, #tpu.memory_space<vmem>> -> memref<125x128xf32, #tpu.memory_space<vmem>>
      %dma_start3A_322 = arith.constant 0 : i32
      %dma_start3A_323 = tpu.memref_slice %arg6[%run_scoped3A_291, %run_scoped3A_292, %dma_start3A_322] : memref<4x2x125xi32, #tpu.memory_space<vmem>> -> memref<1x1x125xi32, #tpu.memory_space<vmem>>
      %dma_start3A_324 = tpu.memref_squeeze %dma_start3A_323 : memref<1x1x125xi32, #tpu.memory_space<vmem>> -> memref<125xi32, #tpu.memory_space<vmem>>
      %dma_start3A_325 = arith.constant 0 : i32
      %dma_start3A_326 = arith.constant 0 : i32
      %dma_start3A_327 = tpu.memref_slice %arg8[%dma_start3A_325, %dma_start3A_326] : memref<10240x128xf32, #tpu.memory_space<vmem_shared>> -> memref<10240x128xf32, #tpu.memory_space<vmem_shared>>
      tpu.enqueue_indirect_dma source(%dma_start3A_321 : memref<125x128xf32, #tpu.memory_space<vmem>>) target(%dma_start3A_327 : memref<10240x128xf32, #tpu.memory_space<vmem_shared>>) offsets(%dma_start3A_324 : memref<125xi32, #tpu.memory_space<vmem>>) semaphore(%run_scoped3A_317 : memref<!tpu.dma_semaphore, #tpu.memory_space<semaphore_mem>>) {add = true}
      %dma_wait3A_328 = arith.constant 0 : i32
      %dma_wait3A_329 = arith.constant 0 : i32
      %dma_wait3A_330 = tpu.memref_slice %arg7[%run_scoped3A_290, %dma_wait3A_328, %dma_wait3A_329] : memref<2x125x128xf32, #tpu.memory_space<vmem>> -> memref<1x125x128xf32, #tpu.memory_space<vmem>>
      %dma_wait3A_331 = tpu.memref_squeeze %dma_wait3A_330 : memref<1x125x128xf32, #tpu.memory_space<vmem>> -> memref<125x128xf32, #tpu.memory_space<vmem>>
      %dma_wait3A_332 = arith.constant 0 : i32
      %dma_wait3A_333 = tpu.memref_slice %arg6[%run_scoped3A_291, %run_scoped3A_292, %dma_wait3A_332] : memref<4x2x125xi32, #tpu.memory_space<vmem>> -> memref<1x1x125xi32, #tpu.memory_space<vmem>>
      %dma_wait3A_334 = tpu.memref_squeeze %dma_wait3A_333 : memref<1x1x125xi32, #tpu.memory_space<vmem>> -> memref<125xi32, #tpu.memory_space<vmem>>
      %dma_wait3A_335 = arith.constant 0 : i32
      %dma_wait3A_336 = arith.constant 0 : i32
      %dma_wait3A_337 = tpu.memref_slice %arg8[%dma_wait3A_335, %dma_wait3A_336] : memref<10240x128xf32, #tpu.memory_space<vmem_shared>> -> memref<10240x128xf32, #tpu.memory_space<vmem_shared>>
      tpu.wait_indirect_dma semaphore(%run_scoped3A_317 : memref<!tpu.dma_semaphore, #tpu.memory_space<semaphore_mem>>) src(%dma_wait3A_331 : memref<125x128xf32, #tpu.memory_space<vmem>>) dst(%dma_wait3A_337 : memref<10240x128xf32, #tpu.memory_space<vmem_shared>>)
      tpu.yield
    }) : () -> ()
    %dma_wait3A_293 = arith.constant 3 : i32
    %dma_wait3A_294 = arith.constant 0 : i32
    %dma_wait3A_295 = arith.constant 1 : i32
    %dma_wait3A_296 = arith.constant 1 : i32
    %dma_wait3A_297 = arith.constant 0 : i32
    %dma_wait3A_298 = arith.constant 0 : i32
    %dma_wait3A_299 = tpu.memref_slice %arg7[%dma_wait3A_295, %dma_wait3A_297, %dma_wait3A_298] : memref<2x125x128xf32, #tpu.memory_space<vmem>> -> memref<1x125x128xf32, #tpu.memory_space<vmem>>
    %dma_wait3A_300 = tpu.memref_squeeze %dma_wait3A_299 : memref<1x125x128xf32, #tpu.memory_space<vmem>> -> memref<125x128xf32, #tpu.memory_space<vmem>>
    %dma_wait3A_301 = arith.constant 0 : i32
    %dma_wait3A_302 = tpu.memref_slice %arg6[%dma_wait3A_293, %dma_wait3A_294, %dma_wait3A_301] : memref<4x2x125xi32, #tpu.memory_space<vmem>> -> memref<1x1x125xi32, #tpu.memory_space<vmem>>
    %dma_wait3A_303 = tpu.memref_squeeze %dma_wait3A_302 : memref<1x1x125xi32, #tpu.memory_space<vmem>> -> memref<125xi32, #tpu.memory_space<vmem>>
    %dma_wait3A_304 = arith.constant 0 : i32
    %dma_wait3A_305 = arith.constant 0 : i32
    %dma_wait3A_306 = tpu.memref_slice %arg2[%dma_wait3A_304, %dma_wait3A_305] : memref<10000x128xf32, #tpu.memory_space<hbm>> -> memref<10000x128xf32, #tpu.memory_space<hbm>>
    %dma_wait3A_307 = tpu.memref_slice %arg10[%dma_wait3A_296] : memref<2x!tpu.dma_semaphore, #tpu.memory_space<semaphore_mem>> -> memref<1x!tpu.dma_semaphore, #tpu.memory_space<semaphore_mem>>
    %dma_wait3A_308 = tpu.memref_squeeze %dma_wait3A_307 : memref<1x!tpu.dma_semaphore, #tpu.memory_space<semaphore_mem>> -> memref<!tpu.dma_semaphore, #tpu.memory_space<semaphore_mem>>
    tpu.wait_indirect_dma semaphore(%dma_wait3A_308 : memref<!tpu.dma_semaphore, #tpu.memory_space<semaphore_mem>>) src(%dma_wait3A_306 : memref<10000x128xf32, #tpu.memory_space<hbm>>) dst(%dma_wait3A_300 : memref<125x128xf32, #tpu.memory_space<vmem>>)
    %run_scoped3A_309 = arith.constant 1 : i32
    %run_scoped3A_310 = arith.constant 3 : i32
    %run_scoped3A_311 = arith.constant 1 : i32
    "tpu.region"() ({
      %run_scoped3A_317 = tpu.sem_alloc : memref<!tpu.dma_semaphore, #tpu.memory_space<semaphore_mem>>
      %dma_start3A_318 = arith.constant 0 : i32
      %dma_start3A_319 = arith.constant 0 : i32
      %dma_start3A_320 = tpu.memref_slice %arg7[%run_scoped3A_309, %dma_start3A_318, %dma_start3A_319] : memref<2x125x128xf32, #tpu.memory_space<vmem>> -> memref<1x125x128xf32, #tpu.memory_space<vmem>>
      %dma_start3A_321 = tpu.memref_squeeze %dma_start3A_320 : memref<1x125x128xf32, #tpu.memory_space<vmem>> -> memref<125x128xf32, #tpu.memory_space<vmem>>
      %dma_start3A_322 = arith.constant 0 : i32
      %dma_start3A_323 = tpu.memref_slice %arg6[%run_scoped3A_310, %run_scoped3A_311, %dma_start3A_322] : memref<4x2x125xi32, #tpu.memory_space<vmem>> -> memref<1x1x125xi32, #tpu.memory_space<vmem>>
      %dma_start3A_324 = tpu.memref_squeeze %dma_start3A_323 : memref<1x1x125xi32, #tpu.memory_space<vmem>> -> memref<125xi32, #tpu.memory_space<vmem>>
      %dma_start3A_325 = arith.constant 0 : i32
      %dma_start3A_326 = arith.constant 0 : i32
      %dma_start3A_327 = tpu.memref_slice %arg8[%dma_start3A_325, %dma_start3A_326] : memref<10240x128xf32, #tpu.memory_space<vmem_shared>> -> memref<10240x128xf32, #tpu.memory_space<vmem_shared>>
      tpu.enqueue_indirect_dma source(%dma_start3A_321 : memref<125x128xf32, #tpu.memory_space<vmem>>) target(%dma_start3A_327 : memref<10240x128xf32, #tpu.memory_space<vmem_shared>>) offsets(%dma_start3A_324 : memref<125xi32, #tpu.memory_space<vmem>>) semaphore(%run_scoped3A_317 : memref<!tpu.dma_semaphore, #tpu.memory_space<semaphore_mem>>) {add = true}
      %dma_wait3A_328 = arith.constant 0 : i32
      %dma_wait3A_329 = arith.constant 0 : i32
      %dma_wait3A_330 = tpu.memref_slice %arg7[%run_scoped3A_309, %dma_wait3A_328, %dma_wait3A_329] : memref<2x125x128xf32, #tpu.memory_space<vmem>> -> memref<1x125x128xf32, #tpu.memory_space<vmem>>
      %dma_wait3A_331 = tpu.memref_squeeze %dma_wait3A_330 : memref<1x125x128xf32, #tpu.memory_space<vmem>> -> memref<125x128xf32, #tpu.memory_space<vmem>>
      %dma_wait3A_332 = arith.constant 0 : i32
      %dma_wait3A_333 = tpu.memref_slice %arg6[%run_scoped3A_310, %run_scoped3A_311, %dma_wait3A_332] : memref<4x2x125xi32, #tpu.memory_space<vmem>> -> memref<1x1x125xi32, #tpu.memory_space<vmem>>
      %dma_wait3A_334 = tpu.memref_squeeze %dma_wait3A_333 : memref<1x1x125xi32, #tpu.memory_space<vmem>> -> memref<125xi32, #tpu.memory_space<vmem>>
      %dma_wait3A_335 = arith.constant 0 : i32
      %dma_wait3A_336 = arith.constant 0 : i32
      %dma_wait3A_337 = tpu.memref_slice %arg8[%dma_wait3A_335, %dma_wait3A_336] : memref<10240x128xf32, #tpu.memory_space<vmem_shared>> -> memref<10240x128xf32, #tpu.memory_space<vmem_shared>>
      tpu.wait_indirect_dma semaphore(%run_scoped3A_317 : memref<!tpu.dma_semaphore, #tpu.memory_space<semaphore_mem>>) src(%dma_wait3A_331 : memref<125x128xf32, #tpu.memory_space<vmem>>) dst(%dma_wait3A_337 : memref<10240x128xf32, #tpu.memory_space<vmem_shared>>)
      tpu.yield
    }) : () -> ()
    %barrier3A_312 = arith.constant 0 : index
    tpu.barrier barrier_id(%barrier3A_312)
    %mul3A_313 = arith.constant 640 : i32
    %mul3A_314 = arith.muli %arg1, %mul3A_313 : i32
    %mul3A_315 = arith.constant 640 : i32
    %mul3A_316 = arith.muli %arg1, %mul3A_315 : i32
    "tpu.region"() ({
      %run_scoped3A_317 = tpu.sem_alloc : memref<!tpu.dma_semaphore, #tpu.memory_space<semaphore_mem>>
      %dma_start3A_318 = arith.constant 0 : i32
      %dma_start3A_319 = tpu.memref_slice %arg5[%arg0, %mul3A_316, %dma_start3A_318] : memref<2x10240x128xf32, #tpu.memory_space<hbm>> -> memref<1x640x128xf32, #tpu.memory_space<hbm>>
      %dma_start3A_320 = tpu.memref_squeeze %dma_start3A_319 : memref<1x640x128xf32, #tpu.memory_space<hbm>> -> memref<640x128xf32, #tpu.memory_space<hbm>>
      %dma_start3A_321 = arith.constant 0 : i32
      %dma_start3A_322 = tpu.memref_slice %arg8[%mul3A_314, %dma_start3A_321] : memref<10240x128xf32, #tpu.memory_space<vmem_shared>> -> memref<640x128xf32, #tpu.memory_space<vmem_shared>>
      tpu.enqueue_dma source(%dma_start3A_322 : memref<640x128xf32, #tpu.memory_space<vmem_shared>>) target(%dma_start3A_320 : memref<640x128xf32, #tpu.memory_space<hbm>>) target_semaphore(%run_scoped3A_317 : memref<!tpu.dma_semaphore, #tpu.memory_space<semaphore_mem>>)
      %dma_wait3A_323 = arith.constant 0 : i32
      %dma_wait3A_324 = tpu.memref_slice %arg5[%arg0, %mul3A_316, %dma_wait3A_323] : memref<2x10240x128xf32, #tpu.memory_space<hbm>> -> memref<1x640x128xf32, #tpu.memory_space<hbm>>
      %dma_wait3A_325 = tpu.memref_squeeze %dma_wait3A_324 : memref<1x640x128xf32, #tpu.memory_space<hbm>> -> memref<640x128xf32, #tpu.memory_space<hbm>>
      %dma_wait3A_326 = arith.constant 0 : i32
      %dma_wait3A_327 = tpu.memref_slice %arg8[%mul3A_314, %dma_wait3A_326] : memref<10240x128xf32, #tpu.memory_space<vmem_shared>> -> memref<640x128xf32, #tpu.memory_space<vmem_shared>>
      tpu.wait_dma2 semaphore(%run_scoped3A_317 : memref<!tpu.dma_semaphore, #tpu.memory_space<semaphore_mem>>) src(%dma_wait3A_327 : memref<640x128xf32, #tpu.memory_space<vmem_shared>>) dst(%dma_wait3A_325 : memref<640x128xf32, #tpu.memory_space<hbm>>)
      tpu.yield
    }) : () -> ()
    return
  }
}

#map = affine_map<(d0, d1) -> (0, 0)>
#map1 = affine_map<(d0, d1) -> (0, 0, 0, 0)>
#map2 = affine_map<(d0, d1) -> (0, 0, 0)>
module attributes {stable_mosaic.version = 14 : i64} {
  func.func @_scatter_body(%arg0: i32, %arg1: i32, %arg2: memref<10000x128xf32, #tpu.memory_space<hbm>>, %arg3: memref<32x80x2x125xi32, #tpu.memory_space<hbm>>, %arg4: memref<640x128xf32, #tpu.memory_space<hbm>>, %arg5: memref<2x10240x128xf32, #tpu.memory_space<hbm>>, %arg6: memref<4x2x125xi32, #tpu.memory_space<vmem>>, %arg7: memref<2x125x128xf32, #tpu.memory_space<vmem>>, %arg8: memref<10240x128xf32, #tpu.memory_space<vmem_shared>>, %arg9: memref<4x!tpu.dma_semaphore, #tpu.memory_space<semaphore_mem>>, %arg10: memref<2x!tpu.dma_semaphore, #tpu.memory_space<semaphore_mem>>) attributes {dimension_semantics = [#tpu.dimension_semantics<core_parallel>, #tpu.dimension_semantics<subcore_parallel>], iteration_bounds = array<i64: 2, 16>, scalar_prefetch = 0 : i64, scratch_operands = 5 : i64, tpu.core_type = #tpu.core_type<sc_vector_subcore>, window_params = [{transform_indices = #map}, {transform_indices = #map1}, {transform_indices = #map}, {transform_indices = #map2}]} {
    %mul3A = arith.constant 16 : i32
    %mul3A_0 = arith.muli %arg0, %mul3A : i32
    %add3A = arith.addi %mul3A_0, %arg1 : i32
    %mul3A_1 = arith.constant 640 : i32
    %mul3A_2 = arith.muli %arg1, %mul3A_1 : i32
    "tpu.region"() ({
      %run_scoped3A_317 = tpu.sem_alloc : memref<!tpu.dma_semaphore, #tpu.memory_space<semaphore_mem>>
      %dma_start3A_318 = arith.constant 0 : i32
      %dma_start3A_319 = tpu.memref_slice %arg8[%mul3A_2, %dma_start3A_318] : memref<10240x128xf32, #tpu.memory_space<vmem_shared>> -> memref<640x128xf32, #tpu.memory_space<vmem_shared>>
      tpu.enqueue_dma source(%arg4 : memref<640x128xf32, #tpu.memory_space<hbm>>) target(%dma_start3A_319 : memref<640x128xf32, #tpu.memory_space<vmem_shared>>) target_semaphore(%run_scoped3A_317 : memref<!tpu.dma_semaphore, #tpu.memory_space<semaphore_mem>>)
      %dma_wait3A_320 = arith.constant 0 : i32
      %dma_wait3A_321 = tpu.memref_slice %arg8[%mul3A_2, %dma_wait3A_320] : memref<10240x128xf32, #tpu.memory_space<vmem_shared>> -> memref<640x128xf32, #tpu.memory_space<vmem_shared>>
      tpu.wait_dma2 semaphore(%run_scoped3A_317 : memref<!tpu.dma_semaphore, #tpu.memory_space<semaphore_mem>>) src(%arg4 : memref<640x128xf32, #tpu.memory_space<hbm>>) dst(%dma_wait3A_321 : memref<640x128xf32, #tpu.memory_space<vmem_shared>>)
      tpu.yield
    }) : () -> ()
    %barrier3A = arith.constant 0 : index
    tpu.barrier barrier_id(%barrier3A)
    %dma_start3A = arith.constant 0 : i32
    %dma_start3A_3 = arith.constant 0 : i32
    %dma_start3A_4 = arith.constant 0 : i32
    %dma_start3A_5 = arith.constant 0 : i32
    %dma_start3A_6 = arith.constant 0 : i32
    %dma_start3A_7 = tpu.memref_slice %arg6[%dma_start3A_3, %dma_start3A_5, %dma_start3A_6] : memref<4x2x125xi32, #tpu.memory_space<vmem>> -> memref<1x2x125xi32, #tpu.memory_space<vmem>>
    %dma_start3A_8 = tpu.memref_squeeze %dma_start3A_7 : memref<1x2x125xi32, #tpu.memory_space<vmem>> -> memref<2x125xi32, #tpu.memory_space<vmem>>
    %dma_start3A_9 = arith.constant 0 : i32
    %dma_start3A_10 = arith.constant 0 : i32
    %dma_start3A_11 = tpu.memref_slice %arg3[%add3A, %dma_start3A, %dma_start3A_9, %dma_start3A_10] : memref<32x80x2x125xi32, #tpu.memory_space<hbm>> -> memref<1x1x2x125xi32, #tpu.memory_space<hbm>>
    %dma_start3A_12 = tpu.memref_squeeze %dma_start3A_11 : memref<1x1x2x125xi32, #tpu.memory_space<hbm>> -> memref<2x125xi32, #tpu.memory_space<hbm>>
    %dma_start3A_13 = tpu.memref_slice %arg9[%dma_start3A_4] : memref<4x!tpu.dma_semaphore, #tpu.memory_space<semaphore_mem>> -> memref<1x!tpu.dma_semaphore, #tpu.memory_space<semaphore_mem>>
    %dma_start3A_14 = tpu.memref_squeeze %dma_start3A_13 : memref<1x!tpu.dma_semaphore, #tpu.memory_space<semaphore_mem>> -> memref<!tpu.dma_semaphore, #tpu.memory_space<semaphore_mem>>
    %dma_start3A_15 = arith.constant 0 : i32
    %dma_start3A_16 = arith.constant 0 : i32
    %dma_start3A_17 = tpu.memref_slice %arg6[%dma_start3A_3, %dma_start3A_15, %dma_start3A_16] : memref<4x2x125xi32, #tpu.memory_space<vmem>> -> memref<1x2x125xi32, #tpu.memory_space<vmem>>
    %dma_start3A_18 = tpu.memref_squeeze %dma_start3A_17 : memref<1x2x125xi32, #tpu.memory_space<vmem>> -> memref<2x125xi32, #tpu.memory_space<vmem>>
    %dma_start3A_19 = arith.constant 0 : i32
    %dma_start3A_20 = arith.constant 0 : i32
    %dma_start3A_21 = tpu.memref_slice %arg3[%add3A, %dma_start3A, %dma_start3A_19, %dma_start3A_20] : memref<32x80x2x125xi32, #tpu.memory_space<hbm>> -> memref<1x1x2x125xi32, #tpu.memory_space<hbm>>
    %dma_start3A_22 = tpu.memref_squeeze %dma_start3A_21 : memref<1x1x2x125xi32, #tpu.memory_space<hbm>> -> memref<2x125xi32, #tpu.memory_space<hbm>>
    tpu.enqueue_dma source(%dma_start3A_22 : memref<2x125xi32, #tpu.memory_space<hbm>>) target(%dma_start3A_18 : memref<2x125xi32, #tpu.memory_space<vmem>>) target_semaphore(%dma_start3A_14 : memref<!tpu.dma_semaphore, #tpu.memory_space<semaphore_mem>>)
    %dma_start3A_23 = arith.constant 1 : i32
    %dma_start3A_24 = arith.constant 1 : i32
    %dma_start3A_25 = arith.constant 1 : i32
    %dma_start3A_26 = arith.constant 0 : i32
    %dma_start3A_27 = arith.constant 0 : i32
    %dma_start3A_28 = tpu.memref_slice %arg6[%dma_start3A_24, %dma_start3A_26, %dma_start3A_27] : memref<4x2x125xi32, #tpu.memory_space<vmem>> -> memref<1x2x125xi32, #tpu.memory_space<vmem>>
    %dma_start3A_29 = tpu.memref_squeeze %dma_start3A_28 : memref<1x2x125xi32, #tpu.memory_space<vmem>> -> memref<2x125xi32, #tpu.memory_space<vmem>>
    %dma_start3A_30 = arith.constant 0 : i32
    %dma_start3A_31 = arith.constant 0 : i32
    %dma_start3A_32 = tpu.memref_slice %arg3[%add3A, %dma_start3A_23, %dma_start3A_30, %dma_start3A_31] : memref<32x80x2x125xi32, #tpu.memory_space<hbm>> -> memref<1x1x2x125xi32, #tpu.memory_space<hbm>>
    %dma_start3A_33 = tpu.memref_squeeze %dma_start3A_32 : memref<1x1x2x125xi32, #tpu.memory_space<hbm>> -> memref<2x125xi32, #tpu.memory_space<hbm>>
    %dma_start3A_34 = tpu.memref_slice %arg9[%dma_start3A_25] : memref<4x!tpu.dma_semaphore, #tpu.memory_space<semaphore_mem>> -> memref<1x!tpu.dma_semaphore, #tpu.memory_space<semaphore_mem>>
    %dma_start3A_35 = tpu.memref_squeeze %dma_start3A_34 : memref<1x!tpu.dma_semaphore, #tpu.memory_space<semaphore_mem>> -> memref<!tpu.dma_semaphore, #tpu.memory_space<semaphore_mem>>
    %dma_start3A_36 = arith.constant 0 : i32
    %dma_start3A_37 = arith.constant 0 : i32
    %dma_start3A_38 = tpu.memref_slice %arg6[%dma_start3A_24, %dma_start3A_36, %dma_start3A_37] : memref<4x2x125xi32, #tpu.memory_space<vmem>> -> memref<1x2x125xi32, #tpu.memory_space<vmem>>
    %dma_start3A_39 = tpu.memref_squeeze %dma_start3A_38 : memref<1x2x125xi32, #tpu.memory_space<vmem>> -> memref<2x125xi32, #tpu.memory_space<vmem>>
    %dma_start3A_40 = arith.constant 0 : i32
    %dma_start3A_41 = arith.constant 0 : i32
    %dma_start3A_42 = tpu.memref_slice %arg3[%add3A, %dma_start3A_23, %dma_start3A_40, %dma_start3A_41] : memref<32x80x2x125xi32, #tpu.memory_space<hbm>> -> memref<1x1x2x125xi32, #tpu.memory_space<hbm>>
    %dma_start3A_43 = tpu.memref_squeeze %dma_start3A_42 : memref<1x1x2x125xi32, #tpu.memory_space<hbm>> -> memref<2x125xi32, #tpu.memory_space<hbm>>
    tpu.enqueue_dma source(%dma_start3A_43 : memref<2x125xi32, #tpu.memory_space<hbm>>) target(%dma_start3A_39 : memref<2x125xi32, #tpu.memory_space<vmem>>) target_semaphore(%dma_start3A_35 : memref<!tpu.dma_semaphore, #tpu.memory_space<semaphore_mem>>)
    %dma_start3A_44 = arith.constant 2 : i32
    %dma_start3A_45 = arith.constant 2 : i32
    %dma_start3A_46 = arith.constant 2 : i32
    %dma_start3A_47 = arith.constant 0 : i32
    %dma_start3A_48 = arith.constant 0 : i32
    %dma_start3A_49 = tpu.memref_slice %arg6[%dma_start3A_45, %dma_start3A_47, %dma_start3A_48] : memref<4x2x125xi32, #tpu.memory_space<vmem>> -> memref<1x2x125xi32, #tpu.memory_space<vmem>>
    %dma_start3A_50 = tpu.memref_squeeze %dma_start3A_49 : memref<1x2x125xi32, #tpu.memory_space<vmem>> -> memref<2x125xi32, #tpu.memory_space<vmem>>
    %dma_start3A_51 = arith.constant 0 : i32
    %dma_start3A_52 = arith.constant 0 : i32
    %dma_start3A_53 = tpu.memref_slice %arg3[%add3A, %dma_start3A_44, %dma_start3A_51, %dma_start3A_52] : memref<32x80x2x125xi32, #tpu.memory_space<hbm>> -> memref<1x1x2x125xi32, #tpu.memory_space<hbm>>
    %dma_start3A_54 = tpu.memref_squeeze %dma_start3A_53 : memref<1x1x2x125xi32, #tpu.memory_space<hbm>> -> memref<2x125xi32, #tpu.memory_space<hbm>>
    %dma_start3A_55 = tpu.memref_slice %arg9[%dma_start3A_46] : memref<4x!tpu.dma_semaphore, #tpu.memory_space<semaphore_mem>> -> memref<1x!tpu.dma_semaphore, #tpu.memory_space<semaphore_mem>>
    %dma_start3A_56 = tpu.memref_squeeze %dma_start3A_55 : memref<1x!tpu.dma_semaphore, #tpu.memory_space<semaphore_mem>> -> memref<!tpu.dma_semaphore, #tpu.memory_space<semaphore_mem>>
    %dma_start3A_57 = arith.constant 0 : i32
    %dma_start3A_58 = arith.constant 0 : i32
    %dma_start3A_59 = tpu.memref_slice %arg6[%dma_start3A_45, %dma_start3A_57, %dma_start3A_58] : memref<4x2x125xi32, #tpu.memory_space<vmem>> -> memref<1x2x125xi32, #tpu.memory_space<vmem>>
    %dma_start3A_60 = tpu.memref_squeeze %dma_start3A_59 : memref<1x2x125xi32, #tpu.memory_space<vmem>> -> memref<2x125xi32, #tpu.memory_space<vmem>>
    %dma_start3A_61 = arith.constant 0 : i32
    %dma_start3A_62 = arith.constant 0 : i32
    %dma_start3A_63 = tpu.memref_slice %arg3[%add3A, %dma_start3A_44, %dma_start3A_61, %dma_start3A_62] : memref<32x80x2x125xi32, #tpu.memory_space<hbm>> -> memref<1x1x2x125xi32, #tpu.memory_space<hbm>>
    %dma_start3A_64 = tpu.memref_squeeze %dma_start3A_63 : memref<1x1x2x125xi32, #tpu.memory_space<hbm>> -> memref<2x125xi32, #tpu.memory_space<hbm>>
    tpu.enqueue_dma source(%dma_start3A_64 : memref<2x125xi32, #tpu.memory_space<hbm>>) target(%dma_start3A_60 : memref<2x125xi32, #tpu.memory_space<vmem>>) target_semaphore(%dma_start3A_56 : memref<!tpu.dma_semaphore, #tpu.memory_space<semaphore_mem>>)
    %dma_start3A_65 = arith.constant 3 : i32
    %dma_start3A_66 = arith.constant 3 : i32
    %dma_start3A_67 = arith.constant 3 : i32
    %dma_start3A_68 = arith.constant 0 : i32
    %dma_start3A_69 = arith.constant 0 : i32
    %dma_start3A_70 = tpu.memref_slice %arg6[%dma_start3A_66, %dma_start3A_68, %dma_start3A_69] : memref<4x2x125xi32, #tpu.memory_space<vmem>> -> memref<1x2x125xi32, #tpu.memory_space<vmem>>
    %dma_start3A_71 = tpu.memref_squeeze %dma_start3A_70 : memref<1x2x125xi32, #tpu.memory_space<vmem>> -> memref<2x125xi32, #tpu.memory_space<vmem>>
    %dma_start3A_72 = arith.constant 0 : i32
    %dma_start3A_73 = arith.constant 0 : i32
    %dma_start3A_74 = tpu.memref_slice %arg3[%add3A, %dma_start3A_65, %dma_start3A_72, %dma_start3A_73] : memref<32x80x2x125xi32, #tpu.memory_space<hbm>> -> memref<1x1x2x125xi32, #tpu.memory_space<hbm>>
    %dma_start3A_75 = tpu.memref_squeeze %dma_start3A_74 : memref<1x1x2x125xi32, #tpu.memory_space<hbm>> -> memref<2x125xi32, #tpu.memory_space<hbm>>
    %dma_start3A_76 = tpu.memref_slice %arg9[%dma_start3A_67] : memref<4x!tpu.dma_semaphore, #tpu.memory_space<semaphore_mem>> -> memref<1x!tpu.dma_semaphore, #tpu.memory_space<semaphore_mem>>
    %dma_start3A_77 = tpu.memref_squeeze %dma_start3A_76 : memref<1x!tpu.dma_semaphore, #tpu.memory_space<semaphore_mem>> -> memref<!tpu.dma_semaphore, #tpu.memory_space<semaphore_mem>>
    %dma_start3A_78 = arith.constant 0 : i32
    %dma_start3A_79 = arith.constant 0 : i32
    %dma_start3A_80 = tpu.memref_slice %arg6[%dma_start3A_66, %dma_start3A_78, %dma_start3A_79] : memref<4x2x125xi32, #tpu.memory_space<vmem>> -> memref<1x2x125xi32, #tpu.memory_space<vmem>>
    %dma_start3A_81 = tpu.memref_squeeze %dma_start3A_80 : memref<1x2x125xi32, #tpu.memory_space<vmem>> -> memref<2x125xi32, #tpu.memory_space<vmem>>
    %dma_start3A_82 = arith.constant 0 : i32
    %dma_start3A_83 = arith.constant 0 : i32
    %dma_start3A_84 = tpu.memref_slice %arg3[%add3A, %dma_start3A_65, %dma_start3A_82, %dma_start3A_83] : memref<32x80x2x125xi32, #tpu.memory_space<hbm>> -> memref<1x1x2x125xi32, #tpu.memory_space<hbm>>
    %dma_start3A_85 = tpu.memref_squeeze %dma_start3A_84 : memref<1x1x2x125xi32, #tpu.memory_space<hbm>> -> memref<2x125xi32, #tpu.memory_space<hbm>>
    tpu.enqueue_dma source(%dma_start3A_85 : memref<2x125xi32, #tpu.memory_space<hbm>>) target(%dma_start3A_81 : memref<2x125xi32, #tpu.memory_space<vmem>>) target_semaphore(%dma_start3A_77 : memref<!tpu.dma_semaphore, #tpu.memory_space<semaphore_mem>>)
    %dma_wait3A = arith.constant 0 : i32
    %dma_wait3A_86 = arith.constant 0 : i32
    %dma_wait3A_87 = arith.constant 0 : i32
    %dma_wait3A_88 = arith.constant 0 : i32
    %dma_wait3A_89 = arith.constant 0 : i32
    %dma_wait3A_90 = tpu.memref_slice %arg6[%dma_wait3A_86, %dma_wait3A_88, %dma_wait3A_89] : memref<4x2x125xi32, #tpu.memory_space<vmem>> -> memref<1x2x125xi32, #tpu.memory_space<vmem>>
    %dma_wait3A_91 = tpu.memref_squeeze %dma_wait3A_90 : memref<1x2x125xi32, #tpu.memory_space<vmem>> -> memref<2x125xi32, #tpu.memory_space<vmem>>
    %dma_wait3A_92 = arith.constant 0 : i32
    %dma_wait3A_93 = arith.constant 0 : i32
    %dma_wait3A_94 = tpu.memref_slice %arg3[%add3A, %dma_wait3A, %dma_wait3A_92, %dma_wait3A_93] : memref<32x80x2x125xi32, #tpu.memory_space<hbm>> -> memref<1x1x2x125xi32, #tpu.memory_space<hbm>>
    %dma_wait3A_95 = tpu.memref_squeeze %dma_wait3A_94 : memref<1x1x2x125xi32, #tpu.memory_space<hbm>> -> memref<2x125xi32, #tpu.memory_space<hbm>>
    %dma_wait3A_96 = tpu.memref_slice %arg9[%dma_wait3A_87] : memref<4x!tpu.dma_semaphore, #tpu.memory_space<semaphore_mem>> -> memref<1x!tpu.dma_semaphore, #tpu.memory_space<semaphore_mem>>
    %dma_wait3A_97 = tpu.memref_squeeze %dma_wait3A_96 : memref<1x!tpu.dma_semaphore, #tpu.memory_space<semaphore_mem>> -> memref<!tpu.dma_semaphore, #tpu.memory_space<semaphore_mem>>
    %dma_wait3A_98 = arith.constant 0 : i32
    %dma_wait3A_99 = arith.constant 0 : i32
    %dma_wait3A_100 = tpu.memref_slice %arg6[%dma_wait3A_86, %dma_wait3A_98, %dma_wait3A_99] : memref<4x2x125xi32, #tpu.memory_space<vmem>> -> memref<1x2x125xi32, #tpu.memory_space<vmem>>
    %dma_wait3A_101 = tpu.memref_squeeze %dma_wait3A_100 : memref<1x2x125xi32, #tpu.memory_space<vmem>> -> memref<2x125xi32, #tpu.memory_space<vmem>>
    %dma_wait3A_102 = arith.constant 0 : i32
    %dma_wait3A_103 = arith.constant 0 : i32
    %dma_wait3A_104 = tpu.memref_slice %arg3[%add3A, %dma_wait3A, %dma_wait3A_102, %dma_wait3A_103] : memref<32x80x2x125xi32, #tpu.memory_space<hbm>> -> memref<1x1x2x125xi32, #tpu.memory_space<hbm>>
    %dma_wait3A_105 = tpu.memref_squeeze %dma_wait3A_104 : memref<1x1x2x125xi32, #tpu.memory_space<hbm>> -> memref<2x125xi32, #tpu.memory_space<hbm>>
    tpu.wait_dma2 semaphore(%dma_wait3A_97 : memref<!tpu.dma_semaphore, #tpu.memory_space<semaphore_mem>>) src(%dma_wait3A_105 : memref<2x125xi32, #tpu.memory_space<hbm>>) dst(%dma_wait3A_101 : memref<2x125xi32, #tpu.memory_space<vmem>>)
    %dma_start3A_106 = arith.constant 0 : i32
    %dma_start3A_107 = arith.constant 0 : i32
    %dma_start3A_108 = arith.constant 0 : i32
    %dma_start3A_109 = arith.constant 0 : i32
    %dma_start3A_110 = arith.constant 0 : i32
    %dma_start3A_111 = arith.constant 0 : i32
    %dma_start3A_112 = tpu.memref_slice %arg7[%dma_start3A_108, %dma_start3A_110, %dma_start3A_111] : memref<2x125x128xf32, #tpu.memory_space<vmem>> -> memref<1x125x128xf32, #tpu.memory_space<vmem>>
    %dma_start3A_113 = tpu.memref_squeeze %dma_start3A_112 : memref<1x125x128xf32, #tpu.memory_space<vmem>> -> memref<125x128xf32, #tpu.memory_space<vmem>>
    %dma_start3A_114 = arith.constant 0 : i32
    %dma_start3A_115 = tpu.memref_slice %arg6[%dma_start3A_106, %dma_start3A_107, %dma_start3A_114] : memref<4x2x125xi32, #tpu.memory_space<vmem>> -> memref<1x1x125xi32, #tpu.memory_space<vmem>>
    %dma_start3A_116 = tpu.memref_squeeze %dma_start3A_115 : memref<1x1x125xi32, #tpu.memory_space<vmem>> -> memref<125xi32, #tpu.memory_space<vmem>>
    %dma_start3A_117 = arith.constant 0 : i32
    %dma_start3A_118 = arith.constant 0 : i32
    %dma_start3A_119 = tpu.memref_slice %arg2[%dma_start3A_117, %dma_start3A_118] : memref<10000x128xf32, #tpu.memory_space<hbm>> -> memref<10000x128xf32, #tpu.memory_space<hbm>>
    %dma_start3A_120 = tpu.memref_slice %arg10[%dma_start3A_109] : memref<2x!tpu.dma_semaphore, #tpu.memory_space<semaphore_mem>> -> memref<1x!tpu.dma_semaphore, #tpu.memory_space<semaphore_mem>>
    %dma_start3A_121 = tpu.memref_squeeze %dma_start3A_120 : memref<1x!tpu.dma_semaphore, #tpu.memory_space<semaphore_mem>> -> memref<!tpu.dma_semaphore, #tpu.memory_space<semaphore_mem>>
    tpu.enqueue_indirect_dma source(%dma_start3A_119 : memref<10000x128xf32, #tpu.memory_space<hbm>>) target(%dma_start3A_113 : memref<125x128xf32, #tpu.memory_space<vmem>>) offsets(%dma_start3A_116 : memref<125xi32, #tpu.memory_space<vmem>>) semaphore(%dma_start3A_121 : memref<!tpu.dma_semaphore, #tpu.memory_space<semaphore_mem>>)
    %dma_wait3A_122 = arith.constant 1 : i32
    %dma_wait3A_123 = arith.constant 1 : i32
    %dma_wait3A_124 = arith.constant 1 : i32
    %dma_wait3A_125 = arith.constant 0 : i32
    %dma_wait3A_126 = arith.constant 0 : i32
    %dma_wait3A_127 = tpu.memref_slice %arg6[%dma_wait3A_123, %dma_wait3A_125, %dma_wait3A_126] : memref<4x2x125xi32, #tpu.memory_space<vmem>> -> memref<1x2x125xi32, #tpu.memory_space<vmem>>
    %dma_wait3A_128 = tpu.memref_squeeze %dma_wait3A_127 : memref<1x2x125xi32, #tpu.memory_space<vmem>> -> memref<2x125xi32, #tpu.memory_space<vmem>>
    %dma_wait3A_129 = arith.constant 0 : i32
    %dma_wait3A_130 = arith.constant 0 : i32
    %dma_wait3A_131 = tpu.memref_slice %arg3[%add3A, %dma_wait3A_122, %dma_wait3A_129, %dma_wait3A_130] : memref<32x80x2x125xi32, #tpu.memory_space<hbm>> -> memref<1x1x2x125xi32, #tpu.memory_space<hbm>>
    %dma_wait3A_132 = tpu.memref_squeeze %dma_wait3A_131 : memref<1x1x2x125xi32, #tpu.memory_space<hbm>> -> memref<2x125xi32, #tpu.memory_space<hbm>>
    %dma_wait3A_133 = tpu.memref_slice %arg9[%dma_wait3A_124] : memref<4x!tpu.dma_semaphore, #tpu.memory_space<semaphore_mem>> -> memref<1x!tpu.dma_semaphore, #tpu.memory_space<semaphore_mem>>
    %dma_wait3A_134 = tpu.memref_squeeze %dma_wait3A_133 : memref<1x!tpu.dma_semaphore, #tpu.memory_space<semaphore_mem>> -> memref<!tpu.dma_semaphore, #tpu.memory_space<semaphore_mem>>
    %dma_wait3A_135 = arith.constant 0 : i32
    %dma_wait3A_136 = arith.constant 0 : i32
    %dma_wait3A_137 = tpu.memref_slice %arg6[%dma_wait3A_123, %dma_wait3A_135, %dma_wait3A_136] : memref<4x2x125xi32, #tpu.memory_space<vmem>> -> memref<1x2x125xi32, #tpu.memory_space<vmem>>
    %dma_wait3A_138 = tpu.memref_squeeze %dma_wait3A_137 : memref<1x2x125xi32, #tpu.memory_space<vmem>> -> memref<2x125xi32, #tpu.memory_space<vmem>>
    %dma_wait3A_139 = arith.constant 0 : i32
    %dma_wait3A_140 = arith.constant 0 : i32
    %dma_wait3A_141 = tpu.memref_slice %arg3[%add3A, %dma_wait3A_122, %dma_wait3A_139, %dma_wait3A_140] : memref<32x80x2x125xi32, #tpu.memory_space<hbm>> -> memref<1x1x2x125xi32, #tpu.memory_space<hbm>>
    %dma_wait3A_142 = tpu.memref_squeeze %dma_wait3A_141 : memref<1x1x2x125xi32, #tpu.memory_space<hbm>> -> memref<2x125xi32, #tpu.memory_space<hbm>>
    tpu.wait_dma2 semaphore(%dma_wait3A_134 : memref<!tpu.dma_semaphore, #tpu.memory_space<semaphore_mem>>) src(%dma_wait3A_142 : memref<2x125xi32, #tpu.memory_space<hbm>>) dst(%dma_wait3A_138 : memref<2x125xi32, #tpu.memory_space<vmem>>)
    %dma_start3A_143 = arith.constant 1 : i32
    %dma_start3A_144 = arith.constant 0 : i32
    %dma_start3A_145 = arith.constant 1 : i32
    %dma_start3A_146 = arith.constant 1 : i32
    %dma_start3A_147 = arith.constant 0 : i32
    %dma_start3A_148 = arith.constant 0 : i32
    %dma_start3A_149 = tpu.memref_slice %arg7[%dma_start3A_145, %dma_start3A_147, %dma_start3A_148] : memref<2x125x128xf32, #tpu.memory_space<vmem>> -> memref<1x125x128xf32, #tpu.memory_space<vmem>>
    %dma_start3A_150 = tpu.memref_squeeze %dma_start3A_149 : memref<1x125x128xf32, #tpu.memory_space<vmem>> -> memref<125x128xf32, #tpu.memory_space<vmem>>
    %dma_start3A_151 = arith.constant 0 : i32
    %dma_start3A_152 = tpu.memref_slice %arg6[%dma_start3A_143, %dma_start3A_144, %dma_start3A_151] : memref<4x2x125xi32, #tpu.memory_space<vmem>> -> memref<1x1x125xi32, #tpu.memory_space<vmem>>
    %dma_start3A_153 = tpu.memref_squeeze %dma_start3A_152 : memref<1x1x125xi32, #tpu.memory_space<vmem>> -> memref<125xi32, #tpu.memory_space<vmem>>
    %dma_start3A_154 = arith.constant 0 : i32
    %dma_start3A_155 = arith.constant 0 : i32
    %dma_start3A_156 = tpu.memref_slice %arg2[%dma_start3A_154, %dma_start3A_155] : memref<10000x128xf32, #tpu.memory_space<hbm>> -> memref<10000x128xf32, #tpu.memory_space<hbm>>
    %dma_start3A_157 = tpu.memref_slice %arg10[%dma_start3A_146] : memref<2x!tpu.dma_semaphore, #tpu.memory_space<semaphore_mem>> -> memref<1x!tpu.dma_semaphore, #tpu.memory_space<semaphore_mem>>
    %dma_start3A_158 = tpu.memref_squeeze %dma_start3A_157 : memref<1x!tpu.dma_semaphore, #tpu.memory_space<semaphore_mem>> -> memref<!tpu.dma_semaphore, #tpu.memory_space<semaphore_mem>>
    tpu.enqueue_indirect_dma source(%dma_start3A_156 : memref<10000x128xf32, #tpu.memory_space<hbm>>) target(%dma_start3A_150 : memref<125x128xf32, #tpu.memory_space<vmem>>) offsets(%dma_start3A_153 : memref<125xi32, #tpu.memory_space<vmem>>) semaphore(%dma_start3A_158 : memref<!tpu.dma_semaphore, #tpu.memory_space<semaphore_mem>>)
    %scan3A = arith.constant 0 : i32
    %scan3A_159 = arith.constant 19 : i32
    %scan3A_160 = arith.addi %scan3A, %scan3A_159 : i32
    %scan3A_161 = arith.constant 1 : i32
    scf.for %scan3A_317 = %scan3A to %scan3A_160 step %scan3A_161  : i32 {
      %mul3A_318 = arith.constant 1 : i32
      %mul3A_319 = arith.muli %scan3A_317, %mul3A_318 : i32
      %add3A_320 = arith.constant 0 : i32
      %add3A_321 = arith.addi %add3A_320, %mul3A_319 : i32
      %mul3A_322 = arith.constant 4 : i32
      %mul3A_323 = arith.muli %add3A_321, %mul3A_322 : i32
      %dma_wait3A_324 = arith.constant 0 : i32
      %dma_wait3A_325 = arith.constant 0 : i32
      %dma_wait3A_326 = arith.constant 0 : i32
      %dma_wait3A_327 = arith.constant 0 : i32
      %dma_wait3A_328 = arith.constant 0 : i32
      %dma_wait3A_329 = arith.constant 0 : i32
      %dma_wait3A_330 = tpu.memref_slice %arg7[%dma_wait3A_326, %dma_wait3A_328, %dma_wait3A_329] : memref<2x125x128xf32, #tpu.memory_space<vmem>> -> memref<1x125x128xf32, #tpu.memory_space<vmem>>
      %dma_wait3A_331 = tpu.memref_squeeze %dma_wait3A_330 : memref<1x125x128xf32, #tpu.memory_space<vmem>> -> memref<125x128xf32, #tpu.memory_space<vmem>>
      %dma_wait3A_332 = arith.constant 0 : i32
      %dma_wait3A_333 = tpu.memref_slice %arg6[%dma_wait3A_324, %dma_wait3A_325, %dma_wait3A_332] : memref<4x2x125xi32, #tpu.memory_space<vmem>> -> memref<1x1x125xi32, #tpu.memory_space<vmem>>
      %dma_wait3A_334 = tpu.memref_squeeze %dma_wait3A_333 : memref<1x1x125xi32, #tpu.memory_space<vmem>> -> memref<125xi32, #tpu.memory_space<vmem>>
      %dma_wait3A_335 = arith.constant 0 : i32
      %dma_wait3A_336 = arith.constant 0 : i32
      %dma_wait3A_337 = tpu.memref_slice %arg2[%dma_wait3A_335, %dma_wait3A_336] : memref<10000x128xf32, #tpu.memory_space<hbm>> -> memref<10000x128xf32, #tpu.memory_space<hbm>>
      %dma_wait3A_338 = tpu.memref_slice %arg10[%dma_wait3A_327] : memref<2x!tpu.dma_semaphore, #tpu.memory_space<semaphore_mem>> -> memref<1x!tpu.dma_semaphore, #tpu.memory_space<semaphore_mem>>
      %dma_wait3A_339 = tpu.memref_squeeze %dma_wait3A_338 : memref<1x!tpu.dma_semaphore, #tpu.memory_space<semaphore_mem>> -> memref<!tpu.dma_semaphore, #tpu.memory_space<semaphore_mem>>
      tpu.wait_indirect_dma semaphore(%dma_wait3A_339 : memref<!tpu.dma_semaphore, #tpu.memory_space<semaphore_mem>>) src(%dma_wait3A_337 : memref<10000x128xf32, #tpu.memory_space<hbm>>) dst(%dma_wait3A_331 : memref<125x128xf32, #tpu.memory_space<vmem>>)
      %run_scoped3A_340 = arith.constant 0 : i32
      %run_scoped3A_341 = arith.constant 0 : i32
      %run_scoped3A_342 = arith.constant 1 : i32
      "tpu.region"() ({
        %run_scoped3A_644 = tpu.sem_alloc : memref<!tpu.dma_semaphore, #tpu.memory_space<semaphore_mem>>
        %dma_start3A_645 = arith.constant 0 : i32
        %dma_start3A_646 = arith.constant 0 : i32
        %dma_start3A_647 = tpu.memref_slice %arg7[%run_scoped3A_340, %dma_start3A_645, %dma_start3A_646] : memref<2x125x128xf32, #tpu.memory_space<vmem>> -> memref<1x125x128xf32, #tpu.memory_space<vmem>>
        %dma_start3A_648 = tpu.memref_squeeze %dma_start3A_647 : memref<1x125x128xf32, #tpu.memory_space<vmem>> -> memref<125x128xf32, #tpu.memory_space<vmem>>
        %dma_start3A_649 = arith.constant 0 : i32
        %dma_start3A_650 = tpu.memref_slice %arg6[%run_scoped3A_341, %run_scoped3A_342, %dma_start3A_649] : memref<4x2x125xi32, #tpu.memory_space<vmem>> -> memref<1x1x125xi32, #tpu.memory_space<vmem>>
        %dma_start3A_651 = tpu.memref_squeeze %dma_start3A_650 : memref<1x1x125xi32, #tpu.memory_space<vmem>> -> memref<125xi32, #tpu.memory_space<vmem>>
        %dma_start3A_652 = arith.constant 0 : i32
        %dma_start3A_653 = arith.constant 0 : i32
        %dma_start3A_654 = tpu.memref_slice %arg8[%dma_start3A_652, %dma_start3A_653] : memref<10240x128xf32, #tpu.memory_space<vmem_shared>> -> memref<10240x128xf32, #tpu.memory_space<vmem_shared>>
        tpu.enqueue_indirect_dma source(%dma_start3A_648 : memref<125x128xf32, #tpu.memory_space<vmem>>) target(%dma_start3A_654 : memref<10240x128xf32, #tpu.memory_space<vmem_shared>>) offsets(%dma_start3A_651 : memref<125xi32, #tpu.memory_space<vmem>>) semaphore(%run_scoped3A_644 : memref<!tpu.dma_semaphore, #tpu.memory_space<semaphore_mem>>) {add = true}
        %dma_wait3A_655 = arith.constant 0 : i32
        %dma_wait3A_656 = arith.constant 0 : i32
        %dma_wait3A_657 = tpu.memref_slice %arg7[%run_scoped3A_340, %dma_wait3A_655, %dma_wait3A_656] : memref<2x125x128xf32, #tpu.memory_space<vmem>> -> memref<1x125x128xf32, #tpu.memory_space<vmem>>
        %dma_wait3A_658 = tpu.memref_squeeze %dma_wait3A_657 : memref<1x125x128xf32, #tpu.memory_space<vmem>> -> memref<125x128xf32, #tpu.memory_space<vmem>>
        %dma_wait3A_659 = arith.constant 0 : i32
        %dma_wait3A_660 = tpu.memref_slice %arg6[%run_scoped3A_341, %run_scoped3A_342, %dma_wait3A_659] : memref<4x2x125xi32, #tpu.memory_space<vmem>> -> memref<1x1x125xi32, #tpu.memory_space<vmem>>
        %dma_wait3A_661 = tpu.memref_squeeze %dma_wait3A_660 : memref<1x1x125xi32, #tpu.memory_space<vmem>> -> memref<125xi32, #tpu.memory_space<vmem>>
        %dma_wait3A_662 = arith.constant 0 : i32
        %dma_wait3A_663 = arith.constant 0 : i32
        %dma_wait3A_664 = tpu.memref_slice %arg8[%dma_wait3A_662, %dma_wait3A_663] : memref<10240x128xf32, #tpu.memory_space<vmem_shared>> -> memref<10240x128xf32, #tpu.memory_space<vmem_shared>>
        tpu.wait_indirect_dma semaphore(%run_scoped3A_644 : memref<!tpu.dma_semaphore, #tpu.memory_space<semaphore_mem>>) src(%dma_wait3A_658 : memref<125x128xf32, #tpu.memory_space<vmem>>) dst(%dma_wait3A_664 : memref<10240x128xf32, #tpu.memory_space<vmem_shared>>)
        tpu.yield
      }) : () -> ()
      %add3A_343 = arith.constant 0 : i32
      %add3A_344 = arith.addi %mul3A_323, %add3A_343 : i32
      %add3A_345 = arith.constant 4 : i32
      %add3A_346 = arith.addi %add3A_344, %add3A_345 : i32
      %dma_start3A_347 = arith.constant 0 : i32
      %dma_start3A_348 = arith.constant 0 : i32
      %dma_start3A_349 = arith.constant 0 : i32
      %dma_start3A_350 = arith.constant 0 : i32
      %dma_start3A_351 = tpu.memref_slice %arg6[%dma_start3A_347, %dma_start3A_349, %dma_start3A_350] : memref<4x2x125xi32, #tpu.memory_space<vmem>> -> memref<1x2x125xi32, #tpu.memory_space<vmem>>
      %dma_start3A_352 = tpu.memref_squeeze %dma_start3A_351 : memref<1x2x125xi32, #tpu.memory_space<vmem>> -> memref<2x125xi32, #tpu.memory_space<vmem>>
      %dma_start3A_353 = arith.constant 0 : i32
      %dma_start3A_354 = arith.constant 0 : i32
      %dma_start3A_355 = tpu.memref_slice %arg3[%add3A, %add3A_346, %dma_start3A_353, %dma_start3A_354] : memref<32x80x2x125xi32, #tpu.memory_space<hbm>> -> memref<1x1x2x125xi32, #tpu.memory_space<hbm>>
      %dma_start3A_356 = tpu.memref_squeeze %dma_start3A_355 : memref<1x1x2x125xi32, #tpu.memory_space<hbm>> -> memref<2x125xi32, #tpu.memory_space<hbm>>
      %dma_start3A_357 = tpu.memref_slice %arg9[%dma_start3A_348] : memref<4x!tpu.dma_semaphore, #tpu.memory_space<semaphore_mem>> -> memref<1x!tpu.dma_semaphore, #tpu.memory_space<semaphore_mem>>
      %dma_start3A_358 = tpu.memref_squeeze %dma_start3A_357 : memref<1x!tpu.dma_semaphore, #tpu.memory_space<semaphore_mem>> -> memref<!tpu.dma_semaphore, #tpu.memory_space<semaphore_mem>>
      %dma_start3A_359 = arith.constant 0 : i32
      %dma_start3A_360 = arith.constant 0 : i32
      %dma_start3A_361 = tpu.memref_slice %arg6[%dma_start3A_347, %dma_start3A_359, %dma_start3A_360] : memref<4x2x125xi32, #tpu.memory_space<vmem>> -> memref<1x2x125xi32, #tpu.memory_space<vmem>>
      %dma_start3A_362 = tpu.memref_squeeze %dma_start3A_361 : memref<1x2x125xi32, #tpu.memory_space<vmem>> -> memref<2x125xi32, #tpu.memory_space<vmem>>
      %dma_start3A_363 = arith.constant 0 : i32
      %dma_start3A_364 = arith.constant 0 : i32
      %dma_start3A_365 = tpu.memref_slice %arg3[%add3A, %add3A_346, %dma_start3A_363, %dma_start3A_364] : memref<32x80x2x125xi32, #tpu.memory_space<hbm>> -> memref<1x1x2x125xi32, #tpu.memory_space<hbm>>
      %dma_start3A_366 = tpu.memref_squeeze %dma_start3A_365 : memref<1x1x2x125xi32, #tpu.memory_space<hbm>> -> memref<2x125xi32, #tpu.memory_space<hbm>>
      tpu.enqueue_dma source(%dma_start3A_366 : memref<2x125xi32, #tpu.memory_space<hbm>>) target(%dma_start3A_362 : memref<2x125xi32, #tpu.memory_space<vmem>>) target_semaphore(%dma_start3A_358 : memref<!tpu.dma_semaphore, #tpu.memory_space<semaphore_mem>>)
      %dma_wait3A_367 = arith.constant 0 : i32
      %dma_wait3A_368 = arith.constant 2 : i32
      %dma_wait3A_369 = arith.constant 2 : i32
      %dma_wait3A_370 = arith.constant 0 : i32
      %dma_wait3A_371 = arith.constant 0 : i32
      %dma_wait3A_372 = tpu.memref_slice %arg6[%dma_wait3A_368, %dma_wait3A_370, %dma_wait3A_371] : memref<4x2x125xi32, #tpu.memory_space<vmem>> -> memref<1x2x125xi32, #tpu.memory_space<vmem>>
      %dma_wait3A_373 = tpu.memref_squeeze %dma_wait3A_372 : memref<1x2x125xi32, #tpu.memory_space<vmem>> -> memref<2x125xi32, #tpu.memory_space<vmem>>
      %dma_wait3A_374 = arith.constant 0 : i32
      %dma_wait3A_375 = arith.constant 0 : i32
      %dma_wait3A_376 = tpu.memref_slice %arg3[%add3A, %dma_wait3A_367, %dma_wait3A_374, %dma_wait3A_375] : memref<32x80x2x125xi32, #tpu.memory_space<hbm>> -> memref<1x1x2x125xi32, #tpu.memory_space<hbm>>
      %dma_wait3A_377 = tpu.memref_squeeze %dma_wait3A_376 : memref<1x1x2x125xi32, #tpu.memory_space<hbm>> -> memref<2x125xi32, #tpu.memory_space<hbm>>
      %dma_wait3A_378 = tpu.memref_slice %arg9[%dma_wait3A_369] : memref<4x!tpu.dma_semaphore, #tpu.memory_space<semaphore_mem>> -> memref<1x!tpu.dma_semaphore, #tpu.memory_space<semaphore_mem>>
      %dma_wait3A_379 = tpu.memref_squeeze %dma_wait3A_378 : memref<1x!tpu.dma_semaphore, #tpu.memory_space<semaphore_mem>> -> memref<!tpu.dma_semaphore, #tpu.memory_space<semaphore_mem>>
      %dma_wait3A_380 = arith.constant 0 : i32
      %dma_wait3A_381 = arith.constant 0 : i32
      %dma_wait3A_382 = tpu.memref_slice %arg6[%dma_wait3A_368, %dma_wait3A_380, %dma_wait3A_381] : memref<4x2x125xi32, #tpu.memory_space<vmem>> -> memref<1x2x125xi32, #tpu.memory_space<vmem>>
      %dma_wait3A_383 = tpu.memref_squeeze %dma_wait3A_382 : memref<1x2x125xi32, #tpu.memory_space<vmem>> -> memref<2x125xi32, #tpu.memory_space<vmem>>
      %dma_wait3A_384 = arith.constant 0 : i32
      %dma_wait3A_385 = arith.constant 0 : i32
      %dma_wait3A_386 = tpu.memref_slice %arg3[%add3A, %dma_wait3A_367, %dma_wait3A_384, %dma_wait3A_385] : memref<32x80x2x125xi32, #tpu.memory_space<hbm>> -> memref<1x1x2x125xi32, #tpu.memory_space<hbm>>
      %dma_wait3A_387 = tpu.memref_squeeze %dma_wait3A_386 : memref<1x1x2x125xi32, #tpu.memory_space<hbm>> -> memref<2x125xi32, #tpu.memory_space<hbm>>
      tpu.wait_dma2 semaphore(%dma_wait3A_379 : memref<!tpu.dma_semaphore, #tpu.memory_space<semaphore_mem>>) src(%dma_wait3A_387 : memref<2x125xi32, #tpu.memory_space<hbm>>) dst(%dma_wait3A_383 : memref<2x125xi32, #tpu.memory_space<vmem>>)
      %dma_start3A_388 = arith.constant 2 : i32
      %dma_start3A_389 = arith.constant 0 : i32
      %dma_start3A_390 = arith.constant 0 : i32
      %dma_start3A_391 = arith.constant 0 : i32
      %dma_start3A_392 = arith.constant 0 : i32
      %dma_start3A_393 = arith.constant 0 : i32
      %dma_start3A_394 = tpu.memref_slice %arg7[%dma_start3A_390, %dma_start3A_392, %dma_start3A_393] : memref<2x125x128xf32, #tpu.memory_space<vmem>> -> memref<1x125x128xf32, #tpu.memory_space<vmem>>
      %dma_start3A_395 = tpu.memref_squeeze %dma_start3A_394 : memref<1x125x128xf32, #tpu.memory_space<vmem>> -> memref<125x128xf32, #tpu.memory_space<vmem>>
      %dma_start3A_396 = arith.constant 0 : i32
      %dma_start3A_397 = tpu.memref_slice %arg6[%dma_start3A_388, %dma_start3A_389, %dma_start3A_396] : memref<4x2x125xi32, #tpu.memory_space<vmem>> -> memref<1x1x125xi32, #tpu.memory_space<vmem>>
      %dma_start3A_398 = tpu.memref_squeeze %dma_start3A_397 : memref<1x1x125xi32, #tpu.memory_space<vmem>> -> memref<125xi32, #tpu.memory_space<vmem>>
      %dma_start3A_399 = arith.constant 0 : i32
      %dma_start3A_400 = arith.constant 0 : i32
      %dma_start3A_401 = tpu.memref_slice %arg2[%dma_start3A_399, %dma_start3A_400] : memref<10000x128xf32, #tpu.memory_space<hbm>> -> memref<10000x128xf32, #tpu.memory_space<hbm>>
      %dma_start3A_402 = tpu.memref_slice %arg10[%dma_start3A_391] : memref<2x!tpu.dma_semaphore, #tpu.memory_space<semaphore_mem>> -> memref<1x!tpu.dma_semaphore, #tpu.memory_space<semaphore_mem>>
      %dma_start3A_403 = tpu.memref_squeeze %dma_start3A_402 : memref<1x!tpu.dma_semaphore, #tpu.memory_space<semaphore_mem>> -> memref<!tpu.dma_semaphore, #tpu.memory_space<semaphore_mem>>
      tpu.enqueue_indirect_dma source(%dma_start3A_401 : memref<10000x128xf32, #tpu.memory_space<hbm>>) target(%dma_start3A_395 : memref<125x128xf32, #tpu.memory_space<vmem>>) offsets(%dma_start3A_398 : memref<125xi32, #tpu.memory_space<vmem>>) semaphore(%dma_start3A_403 : memref<!tpu.dma_semaphore, #tpu.memory_space<semaphore_mem>>)
      %dma_wait3A_404 = arith.constant 1 : i32
      %dma_wait3A_405 = arith.constant 0 : i32
      %dma_wait3A_406 = arith.constant 1 : i32
      %dma_wait3A_407 = arith.constant 1 : i32
      %dma_wait3A_408 = arith.constant 0 : i32
      %dma_wait3A_409 = arith.constant 0 : i32
      %dma_wait3A_410 = tpu.memref_slice %arg7[%dma_wait3A_406, %dma_wait3A_408, %dma_wait3A_409] : memref<2x125x128xf32, #tpu.memory_space<vmem>> -> memref<1x125x128xf32, #tpu.memory_space<vmem>>
      %dma_wait3A_411 = tpu.memref_squeeze %dma_wait3A_410 : memref<1x125x128xf32, #tpu.memory_space<vmem>> -> memref<125x128xf32, #tpu.memory_space<vmem>>
      %dma_wait3A_412 = arith.constant 0 : i32
      %dma_wait3A_413 = tpu.memref_slice %arg6[%dma_wait3A_404, %dma_wait3A_405, %dma_wait3A_412] : memref<4x2x125xi32, #tpu.memory_space<vmem>> -> memref<1x1x125xi32, #tpu.memory_space<vmem>>
      %dma_wait3A_414 = tpu.memref_squeeze %dma_wait3A_413 : memref<1x1x125xi32, #tpu.memory_space<vmem>> -> memref<125xi32, #tpu.memory_space<vmem>>
      %dma_wait3A_415 = arith.constant 0 : i32
      %dma_wait3A_416 = arith.constant 0 : i32
      %dma_wait3A_417 = tpu.memref_slice %arg2[%dma_wait3A_415, %dma_wait3A_416] : memref<10000x128xf32, #tpu.memory_space<hbm>> -> memref<10000x128xf32, #tpu.memory_space<hbm>>
      %dma_wait3A_418 = tpu.memref_slice %arg10[%dma_wait3A_407] : memref<2x!tpu.dma_semaphore, #tpu.memory_space<semaphore_mem>> -> memref<1x!tpu.dma_semaphore, #tpu.memory_space<semaphore_mem>>
      %dma_wait3A_419 = tpu.memref_squeeze %dma_wait3A_418 : memref<1x!tpu.dma_semaphore, #tpu.memory_space<semaphore_mem>> -> memref<!tpu.dma_semaphore, #tpu.memory_space<semaphore_mem>>
      tpu.wait_indirect_dma semaphore(%dma_wait3A_419 : memref<!tpu.dma_semaphore, #tpu.memory_space<semaphore_mem>>) src(%dma_wait3A_417 : memref<10000x128xf32, #tpu.memory_space<hbm>>) dst(%dma_wait3A_411 : memref<125x128xf32, #tpu.memory_space<vmem>>)
      %run_scoped3A_420 = arith.constant 1 : i32
      %run_scoped3A_421 = arith.constant 1 : i32
      %run_scoped3A_422 = arith.constant 1 : i32
      "tpu.region"() ({
        %run_scoped3A_644 = tpu.sem_alloc : memref<!tpu.dma_semaphore, #tpu.memory_space<semaphore_mem>>
        %dma_start3A_645 = arith.constant 0 : i32
        %dma_start3A_646 = arith.constant 0 : i32
        %dma_start3A_647 = tpu.memref_slice %arg7[%run_scoped3A_420, %dma_start3A_645, %dma_start3A_646] : memref<2x125x128xf32, #tpu.memory_space<vmem>> -> memref<1x125x128xf32, #tpu.memory_space<vmem>>
        %dma_start3A_648 = tpu.memref_squeeze %dma_start3A_647 : memref<1x125x128xf32, #tpu.memory_space<vmem>> -> memref<125x128xf32, #tpu.memory_space<vmem>>
        %dma_start3A_649 = arith.constant 0 : i32
        %dma_start3A_650 = tpu.memref_slice %arg6[%run_scoped3A_421, %run_scoped3A_422, %dma_start3A_649] : memref<4x2x125xi32, #tpu.memory_space<vmem>> -> memref<1x1x125xi32, #tpu.memory_space<vmem>>
        %dma_start3A_651 = tpu.memref_squeeze %dma_start3A_650 : memref<1x1x125xi32, #tpu.memory_space<vmem>> -> memref<125xi32, #tpu.memory_space<vmem>>
        %dma_start3A_652 = arith.constant 0 : i32
        %dma_start3A_653 = arith.constant 0 : i32
        %dma_start3A_654 = tpu.memref_slice %arg8[%dma_start3A_652, %dma_start3A_653] : memref<10240x128xf32, #tpu.memory_space<vmem_shared>> -> memref<10240x128xf32, #tpu.memory_space<vmem_shared>>
        tpu.enqueue_indirect_dma source(%dma_start3A_648 : memref<125x128xf32, #tpu.memory_space<vmem>>) target(%dma_start3A_654 : memref<10240x128xf32, #tpu.memory_space<vmem_shared>>) offsets(%dma_start3A_651 : memref<125xi32, #tpu.memory_space<vmem>>) semaphore(%run_scoped3A_644 : memref<!tpu.dma_semaphore, #tpu.memory_space<semaphore_mem>>) {add = true}
        %dma_wait3A_655 = arith.constant 0 : i32
        %dma_wait3A_656 = arith.constant 0 : i32
        %dma_wait3A_657 = tpu.memref_slice %arg7[%run_scoped3A_420, %dma_wait3A_655, %dma_wait3A_656] : memref<2x125x128xf32, #tpu.memory_space<vmem>> -> memref<1x125x128xf32, #tpu.memory_space<vmem>>
        %dma_wait3A_658 = tpu.memref_squeeze %dma_wait3A_657 : memref<1x125x128xf32, #tpu.memory_space<vmem>> -> memref<125x128xf32, #tpu.memory_space<vmem>>
        %dma_wait3A_659 = arith.constant 0 : i32
        %dma_wait3A_660 = tpu.memref_slice %arg6[%run_scoped3A_421, %run_scoped3A_422, %dma_wait3A_659] : memref<4x2x125xi32, #tpu.memory_space<vmem>> -> memref<1x1x125xi32, #tpu.memory_space<vmem>>
        %dma_wait3A_661 = tpu.memref_squeeze %dma_wait3A_660 : memref<1x1x125xi32, #tpu.memory_space<vmem>> -> memref<125xi32, #tpu.memory_space<vmem>>
        %dma_wait3A_662 = arith.constant 0 : i32
        %dma_wait3A_663 = arith.constant 0 : i32
        %dma_wait3A_664 = tpu.memref_slice %arg8[%dma_wait3A_662, %dma_wait3A_663] : memref<10240x128xf32, #tpu.memory_space<vmem_shared>> -> memref<10240x128xf32, #tpu.memory_space<vmem_shared>>
        tpu.wait_indirect_dma semaphore(%run_scoped3A_644 : memref<!tpu.dma_semaphore, #tpu.memory_space<semaphore_mem>>) src(%dma_wait3A_658 : memref<125x128xf32, #tpu.memory_space<vmem>>) dst(%dma_wait3A_664 : memref<10240x128xf32, #tpu.memory_space<vmem_shared>>)
        tpu.yield
      }) : () -> ()
      %add3A_423 = arith.constant 1 : i32
      %add3A_424 = arith.addi %mul3A_323, %add3A_423 : i32
      %add3A_425 = arith.constant 4 : i32
      %add3A_426 = arith.addi %add3A_424, %add3A_425 : i32
      %dma_start3A_427 = arith.constant 1 : i32
      %dma_start3A_428 = arith.constant 1 : i32
      %dma_start3A_429 = arith.constant 0 : i32
      %dma_start3A_430 = arith.constant 0 : i32
      %dma_start3A_431 = tpu.memref_slice %arg6[%dma_start3A_427, %dma_start3A_429, %dma_start3A_430] : memref<4x2x125xi32, #tpu.memory_space<vmem>> -> memref<1x2x125xi32, #tpu.memory_space<vmem>>
      %dma_start3A_432 = tpu.memref_squeeze %dma_start3A_431 : memref<1x2x125xi32, #tpu.memory_space<vmem>> -> memref<2x125xi32, #tpu.memory_space<vmem>>
      %dma_start3A_433 = arith.constant 0 : i32
      %dma_start3A_434 = arith.constant 0 : i32
      %dma_start3A_435 = tpu.memref_slice %arg3[%add3A, %add3A_426, %dma_start3A_433, %dma_start3A_434] : memref<32x80x2x125xi32, #tpu.memory_space<hbm>> -> memref<1x1x2x125xi32, #tpu.memory_space<hbm>>
      %dma_start3A_436 = tpu.memref_squeeze %dma_start3A_435 : memref<1x1x2x125xi32, #tpu.memory_space<hbm>> -> memref<2x125xi32, #tpu.memory_space<hbm>>
      %dma_start3A_437 = tpu.memref_slice %arg9[%dma_start3A_428] : memref<4x!tpu.dma_semaphore, #tpu.memory_space<semaphore_mem>> -> memref<1x!tpu.dma_semaphore, #tpu.memory_space<semaphore_mem>>
      %dma_start3A_438 = tpu.memref_squeeze %dma_start3A_437 : memref<1x!tpu.dma_semaphore, #tpu.memory_space<semaphore_mem>> -> memref<!tpu.dma_semaphore, #tpu.memory_space<semaphore_mem>>
      %dma_start3A_439 = arith.constant 0 : i32
      %dma_start3A_440 = arith.constant 0 : i32
      %dma_start3A_441 = tpu.memref_slice %arg6[%dma_start3A_427, %dma_start3A_439, %dma_start3A_440] : memref<4x2x125xi32, #tpu.memory_space<vmem>> -> memref<1x2x125xi32, #tpu.memory_space<vmem>>
      %dma_start3A_442 = tpu.memref_squeeze %dma_start3A_441 : memref<1x2x125xi32, #tpu.memory_space<vmem>> -> memref<2x125xi32, #tpu.memory_space<vmem>>
      %dma_start3A_443 = arith.constant 0 : i32
      %dma_start3A_444 = arith.constant 0 : i32
      %dma_start3A_445 = tpu.memref_slice %arg3[%add3A, %add3A_426, %dma_start3A_443, %dma_start3A_444] : memref<32x80x2x125xi32, #tpu.memory_space<hbm>> -> memref<1x1x2x125xi32, #tpu.memory_space<hbm>>
      %dma_start3A_446 = tpu.memref_squeeze %dma_start3A_445 : memref<1x1x2x125xi32, #tpu.memory_space<hbm>> -> memref<2x125xi32, #tpu.memory_space<hbm>>
      tpu.enqueue_dma source(%dma_start3A_446 : memref<2x125xi32, #tpu.memory_space<hbm>>) target(%dma_start3A_442 : memref<2x125xi32, #tpu.memory_space<vmem>>) target_semaphore(%dma_start3A_438 : memref<!tpu.dma_semaphore, #tpu.memory_space<semaphore_mem>>)
      %dma_wait3A_447 = arith.constant 1 : i32
      %dma_wait3A_448 = arith.constant 3 : i32
      %dma_wait3A_449 = arith.constant 3 : i32
      %dma_wait3A_450 = arith.constant 0 : i32
      %dma_wait3A_451 = arith.constant 0 : i32
      %dma_wait3A_452 = tpu.memref_slice %arg6[%dma_wait3A_448, %dma_wait3A_450, %dma_wait3A_451] : memref<4x2x125xi32, #tpu.memory_space<vmem>> -> memref<1x2x125xi32, #tpu.memory_space<vmem>>
      %dma_wait3A_453 = tpu.memref_squeeze %dma_wait3A_452 : memref<1x2x125xi32, #tpu.memory_space<vmem>> -> memref<2x125xi32, #tpu.memory_space<vmem>>
      %dma_wait3A_454 = arith.constant 0 : i32
      %dma_wait3A_455 = arith.constant 0 : i32
      %dma_wait3A_456 = tpu.memref_slice %arg3[%add3A, %dma_wait3A_447, %dma_wait3A_454, %dma_wait3A_455] : memref<32x80x2x125xi32, #tpu.memory_space<hbm>> -> memref<1x1x2x125xi32, #tpu.memory_space<hbm>>
      %dma_wait3A_457 = tpu.memref_squeeze %dma_wait3A_456 : memref<1x1x2x125xi32, #tpu.memory_space<hbm>> -> memref<2x125xi32, #tpu.memory_space<hbm>>
      %dma_wait3A_458 = tpu.memref_slice %arg9[%dma_wait3A_449] : memref<4x!tpu.dma_semaphore, #tpu.memory_space<semaphore_mem>> -> memref<1x!tpu.dma_semaphore, #tpu.memory_space<semaphore_mem>>
      %dma_wait3A_459 = tpu.memref_squeeze %dma_wait3A_458 : memref<1x!tpu.dma_semaphore, #tpu.memory_space<semaphore_mem>> -> memref<!tpu.dma_semaphore, #tpu.memory_space<semaphore_mem>>
      %dma_wait3A_460 = arith.constant 0 : i32
      %dma_wait3A_461 = arith.constant 0 : i32
      %dma_wait3A_462 = tpu.memref_slice %arg6[%dma_wait3A_448, %dma_wait3A_460, %dma_wait3A_461] : memref<4x2x125xi32, #tpu.memory_space<vmem>> -> memref<1x2x125xi32, #tpu.memory_space<vmem>>
      %dma_wait3A_463 = tpu.memref_squeeze %dma_wait3A_462 : memref<1x2x125xi32, #tpu.memory_space<vmem>> -> memref<2x125xi32, #tpu.memory_space<vmem>>
      %dma_wait3A_464 = arith.constant 0 : i32
      %dma_wait3A_465 = arith.constant 0 : i32
      %dma_wait3A_466 = tpu.memref_slice %arg3[%add3A, %dma_wait3A_447, %dma_wait3A_464, %dma_wait3A_465] : memref<32x80x2x125xi32, #tpu.memory_space<hbm>> -> memref<1x1x2x125xi32, #tpu.memory_space<hbm>>
      %dma_wait3A_467 = tpu.memref_squeeze %dma_wait3A_466 : memref<1x1x2x125xi32, #tpu.memory_space<hbm>> -> memref<2x125xi32, #tpu.memory_space<hbm>>
      tpu.wait_dma2 semaphore(%dma_wait3A_459 : memref<!tpu.dma_semaphore, #tpu.memory_space<semaphore_mem>>) src(%dma_wait3A_467 : memref<2x125xi32, #tpu.memory_space<hbm>>) dst(%dma_wait3A_463 : memref<2x125xi32, #tpu.memory_space<vmem>>)
      %dma_start3A_468 = arith.constant 3 : i32
      %dma_start3A_469 = arith.constant 0 : i32
      %dma_start3A_470 = arith.constant 1 : i32
      %dma_start3A_471 = arith.constant 1 : i32
      %dma_start3A_472 = arith.constant 0 : i32
      %dma_start3A_473 = arith.constant 0 : i32
      %dma_start3A_474 = tpu.memref_slice %arg7[%dma_start3A_470, %dma_start3A_472, %dma_start3A_473] : memref<2x125x128xf32, #tpu.memory_space<vmem>> -> memref<1x125x128xf32, #tpu.memory_space<vmem>>
      %dma_start3A_475 = tpu.memref_squeeze %dma_start3A_474 : memref<1x125x128xf32, #tpu.memory_space<vmem>> -> memref<125x128xf32, #tpu.memory_space<vmem>>
      %dma_start3A_476 = arith.constant 0 : i32
      %dma_start3A_477 = tpu.memref_slice %arg6[%dma_start3A_468, %dma_start3A_469, %dma_start3A_476] : memref<4x2x125xi32, #tpu.memory_space<vmem>> -> memref<1x1x125xi32, #tpu.memory_space<vmem>>
      %dma_start3A_478 = tpu.memref_squeeze %dma_start3A_477 : memref<1x1x125xi32, #tpu.memory_space<vmem>> -> memref<125xi32, #tpu.memory_space<vmem>>
      %dma_start3A_479 = arith.constant 0 : i32
      %dma_start3A_480 = arith.constant 0 : i32
      %dma_start3A_481 = tpu.memref_slice %arg2[%dma_start3A_479, %dma_start3A_480] : memref<10000x128xf32, #tpu.memory_space<hbm>> -> memref<10000x128xf32, #tpu.memory_space<hbm>>
      %dma_start3A_482 = tpu.memref_slice %arg10[%dma_start3A_471] : memref<2x!tpu.dma_semaphore, #tpu.memory_space<semaphore_mem>> -> memref<1x!tpu.dma_semaphore, #tpu.memory_space<semaphore_mem>>
      %dma_start3A_483 = tpu.memref_squeeze %dma_start3A_482 : memref<1x!tpu.dma_semaphore, #tpu.memory_space<semaphore_mem>> -> memref<!tpu.dma_semaphore, #tpu.memory_space<semaphore_mem>>
      tpu.enqueue_indirect_dma source(%dma_start3A_481 : memref<10000x128xf32, #tpu.memory_space<hbm>>) target(%dma_start3A_475 : memref<125x128xf32, #tpu.memory_space<vmem>>) offsets(%dma_start3A_478 : memref<125xi32, #tpu.memory_space<vmem>>) semaphore(%dma_start3A_483 : memref<!tpu.dma_semaphore, #tpu.memory_space<semaphore_mem>>)
      %dma_wait3A_484 = arith.constant 2 : i32
      %dma_wait3A_485 = arith.constant 0 : i32
      %dma_wait3A_486 = arith.constant 0 : i32
      %dma_wait3A_487 = arith.constant 0 : i32
      %dma_wait3A_488 = arith.constant 0 : i32
      %dma_wait3A_489 = arith.constant 0 : i32
      %dma_wait3A_490 = tpu.memref_slice %arg7[%dma_wait3A_486, %dma_wait3A_488, %dma_wait3A_489] : memref<2x125x128xf32, #tpu.memory_space<vmem>> -> memref<1x125x128xf32, #tpu.memory_space<vmem>>
      %dma_wait3A_491 = tpu.memref_squeeze %dma_wait3A_490 : memref<1x125x128xf32, #tpu.memory_space<vmem>> -> memref<125x128xf32, #tpu.memory_space<vmem>>
      %dma_wait3A_492 = arith.constant 0 : i32
      %dma_wait3A_493 = tpu.memref_slice %arg6[%dma_wait3A_484, %dma_wait3A_485, %dma_wait3A_492] : memref<4x2x125xi32, #tpu.memory_space<vmem>> -> memref<1x1x125xi32, #tpu.memory_space<vmem>>
      %dma_wait3A_494 = tpu.memref_squeeze %dma_wait3A_493 : memref<1x1x125xi32, #tpu.memory_space<vmem>> -> memref<125xi32, #tpu.memory_space<vmem>>
      %dma_wait3A_495 = arith.constant 0 : i32
      %dma_wait3A_496 = arith.constant 0 : i32
      %dma_wait3A_497 = tpu.memref_slice %arg2[%dma_wait3A_495, %dma_wait3A_496] : memref<10000x128xf32, #tpu.memory_space<hbm>> -> memref<10000x128xf32, #tpu.memory_space<hbm>>
      %dma_wait3A_498 = tpu.memref_slice %arg10[%dma_wait3A_487] : memref<2x!tpu.dma_semaphore, #tpu.memory_space<semaphore_mem>> -> memref<1x!tpu.dma_semaphore, #tpu.memory_space<semaphore_mem>>
      %dma_wait3A_499 = tpu.memref_squeeze %dma_wait3A_498 : memref<1x!tpu.dma_semaphore, #tpu.memory_space<semaphore_mem>> -> memref<!tpu.dma_semaphore, #tpu.memory_space<semaphore_mem>>
      tpu.wait_indirect_dma semaphore(%dma_wait3A_499 : memref<!tpu.dma_semaphore, #tpu.memory_space<semaphore_mem>>) src(%dma_wait3A_497 : memref<10000x128xf32, #tpu.memory_space<hbm>>) dst(%dma_wait3A_491 : memref<125x128xf32, #tpu.memory_space<vmem>>)
      %run_scoped3A_500 = arith.constant 0 : i32
      %run_scoped3A_501 = arith.constant 2 : i32
      %run_scoped3A_502 = arith.constant 1 : i32
      "tpu.region"() ({
        %run_scoped3A_644 = tpu.sem_alloc : memref<!tpu.dma_semaphore, #tpu.memory_space<semaphore_mem>>
        %dma_start3A_645 = arith.constant 0 : i32
        %dma_start3A_646 = arith.constant 0 : i32
        %dma_start3A_647 = tpu.memref_slice %arg7[%run_scoped3A_500, %dma_start3A_645, %dma_start3A_646] : memref<2x125x128xf32, #tpu.memory_space<vmem>> -> memref<1x125x128xf32, #tpu.memory_space<vmem>>
        %dma_start3A_648 = tpu.memref_squeeze %dma_start3A_647 : memref<1x125x128xf32, #tpu.memory_space<vmem>> -> memref<125x128xf32, #tpu.memory_space<vmem>>
        %dma_start3A_649 = arith.constant 0 : i32
        %dma_start3A_650 = tpu.memref_slice %arg6[%run_scoped3A_501, %run_scoped3A_502, %dma_start3A_649] : memref<4x2x125xi32, #tpu.memory_space<vmem>> -> memref<1x1x125xi32, #tpu.memory_space<vmem>>
        %dma_start3A_651 = tpu.memref_squeeze %dma_start3A_650 : memref<1x1x125xi32, #tpu.memory_space<vmem>> -> memref<125xi32, #tpu.memory_space<vmem>>
        %dma_start3A_652 = arith.constant 0 : i32
        %dma_start3A_653 = arith.constant 0 : i32
        %dma_start3A_654 = tpu.memref_slice %arg8[%dma_start3A_652, %dma_start3A_653] : memref<10240x128xf32, #tpu.memory_space<vmem_shared>> -> memref<10240x128xf32, #tpu.memory_space<vmem_shared>>
        tpu.enqueue_indirect_dma source(%dma_start3A_648 : memref<125x128xf32, #tpu.memory_space<vmem>>) target(%dma_start3A_654 : memref<10240x128xf32, #tpu.memory_space<vmem_shared>>) offsets(%dma_start3A_651 : memref<125xi32, #tpu.memory_space<vmem>>) semaphore(%run_scoped3A_644 : memref<!tpu.dma_semaphore, #tpu.memory_space<semaphore_mem>>) {add = true}
        %dma_wait3A_655 = arith.constant 0 : i32
        %dma_wait3A_656 = arith.constant 0 : i32
        %dma_wait3A_657 = tpu.memref_slice %arg7[%run_scoped3A_500, %dma_wait3A_655, %dma_wait3A_656] : memref<2x125x128xf32, #tpu.memory_space<vmem>> -> memref<1x125x128xf32, #tpu.memory_space<vmem>>
        %dma_wait3A_658 = tpu.memref_squeeze %dma_wait3A_657 : memref<1x125x128xf32, #tpu.memory_space<vmem>> -> memref<125x128xf32, #tpu.memory_space<vmem>>
        %dma_wait3A_659 = arith.constant 0 : i32
        %dma_wait3A_660 = tpu.memref_slice %arg6[%run_scoped3A_501, %run_scoped3A_502, %dma_wait3A_659] : memref<4x2x125xi32, #tpu.memory_space<vmem>> -> memref<1x1x125xi32, #tpu.memory_space<vmem>>
        %dma_wait3A_661 = tpu.memref_squeeze %dma_wait3A_660 : memref<1x1x125xi32, #tpu.memory_space<vmem>> -> memref<125xi32, #tpu.memory_space<vmem>>
        %dma_wait3A_662 = arith.constant 0 : i32
        %dma_wait3A_663 = arith.constant 0 : i32
        %dma_wait3A_664 = tpu.memref_slice %arg8[%dma_wait3A_662, %dma_wait3A_663] : memref<10240x128xf32, #tpu.memory_space<vmem_shared>> -> memref<10240x128xf32, #tpu.memory_space<vmem_shared>>
        tpu.wait_indirect_dma semaphore(%run_scoped3A_644 : memref<!tpu.dma_semaphore, #tpu.memory_space<semaphore_mem>>) src(%dma_wait3A_658 : memref<125x128xf32, #tpu.memory_space<vmem>>) dst(%dma_wait3A_664 : memref<10240x128xf32, #tpu.memory_space<vmem_shared>>)
        tpu.yield
      }) : () -> ()
      %add3A_503 = arith.constant 2 : i32
      %add3A_504 = arith.addi %mul3A_323, %add3A_503 : i32
      %add3A_505 = arith.constant 4 : i32
      %add3A_506 = arith.addi %add3A_504, %add3A_505 : i32
      %dma_start3A_507 = arith.constant 2 : i32
      %dma_start3A_508 = arith.constant 2 : i32
      %dma_start3A_509 = arith.constant 0 : i32
      %dma_start3A_510 = arith.constant 0 : i32
      %dma_start3A_511 = tpu.memref_slice %arg6[%dma_start3A_507, %dma_start3A_509, %dma_start3A_510] : memref<4x2x125xi32, #tpu.memory_space<vmem>> -> memref<1x2x125xi32, #tpu.memory_space<vmem>>
      %dma_start3A_512 = tpu.memref_squeeze %dma_start3A_511 : memref<1x2x125xi32, #tpu.memory_space<vmem>> -> memref<2x125xi32, #tpu.memory_space<vmem>>
      %dma_start3A_513 = arith.constant 0 : i32
      %dma_start3A_514 = arith.constant 0 : i32
      %dma_start3A_515 = tpu.memref_slice %arg3[%add3A, %add3A_506, %dma_start3A_513, %dma_start3A_514] : memref<32x80x2x125xi32, #tpu.memory_space<hbm>> -> memref<1x1x2x125xi32, #tpu.memory_space<hbm>>
      %dma_start3A_516 = tpu.memref_squeeze %dma_start3A_515 : memref<1x1x2x125xi32, #tpu.memory_space<hbm>> -> memref<2x125xi32, #tpu.memory_space<hbm>>
      %dma_start3A_517 = tpu.memref_slice %arg9[%dma_start3A_508] : memref<4x!tpu.dma_semaphore, #tpu.memory_space<semaphore_mem>> -> memref<1x!tpu.dma_semaphore, #tpu.memory_space<semaphore_mem>>
      %dma_start3A_518 = tpu.memref_squeeze %dma_start3A_517 : memref<1x!tpu.dma_semaphore, #tpu.memory_space<semaphore_mem>> -> memref<!tpu.dma_semaphore, #tpu.memory_space<semaphore_mem>>
      %dma_start3A_519 = arith.constant 0 : i32
      %dma_start3A_520 = arith.constant 0 : i32
      %dma_start3A_521 = tpu.memref_slice %arg6[%dma_start3A_507, %dma_start3A_519, %dma_start3A_520] : memref<4x2x125xi32, #tpu.memory_space<vmem>> -> memref<1x2x125xi32, #tpu.memory_space<vmem>>
      %dma_start3A_522 = tpu.memref_squeeze %dma_start3A_521 : memref<1x2x125xi32, #tpu.memory_space<vmem>> -> memref<2x125xi32, #tpu.memory_space<vmem>>
      %dma_start3A_523 = arith.constant 0 : i32
      %dma_start3A_524 = arith.constant 0 : i32
      %dma_start3A_525 = tpu.memref_slice %arg3[%add3A, %add3A_506, %dma_start3A_523, %dma_start3A_524] : memref<32x80x2x125xi32, #tpu.memory_space<hbm>> -> memref<1x1x2x125xi32, #tpu.memory_space<hbm>>
      %dma_start3A_526 = tpu.memref_squeeze %dma_start3A_525 : memref<1x1x2x125xi32, #tpu.memory_space<hbm>> -> memref<2x125xi32, #tpu.memory_space<hbm>>
      tpu.enqueue_dma source(%dma_start3A_526 : memref<2x125xi32, #tpu.memory_space<hbm>>) target(%dma_start3A_522 : memref<2x125xi32, #tpu.memory_space<vmem>>) target_semaphore(%dma_start3A_518 : memref<!tpu.dma_semaphore, #tpu.memory_space<semaphore_mem>>)
      %dma_wait3A_527 = arith.constant 2 : i32
      %dma_wait3A_528 = arith.constant 0 : i32
      %dma_wait3A_529 = arith.constant 0 : i32
      %dma_wait3A_530 = arith.constant 0 : i32
      %dma_wait3A_531 = arith.constant 0 : i32
      %dma_wait3A_532 = tpu.memref_slice %arg6[%dma_wait3A_528, %dma_wait3A_530, %dma_wait3A_531] : memref<4x2x125xi32, #tpu.memory_space<vmem>> -> memref<1x2x125xi32, #tpu.memory_space<vmem>>
      %dma_wait3A_533 = tpu.memref_squeeze %dma_wait3A_532 : memref<1x2x125xi32, #tpu.memory_space<vmem>> -> memref<2x125xi32, #tpu.memory_space<vmem>>
      %dma_wait3A_534 = arith.constant 0 : i32
      %dma_wait3A_535 = arith.constant 0 : i32
      %dma_wait3A_536 = tpu.memref_slice %arg3[%add3A, %dma_wait3A_527, %dma_wait3A_534, %dma_wait3A_535] : memref<32x80x2x125xi32, #tpu.memory_space<hbm>> -> memref<1x1x2x125xi32, #tpu.memory_space<hbm>>
      %dma_wait3A_537 = tpu.memref_squeeze %dma_wait3A_536 : memref<1x1x2x125xi32, #tpu.memory_space<hbm>> -> memref<2x125xi32, #tpu.memory_space<hbm>>
      %dma_wait3A_538 = tpu.memref_slice %arg9[%dma_wait3A_529] : memref<4x!tpu.dma_semaphore, #tpu.memory_space<semaphore_mem>> -> memref<1x!tpu.dma_semaphore, #tpu.memory_space<semaphore_mem>>
      %dma_wait3A_539 = tpu.memref_squeeze %dma_wait3A_538 : memref<1x!tpu.dma_semaphore, #tpu.memory_space<semaphore_mem>> -> memref<!tpu.dma_semaphore, #tpu.memory_space<semaphore_mem>>
      %dma_wait3A_540 = arith.constant 0 : i32
      %dma_wait3A_541 = arith.constant 0 : i32
      %dma_wait3A_542 = tpu.memref_slice %arg6[%dma_wait3A_528, %dma_wait3A_540, %dma_wait3A_541] : memref<4x2x125xi32, #tpu.memory_space<vmem>> -> memref<1x2x125xi32, #tpu.memory_space<vmem>>
      %dma_wait3A_543 = tpu.memref_squeeze %dma_wait3A_542 : memref<1x2x125xi32, #tpu.memory_space<vmem>> -> memref<2x125xi32, #tpu.memory_space<vmem>>
      %dma_wait3A_544 = arith.constant 0 : i32
      %dma_wait3A_545 = arith.constant 0 : i32
      %dma_wait3A_546 = tpu.memref_slice %arg3[%add3A, %dma_wait3A_527, %dma_wait3A_544, %dma_wait3A_545] : memref<32x80x2x125xi32, #tpu.memory_space<hbm>> -> memref<1x1x2x125xi32, #tpu.memory_space<hbm>>
      %dma_wait3A_547 = tpu.memref_squeeze %dma_wait3A_546 : memref<1x1x2x125xi32, #tpu.memory_space<hbm>> -> memref<2x125xi32, #tpu.memory_space<hbm>>
      tpu.wait_dma2 semaphore(%dma_wait3A_539 : memref<!tpu.dma_semaphore, #tpu.memory_space<semaphore_mem>>) src(%dma_wait3A_547 : memref<2x125xi32, #tpu.memory_space<hbm>>) dst(%dma_wait3A_543 : memref<2x125xi32, #tpu.memory_space<vmem>>)
      %dma_start3A_548 = arith.constant 0 : i32
      %dma_start3A_549 = arith.constant 0 : i32
      %dma_start3A_550 = arith.constant 0 : i32
      %dma_start3A_551 = arith.constant 0 : i32
      %dma_start3A_552 = arith.constant 0 : i32
      %dma_start3A_553 = arith.constant 0 : i32
      %dma_start3A_554 = tpu.memref_slice %arg7[%dma_start3A_550, %dma_start3A_552, %dma_start3A_553] : memref<2x125x128xf32, #tpu.memory_space<vmem>> -> memref<1x125x128xf32, #tpu.memory_space<vmem>>
      %dma_start3A_555 = tpu.memref_squeeze %dma_start3A_554 : memref<1x125x128xf32, #tpu.memory_space<vmem>> -> memref<125x128xf32, #tpu.memory_space<vmem>>
      %dma_start3A_556 = arith.constant 0 : i32
      %dma_start3A_557 = tpu.memref_slice %arg6[%dma_start3A_548, %dma_start3A_549, %dma_start3A_556] : memref<4x2x125xi32, #tpu.memory_space<vmem>> -> memref<1x1x125xi32, #tpu.memory_space<vmem>>
      %dma_start3A_558 = tpu.memref_squeeze %dma_start3A_557 : memref<1x1x125xi32, #tpu.memory_space<vmem>> -> memref<125xi32, #tpu.memory_space<vmem>>
      %dma_start3A_559 = arith.constant 0 : i32
      %dma_start3A_560 = arith.constant 0 : i32
      %dma_start3A_561 = tpu.memref_slice %arg2[%dma_start3A_559, %dma_start3A_560] : memref<10000x128xf32, #tpu.memory_space<hbm>> -> memref<10000x128xf32, #tpu.memory_space<hbm>>
      %dma_start3A_562 = tpu.memref_slice %arg10[%dma_start3A_551] : memref<2x!tpu.dma_semaphore, #tpu.memory_space<semaphore_mem>> -> memref<1x!tpu.dma_semaphore, #tpu.memory_space<semaphore_mem>>
      %dma_start3A_563 = tpu.memref_squeeze %dma_start3A_562 : memref<1x!tpu.dma_semaphore, #tpu.memory_space<semaphore_mem>> -> memref<!tpu.dma_semaphore, #tpu.memory_space<semaphore_mem>>
      tpu.enqueue_indirect_dma source(%dma_start3A_561 : memref<10000x128xf32, #tpu.memory_space<hbm>>) target(%dma_start3A_555 : memref<125x128xf32, #tpu.memory_space<vmem>>) offsets(%dma_start3A_558 : memref<125xi32, #tpu.memory_space<vmem>>) semaphore(%dma_start3A_563 : memref<!tpu.dma_semaphore, #tpu.memory_space<semaphore_mem>>)
      %dma_wait3A_564 = arith.constant 3 : i32
      %dma_wait3A_565 = arith.constant 0 : i32
      %dma_wait3A_566 = arith.constant 1 : i32
      %dma_wait3A_567 = arith.constant 1 : i32
      %dma_wait3A_568 = arith.constant 0 : i32
      %dma_wait3A_569 = arith.constant 0 : i32
      %dma_wait3A_570 = tpu.memref_slice %arg7[%dma_wait3A_566, %dma_wait3A_568, %dma_wait3A_569] : memref<2x125x128xf32, #tpu.memory_space<vmem>> -> memref<1x125x128xf32, #tpu.memory_space<vmem>>
      %dma_wait3A_571 = tpu.memref_squeeze %dma_wait3A_570 : memref<1x125x128xf32, #tpu.memory_space<vmem>> -> memref<125x128xf32, #tpu.memory_space<vmem>>
      %dma_wait3A_572 = arith.constant 0 : i32
      %dma_wait3A_573 = tpu.memref_slice %arg6[%dma_wait3A_564, %dma_wait3A_565, %dma_wait3A_572] : memref<4x2x125xi32, #tpu.memory_space<vmem>> -> memref<1x1x125xi32, #tpu.memory_space<vmem>>
      %dma_wait3A_574 = tpu.memref_squeeze %dma_wait3A_573 : memref<1x1x125xi32, #tpu.memory_space<vmem>> -> memref<125xi32, #tpu.memory_space<vmem>>
      %dma_wait3A_575 = arith.constant 0 : i32
      %dma_wait3A_576 = arith.constant 0 : i32
      %dma_wait3A_577 = tpu.memref_slice %arg2[%dma_wait3A_575, %dma_wait3A_576] : memref<10000x128xf32, #tpu.memory_space<hbm>> -> memref<10000x128xf32, #tpu.memory_space<hbm>>
      %dma_wait3A_578 = tpu.memref_slice %arg10[%dma_wait3A_567] : memref<2x!tpu.dma_semaphore, #tpu.memory_space<semaphore_mem>> -> memref<1x!tpu.dma_semaphore, #tpu.memory_space<semaphore_mem>>
      %dma_wait3A_579 = tpu.memref_squeeze %dma_wait3A_578 : memref<1x!tpu.dma_semaphore, #tpu.memory_space<semaphore_mem>> -> memref<!tpu.dma_semaphore, #tpu.memory_space<semaphore_mem>>
      tpu.wait_indirect_dma semaphore(%dma_wait3A_579 : memref<!tpu.dma_semaphore, #tpu.memory_space<semaphore_mem>>) src(%dma_wait3A_577 : memref<10000x128xf32, #tpu.memory_space<hbm>>) dst(%dma_wait3A_571 : memref<125x128xf32, #tpu.memory_space<vmem>>)
      %run_scoped3A_580 = arith.constant 1 : i32
      %run_scoped3A_581 = arith.constant 3 : i32
      %run_scoped3A_582 = arith.constant 1 : i32
      "tpu.region"() ({
        %run_scoped3A_644 = tpu.sem_alloc : memref<!tpu.dma_semaphore, #tpu.memory_space<semaphore_mem>>
        %dma_start3A_645 = arith.constant 0 : i32
        %dma_start3A_646 = arith.constant 0 : i32
        %dma_start3A_647 = tpu.memref_slice %arg7[%run_scoped3A_580, %dma_start3A_645, %dma_start3A_646] : memref<2x125x128xf32, #tpu.memory_space<vmem>> -> memref<1x125x128xf32, #tpu.memory_space<vmem>>
        %dma_start3A_648 = tpu.memref_squeeze %dma_start3A_647 : memref<1x125x128xf32, #tpu.memory_space<vmem>> -> memref<125x128xf32, #tpu.memory_space<vmem>>
        %dma_start3A_649 = arith.constant 0 : i32
        %dma_start3A_650 = tpu.memref_slice %arg6[%run_scoped3A_581, %run_scoped3A_582, %dma_start3A_649] : memref<4x2x125xi32, #tpu.memory_space<vmem>> -> memref<1x1x125xi32, #tpu.memory_space<vmem>>
        %dma_start3A_651 = tpu.memref_squeeze %dma_start3A_650 : memref<1x1x125xi32, #tpu.memory_space<vmem>> -> memref<125xi32, #tpu.memory_space<vmem>>
        %dma_start3A_652 = arith.constant 0 : i32
        %dma_start3A_653 = arith.constant 0 : i32
        %dma_start3A_654 = tpu.memref_slice %arg8[%dma_start3A_652, %dma_start3A_653] : memref<10240x128xf32, #tpu.memory_space<vmem_shared>> -> memref<10240x128xf32, #tpu.memory_space<vmem_shared>>
        tpu.enqueue_indirect_dma source(%dma_start3A_648 : memref<125x128xf32, #tpu.memory_space<vmem>>) target(%dma_start3A_654 : memref<10240x128xf32, #tpu.memory_space<vmem_shared>>) offsets(%dma_start3A_651 : memref<125xi32, #tpu.memory_space<vmem>>) semaphore(%run_scoped3A_644 : memref<!tpu.dma_semaphore, #tpu.memory_space<semaphore_mem>>) {add = true}
        %dma_wait3A_655 = arith.constant 0 : i32
        %dma_wait3A_656 = arith.constant 0 : i32
        %dma_wait3A_657 = tpu.memref_slice %arg7[%run_scoped3A_580, %dma_wait3A_655, %dma_wait3A_656] : memref<2x125x128xf32, #tpu.memory_space<vmem>> -> memref<1x125x128xf32, #tpu.memory_space<vmem>>
        %dma_wait3A_658 = tpu.memref_squeeze %dma_wait3A_657 : memref<1x125x128xf32, #tpu.memory_space<vmem>> -> memref<125x128xf32, #tpu.memory_space<vmem>>
        %dma_wait3A_659 = arith.constant 0 : i32
        %dma_wait3A_660 = tpu.memref_slice %arg6[%run_scoped3A_581, %run_scoped3A_582, %dma_wait3A_659] : memref<4x2x125xi32, #tpu.memory_space<vmem>> -> memref<1x1x125xi32, #tpu.memory_space<vmem>>
        %dma_wait3A_661 = tpu.memref_squeeze %dma_wait3A_660 : memref<1x1x125xi32, #tpu.memory_space<vmem>> -> memref<125xi32, #tpu.memory_space<vmem>>
        %dma_wait3A_662 = arith.constant 0 : i32
        %dma_wait3A_663 = arith.constant 0 : i32
        %dma_wait3A_664 = tpu.memref_slice %arg8[%dma_wait3A_662, %dma_wait3A_663] : memref<10240x128xf32, #tpu.memory_space<vmem_shared>> -> memref<10240x128xf32, #tpu.memory_space<vmem_shared>>
        tpu.wait_indirect_dma semaphore(%run_scoped3A_644 : memref<!tpu.dma_semaphore, #tpu.memory_space<semaphore_mem>>) src(%dma_wait3A_658 : memref<125x128xf32, #tpu.memory_space<vmem>>) dst(%dma_wait3A_664 : memref<10240x128xf32, #tpu.memory_space<vmem_shared>>)
        tpu.yield
      }) : () -> ()
      %add3A_583 = arith.constant 3 : i32
      %add3A_584 = arith.addi %mul3A_323, %add3A_583 : i32
      %add3A_585 = arith.constant 4 : i32
      %add3A_586 = arith.addi %add3A_584, %add3A_585 : i32
      %dma_start3A_587 = arith.constant 3 : i32
      %dma_start3A_588 = arith.constant 3 : i32
      %dma_start3A_589 = arith.constant 0 : i32
      %dma_start3A_590 = arith.constant 0 : i32
      %dma_start3A_591 = tpu.memref_slice %arg6[%dma_start3A_587, %dma_start3A_589, %dma_start3A_590] : memref<4x2x125xi32, #tpu.memory_space<vmem>> -> memref<1x2x125xi32, #tpu.memory_space<vmem>>
      %dma_start3A_592 = tpu.memref_squeeze %dma_start3A_591 : memref<1x2x125xi32, #tpu.memory_space<vmem>> -> memref<2x125xi32, #tpu.memory_space<vmem>>
      %dma_start3A_593 = arith.constant 0 : i32
      %dma_start3A_594 = arith.constant 0 : i32
      %dma_start3A_595 = tpu.memref_slice %arg3[%add3A, %add3A_586, %dma_start3A_593, %dma_start3A_594] : memref<32x80x2x125xi32, #tpu.memory_space<hbm>> -> memref<1x1x2x125xi32, #tpu.memory_space<hbm>>
      %dma_start3A_596 = tpu.memref_squeeze %dma_start3A_595 : memref<1x1x2x125xi32, #tpu.memory_space<hbm>> -> memref<2x125xi32, #tpu.memory_space<hbm>>
      %dma_start3A_597 = tpu.memref_slice %arg9[%dma_start3A_588] : memref<4x!tpu.dma_semaphore, #tpu.memory_space<semaphore_mem>> -> memref<1x!tpu.dma_semaphore, #tpu.memory_space<semaphore_mem>>
      %dma_start3A_598 = tpu.memref_squeeze %dma_start3A_597 : memref<1x!tpu.dma_semaphore, #tpu.memory_space<semaphore_mem>> -> memref<!tpu.dma_semaphore, #tpu.memory_space<semaphore_mem>>
      %dma_start3A_599 = arith.constant 0 : i32
      %dma_start3A_600 = arith.constant 0 : i32
      %dma_start3A_601 = tpu.memref_slice %arg6[%dma_start3A_587, %dma_start3A_599, %dma_start3A_600] : memref<4x2x125xi32, #tpu.memory_space<vmem>> -> memref<1x2x125xi32, #tpu.memory_space<vmem>>
      %dma_start3A_602 = tpu.memref_squeeze %dma_start3A_601 : memref<1x2x125xi32, #tpu.memory_space<vmem>> -> memref<2x125xi32, #tpu.memory_space<vmem>>
      %dma_start3A_603 = arith.constant 0 : i32
      %dma_start3A_604 = arith.constant 0 : i32
      %dma_start3A_605 = tpu.memref_slice %arg3[%add3A, %add3A_586, %dma_start3A_603, %dma_start3A_604] : memref<32x80x2x125xi32, #tpu.memory_space<hbm>> -> memref<1x1x2x125xi32, #tpu.memory_space<hbm>>
      %dma_start3A_606 = tpu.memref_squeeze %dma_start3A_605 : memref<1x1x2x125xi32, #tpu.memory_space<hbm>> -> memref<2x125xi32, #tpu.memory_space<hbm>>
      tpu.enqueue_dma source(%dma_start3A_606 : memref<2x125xi32, #tpu.memory_space<hbm>>) target(%dma_start3A_602 : memref<2x125xi32, #tpu.memory_space<vmem>>) target_semaphore(%dma_start3A_598 : memref<!tpu.dma_semaphore, #tpu.memory_space<semaphore_mem>>)
      %dma_wait3A_607 = arith.constant 3 : i32
      %dma_wait3A_608 = arith.constant 1 : i32
      %dma_wait3A_609 = arith.constant 1 : i32
      %dma_wait3A_610 = arith.constant 0 : i32
      %dma_wait3A_611 = arith.constant 0 : i32
      %dma_wait3A_612 = tpu.memref_slice %arg6[%dma_wait3A_608, %dma_wait3A_610, %dma_wait3A_611] : memref<4x2x125xi32, #tpu.memory_space<vmem>> -> memref<1x2x125xi32, #tpu.memory_space<vmem>>
      %dma_wait3A_613 = tpu.memref_squeeze %dma_wait3A_612 : memref<1x2x125xi32, #tpu.memory_space<vmem>> -> memref<2x125xi32, #tpu.memory_space<vmem>>
      %dma_wait3A_614 = arith.constant 0 : i32
      %dma_wait3A_615 = arith.constant 0 : i32
      %dma_wait3A_616 = tpu.memref_slice %arg3[%add3A, %dma_wait3A_607, %dma_wait3A_614, %dma_wait3A_615] : memref<32x80x2x125xi32, #tpu.memory_space<hbm>> -> memref<1x1x2x125xi32, #tpu.memory_space<hbm>>
      %dma_wait3A_617 = tpu.memref_squeeze %dma_wait3A_616 : memref<1x1x2x125xi32, #tpu.memory_space<hbm>> -> memref<2x125xi32, #tpu.memory_space<hbm>>
      %dma_wait3A_618 = tpu.memref_slice %arg9[%dma_wait3A_609] : memref<4x!tpu.dma_semaphore, #tpu.memory_space<semaphore_mem>> -> memref<1x!tpu.dma_semaphore, #tpu.memory_space<semaphore_mem>>
      %dma_wait3A_619 = tpu.memref_squeeze %dma_wait3A_618 : memref<1x!tpu.dma_semaphore, #tpu.memory_space<semaphore_mem>> -> memref<!tpu.dma_semaphore, #tpu.memory_space<semaphore_mem>>
      %dma_wait3A_620 = arith.constant 0 : i32
      %dma_wait3A_621 = arith.constant 0 : i32
      %dma_wait3A_622 = tpu.memref_slice %arg6[%dma_wait3A_608, %dma_wait3A_620, %dma_wait3A_621] : memref<4x2x125xi32, #tpu.memory_space<vmem>> -> memref<1x2x125xi32, #tpu.memory_space<vmem>>
      %dma_wait3A_623 = tpu.memref_squeeze %dma_wait3A_622 : memref<1x2x125xi32, #tpu.memory_space<vmem>> -> memref<2x125xi32, #tpu.memory_space<vmem>>
      %dma_wait3A_624 = arith.constant 0 : i32
      %dma_wait3A_625 = arith.constant 0 : i32
      %dma_wait3A_626 = tpu.memref_slice %arg3[%add3A, %dma_wait3A_607, %dma_wait3A_624, %dma_wait3A_625] : memref<32x80x2x125xi32, #tpu.memory_space<hbm>> -> memref<1x1x2x125xi32, #tpu.memory_space<hbm>>
      %dma_wait3A_627 = tpu.memref_squeeze %dma_wait3A_626 : memref<1x1x2x125xi32, #tpu.memory_space<hbm>> -> memref<2x125xi32, #tpu.memory_space<hbm>>
      tpu.wait_dma2 semaphore(%dma_wait3A_619 : memref<!tpu.dma_semaphore, #tpu.memory_space<semaphore_mem>>) src(%dma_wait3A_627 : memref<2x125xi32, #tpu.memory_space<hbm>>) dst(%dma_wait3A_623 : memref<2x125xi32, #tpu.memory_space<vmem>>)
      %dma_start3A_628 = arith.constant 1 : i32
      %dma_start3A_629 = arith.constant 0 : i32
      %dma_start3A_630 = arith.constant 1 : i32
      %dma_start3A_631 = arith.constant 1 : i32
      %dma_start3A_632 = arith.constant 0 : i32
      %dma_start3A_633 = arith.constant 0 : i32
      %dma_start3A_634 = tpu.memref_slice %arg7[%dma_start3A_630, %dma_start3A_632, %dma_start3A_633] : memref<2x125x128xf32, #tpu.memory_space<vmem>> -> memref<1x125x128xf32, #tpu.memory_space<vmem>>
      %dma_start3A_635 = tpu.memref_squeeze %dma_start3A_634 : memref<1x125x128xf32, #tpu.memory_space<vmem>> -> memref<125x128xf32, #tpu.memory_space<vmem>>
      %dma_start3A_636 = arith.constant 0 : i32
      %dma_start3A_637 = tpu.memref_slice %arg6[%dma_start3A_628, %dma_start3A_629, %dma_start3A_636] : memref<4x2x125xi32, #tpu.memory_space<vmem>> -> memref<1x1x125xi32, #tpu.memory_space<vmem>>
      %dma_start3A_638 = tpu.memref_squeeze %dma_start3A_637 : memref<1x1x125xi32, #tpu.memory_space<vmem>> -> memref<125xi32, #tpu.memory_space<vmem>>
      %dma_start3A_639 = arith.constant 0 : i32
      %dma_start3A_640 = arith.constant 0 : i32
      %dma_start3A_641 = tpu.memref_slice %arg2[%dma_start3A_639, %dma_start3A_640] : memref<10000x128xf32, #tpu.memory_space<hbm>> -> memref<10000x128xf32, #tpu.memory_space<hbm>>
      %dma_start3A_642 = tpu.memref_slice %arg10[%dma_start3A_631] : memref<2x!tpu.dma_semaphore, #tpu.memory_space<semaphore_mem>> -> memref<1x!tpu.dma_semaphore, #tpu.memory_space<semaphore_mem>>
      %dma_start3A_643 = tpu.memref_squeeze %dma_start3A_642 : memref<1x!tpu.dma_semaphore, #tpu.memory_space<semaphore_mem>> -> memref<!tpu.dma_semaphore, #tpu.memory_space<semaphore_mem>>
      tpu.enqueue_indirect_dma source(%dma_start3A_641 : memref<10000x128xf32, #tpu.memory_space<hbm>>) target(%dma_start3A_635 : memref<125x128xf32, #tpu.memory_space<vmem>>) offsets(%dma_start3A_638 : memref<125xi32, #tpu.memory_space<vmem>>) semaphore(%dma_start3A_643 : memref<!tpu.dma_semaphore, #tpu.memory_space<semaphore_mem>>)
    }
    %scan3A_162 = arith.constant 19 : i32
    %dma_wait3A_163 = arith.constant 0 : i32
    %dma_wait3A_164 = arith.constant 0 : i32
    %dma_wait3A_165 = arith.constant 0 : i32
    %dma_wait3A_166 = arith.constant 0 : i32
    %dma_wait3A_167 = arith.constant 0 : i32
    %dma_wait3A_168 = arith.constant 0 : i32
    %dma_wait3A_169 = tpu.memref_slice %arg7[%dma_wait3A_165, %dma_wait3A_167, %dma_wait3A_168] : memref<2x125x128xf32, #tpu.memory_space<vmem>> -> memref<1x125x128xf32, #tpu.memory_space<vmem>>
    %dma_wait3A_170 = tpu.memref_squeeze %dma_wait3A_169 : memref<1x125x128xf32, #tpu.memory_space<vmem>> -> memref<125x128xf32, #tpu.memory_space<vmem>>
    %dma_wait3A_171 = arith.constant 0 : i32
    %dma_wait3A_172 = tpu.memref_slice %arg6[%dma_wait3A_163, %dma_wait3A_164, %dma_wait3A_171] : memref<4x2x125xi32, #tpu.memory_space<vmem>> -> memref<1x1x125xi32, #tpu.memory_space<vmem>>
    %dma_wait3A_173 = tpu.memref_squeeze %dma_wait3A_172 : memref<1x1x125xi32, #tpu.memory_space<vmem>> -> memref<125xi32, #tpu.memory_space<vmem>>
    %dma_wait3A_174 = arith.constant 0 : i32
    %dma_wait3A_175 = arith.constant 0 : i32
    %dma_wait3A_176 = tpu.memref_slice %arg2[%dma_wait3A_174, %dma_wait3A_175] : memref<10000x128xf32, #tpu.memory_space<hbm>> -> memref<10000x128xf32, #tpu.memory_space<hbm>>
    %dma_wait3A_177 = tpu.memref_slice %arg10[%dma_wait3A_166] : memref<2x!tpu.dma_semaphore, #tpu.memory_space<semaphore_mem>> -> memref<1x!tpu.dma_semaphore, #tpu.memory_space<semaphore_mem>>
    %dma_wait3A_178 = tpu.memref_squeeze %dma_wait3A_177 : memref<1x!tpu.dma_semaphore, #tpu.memory_space<semaphore_mem>> -> memref<!tpu.dma_semaphore, #tpu.memory_space<semaphore_mem>>
    tpu.wait_indirect_dma semaphore(%dma_wait3A_178 : memref<!tpu.dma_semaphore, #tpu.memory_space<semaphore_mem>>) src(%dma_wait3A_176 : memref<10000x128xf32, #tpu.memory_space<hbm>>) dst(%dma_wait3A_170 : memref<125x128xf32, #tpu.memory_space<vmem>>)
    %run_scoped3A = arith.constant 0 : i32
    %run_scoped3A_179 = arith.constant 0 : i32
    %run_scoped3A_180 = arith.constant 1 : i32
    "tpu.region"() ({
      %run_scoped3A_317 = tpu.sem_alloc : memref<!tpu.dma_semaphore, #tpu.memory_space<semaphore_mem>>
      %dma_start3A_318 = arith.constant 0 : i32
      %dma_start3A_319 = arith.constant 0 : i32
      %dma_start3A_320 = tpu.memref_slice %arg7[%run_scoped3A, %dma_start3A_318, %dma_start3A_319] : memref<2x125x128xf32, #tpu.memory_space<vmem>> -> memref<1x125x128xf32, #tpu.memory_space<vmem>>
      %dma_start3A_321 = tpu.memref_squeeze %dma_start3A_320 : memref<1x125x128xf32, #tpu.memory_space<vmem>> -> memref<125x128xf32, #tpu.memory_space<vmem>>
      %dma_start3A_322 = arith.constant 0 : i32
      %dma_start3A_323 = tpu.memref_slice %arg6[%run_scoped3A_179, %run_scoped3A_180, %dma_start3A_322] : memref<4x2x125xi32, #tpu.memory_space<vmem>> -> memref<1x1x125xi32, #tpu.memory_space<vmem>>
      %dma_start3A_324 = tpu.memref_squeeze %dma_start3A_323 : memref<1x1x125xi32, #tpu.memory_space<vmem>> -> memref<125xi32, #tpu.memory_space<vmem>>
      %dma_start3A_325 = arith.constant 0 : i32
      %dma_start3A_326 = arith.constant 0 : i32
      %dma_start3A_327 = tpu.memref_slice %arg8[%dma_start3A_325, %dma_start3A_326] : memref<10240x128xf32, #tpu.memory_space<vmem_shared>> -> memref<10240x128xf32, #tpu.memory_space<vmem_shared>>
      tpu.enqueue_indirect_dma source(%dma_start3A_321 : memref<125x128xf32, #tpu.memory_space<vmem>>) target(%dma_start3A_327 : memref<10240x128xf32, #tpu.memory_space<vmem_shared>>) offsets(%dma_start3A_324 : memref<125xi32, #tpu.memory_space<vmem>>) semaphore(%run_scoped3A_317 : memref<!tpu.dma_semaphore, #tpu.memory_space<semaphore_mem>>) {add = true}
      %dma_wait3A_328 = arith.constant 0 : i32
      %dma_wait3A_329 = arith.constant 0 : i32
      %dma_wait3A_330 = tpu.memref_slice %arg7[%run_scoped3A, %dma_wait3A_328, %dma_wait3A_329] : memref<2x125x128xf32, #tpu.memory_space<vmem>> -> memref<1x125x128xf32, #tpu.memory_space<vmem>>
      %dma_wait3A_331 = tpu.memref_squeeze %dma_wait3A_330 : memref<1x125x128xf32, #tpu.memory_space<vmem>> -> memref<125x128xf32, #tpu.memory_space<vmem>>
      %dma_wait3A_332 = arith.constant 0 : i32
      %dma_wait3A_333 = tpu.memref_slice %arg6[%run_scoped3A_179, %run_scoped3A_180, %dma_wait3A_332] : memref<4x2x125xi32, #tpu.memory_space<vmem>> -> memref<1x1x125xi32, #tpu.memory_space<vmem>>
      %dma_wait3A_334 = tpu.memref_squeeze %dma_wait3A_333 : memref<1x1x125xi32, #tpu.memory_space<vmem>> -> memref<125xi32, #tpu.memory_space<vmem>>
      %dma_wait3A_335 = arith.constant 0 : i32
      %dma_wait3A_336 = arith.constant 0 : i32
      %dma_wait3A_337 = tpu.memref_slice %arg8[%dma_wait3A_335, %dma_wait3A_336] : memref<10240x128xf32, #tpu.memory_space<vmem_shared>> -> memref<10240x128xf32, #tpu.memory_space<vmem_shared>>
      tpu.wait_indirect_dma semaphore(%run_scoped3A_317 : memref<!tpu.dma_semaphore, #tpu.memory_space<semaphore_mem>>) src(%dma_wait3A_331 : memref<125x128xf32, #tpu.memory_space<vmem>>) dst(%dma_wait3A_337 : memref<10240x128xf32, #tpu.memory_space<vmem_shared>>)
      tpu.yield
    }) : () -> ()
    %dma_wait3A_181 = arith.constant 0 : i32
    %dma_wait3A_182 = arith.constant 2 : i32
    %dma_wait3A_183 = arith.constant 2 : i32
    %dma_wait3A_184 = arith.constant 0 : i32
    %dma_wait3A_185 = arith.constant 0 : i32
    %dma_wait3A_186 = tpu.memref_slice %arg6[%dma_wait3A_182, %dma_wait3A_184, %dma_wait3A_185] : memref<4x2x125xi32, #tpu.memory_space<vmem>> -> memref<1x2x125xi32, #tpu.memory_space<vmem>>
    %dma_wait3A_187 = tpu.memref_squeeze %dma_wait3A_186 : memref<1x2x125xi32, #tpu.memory_space<vmem>> -> memref<2x125xi32, #tpu.memory_space<vmem>>
    %dma_wait3A_188 = arith.constant 0 : i32
    %dma_wait3A_189 = arith.constant 0 : i32
    %dma_wait3A_190 = tpu.memref_slice %arg3[%add3A, %dma_wait3A_181, %dma_wait3A_188, %dma_wait3A_189] : memref<32x80x2x125xi32, #tpu.memory_space<hbm>> -> memref<1x1x2x125xi32, #tpu.memory_space<hbm>>
    %dma_wait3A_191 = tpu.memref_squeeze %dma_wait3A_190 : memref<1x1x2x125xi32, #tpu.memory_space<hbm>> -> memref<2x125xi32, #tpu.memory_space<hbm>>
    %dma_wait3A_192 = tpu.memref_slice %arg9[%dma_wait3A_183] : memref<4x!tpu.dma_semaphore, #tpu.memory_space<semaphore_mem>> -> memref<1x!tpu.dma_semaphore, #tpu.memory_space<semaphore_mem>>
    %dma_wait3A_193 = tpu.memref_squeeze %dma_wait3A_192 : memref<1x!tpu.dma_semaphore, #tpu.memory_space<semaphore_mem>> -> memref<!tpu.dma_semaphore, #tpu.memory_space<semaphore_mem>>
    %dma_wait3A_194 = arith.constant 0 : i32
    %dma_wait3A_195 = arith.constant 0 : i32
    %dma_wait3A_196 = tpu.memref_slice %arg6[%dma_wait3A_182, %dma_wait3A_194, %dma_wait3A_195] : memref<4x2x125xi32, #tpu.memory_space<vmem>> -> memref<1x2x125xi32, #tpu.memory_space<vmem>>
    %dma_wait3A_197 = tpu.memref_squeeze %dma_wait3A_196 : memref<1x2x125xi32, #tpu.memory_space<vmem>> -> memref<2x125xi32, #tpu.memory_space<vmem>>
    %dma_wait3A_198 = arith.constant 0 : i32
    %dma_wait3A_199 = arith.constant 0 : i32
    %dma_wait3A_200 = tpu.memref_slice %arg3[%add3A, %dma_wait3A_181, %dma_wait3A_198, %dma_wait3A_199] : memref<32x80x2x125xi32, #tpu.memory_space<hbm>> -> memref<1x1x2x125xi32, #tpu.memory_space<hbm>>
    %dma_wait3A_201 = tpu.memref_squeeze %dma_wait3A_200 : memref<1x1x2x125xi32, #tpu.memory_space<hbm>> -> memref<2x125xi32, #tpu.memory_space<hbm>>
    tpu.wait_dma2 semaphore(%dma_wait3A_193 : memref<!tpu.dma_semaphore, #tpu.memory_space<semaphore_mem>>) src(%dma_wait3A_201 : memref<2x125xi32, #tpu.memory_space<hbm>>) dst(%dma_wait3A_197 : memref<2x125xi32, #tpu.memory_space<vmem>>)
    %dma_start3A_202 = arith.constant 2 : i32
    %dma_start3A_203 = arith.constant 0 : i32
    %dma_start3A_204 = arith.constant 0 : i32
    %dma_start3A_205 = arith.constant 0 : i32
    %dma_start3A_206 = arith.constant 0 : i32
    %dma_start3A_207 = arith.constant 0 : i32
    %dma_start3A_208 = tpu.memref_slice %arg7[%dma_start3A_204, %dma_start3A_206, %dma_start3A_207] : memref<2x125x128xf32, #tpu.memory_space<vmem>> -> memref<1x125x128xf32, #tpu.memory_space<vmem>>
    %dma_start3A_209 = tpu.memref_squeeze %dma_start3A_208 : memref<1x125x128xf32, #tpu.memory_space<vmem>> -> memref<125x128xf32, #tpu.memory_space<vmem>>
    %dma_start3A_210 = arith.constant 0 : i32
    %dma_start3A_211 = tpu.memref_slice %arg6[%dma_start3A_202, %dma_start3A_203, %dma_start3A_210] : memref<4x2x125xi32, #tpu.memory_space<vmem>> -> memref<1x1x125xi32, #tpu.memory_space<vmem>>
    %dma_start3A_212 = tpu.memref_squeeze %dma_start3A_211 : memref<1x1x125xi32, #tpu.memory_space<vmem>> -> memref<125xi32, #tpu.memory_space<vmem>>
    %dma_start3A_213 = arith.constant 0 : i32
    %dma_start3A_214 = arith.constant 0 : i32
    %dma_start3A_215 = tpu.memref_slice %arg2[%dma_start3A_213, %dma_start3A_214] : memref<10000x128xf32, #tpu.memory_space<hbm>> -> memref<10000x128xf32, #tpu.memory_space<hbm>>
    %dma_start3A_216 = tpu.memref_slice %arg10[%dma_start3A_205] : memref<2x!tpu.dma_semaphore, #tpu.memory_space<semaphore_mem>> -> memref<1x!tpu.dma_semaphore, #tpu.memory_space<semaphore_mem>>
    %dma_start3A_217 = tpu.memref_squeeze %dma_start3A_216 : memref<1x!tpu.dma_semaphore, #tpu.memory_space<semaphore_mem>> -> memref<!tpu.dma_semaphore, #tpu.memory_space<semaphore_mem>>
    tpu.enqueue_indirect_dma source(%dma_start3A_215 : memref<10000x128xf32, #tpu.memory_space<hbm>>) target(%dma_start3A_209 : memref<125x128xf32, #tpu.memory_space<vmem>>) offsets(%dma_start3A_212 : memref<125xi32, #tpu.memory_space<vmem>>) semaphore(%dma_start3A_217 : memref<!tpu.dma_semaphore, #tpu.memory_space<semaphore_mem>>)
    %dma_wait3A_218 = arith.constant 1 : i32
    %dma_wait3A_219 = arith.constant 0 : i32
    %dma_wait3A_220 = arith.constant 1 : i32
    %dma_wait3A_221 = arith.constant 1 : i32
    %dma_wait3A_222 = arith.constant 0 : i32
    %dma_wait3A_223 = arith.constant 0 : i32
    %dma_wait3A_224 = tpu.memref_slice %arg7[%dma_wait3A_220, %dma_wait3A_222, %dma_wait3A_223] : memref<2x125x128xf32, #tpu.memory_space<vmem>> -> memref<1x125x128xf32, #tpu.memory_space<vmem>>
    %dma_wait3A_225 = tpu.memref_squeeze %dma_wait3A_224 : memref<1x125x128xf32, #tpu.memory_space<vmem>> -> memref<125x128xf32, #tpu.memory_space<vmem>>
    %dma_wait3A_226 = arith.constant 0 : i32
    %dma_wait3A_227 = tpu.memref_slice %arg6[%dma_wait3A_218, %dma_wait3A_219, %dma_wait3A_226] : memref<4x2x125xi32, #tpu.memory_space<vmem>> -> memref<1x1x125xi32, #tpu.memory_space<vmem>>
    %dma_wait3A_228 = tpu.memref_squeeze %dma_wait3A_227 : memref<1x1x125xi32, #tpu.memory_space<vmem>> -> memref<125xi32, #tpu.memory_space<vmem>>
    %dma_wait3A_229 = arith.constant 0 : i32
    %dma_wait3A_230 = arith.constant 0 : i32
    %dma_wait3A_231 = tpu.memref_slice %arg2[%dma_wait3A_229, %dma_wait3A_230] : memref<10000x128xf32, #tpu.memory_space<hbm>> -> memref<10000x128xf32, #tpu.memory_space<hbm>>
    %dma_wait3A_232 = tpu.memref_slice %arg10[%dma_wait3A_221] : memref<2x!tpu.dma_semaphore, #tpu.memory_space<semaphore_mem>> -> memref<1x!tpu.dma_semaphore, #tpu.memory_space<semaphore_mem>>
    %dma_wait3A_233 = tpu.memref_squeeze %dma_wait3A_232 : memref<1x!tpu.dma_semaphore, #tpu.memory_space<semaphore_mem>> -> memref<!tpu.dma_semaphore, #tpu.memory_space<semaphore_mem>>
    tpu.wait_indirect_dma semaphore(%dma_wait3A_233 : memref<!tpu.dma_semaphore, #tpu.memory_space<semaphore_mem>>) src(%dma_wait3A_231 : memref<10000x128xf32, #tpu.memory_space<hbm>>) dst(%dma_wait3A_225 : memref<125x128xf32, #tpu.memory_space<vmem>>)
    %run_scoped3A_234 = arith.constant 1 : i32
    %run_scoped3A_235 = arith.constant 1 : i32
    %run_scoped3A_236 = arith.constant 1 : i32
    "tpu.region"() ({
      %run_scoped3A_317 = tpu.sem_alloc : memref<!tpu.dma_semaphore, #tpu.memory_space<semaphore_mem>>
      %dma_start3A_318 = arith.constant 0 : i32
      %dma_start3A_319 = arith.constant 0 : i32
      %dma_start3A_320 = tpu.memref_slice %arg7[%run_scoped3A_234, %dma_start3A_318, %dma_start3A_319] : memref<2x125x128xf32, #tpu.memory_space<vmem>> -> memref<1x125x128xf32, #tpu.memory_space<vmem>>
      %dma_start3A_321 = tpu.memref_squeeze %dma_start3A_320 : memref<1x125x128xf32, #tpu.memory_space<vmem>> -> memref<125x128xf32, #tpu.memory_space<vmem>>
      %dma_start3A_322 = arith.constant 0 : i32
      %dma_start3A_323 = tpu.memref_slice %arg6[%run_scoped3A_235, %run_scoped3A_236, %dma_start3A_322] : memref<4x2x125xi32, #tpu.memory_space<vmem>> -> memref<1x1x125xi32, #tpu.memory_space<vmem>>
      %dma_start3A_324 = tpu.memref_squeeze %dma_start3A_323 : memref<1x1x125xi32, #tpu.memory_space<vmem>> -> memref<125xi32, #tpu.memory_space<vmem>>
      %dma_start3A_325 = arith.constant 0 : i32
      %dma_start3A_326 = arith.constant 0 : i32
      %dma_start3A_327 = tpu.memref_slice %arg8[%dma_start3A_325, %dma_start3A_326] : memref<10240x128xf32, #tpu.memory_space<vmem_shared>> -> memref<10240x128xf32, #tpu.memory_space<vmem_shared>>
      tpu.enqueue_indirect_dma source(%dma_start3A_321 : memref<125x128xf32, #tpu.memory_space<vmem>>) target(%dma_start3A_327 : memref<10240x128xf32, #tpu.memory_space<vmem_shared>>) offsets(%dma_start3A_324 : memref<125xi32, #tpu.memory_space<vmem>>) semaphore(%run_scoped3A_317 : memref<!tpu.dma_semaphore, #tpu.memory_space<semaphore_mem>>) {add = true}
      %dma_wait3A_328 = arith.constant 0 : i32
      %dma_wait3A_329 = arith.constant 0 : i32
      %dma_wait3A_330 = tpu.memref_slice %arg7[%run_scoped3A_234, %dma_wait3A_328, %dma_wait3A_329] : memref<2x125x128xf32, #tpu.memory_space<vmem>> -> memref<1x125x128xf32, #tpu.memory_space<vmem>>
      %dma_wait3A_331 = tpu.memref_squeeze %dma_wait3A_330 : memref<1x125x128xf32, #tpu.memory_space<vmem>> -> memref<125x128xf32, #tpu.memory_space<vmem>>
      %dma_wait3A_332 = arith.constant 0 : i32
      %dma_wait3A_333 = tpu.memref_slice %arg6[%run_scoped3A_235, %run_scoped3A_236, %dma_wait3A_332] : memref<4x2x125xi32, #tpu.memory_space<vmem>> -> memref<1x1x125xi32, #tpu.memory_space<vmem>>
      %dma_wait3A_334 = tpu.memref_squeeze %dma_wait3A_333 : memref<1x1x125xi32, #tpu.memory_space<vmem>> -> memref<125xi32, #tpu.memory_space<vmem>>
      %dma_wait3A_335 = arith.constant 0 : i32
      %dma_wait3A_336 = arith.constant 0 : i32
      %dma_wait3A_337 = tpu.memref_slice %arg8[%dma_wait3A_335, %dma_wait3A_336] : memref<10240x128xf32, #tpu.memory_space<vmem_shared>> -> memref<10240x128xf32, #tpu.memory_space<vmem_shared>>
      tpu.wait_indirect_dma semaphore(%run_scoped3A_317 : memref<!tpu.dma_semaphore, #tpu.memory_space<semaphore_mem>>) src(%dma_wait3A_331 : memref<125x128xf32, #tpu.memory_space<vmem>>) dst(%dma_wait3A_337 : memref<10240x128xf32, #tpu.memory_space<vmem_shared>>)
      tpu.yield
    }) : () -> ()
    %dma_wait3A_237 = arith.constant 1 : i32
    %dma_wait3A_238 = arith.constant 3 : i32
    %dma_wait3A_239 = arith.constant 3 : i32
    %dma_wait3A_240 = arith.constant 0 : i32
    %dma_wait3A_241 = arith.constant 0 : i32
    %dma_wait3A_242 = tpu.memref_slice %arg6[%dma_wait3A_238, %dma_wait3A_240, %dma_wait3A_241] : memref<4x2x125xi32, #tpu.memory_space<vmem>> -> memref<1x2x125xi32, #tpu.memory_space<vmem>>
    %dma_wait3A_243 = tpu.memref_squeeze %dma_wait3A_242 : memref<1x2x125xi32, #tpu.memory_space<vmem>> -> memref<2x125xi32, #tpu.memory_space<vmem>>
    %dma_wait3A_244 = arith.constant 0 : i32
    %dma_wait3A_245 = arith.constant 0 : i32
    %dma_wait3A_246 = tpu.memref_slice %arg3[%add3A, %dma_wait3A_237, %dma_wait3A_244, %dma_wait3A_245] : memref<32x80x2x125xi32, #tpu.memory_space<hbm>> -> memref<1x1x2x125xi32, #tpu.memory_space<hbm>>
    %dma_wait3A_247 = tpu.memref_squeeze %dma_wait3A_246 : memref<1x1x2x125xi32, #tpu.memory_space<hbm>> -> memref<2x125xi32, #tpu.memory_space<hbm>>
    %dma_wait3A_248 = tpu.memref_slice %arg9[%dma_wait3A_239] : memref<4x!tpu.dma_semaphore, #tpu.memory_space<semaphore_mem>> -> memref<1x!tpu.dma_semaphore, #tpu.memory_space<semaphore_mem>>
    %dma_wait3A_249 = tpu.memref_squeeze %dma_wait3A_248 : memref<1x!tpu.dma_semaphore, #tpu.memory_space<semaphore_mem>> -> memref<!tpu.dma_semaphore, #tpu.memory_space<semaphore_mem>>
    %dma_wait3A_250 = arith.constant 0 : i32
    %dma_wait3A_251 = arith.constant 0 : i32
    %dma_wait3A_252 = tpu.memref_slice %arg6[%dma_wait3A_238, %dma_wait3A_250, %dma_wait3A_251] : memref<4x2x125xi32, #tpu.memory_space<vmem>> -> memref<1x2x125xi32, #tpu.memory_space<vmem>>
    %dma_wait3A_253 = tpu.memref_squeeze %dma_wait3A_252 : memref<1x2x125xi32, #tpu.memory_space<vmem>> -> memref<2x125xi32, #tpu.memory_space<vmem>>
    %dma_wait3A_254 = arith.constant 0 : i32
    %dma_wait3A_255 = arith.constant 0 : i32
    %dma_wait3A_256 = tpu.memref_slice %arg3[%add3A, %dma_wait3A_237, %dma_wait3A_254, %dma_wait3A_255] : memref<32x80x2x125xi32, #tpu.memory_space<hbm>> -> memref<1x1x2x125xi32, #tpu.memory_space<hbm>>
    %dma_wait3A_257 = tpu.memref_squeeze %dma_wait3A_256 : memref<1x1x2x125xi32, #tpu.memory_space<hbm>> -> memref<2x125xi32, #tpu.memory_space<hbm>>
    tpu.wait_dma2 semaphore(%dma_wait3A_249 : memref<!tpu.dma_semaphore, #tpu.memory_space<semaphore_mem>>) src(%dma_wait3A_257 : memref<2x125xi32, #tpu.memory_space<hbm>>) dst(%dma_wait3A_253 : memref<2x125xi32, #tpu.memory_space<vmem>>)
    %dma_start3A_258 = arith.constant 3 : i32
    %dma_start3A_259 = arith.constant 0 : i32
    %dma_start3A_260 = arith.constant 1 : i32
    %dma_start3A_261 = arith.constant 1 : i32
    %dma_start3A_262 = arith.constant 0 : i32
    %dma_start3A_263 = arith.constant 0 : i32
    %dma_start3A_264 = tpu.memref_slice %arg7[%dma_start3A_260, %dma_start3A_262, %dma_start3A_263] : memref<2x125x128xf32, #tpu.memory_space<vmem>> -> memref<1x125x128xf32, #tpu.memory_space<vmem>>
    %dma_start3A_265 = tpu.memref_squeeze %dma_start3A_264 : memref<1x125x128xf32, #tpu.memory_space<vmem>> -> memref<125x128xf32, #tpu.memory_space<vmem>>
    %dma_start3A_266 = arith.constant 0 : i32
    %dma_start3A_267 = tpu.memref_slice %arg6[%dma_start3A_258, %dma_start3A_259, %dma_start3A_266] : memref<4x2x125xi32, #tpu.memory_space<vmem>> -> memref<1x1x125xi32, #tpu.memory_space<vmem>>
    %dma_start3A_268 = tpu.memref_squeeze %dma_start3A_267 : memref<1x1x125xi32, #tpu.memory_space<vmem>> -> memref<125xi32, #tpu.memory_space<vmem>>
    %dma_start3A_269 = arith.constant 0 : i32
    %dma_start3A_270 = arith.constant 0 : i32
    %dma_start3A_271 = tpu.memref_slice %arg2[%dma_start3A_269, %dma_start3A_270] : memref<10000x128xf32, #tpu.memory_space<hbm>> -> memref<10000x128xf32, #tpu.memory_space<hbm>>
    %dma_start3A_272 = tpu.memref_slice %arg10[%dma_start3A_261] : memref<2x!tpu.dma_semaphore, #tpu.memory_space<semaphore_mem>> -> memref<1x!tpu.dma_semaphore, #tpu.memory_space<semaphore_mem>>
    %dma_start3A_273 = tpu.memref_squeeze %dma_start3A_272 : memref<1x!tpu.dma_semaphore, #tpu.memory_space<semaphore_mem>> -> memref<!tpu.dma_semaphore, #tpu.memory_space<semaphore_mem>>
    tpu.enqueue_indirect_dma source(%dma_start3A_271 : memref<10000x128xf32, #tpu.memory_space<hbm>>) target(%dma_start3A_265 : memref<125x128xf32, #tpu.memory_space<vmem>>) offsets(%dma_start3A_268 : memref<125xi32, #tpu.memory_space<vmem>>) semaphore(%dma_start3A_273 : memref<!tpu.dma_semaphore, #tpu.memory_space<semaphore_mem>>)
    %dma_wait3A_274 = arith.constant 2 : i32
    %dma_wait3A_275 = arith.constant 0 : i32
    %dma_wait3A_276 = arith.constant 0 : i32
    %dma_wait3A_277 = arith.constant 0 : i32
    %dma_wait3A_278 = arith.constant 0 : i32
    %dma_wait3A_279 = arith.constant 0 : i32
    %dma_wait3A_280 = tpu.memref_slice %arg7[%dma_wait3A_276, %dma_wait3A_278, %dma_wait3A_279] : memref<2x125x128xf32, #tpu.memory_space<vmem>> -> memref<1x125x128xf32, #tpu.memory_space<vmem>>
    %dma_wait3A_281 = tpu.memref_squeeze %dma_wait3A_280 : memref<1x125x128xf32, #tpu.memory_space<vmem>> -> memref<125x128xf32, #tpu.memory_space<vmem>>
    %dma_wait3A_282 = arith.constant 0 : i32
    %dma_wait3A_283 = tpu.memref_slice %arg6[%dma_wait3A_274, %dma_wait3A_275, %dma_wait3A_282] : memref<4x2x125xi32, #tpu.memory_space<vmem>> -> memref<1x1x125xi32, #tpu.memory_space<vmem>>
    %dma_wait3A_284 = tpu.memref_squeeze %dma_wait3A_283 : memref<1x1x125xi32, #tpu.memory_space<vmem>> -> memref<125xi32, #tpu.memory_space<vmem>>
    %dma_wait3A_285 = arith.constant 0 : i32
    %dma_wait3A_286 = arith.constant 0 : i32
    %dma_wait3A_287 = tpu.memref_slice %arg2[%dma_wait3A_285, %dma_wait3A_286] : memref<10000x128xf32, #tpu.memory_space<hbm>> -> memref<10000x128xf32, #tpu.memory_space<hbm>>
    %dma_wait3A_288 = tpu.memref_slice %arg10[%dma_wait3A_277] : memref<2x!tpu.dma_semaphore, #tpu.memory_space<semaphore_mem>> -> memref<1x!tpu.dma_semaphore, #tpu.memory_space<semaphore_mem>>
    %dma_wait3A_289 = tpu.memref_squeeze %dma_wait3A_288 : memref<1x!tpu.dma_semaphore, #tpu.memory_space<semaphore_mem>> -> memref<!tpu.dma_semaphore, #tpu.memory_space<semaphore_mem>>
    tpu.wait_indirect_dma semaphore(%dma_wait3A_289 : memref<!tpu.dma_semaphore, #tpu.memory_space<semaphore_mem>>) src(%dma_wait3A_287 : memref<10000x128xf32, #tpu.memory_space<hbm>>) dst(%dma_wait3A_281 : memref<125x128xf32, #tpu.memory_space<vmem>>)
    %run_scoped3A_290 = arith.constant 0 : i32
    %run_scoped3A_291 = arith.constant 2 : i32
    %run_scoped3A_292 = arith.constant 1 : i32
    "tpu.region"() ({
      %run_scoped3A_317 = tpu.sem_alloc : memref<!tpu.dma_semaphore, #tpu.memory_space<semaphore_mem>>
      %dma_start3A_318 = arith.constant 0 : i32
      %dma_start3A_319 = arith.constant 0 : i32
      %dma_start3A_320 = tpu.memref_slice %arg7[%run_scoped3A_290, %dma_start3A_318, %dma_start3A_319] : memref<2x125x128xf32, #tpu.memory_space<vmem>> -> memref<1x125x128xf32, #tpu.memory_space<vmem>>
      %dma_start3A_321 = tpu.memref_squeeze %dma_start3A_320 : memref<1x125x128xf32, #tpu.memory_space<vmem>> -> memref<125x128xf32, #tpu.memory_space<vmem>>
      %dma_start3A_322 = arith.constant 0 : i32
      %dma_start3A_323 = tpu.memref_slice %arg6[%run_scoped3A_291, %run_scoped3A_292, %dma_start3A_322] : memref<4x2x125xi32, #tpu.memory_space<vmem>> -> memref<1x1x125xi32, #tpu.memory_space<vmem>>
      %dma_start3A_324 = tpu.memref_squeeze %dma_start3A_323 : memref<1x1x125xi32, #tpu.memory_space<vmem>> -> memref<125xi32, #tpu.memory_space<vmem>>
      %dma_start3A_325 = arith.constant 0 : i32
      %dma_start3A_326 = arith.constant 0 : i32
      %dma_start3A_327 = tpu.memref_slice %arg8[%dma_start3A_325, %dma_start3A_326] : memref<10240x128xf32, #tpu.memory_space<vmem_shared>> -> memref<10240x128xf32, #tpu.memory_space<vmem_shared>>
      tpu.enqueue_indirect_dma source(%dma_start3A_321 : memref<125x128xf32, #tpu.memory_space<vmem>>) target(%dma_start3A_327 : memref<10240x128xf32, #tpu.memory_space<vmem_shared>>) offsets(%dma_start3A_324 : memref<125xi32, #tpu.memory_space<vmem>>) semaphore(%run_scoped3A_317 : memref<!tpu.dma_semaphore, #tpu.memory_space<semaphore_mem>>) {add = true}
      %dma_wait3A_328 = arith.constant 0 : i32
      %dma_wait3A_329 = arith.constant 0 : i32
      %dma_wait3A_330 = tpu.memref_slice %arg7[%run_scoped3A_290, %dma_wait3A_328, %dma_wait3A_329] : memref<2x125x128xf32, #tpu.memory_space<vmem>> -> memref<1x125x128xf32, #tpu.memory_space<vmem>>
      %dma_wait3A_331 = tpu.memref_squeeze %dma_wait3A_330 : memref<1x125x128xf32, #tpu.memory_space<vmem>> -> memref<125x128xf32, #tpu.memory_space<vmem>>
      %dma_wait3A_332 = arith.constant 0 : i32
      %dma_wait3A_333 = tpu.memref_slice %arg6[%run_scoped3A_291, %run_scoped3A_292, %dma_wait3A_332] : memref<4x2x125xi32, #tpu.memory_space<vmem>> -> memref<1x1x125xi32, #tpu.memory_space<vmem>>
      %dma_wait3A_334 = tpu.memref_squeeze %dma_wait3A_333 : memref<1x1x125xi32, #tpu.memory_space<vmem>> -> memref<125xi32, #tpu.memory_space<vmem>>
      %dma_wait3A_335 = arith.constant 0 : i32
      %dma_wait3A_336 = arith.constant 0 : i32
      %dma_wait3A_337 = tpu.memref_slice %arg8[%dma_wait3A_335, %dma_wait3A_336] : memref<10240x128xf32, #tpu.memory_space<vmem_shared>> -> memref<10240x128xf32, #tpu.memory_space<vmem_shared>>
      tpu.wait_indirect_dma semaphore(%run_scoped3A_317 : memref<!tpu.dma_semaphore, #tpu.memory_space<semaphore_mem>>) src(%dma_wait3A_331 : memref<125x128xf32, #tpu.memory_space<vmem>>) dst(%dma_wait3A_337 : memref<10240x128xf32, #tpu.memory_space<vmem_shared>>)
      tpu.yield
    }) : () -> ()
    %dma_wait3A_293 = arith.constant 3 : i32
    %dma_wait3A_294 = arith.constant 0 : i32
    %dma_wait3A_295 = arith.constant 1 : i32
    %dma_wait3A_296 = arith.constant 1 : i32
    %dma_wait3A_297 = arith.constant 0 : i32
    %dma_wait3A_298 = arith.constant 0 : i32
    %dma_wait3A_299 = tpu.memref_slice %arg7[%dma_wait3A_295, %dma_wait3A_297, %dma_wait3A_298] : memref<2x125x128xf32, #tpu.memory_space<vmem>> -> memref<1x125x128xf32, #tpu.memory_space<vmem>>
    %dma_wait3A_300 = tpu.memref_squeeze %dma_wait3A_299 : memref<1x125x128xf32, #tpu.memory_space<vmem>> -> memref<125x128xf32, #tpu.memory_space<vmem>>
    %dma_wait3A_301 = arith.constant 0 : i32
    %dma_wait3A_302 = tpu.memref_slice %arg6[%dma_wait3A_293, %dma_wait3A_294, %dma_wait3A_301] : memref<4x2x125xi32, #tpu.memory_space<vmem>> -> memref<1x1x125xi32, #tpu.memory_space<vmem>>
    %dma_wait3A_303 = tpu.memref_squeeze %dma_wait3A_302 : memref<1x1x125xi32, #tpu.memory_space<vmem>> -> memref<125xi32, #tpu.memory_space<vmem>>
    %dma_wait3A_304 = arith.constant 0 : i32
    %dma_wait3A_305 = arith.constant 0 : i32
    %dma_wait3A_306 = tpu.memref_slice %arg2[%dma_wait3A_304, %dma_wait3A_305] : memref<10000x128xf32, #tpu.memory_space<hbm>> -> memref<10000x128xf32, #tpu.memory_space<hbm>>
    %dma_wait3A_307 = tpu.memref_slice %arg10[%dma_wait3A_296] : memref<2x!tpu.dma_semaphore, #tpu.memory_space<semaphore_mem>> -> memref<1x!tpu.dma_semaphore, #tpu.memory_space<semaphore_mem>>
    %dma_wait3A_308 = tpu.memref_squeeze %dma_wait3A_307 : memref<1x!tpu.dma_semaphore, #tpu.memory_space<semaphore_mem>> -> memref<!tpu.dma_semaphore, #tpu.memory_space<semaphore_mem>>
    tpu.wait_indirect_dma semaphore(%dma_wait3A_308 : memref<!tpu.dma_semaphore, #tpu.memory_space<semaphore_mem>>) src(%dma_wait3A_306 : memref<10000x128xf32, #tpu.memory_space<hbm>>) dst(%dma_wait3A_300 : memref<125x128xf32, #tpu.memory_space<vmem>>)
    %run_scoped3A_309 = arith.constant 1 : i32
    %run_scoped3A_310 = arith.constant 3 : i32
    %run_scoped3A_311 = arith.constant 1 : i32
    "tpu.region"() ({
      %run_scoped3A_317 = tpu.sem_alloc : memref<!tpu.dma_semaphore, #tpu.memory_space<semaphore_mem>>
      %dma_start3A_318 = arith.constant 0 : i32
      %dma_start3A_319 = arith.constant 0 : i32
      %dma_start3A_320 = tpu.memref_slice %arg7[%run_scoped3A_309, %dma_start3A_318, %dma_start3A_319] : memref<2x125x128xf32, #tpu.memory_space<vmem>> -> memref<1x125x128xf32, #tpu.memory_space<vmem>>
      %dma_start3A_321 = tpu.memref_squeeze %dma_start3A_320 : memref<1x125x128xf32, #tpu.memory_space<vmem>> -> memref<125x128xf32, #tpu.memory_space<vmem>>
      %dma_start3A_322 = arith.constant 0 : i32
      %dma_start3A_323 = tpu.memref_slice %arg6[%run_scoped3A_310, %run_scoped3A_311, %dma_start3A_322] : memref<4x2x125xi32, #tpu.memory_space<vmem>> -> memref<1x1x125xi32, #tpu.memory_space<vmem>>
      %dma_start3A_324 = tpu.memref_squeeze %dma_start3A_323 : memref<1x1x125xi32, #tpu.memory_space<vmem>> -> memref<125xi32, #tpu.memory_space<vmem>>
      %dma_start3A_325 = arith.constant 0 : i32
      %dma_start3A_326 = arith.constant 0 : i32
      %dma_start3A_327 = tpu.memref_slice %arg8[%dma_start3A_325, %dma_start3A_326] : memref<10240x128xf32, #tpu.memory_space<vmem_shared>> -> memref<10240x128xf32, #tpu.memory_space<vmem_shared>>
      tpu.enqueue_indirect_dma source(%dma_start3A_321 : memref<125x128xf32, #tpu.memory_space<vmem>>) target(%dma_start3A_327 : memref<10240x128xf32, #tpu.memory_space<vmem_shared>>) offsets(%dma_start3A_324 : memref<125xi32, #tpu.memory_space<vmem>>) semaphore(%run_scoped3A_317 : memref<!tpu.dma_semaphore, #tpu.memory_space<semaphore_mem>>) {add = true}
      %dma_wait3A_328 = arith.constant 0 : i32
      %dma_wait3A_329 = arith.constant 0 : i32
      %dma_wait3A_330 = tpu.memref_slice %arg7[%run_scoped3A_309, %dma_wait3A_328, %dma_wait3A_329] : memref<2x125x128xf32, #tpu.memory_space<vmem>> -> memref<1x125x128xf32, #tpu.memory_space<vmem>>
      %dma_wait3A_331 = tpu.memref_squeeze %dma_wait3A_330 : memref<1x125x128xf32, #tpu.memory_space<vmem>> -> memref<125x128xf32, #tpu.memory_space<vmem>>
      %dma_wait3A_332 = arith.constant 0 : i32
      %dma_wait3A_333 = tpu.memref_slice %arg6[%run_scoped3A_310, %run_scoped3A_311, %dma_wait3A_332] : memref<4x2x125xi32, #tpu.memory_space<vmem>> -> memref<1x1x125xi32, #tpu.memory_space<vmem>>
      %dma_wait3A_334 = tpu.memref_squeeze %dma_wait3A_333 : memref<1x1x125xi32, #tpu.memory_space<vmem>> -> memref<125xi32, #tpu.memory_space<vmem>>
      %dma_wait3A_335 = arith.constant 0 : i32
      %dma_wait3A_336 = arith.constant 0 : i32
      %dma_wait3A_337 = tpu.memref_slice %arg8[%dma_wait3A_335, %dma_wait3A_336] : memref<10240x128xf32, #tpu.memory_space<vmem_shared>> -> memref<10240x128xf32, #tpu.memory_space<vmem_shared>>
      tpu.wait_indirect_dma semaphore(%run_scoped3A_317 : memref<!tpu.dma_semaphore, #tpu.memory_space<semaphore_mem>>) src(%dma_wait3A_331 : memref<125x128xf32, #tpu.memory_space<vmem>>) dst(%dma_wait3A_337 : memref<10240x128xf32, #tpu.memory_space<vmem_shared>>)
      tpu.yield
    }) : () -> ()
    %barrier3A_312 = arith.constant 0 : index
    tpu.barrier barrier_id(%barrier3A_312)
    %mul3A_313 = arith.constant 640 : i32
    %mul3A_314 = arith.muli %arg1, %mul3A_313 : i32
    %mul3A_315 = arith.constant 640 : i32
    %mul3A_316 = arith.muli %arg1, %mul3A_315 : i32
    "tpu.region"() ({
      %run_scoped3A_317 = tpu.sem_alloc : memref<!tpu.dma_semaphore, #tpu.memory_space<semaphore_mem>>
      %dma_start3A_318 = arith.constant 0 : i32
      %dma_start3A_319 = tpu.memref_slice %arg5[%arg0, %mul3A_316, %dma_start3A_318] : memref<2x10240x128xf32, #tpu.memory_space<hbm>> -> memref<1x640x128xf32, #tpu.memory_space<hbm>>
      %dma_start3A_320 = tpu.memref_squeeze %dma_start3A_319 : memref<1x640x128xf32, #tpu.memory_space<hbm>> -> memref<640x128xf32, #tpu.memory_space<hbm>>
      %dma_start3A_321 = arith.constant 0 : i32
      %dma_start3A_322 = tpu.memref_slice %arg8[%mul3A_314, %dma_start3A_321] : memref<10240x128xf32, #tpu.memory_space<vmem_shared>> -> memref<640x128xf32, #tpu.memory_space<vmem_shared>>
      tpu.enqueue_dma source(%dma_start3A_322 : memref<640x128xf32, #tpu.memory_space<vmem_shared>>) target(%dma_start3A_320 : memref<640x128xf32, #tpu.memory_space<hbm>>) target_semaphore(%run_scoped3A_317 : memref<!tpu.dma_semaphore, #tpu.memory_space<semaphore_mem>>)
      %dma_wait3A_323 = arith.constant 0 : i32
      %dma_wait3A_324 = tpu.memref_slice %arg5[%arg0, %mul3A_316, %dma_wait3A_323] : memref<2x10240x128xf32, #tpu.memory_space<hbm>> -> memref<1x640x128xf32, #tpu.memory_space<hbm>>
      %dma_wait3A_325 = tpu.memref_squeeze %dma_wait3A_324 : memref<1x640x128xf32, #tpu.memory_space<hbm>> -> memref<640x128xf32, #tpu.memory_space<hbm>>
      %dma_wait3A_326 = arith.constant 0 : i32
      %dma_wait3A_327 = tpu.memref_slice %arg8[%mul3A_314, %dma_wait3A_326] : memref<10240x128xf32, #tpu.memory_space<vmem_shared>> -> memref<640x128xf32, #tpu.memory_space<vmem_shared>>
      tpu.wait_dma2 semaphore(%run_scoped3A_317 : memref<!tpu.dma_semaphore, #tpu.memory_space<semaphore_mem>>) src(%dma_wait3A_327 : memref<640x128xf32, #tpu.memory_space<vmem_shared>>) dst(%dma_wait3A_325 : memref<640x128xf32, #tpu.memory_space<hbm>>)
      tpu.yield
    }) : () -> ()
    return
  }
}

module attributes {stable_mosaic.version = 14 : i64} {
  func.func @_tc1_body(%arg0: i32, %arg1: memref<1000x128xf32, #tpu.memory_space<vmem>>, %arg2: memref<128x128xf32, #tpu.memory_space<vmem>>, %arg3: memref<1000x1xf32, #tpu.memory_space<vmem>>, %arg4: memref<1000x1xf32, #tpu.memory_space<vmem>>, %arg5: memref<1000x128xf32, #tpu.memory_space<vmem>>, %arg6: memref<1000x1xf32, #tpu.memory_space<vmem>>) attributes {dimension_semantics = [#tpu.dimension_semantics<arbitrary>], iteration_bounds = array<i64: 10>, scalar_prefetch = 0 : i64, scratch_operands = 0 : i64, tpu.core_type = #tpu.core_type<tc>, window_params = [{transform_indices = @transform_0, window_bounds = array<i64: 1000, 128>}, {pipeline_mode = #tpu.pipeline_mode<synchronous>, transform_indices = @transform_1, window_bounds = array<i64: 128, 128>}, {transform_indices = @transform_2, window_bounds = array<i64: 1000, 1>}, {transform_indices = @transform_3, window_bounds = array<i64: 1000, 1>}, {transform_indices = @transform_4, window_bounds = array<i64: 1000, 128>}, {transform_indices = @transform_5, window_bounds = array<i64: 1000, 1>}]} {
    %get3A = arith.constant 0 : index
    %get3A_0 = arith.constant 0 : index
    %get3A_1 = vector.load %arg3[%get3A, %get3A_0] : memref<1000x1xf32, #tpu.memory_space<vmem>>, vector<1000x1xf32>
    %get3A_2 = arith.constant 0 : index
    %get3A_3 = arith.constant 0 : index
    %get3A_4 = vector.load %arg4[%get3A_2, %get3A_3] : memref<1000x1xf32, #tpu.memory_space<vmem>>, vector<1000x1xf32>
    %add3A = arith.addf %get3A_1, %get3A_4 : vector<1000x1xf32>
    %add3A_5 = arith.constant 1.000000e+00 : f32
    %add3A_6 = vector.broadcast %add3A_5 : f32 to vector<1000x1xf32>
    %add3A_7 = arith.addf %add3A, %add3A_6 : vector<1000x1xf32>
    %rsqrt3A = math.rsqrt %add3A_7 : vector<1000x1xf32>
    %swap3A = arith.constant 0 : index
    %swap3A_8 = arith.constant 0 : index
    %swap3A_9 = vector.load %arg6[%swap3A, %swap3A_8] : memref<1000x1xf32, #tpu.memory_space<vmem>>, vector<1000x1xf32>
    tpu.vector_store %arg6[%swap3A, %swap3A_8], %rsqrt3A {strides = array<i32>} : memref<1000x1xf32, #tpu.memory_space<vmem>>, vector<1000x1xf32>,
    %get3A_10 = arith.constant 0 : index
    %get3A_11 = arith.constant 0 : index
    %get3A_12 = vector.load %arg1[%get3A_10, %get3A_11] : memref<1000x128xf32, #tpu.memory_space<vmem>>, vector<1000x128xf32>
    %get3A_13 = arith.constant 0 : index
    %get3A_14 = arith.constant 0 : index
    %get3A_15 = vector.load %arg2[%get3A_13, %get3A_14] : memref<128x128xf32, #tpu.memory_space<vmem>>, vector<128x128xf32>
    %dot_general3A = arith.constant dense<0.000000e+00> : vector<1000x128xf32>
    %dot_general3A_16 = tpu.matmul %get3A_12, %get3A_15, %dot_general3A {dimension_numbers = #tpu.dot_dimension_numbers<[1], [0], [0], [1], [0, 0, 1, 1], [], []>, transpose_lhs_hint = false} : vector<1000x128xf32>, vector<128x128xf32>, vector<1000x128xf32> -> vector<1000x128xf32>
    %mul3A = vector.broadcast %rsqrt3A : vector<1000x1xf32> to vector<1000x128xf32>
    %mul3A_17 = arith.mulf %dot_general3A_16, %mul3A : vector<1000x128xf32>
    %swap3A_18 = arith.constant 0 : index
    %swap3A_19 = arith.constant 0 : index
    %swap3A_20 = vector.load %arg5[%swap3A_18, %swap3A_19] : memref<1000x128xf32, #tpu.memory_space<vmem>>, vector<1000x128xf32>
    tpu.vector_store %arg5[%swap3A_18, %swap3A_19], %mul3A_17 {strides = array<i32>} : memref<1000x128xf32, #tpu.memory_space<vmem>>, vector<1000x128xf32>,
    return
  }
  func.func @transform_0(%arg0: i32) -> (i32, i32) {
    %c0_i32 = arith.constant 0 : i32
    %c0_i32_0 = arith.constant 0 : i32
    return %arg0, %c0_i32 : i32, i32
  }
  func.func @transform_1(%arg0: i32) -> (i32, i32) {
    %c0_i32 = arith.constant 0 : i32
    %c0_i32_0 = arith.constant 0 : i32
    %c0_i32_1 = arith.constant 0 : i32
    return %c0_i32, %c0_i32_0 : i32, i32
  }
  func.func @transform_2(%arg0: i32) -> (i32, i32) {
    %c0_i32 = arith.constant 0 : i32
    %c0_i32_0 = arith.constant 0 : i32
    return %arg0, %c0_i32 : i32, i32
  }
  func.func @transform_3(%arg0: i32) -> (i32, i32) {
    %c0_i32 = arith.constant 0 : i32
    %c0_i32_0 = arith.constant 0 : i32
    return %arg0, %c0_i32 : i32, i32
  }
  func.func @transform_4(%arg0: i32) -> (i32, i32) {
    %c0_i32 = arith.constant 0 : i32
    %c0_i32_0 = arith.constant 0 : i32
    return %arg0, %c0_i32 : i32, i32
  }
  func.func @transform_5(%arg0: i32) -> (i32, i32) {
    %c0_i32 = arith.constant 0 : i32
    %c0_i32_0 = arith.constant 0 : i32
    return %arg0, %c0_i32 : i32, i32
  }
}

module attributes {stable_mosaic.version = 14 : i64} {
  func.func @_tc2_body(%arg0: i32, %arg1: memref<2x1000x128xf32, #tpu.memory_space<vmem>>, %arg2: memref<1000x128xf32, #tpu.memory_space<vmem>>, %arg3: memref<1000x1xf32, #tpu.memory_space<vmem>>, %arg4: memref<1x128xf32, #tpu.memory_space<vmem>>, %arg5: memref<128x128xf32, #tpu.memory_space<vmem>>, %arg6: memref<1000x128xf32, #tpu.memory_space<vmem>>) attributes {dimension_semantics = [#tpu.dimension_semantics<arbitrary>], iteration_bounds = array<i64: 10>, scalar_prefetch = 0 : i64, scratch_operands = 0 : i64, tpu.core_type = #tpu.core_type<tc>, window_params = [{transform_indices = @transform_0, window_bounds = array<i64: 2, 1000, 128>}, {transform_indices = @transform_1, window_bounds = array<i64: 1000, 128>}, {transform_indices = @transform_2, window_bounds = array<i64: 1000, 1>}, {pipeline_mode = #tpu.pipeline_mode<synchronous>, transform_indices = @transform_3, window_bounds = array<i64: 1, 128>}, {pipeline_mode = #tpu.pipeline_mode<synchronous>, transform_indices = @transform_4, window_bounds = array<i64: 128, 128>}, {transform_indices = @transform_5, window_bounds = array<i64: 1000, 128>}]} {
    %get3A = arith.constant 0 : index
    %get3A_0 = arith.constant 0 : index
    %get3A_1 = vector.load %arg3[%get3A, %get3A_0] : memref<1000x1xf32, #tpu.memory_space<vmem>>, vector<1000x1xf32>
    %get3A_2 = arith.constant 0 : index
    %get3A_3 = arith.constant 0 : index
    %get3A_4 = arith.constant 0 : index
    %get3A_5 = vector.load %arg1[%get3A_2, %get3A_3, %get3A_4] : memref<2x1000x128xf32, #tpu.memory_space<vmem>>, vector<1x1000x128xf32>
    %get3A_6 = vector.shape_cast %get3A_5 : vector<1x1000x128xf32> to vector<1000x128xf32>
    %get3A_7 = arith.constant 1 : index
    %get3A_8 = arith.constant 0 : index
    %get3A_9 = arith.constant 0 : index
    %get3A_10 = vector.load %arg1[%get3A_7, %get3A_8, %get3A_9] : memref<2x1000x128xf32, #tpu.memory_space<vmem>>, vector<1x1000x128xf32>
    %get3A_11 = vector.shape_cast %get3A_10 : vector<1x1000x128xf32> to vector<1000x128xf32>
    %add3A = arith.addf %get3A_6, %get3A_11 : vector<1000x128xf32>
    %get3A_12 = arith.constant 0 : index
    %get3A_13 = arith.constant 0 : index
    %get3A_14 = vector.load %arg2[%get3A_12, %get3A_13] : memref<1000x128xf32, #tpu.memory_space<vmem>>, vector<1000x128xf32>
    %add3A_15 = arith.addf %add3A, %get3A_14 : vector<1000x128xf32>
    %mul3A = vector.broadcast %get3A_1 : vector<1000x1xf32> to vector<1000x128xf32>
    %mul3A_16 = arith.mulf %mul3A, %add3A_15 : vector<1000x128xf32>
    %get3A_17 = arith.constant 0 : index
    %get3A_18 = arith.constant 0 : index
    %get3A_19 = vector.load %arg4[%get3A_17, %get3A_18] : memref<1x128xf32, #tpu.memory_space<vmem>>, vector<1x128xf32>
    %add3A_20 = vector.broadcast %get3A_19 : vector<1x128xf32> to vector<1000x128xf32>
    %add3A_21 = arith.addf %mul3A_16, %add3A_20 : vector<1000x128xf32>
    %ge3A = arith.constant 0.000000e+00 : f32
    %ge3A_22 = vector.broadcast %ge3A : f32 to vector<1000x128xf32>
    %ge3A_23 = arith.cmpf oge, %add3A_21, %ge3A_22 : vector<1000x128xf32>
    %mul3A_24 = arith.constant 0.00999999977 : f32
    %mul3A_25 = vector.broadcast %mul3A_24 : f32 to vector<1000x128xf32>
    %mul3A_26 = arith.mulf %mul3A_25, %add3A_21 : vector<1000x128xf32>
    %select_n3A = arith.select %ge3A_23, %add3A_21, %mul3A_26 : vector<1000x128xi1>, vector<1000x128xf32>
    %get3A_27 = arith.constant 0 : index
    %get3A_28 = arith.constant 0 : index
    %get3A_29 = vector.load %arg5[%get3A_27, %get3A_28] : memref<128x128xf32, #tpu.memory_space<vmem>>, vector<128x128xf32>
    %dot_general3A = arith.constant dense<0.000000e+00> : vector<1000x128xf32>
    %dot_general3A_30 = tpu.matmul %select_n3A, %get3A_29, %dot_general3A {dimension_numbers = #tpu.dot_dimension_numbers<[1], [0], [0], [1], [0, 0, 1, 1], [], []>, transpose_lhs_hint = false} : vector<1000x128xf32>, vector<128x128xf32>, vector<1000x128xf32> -> vector<1000x128xf32>
    %mul3A_31 = vector.broadcast %get3A_1 : vector<1000x1xf32> to vector<1000x128xf32>
    %mul3A_32 = arith.mulf %dot_general3A_30, %mul3A_31 : vector<1000x128xf32>
    %swap3A = arith.constant 0 : index
    %swap3A_33 = arith.constant 0 : index
    %swap3A_34 = vector.load %arg6[%swap3A, %swap3A_33] : memref<1000x128xf32, #tpu.memory_space<vmem>>, vector<1000x128xf32>
    tpu.vector_store %arg6[%swap3A, %swap3A_33], %mul3A_32 {strides = array<i32>} : memref<1000x128xf32, #tpu.memory_space<vmem>>, vector<1000x128xf32>,
    return
  }
  func.func @transform_0(%arg0: i32) -> (i32, i32, i32) {
    %c0_i32 = arith.constant 0 : i32
    %c0_i32_0 = arith.constant 0 : i32
    %c0_i32_1 = arith.constant 0 : i32
    return %c0_i32, %arg0, %c0_i32_0 : i32, i32, i32
  }
  func.func @transform_1(%arg0: i32) -> (i32, i32) {
    %c0_i32 = arith.constant 0 : i32
    %c0_i32_0 = arith.constant 0 : i32
    return %arg0, %c0_i32 : i32, i32
  }
  func.func @transform_2(%arg0: i32) -> (i32, i32) {
    %c0_i32 = arith.constant 0 : i32
    %c0_i32_0 = arith.constant 0 : i32
    return %arg0, %c0_i32 : i32, i32
  }
  func.func @transform_3(%arg0: i32) -> (i32, i32) {
    %c0_i32 = arith.constant 0 : i32
    %c0_i32_0 = arith.constant 0 : i32
    %c0_i32_1 = arith.constant 0 : i32
    return %c0_i32, %c0_i32_0 : i32, i32
  }
  func.func @transform_4(%arg0: i32) -> (i32, i32) {
    %c0_i32 = arith.constant 0 : i32
    %c0_i32_0 = arith.constant 0 : i32
    %c0_i32_1 = arith.constant 0 : i32
    return %c0_i32, %c0_i32_0 : i32, i32
  }
  func.func @transform_5(%arg0: i32) -> (i32, i32) {
    %c0_i32 = arith.constant 0 : i32
    %c0_i32_0 = arith.constant 0 : i32
    return %arg0, %c0_i32 : i32, i32
  }
}

module attributes {stable_mosaic.version = 14 : i64} {
  func.func @_tc3_body(%arg0: i32, %arg1: memref<2x1000x128xf32, #tpu.memory_space<vmem>>, %arg2: memref<1000x128xf32, #tpu.memory_space<vmem>>, %arg3: memref<1000x1xf32, #tpu.memory_space<vmem>>, %arg4: memref<1x128xf32, #tpu.memory_space<vmem>>, %arg5: memref<128x128xf32, #tpu.memory_space<vmem>>, %arg6: memref<1x128xf32, #tpu.memory_space<vmem>>, %arg7: memref<128x128xf32, #tpu.memory_space<vmem>>, %arg8: memref<1x128xf32, #tpu.memory_space<vmem>>, %arg9: memref<128x128xf32, #tpu.memory_space<vmem>>, %arg10: memref<1x128xf32, #tpu.memory_space<vmem>>, %arg11: memref<1000x128xf32, #tpu.memory_space<vmem>>, %arg12: memref<1x128xf32, #tpu.memory_space<vmem>>, %arg13: memref<1x128xf32, #tpu.memory_space<vmem>>) attributes {dimension_semantics = [#tpu.dimension_semantics<arbitrary>], iteration_bounds = array<i64: 10>, scalar_prefetch = 0 : i64, scratch_operands = 1 : i64, tpu.core_type = #tpu.core_type<tc>, window_params = [{transform_indices = @transform_0, window_bounds = array<i64: 2, 1000, 128>}, {transform_indices = @transform_1, window_bounds = array<i64: 1000, 128>}, {transform_indices = @transform_2, window_bounds = array<i64: 1000, 1>}, {pipeline_mode = #tpu.pipeline_mode<synchronous>, transform_indices = @transform_3, window_bounds = array<i64: 1, 128>}, {pipeline_mode = #tpu.pipeline_mode<synchronous>, transform_indices = @transform_4, window_bounds = array<i64: 128, 128>}, {pipeline_mode = #tpu.pipeline_mode<synchronous>, transform_indices = @transform_5, window_bounds = array<i64: 1, 128>}, {pipeline_mode = #tpu.pipeline_mode<synchronous>, transform_indices = @transform_6, window_bounds = array<i64: 128, 128>}, {pipeline_mode = #tpu.pipeline_mode<synchronous>, transform_indices = @transform_7, window_bounds = array<i64: 1, 128>}, {pipeline_mode = #tpu.pipeline_mode<synchronous>, transform_indices = @transform_8, window_bounds = array<i64: 128, 128>}, {pipeline_mode = #tpu.pipeline_mode<synchronous>, transform_indices = @transform_9, window_bounds = array<i64: 1, 128>}, {transform_indices = @transform_10, window_bounds = array<i64: 1000, 128>}, {pipeline_mode = #tpu.pipeline_mode<synchronous>, transform_indices = @transform_11, window_bounds = array<i64: 1, 128>}]} {
    %get3A = arith.constant 0 : index
    %get3A_0 = arith.constant 0 : index
    %get3A_1 = vector.load %arg3[%get3A, %get3A_0] : memref<1000x1xf32, #tpu.memory_space<vmem>>, vector<1000x1xf32>
    %get3A_2 = arith.constant 0 : index
    %get3A_3 = arith.constant 0 : index
    %get3A_4 = arith.constant 0 : index
    %get3A_5 = vector.load %arg1[%get3A_2, %get3A_3, %get3A_4] : memref<2x1000x128xf32, #tpu.memory_space<vmem>>, vector<1x1000x128xf32>
    %get3A_6 = vector.shape_cast %get3A_5 : vector<1x1000x128xf32> to vector<1000x128xf32>
    %get3A_7 = arith.constant 1 : index
    %get3A_8 = arith.constant 0 : index
    %get3A_9 = arith.constant 0 : index
    %get3A_10 = vector.load %arg1[%get3A_7, %get3A_8, %get3A_9] : memref<2x1000x128xf32, #tpu.memory_space<vmem>>, vector<1x1000x128xf32>
    %get3A_11 = vector.shape_cast %get3A_10 : vector<1x1000x128xf32> to vector<1000x128xf32>
    %add3A = arith.addf %get3A_6, %get3A_11 : vector<1000x128xf32>
    %get3A_12 = arith.constant 0 : index
    %get3A_13 = arith.constant 0 : index
    %get3A_14 = vector.load %arg2[%get3A_12, %get3A_13] : memref<1000x128xf32, #tpu.memory_space<vmem>>, vector<1000x128xf32>
    %add3A_15 = arith.addf %add3A, %get3A_14 : vector<1000x128xf32>
    %mul3A = vector.broadcast %get3A_1 : vector<1000x1xf32> to vector<1000x128xf32>
    %mul3A_16 = arith.mulf %mul3A, %add3A_15 : vector<1000x128xf32>
    %get3A_17 = arith.constant 0 : index
    %get3A_18 = arith.constant 0 : index
    %get3A_19 = vector.load %arg4[%get3A_17, %get3A_18] : memref<1x128xf32, #tpu.memory_space<vmem>>, vector<1x128xf32>
    %add3A_20 = vector.broadcast %get3A_19 : vector<1x128xf32> to vector<1000x128xf32>
    %add3A_21 = arith.addf %mul3A_16, %add3A_20 : vector<1000x128xf32>
    %ge3A = arith.constant 0.000000e+00 : f32
    %ge3A_22 = vector.broadcast %ge3A : f32 to vector<1000x128xf32>
    %ge3A_23 = arith.cmpf oge, %add3A_21, %ge3A_22 : vector<1000x128xf32>
    %mul3A_24 = arith.constant 0.00999999977 : f32
    %mul3A_25 = vector.broadcast %mul3A_24 : f32 to vector<1000x128xf32>
    %mul3A_26 = arith.mulf %mul3A_25, %add3A_21 : vector<1000x128xf32>
    %select_n3A = arith.select %ge3A_23, %add3A_21, %mul3A_26 : vector<1000x128xi1>, vector<1000x128xf32>
    %get3A_27 = arith.constant 0 : index
    %get3A_28 = arith.constant 0 : index
    %get3A_29 = vector.load %arg5[%get3A_27, %get3A_28] : memref<128x128xf32, #tpu.memory_space<vmem>>, vector<128x128xf32>
    %dot_general3A = arith.constant dense<0.000000e+00> : vector<1000x128xf32>
    %dot_general3A_30 = tpu.matmul %select_n3A, %get3A_29, %dot_general3A {dimension_numbers = #tpu.dot_dimension_numbers<[1], [0], [0], [1], [0, 0, 1, 1], [], []>, transpose_lhs_hint = false} : vector<1000x128xf32>, vector<128x128xf32>, vector<1000x128xf32> -> vector<1000x128xf32>
    %get3A_31 = arith.constant 0 : index
    %get3A_32 = arith.constant 0 : index
    %get3A_33 = vector.load %arg6[%get3A_31, %get3A_32] : memref<1x128xf32, #tpu.memory_space<vmem>>, vector<1x128xf32>
    %add3A_34 = vector.broadcast %get3A_33 : vector<1x128xf32> to vector<1000x128xf32>
    %add3A_35 = arith.addf %dot_general3A_30, %add3A_34 : vector<1000x128xf32>
    %swap3A = arith.constant 0 : index
    %swap3A_36 = arith.constant 0 : index
    %swap3A_37 = vector.load %arg11[%swap3A, %swap3A_36] : memref<1000x128xf32, #tpu.memory_space<vmem>>, vector<1000x128xf32>
    tpu.vector_store %arg11[%swap3A, %swap3A_36], %add3A_35 {strides = array<i32>} : memref<1000x128xf32, #tpu.memory_space<vmem>>, vector<1000x128xf32>,
    %reduce_sum3A = arith.constant dense<0.000000e+00> : vector<128xf32>
    %reduce_sum3A_38 = vector.multi_reduction <add>, %select_n3A, %reduce_sum3A [0] : vector<1000x128xf32> to vector<128xf32>
    %broadcast_in_dim3A = vector.shape_cast %reduce_sum3A_38 : vector<128xf32> to vector<1x128xf32>
    %eq3A = arith.constant 0 : i32
    %eq3A_39 = arith.cmpi eq, %arg0, %eq3A : i32
    %convert_element_type3A = arith.extui %eq3A_39 : i1 to i32
    %cond3A = arith.constant 0 : i32
    %cond3A_40 = arith.cmpi ne, %convert_element_type3A, %cond3A : i32
    scf.if %cond3A_40 {
      %swap3A_50 = arith.constant 0 : index
      %swap3A_51 = arith.constant 0 : index
      %swap3A_52 = vector.load %arg13[%swap3A_50, %swap3A_51] : memref<1x128xf32, #tpu.memory_space<vmem>>, vector<1x128xf32>
      tpu.vector_store %arg13[%swap3A_50, %swap3A_51], %broadcast_in_dim3A {strides = array<i32>} : memref<1x128xf32, #tpu.memory_space<vmem>>, vector<1x128xf32>,
      %broadcast_in_dim3A_53 = arith.constant 0.000000e+00 : f32
      %broadcast_in_dim3A_54 = vector.broadcast %broadcast_in_dim3A_53 : f32 to vector<1x128xf32>
      %swap3A_55 = arith.constant 0 : index
      %swap3A_56 = arith.constant 0 : index
      %swap3A_57 = vector.load %arg12[%swap3A_55, %swap3A_56] : memref<1x128xf32, #tpu.memory_space<vmem>>, vector<1x128xf32>
      tpu.vector_store %arg12[%swap3A_55, %swap3A_56], %broadcast_in_dim3A_54 {strides = array<i32>} : memref<1x128xf32, #tpu.memory_space<vmem>>, vector<1x128xf32>,
    } else {
    }
    %gt3A = arith.constant 0 : i32
    %gt3A_41 = arith.cmpi sgt, %arg0, %gt3A : i32
    %convert_element_type3A_42 = arith.extui %gt3A_41 : i1 to i32
    %cond3A_43 = arith.constant 0 : i32
    %cond3A_44 = arith.cmpi ne, %convert_element_type3A_42, %cond3A_43 : i32
    scf.if %cond3A_44 {
      %get3A_50 = arith.constant 0 : index
      %get3A_51 = arith.constant 0 : index
      %get3A_52 = vector.load %arg13[%get3A_50, %get3A_51] : memref<1x128xf32, #tpu.memory_space<vmem>>, vector<1x128xf32>
      %add3A_53 = arith.addf %get3A_52, %broadcast_in_dim3A : vector<1x128xf32>
      %swap3A_54 = arith.constant 0 : index
      %swap3A_55 = arith.constant 0 : index
      %swap3A_56 = vector.load %arg13[%swap3A_54, %swap3A_55] : memref<1x128xf32, #tpu.memory_space<vmem>>, vector<1x128xf32>
      tpu.vector_store %arg13[%swap3A_54, %swap3A_55], %add3A_53 {strides = array<i32>} : memref<1x128xf32, #tpu.memory_space<vmem>>, vector<1x128xf32>,
    } else {
    }
    %eq3A_45 = arith.constant 9 : i32
    %eq3A_46 = arith.cmpi eq, %arg0, %eq3A_45 : i32
    %convert_element_type3A_47 = arith.extui %eq3A_46 : i1 to i32
    %cond3A_48 = arith.constant 0 : i32
    %cond3A_49 = arith.cmpi ne, %convert_element_type3A_47, %cond3A_48 : i32
    scf.if %cond3A_49 {
      %get3A_50 = arith.constant 0 : index
      %get3A_51 = arith.constant 0 : index
      %get3A_52 = vector.load %arg13[%get3A_50, %get3A_51] : memref<1x128xf32, #tpu.memory_space<vmem>>, vector<1x128xf32>
      %get3A_53 = arith.constant 0 : index
      %get3A_54 = arith.constant 0 : index
      %get3A_55 = vector.load %arg7[%get3A_53, %get3A_54] : memref<128x128xf32, #tpu.memory_space<vmem>>, vector<128x128xf32>
      %dot_general3A_56 = arith.constant dense<0.000000e+00> : vector<1x128xf32>
      %dot_general3A_57 = tpu.matmul %get3A_52, %get3A_55, %dot_general3A_56 {dimension_numbers = #tpu.dot_dimension_numbers<[1], [0], [0], [1], [0, 0, 1, 1], [], []>, transpose_lhs_hint = false} : vector<1x128xf32>, vector<128x128xf32>, vector<1x128xf32> -> vector<1x128xf32>
      %get3A_58 = arith.constant 0 : index
      %get3A_59 = arith.constant 0 : index
      %get3A_60 = vector.load %arg8[%get3A_58, %get3A_59] : memref<1x128xf32, #tpu.memory_space<vmem>>, vector<1x128xf32>
      %add3A_61 = arith.addf %dot_general3A_57, %get3A_60 : vector<1x128xf32>
      %max3A = arith.constant 0.000000e+00 : f32
      %max3A_62 = vector.broadcast %max3A : f32 to vector<1x128xf32>
      %max3A_63 = arith.maximumf %add3A_61, %max3A_62 : vector<1x128xf32>
      %get3A_64 = arith.constant 0 : index
      %get3A_65 = arith.constant 0 : index
      %get3A_66 = vector.load %arg9[%get3A_64, %get3A_65] : memref<128x128xf32, #tpu.memory_space<vmem>>, vector<128x128xf32>
      %dot_general3A_67 = arith.constant dense<0.000000e+00> : vector<1x128xf32>
      %dot_general3A_68 = tpu.matmul %max3A_63, %get3A_66, %dot_general3A_67 {dimension_numbers = #tpu.dot_dimension_numbers<[1], [0], [0], [1], [0, 0, 1, 1], [], []>, transpose_lhs_hint = false} : vector<1x128xf32>, vector<128x128xf32>, vector<1x128xf32> -> vector<1x128xf32>
      %get3A_69 = arith.constant 0 : index
      %get3A_70 = arith.constant 0 : index
      %get3A_71 = vector.load %arg10[%get3A_69, %get3A_70] : memref<1x128xf32, #tpu.memory_space<vmem>>, vector<1x128xf32>
      %add3A_72 = arith.addf %dot_general3A_68, %get3A_71 : vector<1x128xf32>
      %max3A_73 = arith.constant 0.000000e+00 : f32
      %max3A_74 = vector.broadcast %max3A_73 : f32 to vector<1x128xf32>
      %max3A_75 = arith.maximumf %add3A_72, %max3A_74 : vector<1x128xf32>
      %swap3A_76 = arith.constant 0 : index
      %swap3A_77 = arith.constant 0 : index
      %swap3A_78 = vector.load %arg12[%swap3A_76, %swap3A_77] : memref<1x128xf32, #tpu.memory_space<vmem>>, vector<1x128xf32>
      tpu.vector_store %arg12[%swap3A_76, %swap3A_77], %max3A_75 {strides = array<i32>} : memref<1x128xf32, #tpu.memory_space<vmem>>, vector<1x128xf32>,
    } else {
    }
    return
  }
  func.func @transform_0(%arg0: i32) -> (i32, i32, i32) {
    %c0_i32 = arith.constant 0 : i32
    %c0_i32_0 = arith.constant 0 : i32
    %c0_i32_1 = arith.constant 0 : i32
    return %c0_i32, %arg0, %c0_i32_0 : i32, i32, i32
  }
  func.func @transform_1(%arg0: i32) -> (i32, i32) {
    %c0_i32 = arith.constant 0 : i32
    %c0_i32_0 = arith.constant 0 : i32
    return %arg0, %c0_i32 : i32, i32
  }
  func.func @transform_2(%arg0: i32) -> (i32, i32) {
    %c0_i32 = arith.constant 0 : i32
    %c0_i32_0 = arith.constant 0 : i32
    return %arg0, %c0_i32 : i32, i32
  }
  func.func @transform_3(%arg0: i32) -> (i32, i32) {
    %c0_i32 = arith.constant 0 : i32
    %c0_i32_0 = arith.constant 0 : i32
    %c0_i32_1 = arith.constant 0 : i32
    return %c0_i32, %c0_i32_0 : i32, i32
  }
  func.func @transform_4(%arg0: i32) -> (i32, i32) {
    %c0_i32 = arith.constant 0 : i32
    %c0_i32_0 = arith.constant 0 : i32
    %c0_i32_1 = arith.constant 0 : i32
    return %c0_i32, %c0_i32_0 : i32, i32
  }
  func.func @transform_5(%arg0: i32) -> (i32, i32) {
    %c0_i32 = arith.constant 0 : i32
    %c0_i32_0 = arith.constant 0 : i32
    %c0_i32_1 = arith.constant 0 : i32
    return %c0_i32, %c0_i32_0 : i32, i32
  }
  func.func @transform_6(%arg0: i32) -> (i32, i32) {
    %c0_i32 = arith.constant 0 : i32
    %c0_i32_0 = arith.constant 0 : i32
    %c0_i32_1 = arith.constant 0 : i32
    return %c0_i32, %c0_i32_0 : i32, i32
  }
  func.func @transform_7(%arg0: i32) -> (i32, i32) {
    %c0_i32 = arith.constant 0 : i32
    %c0_i32_0 = arith.constant 0 : i32
    %c0_i32_1 = arith.constant 0 : i32
    return %c0_i32, %c0_i32_0 : i32, i32
  }
  func.func @transform_8(%arg0: i32) -> (i32, i32) {
    %c0_i32 = arith.constant 0 : i32
    %c0_i32_0 = arith.constant 0 : i32
    %c0_i32_1 = arith.constant 0 : i32
    return %c0_i32, %c0_i32_0 : i32, i32
  }
  func.func @transform_9(%arg0: i32) -> (i32, i32) {
    %c0_i32 = arith.constant 0 : i32
    %c0_i32_0 = arith.constant 0 : i32
    %c0_i32_1 = arith.constant 0 : i32
    return %c0_i32, %c0_i32_0 : i32, i32
  }
  func.func @transform_10(%arg0: i32) -> (i32, i32) {
    %c0_i32 = arith.constant 0 : i32
    %c0_i32_0 = arith.constant 0 : i32
    return %arg0, %c0_i32 : i32, i32
  }
  func.func @transform_11(%arg0: i32) -> (i32, i32) {
    %c0_i32 = arith.constant 0 : i32
    %c0_i32_0 = arith.constant 0 : i32
    %c0_i32_1 = arith.constant 0 : i32
    return %c0_i32, %c0_i32_0 : i32, i32
  }
}

</mosaic_0001>

<sc_bundles>
// kernel: kernel.11.cloned.1.call-start
scs
__scs_entry_jumppad:
0x0: {  	(pc) =	sbr.rel $0x88, $3  }
0x1: {  	(tag) =	ssettag $0x0;
	lr =	simm.s32 $0x1  }
0x2: {  	[smem:$0x3F95] =	sst lr;
	_ =	strace $0xD0000000  }
0x3: {  	_ = 	snop  }
0x4: {  	_ = 	snop  }
0x5: {  	_ = 	snop  }
0x6: {  	_ = 	snop  }
0x7: {  	_ = 	snop  }
__scs_overlays_trampoline_lowered:
0x8: {  	[smem:$0x3FA4] =	sst s0  }
0x9: {  	[smem:$0x3FA5] =	sst s1  }
0xa: {  	[smem:$0x3FA6] =	sst s2  }
0xb: {  	[smem:$0x3FA7] =	sst s3  }
0xc: {  	[smem:$0x3FA8] =	sst s4  }
0xd: {  	[smem:$0x3FA9] =	sst s5  }
0xe: {  	[smem:$0x3FAA] =	sst s6  }
0xf: {  	[smem:$0x3FAB] =	sst s7  }
0x10: {  	[smem:$0x3FAC] =	sst s8  }
0x11: {  	[smem:$0x3FAD] =	sst s9;
	s0 =	simm.s32 @!p0 $0x0  }
0x12: {  	s1 =	sld [smem:$0x3F93];
	s0 =	simm.s32 @p0 $0x1  }
0x13: {  	[smem:$0x3FAE] =	sst s0;
	s0 =	simm.s32 @!p1 $0x0  }
0x14: {  	s2 =	sld [smem:$0x3F92];
	s0 =	simm.s32 @p1 $0x1  }
0x15: {  	[smem:$0x3FAF] =	sst s0;
	s0 =	simm.s32 @!p2 $0x0  }
0x16: {  	s3 =	sld [smem:$0x3FDB];
	s0 =	simm.s32 @p2 $0x1  }
0x17: {  	s4 =	simm.s32 $0x1BF5;
	[smem:$0x3FB1] =	sst s0  }
0x18: {  	s0 =	sld [smem:$0x3F94];
	_ =	swait.ge [sflag:s4], $0x0  }
0x19: {  	s7 =	sld [smem:$0x3F95]  }
0x1a: {  	s8 =	sadd.s32 $0xFFFFE003, lr  }
0x1b: {  	s9 =	sadd.s32 $0xFFFFFEF7, lr;
	s5 =	simm.s32 $0xFFFFFFFF;
	p2 =	slt.u32 s8, $0xFFFFF086  }
0x1c: {  	p1 =	slt.u32 s9, $0xF7A;
	s5 =	simm.s32 @!p2 $0x0  }
0x1d: {  	s5 =	simm.s32 @p1 $0x1;
	p0 =	seq.s32 s7, s2  }
0x1e: {  	s7 =	smul.u32 @!p0 $0xF7A, s2;
	p2 =	seq.s32 @!p0 s5, $0x0  }
0x1f: {  	s9 =	smul.u32 $0xF7A, s1;
	s8 =	simm.s32 @!p0 $0x1BF5;
	p2 =	por !p2, p0  }
0x20: {  	[sflag:s8] =	ssyncset.s32 @!p0 $0xFFFFF086;
	s6 =	sadd.s32 @!p0 s3, s7;
	s7 =	simm.s32 @!p0 $0x108  }
0x21: {  	s3 =	sadd.s32 s3, s9;
	s6 =	sadd.s32 @!p0 $0x88, s6;
	s7 =	simm.s32 @p2 $0x1082  }
0x22: {  	[simem:s7], [sflag:s8] =	dma.local @!p0 [hbm:s6], $0xF7A  }
0x23: {  	s9 =	sor.u32 $0xD0000000, s2;
	s6 =	simm.s32 $0x108;
	_ =	swait.ge @!p0 [sflag:s8], $0x0  }
0x24: {  	s3 =	sadd.s32 $0x88, s3;
	s6 =	simm.s32 @!p1 $0x1082;
	[sflag:s4] =	ssyncset.s32 $0xFFFFF086  }
0x25: {  	[simem:s6], [sflag:s4] =	dma.local [hbm:s3], $0xF7A  }
0x26: {  	[smem:$0x3F95] =	sst s1;
	(tag) =	ssettag s2;
	_ =	strace s9  }
0x27: {  	s1 =	sld [smem:$0x3FA5]  }
0x28: {  	s2 =	sld [smem:$0x3FA6]  }
0x29: {  	s4 =	sld [smem:$0x3FA8]  }
0x2a: {  	p0 =	seq.s32 s5, $0x0;
	s5 =	sld [smem:$0x3FA9]  }
0x2b: {  	s6 =	sld [smem:$0x3FAA]  }
0x2c: {  	s7 =	sld [smem:$0x3FAB]  }
0x2d: {  	s3 =	simm.s32 $0x108;
	s8 =	sld [smem:$0x3FAC]  }
0x2e: {  	s3 =	simm.s32 @!p0 $0x1082;
	s9 =	sld [smem:$0x3FAD]  }
0x2f: {  	lr =	sadd.s32 s0, s3;
	s0 =	sld [smem:$0x3FA4]  }
0x30: {  	s3 =	sld [smem:$0x3FA7]  }
0x31: {  	[smem:$0x3FB0] =	sst s10  }
0x32: {  	s10 =	sld [smem:$0x3FAE];
	_ =	sdelay $0x3  }
0x33: {  	p0 =	seq.s32 s10, $0x1;
	s10 =	sld [smem:$0x3FB0];
	_ =	sdelay $0x3  }
0x34: {  	[smem:$0x3FB0] =	sst s10  }
0x35: {  	s10 =	sld [smem:$0x3FAF];
	_ =	sdelay $0x3  }
0x36: {  	p1 =	seq.s32 s10, $0x1;
	s10 =	sld [smem:$0x3FB0];
	_ =	sdelay $0x3  }
0x37: {  	[smem:$0x3FB0] =	sst s10  }
0x38: {  	s10 =	sld [smem:$0x3FB1]  }
0x39: {  	_ = 	snop;
	(pc) =	sbr.ind lr, $3  }
0x3a: {  	_ = 	snop  }
0x3b: {  	_ = 	snop  }
0x3c: {  	p2 =	seq.s32 s10, $0x1;
	s10 =	sld [smem:$0x3FB0]  }
0x3d: {  	_ =	shalt  }
0x3e: {  	_ =	shalt  }
0x3f: {  	_ =	shalt  }
0x40: {  	_ =	shalt  }
0x41: {  	_ =	shalt  }
0x42: {  	_ =	shalt  }
0x43: {  	_ =	shalt  }
0x44: {  	_ =	shalt  }
0x45: {  	_ =	shalt  }
0x46: {  	_ =	shalt  }
0x47: {  	_ =	shalt  }
0x48: {  	_ =	shalt  }
0x49: {  	_ =	shalt  }
0x4a: {  	_ =	shalt  }
0x4b: {  	_ =	shalt  }
0x4c: {  	_ =	shalt  }
0x4d: {  	_ =	shalt  }
0x4e: {  	_ =	shalt  }
0x4f: {  	_ =	shalt  }
0x50: {  	_ =	shalt  }
0x51: {  	_ =	shalt  }
0x52: {  	_ =	shalt  }
0x53: {  	_ =	shalt  }
0x54: {  	_ =	shalt  }
0x55: {  	_ =	shalt  }
0x56: {  	_ =	shalt  }
0x57: {  	_ =	shalt  }
0x58: {  	_ =	shalt  }
0x59: {  	_ =	shalt  }
0x5a: {  	_ =	shalt  }
0x5b: {  	_ =	shalt  }
0x5c: {  	_ =	shalt  }
0x5d: {  	_ =	shalt  }
0x5e: {  	_ =	shalt  }
0x5f: {  	_ =	shalt  }
0x60: {  	_ =	shalt  }
0x61: {  	_ =	shalt  }
0x62: {  	_ =	shalt  }
0x63: {  	_ =	shalt  }
0x64: {  	_ =	shalt  }
0x65: {  	_ =	shalt  }
0x66: {  	_ =	shalt  }
0x67: {  	_ =	shalt  }
0x68: {  	_ =	shalt  }
0x69: {  	_ =	shalt  }
0x6a: {  	_ =	shalt  }
0x6b: {  	_ =	shalt  }
0x6c: {  	_ =	shalt  }
0x6d: {  	_ =	shalt  }
0x6e: {  	_ =	shalt  }
0x6f: {  	_ =	shalt  }
0x70: {  	_ =	shalt  }
0x71: {  	_ =	shalt  }
0x72: {  	_ =	shalt  }
0x73: {  	_ =	shalt  }
0x74: {  	_ =	shalt  }
0x75: {  	_ =	shalt  }
0x76: {  	_ =	shalt  }
0x77: {  	_ =	shalt  }
0x78: {  	_ =	shalt  }
0x79: {  	_ =	shalt  }
0x7a: {  	_ =	shalt  }
0x7b: {  	_ =	shalt  }
0x7c: {  	_ =	shalt  }
0x7d: {  	_ =	shalt  }
0x7e: {  	_ =	shalt  }
0x7f: {  	_ =	shalt  }
0x80: {  	_ =	shalt  }
0x81: {  	_ =	shalt  }
0x82: {  	_ =	shalt  }
0x83: {  	_ =	shalt  }
0x84: {  	_ =	shalt  }
0x85: {  	_ =	shalt  }
0x86: {  	_ =	shalt  }
0x87: {  	_ =	shalt  }
.Lfunc_end0:
.L_simem_size_0:
called_computation.1_lowered:
.L_overlay_start_0:
0x88: {  	s2 =	sld [smem:$0x3FD9]  }
0x89: {  	s3 =	sld [smem:$0x3FFE];
	_ =	sdelay $0x1  }
0x8a: {  	s1 =	srdreg.scid  }
0x8b: {  	s0 =	sand.u32 $0x1, s1  }
0x8c: {  	s14 =	sshll.u32 s0, $0xA;
	s2 =	sadd.s32 s3, s2  }
0x8d: {  	s2 =	sadd.s32 s2, s14  }
0x8e: {  	[smem:$0x3FBC] =	sst s2  }
0x8f: {  	_ = 	snop  }
0x90: {  	s2 =	sld [smem:$0x3FD0];
	_ =	sdelay $0x2  }
0x91: {  	s15 =	simm.s32 $0xA;
	s4 =	simm.s32 $0x10  }
0x92: {  	[smem:s4], [sflag:s15] =	dma.local [hbm:s2], $0x1  }
0x93: {  	_ =	swait.eq [sflag:s15], $0x1  }
0x94: {  	[sflag:s15] =	ssyncset.done $0x0  }
0x95: {  	[sflag:s15] =	ssyncadd.s32 $0xFFFFFFFF  }
0x96: {  	s16 =	sld [smem:$0x10];
	(tm) =	ssettm $0x1  }
0x97: {  	s17 =	sld [smem:$0x3FFB];
	_ =	sdelay $0x3  }
0x98: {  	_ =	strace s17  }
0x99: {  	s3 =	sld [smem:$0x3FFC];
	_ =	sdelay $0x3  }
0x9a: {  	_ =	strace s3  }
0x9b: {  	s3 =	sld [smem:$0x3FFD];
	_ =	sdelay $0x3  }
0x9c: {  	_ =	strace s3  }
0x9d: {  	_ =	strace $0x8FFFFFFF  }
0x9e: {  	s18 =	sld [smem:$0x3FDB];
	_ =	sdelay $0x1  }
0x9f: {  	s19 =	simm.s32 $_scs_section_size  }
0xa0: {  	s5 =	simm.s32 $_size__tile_overlayer_lowered;
	s6 =	simm.s32 $_tile_overlayer_lowered  }
0xa1: {  	s22 =	simm.s32 $0x1BFF;
	s21 =	sshll.u32 s6, $0x1;
	s3 =	sadd.s32 s19, s18  }
0xa2: {  	s7 =	simm.s32 $0x0;
	s20 =	sshll.u32 s5, $0x1;
	s5 =	sadd.s32 s21, s3  }
0xa3: {  	[timem:s7], [sflag:s22] =	dma.local [hbm:s5], s20  }
0xa4: {  	_ =	swait.ge [sflag:s22], s20  }
0xa5: {  	s4 =	ssub.s32 $0x0, s20;
	[sflag:s22] =	ssyncset.done $0x0  }
0xa6: {  	[sflag:s22] =	ssyncadd.s32 s4;
	_ =	sdelay $0x1  }
0xa7: {  	s23 =	simm.s32 $0x1B8B  }
0xa8: {  	_ =	swait.ge [sflag:s23], $0x1  }
0xa9: {  	[sflag:s23] =	ssyncset.done $0x0  }
0xaa: {  	s25 =	simm.s32 $0x1B8E;
	s24 =	sld [smem:$0x3FFE];
	[sflag:s23] =	ssyncadd.s32 $0xFFFFFFFF  }
0xab: {  	s26 =	simm.s32 $execute0_lowered;
	[smem:$0x3FD2] =	sst s25  }
0xac: {  	s5 =	sshll.u32 s26, $0x1;
	_ =	strace $0x80000049;
	[dreg:$0x1] =	wrdreg $0xFFFFFFFF  }
0xad: {  	s28 =	simm.s32 $_size_execute0_lowered;
	s3 =	sadd.s32 s3, s5;
	[dreg:$0x0] =	wrdreg $0x0  }
0xae: {  	s5 =	sshll.u32 s28, $0x1;
	[dreg:$0x2] =	wrdreg s3  }
0xaf: {  	[dreg:$0x3] =	wrdreg s5  }
0xb0: {  	[dreg:$0x4] =	wrdreg $0xC0  }
0xb1: {  	_ =	task [dreg:s7], $0x5FFFF  }
0xb2: {  	[dreg:$0x1] =	wrdreg $0xFFFFFFFF  }
0xb3: {  	[dreg:$0x0] =	wrdreg $0x60  }
0xb4: {  	[dreg:$0x2] =	wrdreg s16  }
0xb5: {  	[dreg:$0x3] =	wrdreg s24  }
0xb6: {  	[dreg:$0x4] =	wrdreg $0x84000  }
0xb7: {  	[dreg:$0x5] =	wrdreg $0x9  }
0xb8: {  	_ =	task.clear_ibuf [dreg:s7], $0x6FFFF;
	_ =	strace $0x90000049  }
0xb9: {  	s29 =	simm.s32 $0x9;
	_ =	strace $0x8000004B  }
0xba: {  	_ =	swait.ge [sflag:s29], $0x1  }
0xbb: {  	[sflag:s29] =	ssyncadd.s32 $0xFFFFFFFF  }
0xbc: {  	_ =	strace $0x9000004B  }
0xbd: {  	_ =	sfence  }
0xbe: {  	s30 =	sld [smem:$0x0];
	_ =	sdelay $0x2  }
0xbf: {  	s31 =	sshll.u32 s1, $0xD;
	s1 =	sshrl.u32 s1, $0x2  }
0xc0: {  	s3 =	sand.u32 $0x4000, s31;
	s1 =	sadd.s32 s1, s30  }
0xc1: {  	s0 =	sor.u32 s3, s0;
	s1 =	sshll.u32 s1, $0x11  }
0xc2: {  	s0 =	sor.u32 s1, s0  }
0xc3: {  	s0 =	sadd.s32 $0x8F2B, s0  }
0xc4: {  	[sflag:s0] =	ssyncadd.remote.s32 $0x1  }
0xc5: {  	_ =	sfence.sel $0xFFFF  }
0xc6: {  	[dreg:$0x0] =	wrdreg $0xFFFFFFFF;
	(pc) =	sbr.abs _section_cstart, $3  }
0xc7: {  	[dreg:$0x1] =	wrdreg $0xFFFFFFFF  }
0xc8: {  	_ =	task.clear_ibuf [dreg:s7], $0x2FFFF;
	_ =	strace $0x9FFFFFFF  }
0xc9: {  	(tm) =	ssettm $0x7FFFFFFF  }
tec
execute0_lowered:
.L_overlay_start_1:
0x0: {  	(tag) =	ssettag $0x1  }
0x1: {  	s1 =	rddreg [dreg:$0x0]  }
0x2: {  	s0 =	rddreg [dreg:$0x1]  }
0x3: {  	s2 =	rddreg [dreg:$0x2];
	s4 =	simm.s32 $0x0;
	s3 =	srdreg.scid  }
0x4: {  	s11 =	stileid.u32;
	s28 =	simm.s32 $0x5;
	s29 =	simm.s32 $0x80  }
0x5: {  	s30 =	simm.s32 $0x3;
	s31 =	simm.s32 $0x6;
	s6 =	smul.u32 $0x14000, s11  }
0x6: {  	[smem:$0x7FF] =	sst s4;
	s3 =	sand.u32 $0x1, s3;
	s15 =	smul.u32 $0x50000, s11  }
0x7: {  	s8 =	sadd.s32 $0x4200, s0;
	s7 =	sadd.s32 $0x18200, s0;
	s17 =	smul.u32 $0x5000, s11  }
0x8: {  	s18 =	sshll.u32 s11, $0x6;
	s5 =	smul.u32 $0x140000, s3;
	_ =	strace $0x8000004A  }
0x9: {  	[dreg:$0x4] =	wrdreg s7;
	s13 =	sshll.u32 s3, $0x4;
	s9 =	ssub.s32 $0x2, s3  }
0xa: {  	s3 =	smul.u32 $0x50000, s3;
	s14 =	sor.u32 s11, s13;
	s16 =	sshrl.u32 s9, $0x1  }
0xb: {  	s7 =	sshrl.u32 s15, $0x2;
	s5 =	sadd.s32 s6, s5;
	s6 =	smul.u32 $0x5000, s14  }
0xc: {  	s10 =	sadd.s32 s7, s2;
	s3 =	sadd.s32 s17, s3;
	s5 =	sshrl.u32 s5, $0x3  }
0xd: {  	s22 =	sor.u32 $0x700, s3;
	s24 =	sor.u32 $0x600, s3;
	s25 =	sor.u32 $0x500, s3  }
0xe: {  	s3 =	sor.u32 $0x400, s3;
	s17 =	sshrl.u32 s10, $0x3;
	s0 =	sadd.s32 s5, s0  }
0xf: {  	s5 =	ssub.s32 s9, s16;
	s19 =	sshrl.u32 s6, $0x3;
	s6 =	sor.u32 $0x1C07, s18  }
0x10: {  	s23 =	sshrl.u32 s22, $0x3;
	s26 =	sshrl.u32 s25, $0x3;
	s3 =	sshrl.u32 s3, $0x3  }
0x11: {  	s18 =	simm.s32 $0x7;
	s22 =	simm.s32 $0x1;
	s25 =	simm.s32 $0x2  }
0x12: {  	s9 =	simm.s32 $0x0;
	s7 =	sadd.s32 s8, s19;
	s0 =	sadd.s32 $0x1AA00, s0  }
0x13: {  	s5 =	smax.u32 s5, $0x1;
	s13 =	sadd.s32 s23, s8;
	s15 =	sadd.s32 s26, s8  }
0x14: {  	s16 =	sadd.s32 s3, s8;
	s19 =	simm.s32 $0x100;
	s23 =	simm.s32 $0x7D  }
0x15: {  	s26 =	simm.s32 $0x4400;
	s3 =	simm.s32 $0x4;
	[dreg:$0x8] =	wrdreg s0  }
0x16: {  	s20 =	sadd.s32 $0x20, s7;
	s21 =	sadd.s32 $0x40, s7;
	[dreg:$0x9] =	wrdreg s5  }
0x17: {  	s11 =	sadd.s32 $0x60, s7;
	s0 =	sshrl.u32 s24, $0x3;
	[dreg:$0x5] =	wrdreg s20  }
0x18: {  	s24 =	simm.s32 $0x400;
	s5 =	simm.s32 $0x280;
	[dreg:$0x6] =	wrdreg s21  }
0x19: {  	[dreg:$0x7] =	wrdreg s11;
	s14 =	sadd.s32 s0, s8;
	s20 =	simm.s32 $0x200  }
0x1a: {  	s21 =	simm.s32 $0x300;
	s0 =	simm.s32 $0x180;
	s8 =	simm.s32 $0x380  }
.LBB2_1:
0x1b: {  	s10 =	rddreg [dreg:$0x4]  }
0x1c: {  	[spmem:s17], [sflag:s6] =	dma.local [hbm:s10], $0x2800  }
0x1d: {  	_ =	swait.ge [sflag:s18], $0x2800  }
0x1e: {  	[sflag:s18] =	ssyncset.done $0x0  }
0x1f: {  	[sflag:s18] =	ssyncadd.s32 $0xFFFFD800  }
0x20: {  	[bflag:$0x0] =	sbarrier.arrive $0xFFFF  }
0x21: {  	[tilespmem:s4], [sflag:$0x1] =	stream.linear.gather [hbm4b:s7+s4], $0x100, $0x38;
	[tilespmem:$0x1C400] =	vst v63  }
0x22: {  	s12 =	rddreg [dreg:$0x5]  }
0x23: {  	[tilespmem:s19], [sflag:$0x2] =	stream.linear.gather [hbm4b:s12+s4], $0x100, $0x38;
	[tilespmem:$0x1C400] =	vst v63  }
0x24: {  	s11 =	rddreg [dreg:$0x6]  }
0x25: {  	[tilespmem:s20], [sflag:$0x3] =	stream.linear.gather [hbm4b:s11+s4], $0x100, $0x38;
	[tilespmem:$0x1C400] =	vst v63  }
0x26: {  	s12 =	rddreg [dreg:$0x7]  }
0x27: {  	[tilespmem:s21], [sflag:$0x4] =	stream.linear.gather [hbm4b:s12+s4], $0x100, $0x38;
	[tilespmem:$0x1C400] =	vst v63  }
0x28: {  	_ =	swait.ge [sflag:s22], $0x100  }
0x29: {  	[sflag:s22] =	ssyncset.done $0x0  }
0x2a: {  	[sflag:s22] =	ssyncadd.s32 $0xFFFFFF00  }
0x2b: {  	[tilespmem:s24], [sflag:$0x5] =	stream.indirect.gather [hbm4b:s1+s23], $0x80, s4, s23, $0xb8;
	[tilespmem:$0x1C400] =	vst v63  }
0x2c: {  	_ =	swait.ge [sflag:s25], $0x100  }
0x2d: {  	[sflag:s25] =	ssyncset.done $0x0  }
0x2e: {  	[sflag:s25] =	ssyncadd.s32 $0xFFFFFF00  }
0x2f: {  	[tilespmem:s26], [sflag:$0x6] =	stream.indirect.gather [hbm4b:s1+s23], $0x80, s19, s23, $0xb8;
	[tilespmem:$0x1C400] =	vst v63  }
0x30: {  	_ =	swait.ge [sflag:s28], $0x3E80  }
0x31: {  	[sflag:s28] =	ssyncset.done $0x0  }
0x32: {  	[sflag:s28] =	ssyncadd.s32 $0xFFFFC180  }
0x33: {  	[spmem:s2] =	stream.indirect.scatter.add.f32 [tilespmem:s24], [sflag:$0x7], $0x80, s29, s23, $0xb8;
	[tilespmem:$0x1C400] =	vst v63  }
0x34: {  	_ =	swait.ge [sflag:s18], $0x3E80  }
0x35: {  	[sflag:s18] =	ssyncset.done $0x0  }
0x36: {  	s11 =	sadd.s32 $0x0, s16;
	[sflag:s18] =	ssyncadd.s32 $0xFFFFC180  }
0x37: {  	[tilespmem:s4], [sflag:$0x1] =	stream.linear.gather [hbm4b:s11+s4], $0x100, $0x38;
	[tilespmem:$0x1C400] =	vst v63  }
0x38: {  	_ =	swait.ge [sflag:s30], $0x100  }
0x39: {  	[sflag:s30] =	ssyncset.done $0x0  }
0x3a: {  	[sflag:s30] =	ssyncadd.s32 $0xFFFFFF00  }
0x3b: {  	[tilespmem:s24], [sflag:$0x5] =	stream.indirect.gather [hbm4b:s1+s23], $0x80, s20, s23, $0xb8;
	[tilespmem:$0x1C400] =	vst v63  }
0x3c: {  	_ =	swait.ge [sflag:s31], $0x3E80  }
0x3d: {  	[sflag:s31] =	ssyncset.done $0x0  }
0x3e: {  	[sflag:s31] =	ssyncadd.s32 $0xFFFFC180  }
0x3f: {  	[spmem:s2] =	stream.indirect.scatter.add.f32 [tilespmem:s26], [sflag:$0x7], $0x80, s0, s23, $0xb8;
	[tilespmem:$0x1C400] =	vst v63  }
0x40: {  	_ =	swait.ge [sflag:s18], $0x3E80  }
0x41: {  	[sflag:s18] =	ssyncset.done $0x0  }
0x42: {  	s12 =	sadd.s32 $0x0, s15;
	[sflag:s18] =	ssyncadd.s32 $0xFFFFC180  }
0x43: {  	[tilespmem:s19], [sflag:$0x2] =	stream.linear.gather [hbm4b:s12+s4], $0x100, $0x38;
	[tilespmem:$0x1C400] =	vst v63  }
0x44: {  	_ =	swait.ge [sflag:s3], $0x100  }
0x45: {  	[sflag:s3] =	ssyncset.done $0x0  }
0x46: {  	[sflag:s3] =	ssyncadd.s32 $0xFFFFFF00  }
0x47: {  	[tilespmem:s26], [sflag:$0x6] =	stream.indirect.gather [hbm4b:s1+s23], $0x80, s21, s23, $0xb8;
	[tilespmem:$0x1C400] =	vst v63  }
0x48: {  	_ =	swait.ge [sflag:s28], $0x3E80  }
0x49: {  	[sflag:s28] =	ssyncset.done $0x0  }
0x4a: {  	[sflag:s28] =	ssyncadd.s32 $0xFFFFC180  }
0x4b: {  	[spmem:s2] =	stream.indirect.scatter.add.f32 [tilespmem:s24], [sflag:$0x7], $0x80, s5, s23, $0xb8;
	[tilespmem:$0x1C400] =	vst v63  }
0x4c: {  	_ =	swait.ge [sflag:s18], $0x3E80  }
0x4d: {  	[sflag:s18] =	ssyncset.done $0x0  }
0x4e: {  	s11 =	sadd.s32 $0x0, s14;
	[sflag:s18] =	ssyncadd.s32 $0xFFFFC180  }
0x4f: {  	[tilespmem:s20], [sflag:$0x3] =	stream.linear.gather [hbm4b:s11+s4], $0x100, $0x38;
	[tilespmem:$0x1C400] =	vst v63  }
0x50: {  	_ =	swait.ge [sflag:s22], $0x100  }
0x51: {  	[sflag:s22] =	ssyncset.done $0x0  }
0x52: {  	[sflag:s22] =	ssyncadd.s32 $0xFFFFFF00  }
0x53: {  	[tilespmem:s24], [sflag:$0x5] =	stream.indirect.gather [hbm4b:s1+s23], $0x80, s4, s23, $0xb8;
	[tilespmem:$0x1C400] =	vst v63  }
0x54: {  	_ =	swait.ge [sflag:s31], $0x3E80  }
0x55: {  	[sflag:s31] =	ssyncset.done $0x0  }
0x56: {  	[sflag:s31] =	ssyncadd.s32 $0xFFFFC180  }
0x57: {  	[spmem:s2] =	stream.indirect.scatter.add.f32 [tilespmem:s26], [sflag:$0x7], $0x80, s8, s23, $0xb8;
	[tilespmem:$0x1C400] =	vst v63  }
0x58: {  	_ =	swait.ge [sflag:s18], $0x3E80  }
0x59: {  	[sflag:s18] =	ssyncset.done $0x0  }
0x5a: {  	s12 =	sadd.s32 $0x0, s13;
	[sflag:s18] =	ssyncadd.s32 $0xFFFFC180  }
0x5b: {  	[tilespmem:s21], [sflag:$0x4] =	stream.linear.gather [hbm4b:s12+s4], $0x100, $0x38;
	[tilespmem:$0x1C400] =	vst v63  }
0x5c: {  	_ =	swait.ge [sflag:s25], $0x100  }
0x5d: {  	[sflag:s25] =	ssyncset.done $0x0  }
0x5e: {  	s10 =	simm.s32 $0x80;
	[sflag:s25] =	ssyncadd.s32 $0xFFFFFF00  }
.LBB2_2:
0x5f: {  	[tilespmem:s26], [sflag:$0x6] =	stream.indirect.gather [hbm4b:s1+s23], $0x80, s19, s23, $0xb8;
	[tilespmem:$0x1C400] =	vst v63  }
0x60: {  	s11 =	smov.u32 s10  }
0x61: {  	p0 =	sne.s32 s10, $0x900;
	s10 =	sadd.s32 $0x80, s10;
	_ =	swait.ge [sflag:s28], $0x3E80  }
0x62: {  	[sflag:s28] =	ssyncset.done $0x0  }
0x63: {  	[sflag:s28] =	ssyncadd.s32 $0xFFFFC180  }
0x64: {  	[spmem:s2] =	stream.indirect.scatter.add.f32 [tilespmem:s24], [sflag:$0x7], $0x80, s29, s23, $0xb8;
	[tilespmem:$0x1C400] =	vst v63  }
0x65: {  	_ =	swait.ge [sflag:s18], $0x3E80  }
0x66: {  	[sflag:s18] =	ssyncset.done $0x0  }
0x67: {  	s12 =	sadd.s32 s11, s16;
	[sflag:s18] =	ssyncadd.s32 $0xFFFFC180  }
0x68: {  	[tilespmem:s4], [sflag:$0x1] =	stream.linear.gather [hbm4b:s12+s4], $0x100, $0x38;
	[tilespmem:$0x1C400] =	vst v63  }
0x69: {  	_ =	swait.ge [sflag:s30], $0x100  }
0x6a: {  	[sflag:s30] =	ssyncset.done $0x0  }
0x6b: {  	[sflag:s30] =	ssyncadd.s32 $0xFFFFFF00  }
0x6c: {  	[tilespmem:s24], [sflag:$0x5] =	stream.indirect.gather [hbm4b:s1+s23], $0x80, s20, s23, $0xb8;
	[tilespmem:$0x1C400] =	vst v63  }
0x6d: {  	_ =	swait.ge [sflag:s31], $0x3E80  }
0x6e: {  	[sflag:s31] =	ssyncset.done $0x0  }
0x6f: {  	[sflag:s31] =	ssyncadd.s32 $0xFFFFC180  }
0x70: {  	[spmem:s2] =	stream.indirect.scatter.add.f32 [tilespmem:s26], [sflag:$0x7], $0x80, s0, s23, $0xb8;
	[tilespmem:$0x1C400] =	vst v63  }
0x71: {  	_ =	swait.ge [sflag:s18], $0x3E80  }
0x72: {  	[sflag:s18] =	ssyncset.done $0x0  }
0x73: {  	s12 =	sadd.s32 s11, s15;
	[sflag:s18] =	ssyncadd.s32 $0xFFFFC180  }
0x74: {  	[tilespmem:s19], [sflag:$0x2] =	stream.linear.gather [hbm4b:s12+s4], $0x100, $0x38;
	[tilespmem:$0x1C400] =	vst v63  }
0x75: {  	_ =	swait.ge [sflag:s3], $0x100  }
0x76: {  	[sflag:s3] =	ssyncset.done $0x0  }
0x77: {  	[sflag:s3] =	ssyncadd.s32 $0xFFFFFF00  }
0x78: {  	[tilespmem:s26], [sflag:$0x6] =	stream.indirect.gather [hbm4b:s1+s23], $0x80, s21, s23, $0xb8;
	[tilespmem:$0x1C400] =	vst v63  }
0x79: {  	_ =	swait.ge [sflag:s28], $0x3E80  }
0x7a: {  	[sflag:s28] =	ssyncset.done $0x0  }
0x7b: {  	[sflag:s28] =	ssyncadd.s32 $0xFFFFC180  }
0x7c: {  	[spmem:s2] =	stream.indirect.scatter.add.f32 [tilespmem:s24], [sflag:$0x7], $0x80, s5, s23, $0xb8;
	[tilespmem:$0x1C400] =	vst v63  }
0x7d: {  	_ =	swait.ge [sflag:s18], $0x3E80  }
0x7e: {  	[sflag:s18] =	ssyncset.done $0x0  }
0x7f: {  	s12 =	sadd.s32 s11, s14;
	[sflag:s18] =	ssyncadd.s32 $0xFFFFC180  }
0x80: {  	[tilespmem:s20], [sflag:$0x3] =	stream.linear.gather [hbm4b:s12+s4], $0x100, $0x38;
	[tilespmem:$0x1C400] =	vst v63  }
0x81: {  	_ =	swait.ge [sflag:s22], $0x100  }
0x82: {  	[sflag:s22] =	ssyncset.done $0x0  }
0x83: {  	[sflag:s22] =	ssyncadd.s32 $0xFFFFFF00  }
0x84: {  	[tilespmem:s24], [sflag:$0x5] =	stream.indirect.gather [hbm4b:s1+s23], $0x80, s4, s23, $0xb8;
	[tilespmem:$0x1C400] =	vst v63  }
0x85: {  	_ =	swait.ge [sflag:s31], $0x3E80  }
0x86: {  	[sflag:s31] =	ssyncset.done $0x0  }
0x87: {  	[sflag:s31] =	ssyncadd.s32 $0xFFFFC180  }
0x88: {  	[spmem:s2] =	stream.indirect.scatter.add.f32 [tilespmem:s26], [sflag:$0x7], $0x80, s8, s23, $0xb8;
	[tilespmem:$0x1C400] =	vst v63  }
0x89: {  	_ =	swait.ge [sflag:s18], $0x3E80  }
0x8a: {  	[sflag:s18] =	ssyncset.done $0x0  }
.Ltmp0:
0x8b: {  	s11 =	sadd.s32 s11, s13;
	[sflag:s18] =	ssyncadd.s32 $0xFFFFC180;
	(pc) =	sbr.rel @p0 .LBB2_2-.Ltmp0, $4  }
0x8c: {  	[tilespmem:s21], [sflag:$0x4] =	stream.linear.gather [hbm4b:s11+s4], $0x100, $0x38;
	[tilespmem:$0x1C400] =	vst v63  }
0x8d: {  	_ =	swait.ge [sflag:s25], $0x100  }
0x8e: {  	[sflag:s25] =	ssyncset.done $0x0  }
0x8f: {  	[sflag:s25] =	ssyncadd.s32 $0xFFFFFF00  }
0x90: {  	[tilespmem:s26], [sflag:$0x6] =	stream.indirect.gather [hbm4b:s1+s23], $0x80, s19, s23, $0xb8;
	[tilespmem:$0x1C400] =	vst v63  }
0x91: {  	_ =	swait.ge [sflag:s28], $0x3E80  }
0x92: {  	[sflag:s28] =	ssyncset.done $0x0  }
0x93: {  	[sflag:s28] =	ssyncadd.s32 $0xFFFFC180  }
0x94: {  	[spmem:s2] =	stream.indirect.scatter.add.f32 [tilespmem:s24], [sflag:$0x7], $0x80, s29, s23, $0xb8;
	[tilespmem:$0x1C400] =	vst v63  }
0x95: {  	_ =	swait.ge [sflag:s18], $0x3E80  }
0x96: {  	[sflag:s18] =	ssyncset.done $0x0  }
0x97: {  	[sflag:s18] =	ssyncadd.s32 $0xFFFFC180  }
0x98: {  	_ =	swait.ge [sflag:s30], $0x100  }
0x99: {  	[sflag:s30] =	ssyncset.done $0x0  }
0x9a: {  	[sflag:s30] =	ssyncadd.s32 $0xFFFFFF00  }
0x9b: {  	[tilespmem:s24], [sflag:$0x5] =	stream.indirect.gather [hbm4b:s1+s23], $0x80, s20, s23, $0xb8;
	[tilespmem:$0x1C400] =	vst v63  }
0x9c: {  	_ =	swait.ge [sflag:s31], $0x3E80  }
0x9d: {  	[sflag:s31] =	ssyncset.done $0x0  }
0x9e: {  	[sflag:s31] =	ssyncadd.s32 $0xFFFFC180  }
0x9f: {  	[spmem:s2] =	stream.indirect.scatter.add.f32 [tilespmem:s26], [sflag:$0x7], $0x80, s0, s23, $0xb8;
	[tilespmem:$0x1C400] =	vst v63  }
0xa0: {  	_ =	swait.ge [sflag:s18], $0x3E80  }
0xa1: {  	[sflag:s18] =	ssyncset.done $0x0  }
0xa2: {  	[sflag:s18] =	ssyncadd.s32 $0xFFFFC180  }
0xa3: {  	_ =	swait.ge [sflag:s3], $0x100  }
0xa4: {  	[sflag:s3] =	ssyncset.done $0x0  }
0xa5: {  	[sflag:s3] =	ssyncadd.s32 $0xFFFFFF00  }
0xa6: {  	[tilespmem:s26], [sflag:$0x6] =	stream.indirect.gather [hbm4b:s1+s23], $0x80, s21, s23, $0xb8;
	[tilespmem:$0x1C400] =	vst v63  }
0xa7: {  	_ =	swait.ge [sflag:s28], $0x3E80  }
0xa8: {  	[sflag:s28] =	ssyncset.done $0x0  }
0xa9: {  	[sflag:s28] =	ssyncadd.s32 $0xFFFFC180  }
0xaa: {  	[spmem:s2] =	stream.indirect.scatter.add.f32 [tilespmem:s24], [sflag:$0x7], $0x80, s5, s23, $0xb8;
	[tilespmem:$0x1C400] =	vst v63  }
0xab: {  	_ =	swait.ge [sflag:s18], $0x3E80  }
0xac: {  	[sflag:s18] =	ssyncset.done $0x0  }
0xad: {  	[sflag:s18] =	ssyncadd.s32 $0xFFFFC180  }
0xae: {  	_ =	swait.ge [sflag:s31], $0x3E80  }
0xaf: {  	[sflag:s31] =	ssyncset.done $0x0  }
0xb0: {  	[sflag:s31] =	ssyncadd.s32 $0xFFFFC180  }
0xb1: {  	[spmem:s2] =	stream.indirect.scatter.add.f32 [tilespmem:s26], [sflag:$0x7], $0x80, s8, s23, $0xb8;
	[tilespmem:$0x1C400] =	vst v63  }
0xb2: {  	_ =	swait.ge [sflag:s18], $0x3E80  }
0xb3: {  	[sflag:s18] =	ssyncset.done $0x0  }
0xb4: {  	[sflag:s18] =	ssyncadd.s32 $0xFFFFC180  }
0xb5: {  	[bflag:$0x0] =	sbarrier.arrive $0xFFFF  }
0xb6: {  	s10 =	rddreg [dreg:$0x8]  }
0xb7: {  	[hbm:s10], [sflag:s6] =	dma.local [spmem:s17], $0x2800  }
0xb8: {  	_ =	swait.ge [sflag:s18], $0x2800  }
0xb9: {  	s9 =	sadd.s32 $0x1, s9;
	s12 =	rddreg [dreg:$0x9]  }
0xba: {  	p0 =	sne.s32 s9, s12  }
.Ltmp1:
0xbb: {  	_ = 	snop;
	(pc) =	sbr.rel @p0 .LBB2_1-.Ltmp1, $3  }
0xbc: {  	_ =	sdelay $0x1  }
0xbd: {  	[sflag:s18] =	ssyncset.done $0x0  }
0xbe: {  	[sflag:s18] =	ssyncadd.s32 $0xFFFFD800  }
0xbf: {  	_ =	sfence.sel $0x180000  }
0xc0: {  	[bflag:$0x0] =	sbarrier.arrive $0xFFFF  }
0xc1: {  	_ =	strace $0x9000004A  }
0xc2: {  	s0 =	stileid.u32;
	[bflag:$0x2] =	sbarrier.arrive $0xFFFF  }
0xc3: {  	p0 =	sne.s32 s0, $0x0;
	s0 =	rddreg [dreg:$0x3]  }
0xc4: {  	s0 =	sadd.s32 @!p0 $0x100000, s0  }
0xc5: {  	[sflag:s0] =	ssyncadd.tile.s32 @!p0 $0x1;
	_ =	shalt  }
.Lfunc_end2:
_tile_overlayer_lowered:
.L_overlay_start_2:
0xc6: {  	(tag) =	ssettag $0x2  }
0xc7: {  	s0 =	rddreg [dreg:$0x0];
	s2 =	stileid.u32  }
0xc8: {  	s1 =	rddreg [dreg:$0x1];
	p0 =	sne.s32 s2, $0x0  }
0xc9: {  	s3 =	rddreg [dreg:$0x2];
	[bflag:$0x3] =	sbarrier.arrive $0xFFFF;
	s2 =	simm.s32 @!p0 $0x1C07  }
0xca: {  	[timem:s3], [sflag:s2] =	dma.local @!p0 [hbm:s0], s1  }
0xcb: {  	s0 =	simm.s32 @!p0 $0x7  }
0xcc: {  	_ =	swait.ge @!p0 [sflag:s0], s1  }
0xcd: {  	s1 =	ssub.s32 @!p0 $0x0, s1;
	[sflag:s0] =	ssyncset.done @!p0 $0x0  }
0xce: {  	[sflag:s0] =	ssyncadd.s32 @!p0 s1  }
0xcf: {  	[bflag:$0x3] =	sbarrier.arrive $0xFFFF  }
0xd0: {  	_ =	shalt  }

// kernel: kernel.14.cloned.1.call-start
scs
__scs_entry_jumppad:
0x0: {  	(pc) =	sbr.rel $0x88, $3  }
0x1: {  	(tag) =	ssettag $0x0;
	lr =	simm.s32 $0x1  }
0x2: {  	[smem:$0x3F95] =	sst lr;
	_ =	strace $0xD0000000  }
0x3: {  	_ = 	snop  }
0x4: {  	_ = 	snop  }
0x5: {  	_ = 	snop  }
0x6: {  	_ = 	snop  }
0x7: {  	_ = 	snop  }
__scs_overlays_trampoline_lowered:
0x8: {  	[smem:$0x3FA4] =	sst s0  }
0x9: {  	[smem:$0x3FA5] =	sst s1  }
0xa: {  	[smem:$0x3FA6] =	sst s2  }
0xb: {  	[smem:$0x3FA7] =	sst s3  }
0xc: {  	[smem:$0x3FA8] =	sst s4  }
0xd: {  	[smem:$0x3FA9] =	sst s5  }
0xe: {  	[smem:$0x3FAA] =	sst s6  }
0xf: {  	[smem:$0x3FAB] =	sst s7  }
0x10: {  	[smem:$0x3FAC] =	sst s8  }
0x11: {  	[smem:$0x3FAD] =	sst s9;
	s0 =	simm.s32 @!p0 $0x0  }
0x12: {  	s1 =	sld [smem:$0x3F93];
	s0 =	simm.s32 @p0 $0x1  }
0x13: {  	[smem:$0x3FAE] =	sst s0;
	s0 =	simm.s32 @!p1 $0x0  }
0x14: {  	s2 =	sld [smem:$0x3F92];
	s0 =	simm.s32 @p1 $0x1  }
0x15: {  	[smem:$0x3FAF] =	sst s0;
	s0 =	simm.s32 @!p2 $0x0  }
0x16: {  	s3 =	sld [smem:$0x3FDB];
	s0 =	simm.s32 @p2 $0x1  }
0x17: {  	s4 =	simm.s32 $0x1BF5;
	[smem:$0x3FB1] =	sst s0  }
0x18: {  	s0 =	sld [smem:$0x3F94];
	_ =	swait.ge [sflag:s4], $0x0  }
0x19: {  	s7 =	sld [smem:$0x3F95]  }
0x1a: {  	s8 =	sadd.s32 $0xFFFFE003, lr  }
0x1b: {  	s9 =	sadd.s32 $0xFFFFFEF7, lr;
	s5 =	simm.s32 $0xFFFFFFFF;
	p2 =	slt.u32 s8, $0xFFFFF086  }
0x1c: {  	p1 =	slt.u32 s9, $0xF7A;
	s5 =	simm.s32 @!p2 $0x0  }
0x1d: {  	s5 =	simm.s32 @p1 $0x1;
	p0 =	seq.s32 s7, s2  }
0x1e: {  	s7 =	smul.u32 @!p0 $0xF7A, s2;
	p2 =	seq.s32 @!p0 s5, $0x0  }
0x1f: {  	s9 =	smul.u32 $0xF7A, s1;
	s8 =	simm.s32 @!p0 $0x1BF5;
	p2 =	por !p2, p0  }
0x20: {  	[sflag:s8] =	ssyncset.s32 @!p0 $0xFFFFF086;
	s6 =	sadd.s32 @!p0 s3, s7;
	s7 =	simm.s32 @!p0 $0x108  }
0x21: {  	s3 =	sadd.s32 s3, s9;
	s6 =	sadd.s32 @!p0 $0x88, s6;
	s7 =	simm.s32 @p2 $0x1082  }
0x22: {  	[simem:s7], [sflag:s8] =	dma.local @!p0 [hbm:s6], $0xF7A  }
0x23: {  	s9 =	sor.u32 $0xD0000000, s2;
	s6 =	simm.s32 $0x108;
	_ =	swait.ge @!p0 [sflag:s8], $0x0  }
0x24: {  	s3 =	sadd.s32 $0x88, s3;
	s6 =	simm.s32 @!p1 $0x1082;
	[sflag:s4] =	ssyncset.s32 $0xFFFFF086  }
0x25: {  	[simem:s6], [sflag:s4] =	dma.local [hbm:s3], $0xF7A  }
0x26: {  	[smem:$0x3F95] =	sst s1;
	(tag) =	ssettag s2;
	_ =	strace s9  }
0x27: {  	s1 =	sld [smem:$0x3FA5]  }
0x28: {  	s2 =	sld [smem:$0x3FA6]  }
0x29: {  	s4 =	sld [smem:$0x3FA8]  }
0x2a: {  	p0 =	seq.s32 s5, $0x0;
	s5 =	sld [smem:$0x3FA9]  }
0x2b: {  	s6 =	sld [smem:$0x3FAA]  }
0x2c: {  	s7 =	sld [smem:$0x3FAB]  }
0x2d: {  	s3 =	simm.s32 $0x108;
	s8 =	sld [smem:$0x3FAC]  }
0x2e: {  	s3 =	simm.s32 @!p0 $0x1082;
	s9 =	sld [smem:$0x3FAD]  }
0x2f: {  	lr =	sadd.s32 s0, s3;
	s0 =	sld [smem:$0x3FA4]  }
0x30: {  	s3 =	sld [smem:$0x3FA7]  }
0x31: {  	[smem:$0x3FB0] =	sst s10  }
0x32: {  	s10 =	sld [smem:$0x3FAE];
	_ =	sdelay $0x3  }
0x33: {  	p0 =	seq.s32 s10, $0x1;
	s10 =	sld [smem:$0x3FB0];
	_ =	sdelay $0x3  }
0x34: {  	[smem:$0x3FB0] =	sst s10  }
0x35: {  	s10 =	sld [smem:$0x3FAF];
	_ =	sdelay $0x3  }
0x36: {  	p1 =	seq.s32 s10, $0x1;
	s10 =	sld [smem:$0x3FB0];
	_ =	sdelay $0x3  }
0x37: {  	[smem:$0x3FB0] =	sst s10  }
0x38: {  	s10 =	sld [smem:$0x3FB1]  }
0x39: {  	_ = 	snop;
	(pc) =	sbr.ind lr, $3  }
0x3a: {  	_ = 	snop  }
0x3b: {  	_ = 	snop  }
0x3c: {  	p2 =	seq.s32 s10, $0x1;
	s10 =	sld [smem:$0x3FB0]  }
0x3d: {  	_ =	shalt  }
0x3e: {  	_ =	shalt  }
0x3f: {  	_ =	shalt  }
0x40: {  	_ =	shalt  }
0x41: {  	_ =	shalt  }
0x42: {  	_ =	shalt  }
0x43: {  	_ =	shalt  }
0x44: {  	_ =	shalt  }
0x45: {  	_ =	shalt  }
0x46: {  	_ =	shalt  }
0x47: {  	_ =	shalt  }
0x48: {  	_ =	shalt  }
0x49: {  	_ =	shalt  }
0x4a: {  	_ =	shalt  }
0x4b: {  	_ =	shalt  }
0x4c: {  	_ =	shalt  }
0x4d: {  	_ =	shalt  }
0x4e: {  	_ =	shalt  }
0x4f: {  	_ =	shalt  }
0x50: {  	_ =	shalt  }
0x51: {  	_ =	shalt  }
0x52: {  	_ =	shalt  }
0x53: {  	_ =	shalt  }
0x54: {  	_ =	shalt  }
0x55: {  	_ =	shalt  }
0x56: {  	_ =	shalt  }
0x57: {  	_ =	shalt  }
0x58: {  	_ =	shalt  }
0x59: {  	_ =	shalt  }
0x5a: {  	_ =	shalt  }
0x5b: {  	_ =	shalt  }
0x5c: {  	_ =	shalt  }
0x5d: {  	_ =	shalt  }
0x5e: {  	_ =	shalt  }
0x5f: {  	_ =	shalt  }
0x60: {  	_ =	shalt  }
0x61: {  	_ =	shalt  }
0x62: {  	_ =	shalt  }
0x63: {  	_ =	shalt  }
0x64: {  	_ =	shalt  }
0x65: {  	_ =	shalt  }
0x66: {  	_ =	shalt  }
0x67: {  	_ =	shalt  }
0x68: {  	_ =	shalt  }
0x69: {  	_ =	shalt  }
0x6a: {  	_ =	shalt  }
0x6b: {  	_ =	shalt  }
0x6c: {  	_ =	shalt  }
0x6d: {  	_ =	shalt  }
0x6e: {  	_ =	shalt  }
0x6f: {  	_ =	shalt  }
0x70: {  	_ =	shalt  }
0x71: {  	_ =	shalt  }
0x72: {  	_ =	shalt  }
0x73: {  	_ =	shalt  }
0x74: {  	_ =	shalt  }
0x75: {  	_ =	shalt  }
0x76: {  	_ =	shalt  }
0x77: {  	_ =	shalt  }
0x78: {  	_ =	shalt  }
0x79: {  	_ =	shalt  }
0x7a: {  	_ =	shalt  }
0x7b: {  	_ =	shalt  }
0x7c: {  	_ =	shalt  }
0x7d: {  	_ =	shalt  }
0x7e: {  	_ =	shalt  }
0x7f: {  	_ =	shalt  }
0x80: {  	_ =	shalt  }
0x81: {  	_ =	shalt  }
0x82: {  	_ =	shalt  }
0x83: {  	_ =	shalt  }
0x84: {  	_ =	shalt  }
0x85: {  	_ =	shalt  }
0x86: {  	_ =	shalt  }
0x87: {  	_ =	shalt  }
.Lfunc_end0:
.L_simem_size_0:
called_computation.2_lowered:
.L_overlay_start_0:
0x88: {  	s2 =	sld [smem:$0x3FD9]  }
0x89: {  	s3 =	sld [smem:$0x3FFE];
	_ =	sdelay $0x1  }
0x8a: {  	s1 =	srdreg.scid  }
0x8b: {  	s0 =	sand.u32 $0x1, s1  }
0x8c: {  	s14 =	sshll.u32 s0, $0xA;
	s2 =	sadd.s32 s3, s2  }
0x8d: {  	s2 =	sadd.s32 s2, s14  }
0x8e: {  	[smem:$0x3FBC] =	sst s2  }
0x8f: {  	_ = 	snop  }
0x90: {  	s2 =	sld [smem:$0x3FD0];
	_ =	sdelay $0x2  }
0x91: {  	s15 =	simm.s32 $0xA;
	s4 =	simm.s32 $0x10  }
0x92: {  	[smem:s4], [sflag:s15] =	dma.local [hbm:s2], $0x1  }
0x93: {  	_ =	swait.eq [sflag:s15], $0x1  }
0x94: {  	[sflag:s15] =	ssyncset.done $0x0  }
0x95: {  	[sflag:s15] =	ssyncadd.s32 $0xFFFFFFFF  }
0x96: {  	s16 =	sld [smem:$0x10];
	(tm) =	ssettm $0x1  }
0x97: {  	s17 =	sld [smem:$0x3FFB];
	_ =	sdelay $0x3  }
0x98: {  	_ =	strace s17  }
0x99: {  	s3 =	sld [smem:$0x3FFC];
	_ =	sdelay $0x3  }
0x9a: {  	_ =	strace s3  }
0x9b: {  	s3 =	sld [smem:$0x3FFD];
	_ =	sdelay $0x3  }
0x9c: {  	_ =	strace s3  }
0x9d: {  	_ =	strace $0x8FFFFFFF  }
0x9e: {  	s18 =	sld [smem:$0x3FDB];
	_ =	sdelay $0x1  }
0x9f: {  	s19 =	simm.s32 $_scs_section_size  }
0xa0: {  	s5 =	simm.s32 $_size__tile_overlayer_lowered;
	s6 =	simm.s32 $_tile_overlayer_lowered  }
0xa1: {  	s22 =	simm.s32 $0x1BFF;
	s21 =	sshll.u32 s6, $0x1;
	s3 =	sadd.s32 s19, s18  }
0xa2: {  	s7 =	simm.s32 $0x0;
	s20 =	sshll.u32 s5, $0x1;
	s5 =	sadd.s32 s21, s3  }
0xa3: {  	[timem:s7], [sflag:s22] =	dma.local [hbm:s5], s20  }
0xa4: {  	_ =	swait.ge [sflag:s22], s20  }
0xa5: {  	s4 =	ssub.s32 $0x0, s20;
	[sflag:s22] =	ssyncset.done $0x0  }
0xa6: {  	[sflag:s22] =	ssyncadd.s32 s4;
	_ =	sdelay $0x1  }
0xa7: {  	s23 =	simm.s32 $0x1B8B  }
0xa8: {  	_ =	swait.ge [sflag:s23], $0x1  }
0xa9: {  	[sflag:s23] =	ssyncset.done $0x0  }
0xaa: {  	s25 =	simm.s32 $0x1B8E;
	s24 =	sld [smem:$0x3FFE];
	[sflag:s23] =	ssyncadd.s32 $0xFFFFFFFF  }
0xab: {  	s26 =	simm.s32 $execute0_lowered;
	[smem:$0x3FD2] =	sst s25  }
0xac: {  	s5 =	sshll.u32 s26, $0x1;
	_ =	strace $0x8000004C;
	[dreg:$0x1] =	wrdreg $0xFFFFFFFF  }
0xad: {  	s28 =	simm.s32 $_size_execute0_lowered;
	s3 =	sadd.s32 s3, s5;
	[dreg:$0x0] =	wrdreg $0x0  }
0xae: {  	s5 =	sshll.u32 s28, $0x1;
	[dreg:$0x2] =	wrdreg s3  }
0xaf: {  	[dreg:$0x3] =	wrdreg s5  }
0xb0: {  	[dreg:$0x4] =	wrdreg $0xC0  }
0xb1: {  	_ =	task [dreg:s7], $0x5FFFF  }
0xb2: {  	[dreg:$0x1] =	wrdreg $0xFFFFFFFF  }
0xb3: {  	[dreg:$0x0] =	wrdreg $0x60  }
0xb4: {  	[dreg:$0x2] =	wrdreg s16  }
0xb5: {  	[dreg:$0x3] =	wrdreg s24  }
0xb6: {  	[dreg:$0x4] =	wrdreg $0x84000  }
0xb7: {  	[dreg:$0x5] =	wrdreg $0x9  }
0xb8: {  	_ =	task.clear_ibuf [dreg:s7], $0x6FFFF;
	_ =	strace $0x9000004C  }
0xb9: {  	s29 =	simm.s32 $0x9;
	_ =	strace $0x8000004E  }
0xba: {  	_ =	swait.ge [sflag:s29], $0x1  }
0xbb: {  	[sflag:s29] =	ssyncadd.s32 $0xFFFFFFFF  }
0xbc: {  	_ =	strace $0x9000004E  }
0xbd: {  	_ =	sfence  }
0xbe: {  	s30 =	sld [smem:$0x0];
	_ =	sdelay $0x2  }
0xbf: {  	s31 =	sshll.u32 s1, $0xD;
	s1 =	sshrl.u32 s1, $0x2  }
0xc0: {  	s3 =	sand.u32 $0x4000, s31;
	s1 =	sadd.s32 s1, s30  }
0xc1: {  	s0 =	sor.u32 s3, s0;
	s1 =	sshll.u32 s1, $0x11  }
0xc2: {  	s0 =	sor.u32 s1, s0  }
0xc3: {  	s0 =	sadd.s32 $0x8F2B, s0  }
0xc4: {  	[sflag:s0] =	ssyncadd.remote.s32 $0x1  }
0xc5: {  	_ =	sfence.sel $0xFFFF  }
0xc6: {  	[dreg:$0x0] =	wrdreg $0xFFFFFFFF;
	(pc) =	sbr.abs _section_cstart, $3  }
0xc7: {  	[dreg:$0x1] =	wrdreg $0xFFFFFFFF  }
0xc8: {  	_ =	task.clear_ibuf [dreg:s7], $0x2FFFF;
	_ =	strace $0x9FFFFFFF  }
0xc9: {  	(tm) =	ssettm $0x7FFFFFFF  }
tec
execute0_lowered:
.L_overlay_start_1:
0x0: {  	(tag) =	ssettag $0x1  }
0x1: {  	s1 =	rddreg [dreg:$0x0]  }
0x2: {  	s0 =	rddreg [dreg:$0x1]  }
0x3: {  	s2 =	rddreg [dreg:$0x2];
	s4 =	simm.s32 $0x0;
	s3 =	srdreg.scid  }
0x4: {  	s11 =	stileid.u32;
	s28 =	simm.s32 $0x5;
	s29 =	simm.s32 $0x80  }
0x5: {  	s30 =	simm.s32 $0x3;
	s31 =	simm.s32 $0x6;
	s6 =	smul.u32 $0x14000, s11  }
0x6: {  	[smem:$0x7FF] =	sst s4;
	s3 =	sand.u32 $0x1, s3;
	s15 =	smul.u32 $0x50000, s11  }
0x7: {  	s8 =	sadd.s32 $0x4200, s0;
	s7 =	sadd.s32 $0x18200, s0;
	s17 =	smul.u32 $0x5000, s11  }
0x8: {  	s18 =	sshll.u32 s11, $0x6;
	s5 =	smul.u32 $0x140000, s3;
	_ =	strace $0x8000004D  }
0x9: {  	[dreg:$0x4] =	wrdreg s7;
	s13 =	sshll.u32 s3, $0x4;
	s9 =	ssub.s32 $0x2, s3  }
0xa: {  	s3 =	smul.u32 $0x50000, s3;
	s14 =	sor.u32 s11, s13;
	s16 =	sshrl.u32 s9, $0x1  }
0xb: {  	s7 =	sshrl.u32 s15, $0x2;
	s5 =	sadd.s32 s6, s5;
	s6 =	smul.u32 $0x5000, s14  }
0xc: {  	s10 =	sadd.s32 s7, s2;
	s3 =	sadd.s32 s17, s3;
	s5 =	sshrl.u32 s5, $0x3  }
0xd: {  	s22 =	sor.u32 $0x700, s3;
	s24 =	sor.u32 $0x600, s3;
	s25 =	sor.u32 $0x500, s3  }
0xe: {  	s3 =	sor.u32 $0x400, s3;
	s17 =	sshrl.u32 s10, $0x3;
	s0 =	sadd.s32 s5, s0  }
0xf: {  	s5 =	ssub.s32 s9, s16;
	s19 =	sshrl.u32 s6, $0x3;
	s6 =	sor.u32 $0x1C07, s18  }
0x10: {  	s23 =	sshrl.u32 s22, $0x3;
	s26 =	sshrl.u32 s25, $0x3;
	s3 =	sshrl.u32 s3, $0x3  }
0x11: {  	s18 =	simm.s32 $0x7;
	s22 =	simm.s32 $0x1;
	s25 =	simm.s32 $0x2  }
0x12: {  	s9 =	simm.s32 $0x0;
	s7 =	sadd.s32 s8, s19;
	s0 =	sadd.s32 $0x1AA00, s0  }
0x13: {  	s5 =	smax.u32 s5, $0x1;
	s13 =	sadd.s32 s23, s8;
	s15 =	sadd.s32 s26, s8  }
0x14: {  	s16 =	sadd.s32 s3, s8;
	s19 =	simm.s32 $0x100;
	s23 =	simm.s32 $0x7D  }
0x15: {  	s26 =	simm.s32 $0x4400;
	s3 =	simm.s32 $0x4;
	[dreg:$0x8] =	wrdreg s0  }
0x16: {  	s20 =	sadd.s32 $0x20, s7;
	s21 =	sadd.s32 $0x40, s7;
	[dreg:$0x9] =	wrdreg s5  }
0x17: {  	s11 =	sadd.s32 $0x60, s7;
	s0 =	sshrl.u32 s24, $0x3;
	[dreg:$0x5] =	wrdreg s20  }
0x18: {  	s24 =	simm.s32 $0x400;
	s5 =	simm.s32 $0x280;
	[dreg:$0x6] =	wrdreg s21  }
0x19: {  	[dreg:$0x7] =	wrdreg s11;
	s14 =	sadd.s32 s0, s8;
	s20 =	simm.s32 $0x200  }
0x1a: {  	s21 =	simm.s32 $0x300;
	s0 =	simm.s32 $0x180;
	s8 =	simm.s32 $0x380  }
.LBB2_1:
0x1b: {  	s10 =	rddreg [dreg:$0x4]  }
0x1c: {  	[spmem:s17], [sflag:s6] =	dma.local [hbm:s10], $0x2800  }
0x1d: {  	_ =	swait.ge [sflag:s18], $0x2800  }
0x1e: {  	[sflag:s18] =	ssyncset.done $0x0  }
0x1f: {  	[sflag:s18] =	ssyncadd.s32 $0xFFFFD800  }
0x20: {  	[bflag:$0x0] =	sbarrier.arrive $0xFFFF  }
0x21: {  	[tilespmem:s4], [sflag:$0x1] =	stream.linear.gather [hbm4b:s7+s4], $0x100, $0x38;
	[tilespmem:$0x1C400] =	vst v63  }
0x22: {  	s12 =	rddreg [dreg:$0x5]  }
0x23: {  	[tilespmem:s19], [sflag:$0x2] =	stream.linear.gather [hbm4b:s12+s4], $0x100, $0x38;
	[tilespmem:$0x1C400] =	vst v63  }
0x24: {  	s11 =	rddreg [dreg:$0x6]  }
0x25: {  	[tilespmem:s20], [sflag:$0x3] =	stream.linear.gather [hbm4b:s11+s4], $0x100, $0x38;
	[tilespmem:$0x1C400] =	vst v63  }
0x26: {  	s12 =	rddreg [dreg:$0x7]  }
0x27: {  	[tilespmem:s21], [sflag:$0x4] =	stream.linear.gather [hbm4b:s12+s4], $0x100, $0x38;
	[tilespmem:$0x1C400] =	vst v63  }
0x28: {  	_ =	swait.ge [sflag:s22], $0x100  }
0x29: {  	[sflag:s22] =	ssyncset.done $0x0  }
0x2a: {  	[sflag:s22] =	ssyncadd.s32 $0xFFFFFF00  }
0x2b: {  	[tilespmem:s24], [sflag:$0x5] =	stream.indirect.gather [hbm4b:s1+s23], $0x80, s4, s23, $0xb8;
	[tilespmem:$0x1C400] =	vst v63  }
0x2c: {  	_ =	swait.ge [sflag:s25], $0x100  }
0x2d: {  	[sflag:s25] =	ssyncset.done $0x0  }
0x2e: {  	[sflag:s25] =	ssyncadd.s32 $0xFFFFFF00  }
0x2f: {  	[tilespmem:s26], [sflag:$0x6] =	stream.indirect.gather [hbm4b:s1+s23], $0x80, s19, s23, $0xb8;
	[tilespmem:$0x1C400] =	vst v63  }
0x30: {  	_ =	swait.ge [sflag:s28], $0x3E80  }
0x31: {  	[sflag:s28] =	ssyncset.done $0x0  }
0x32: {  	[sflag:s28] =	ssyncadd.s32 $0xFFFFC180  }
0x33: {  	[spmem:s2] =	stream.indirect.scatter.add.f32 [tilespmem:s24], [sflag:$0x7], $0x80, s29, s23, $0xb8;
	[tilespmem:$0x1C400] =	vst v63  }
0x34: {  	_ =	swait.ge [sflag:s18], $0x3E80  }
0x35: {  	[sflag:s18] =	ssyncset.done $0x0  }
0x36: {  	s11 =	sadd.s32 $0x0, s16;
	[sflag:s18] =	ssyncadd.s32 $0xFFFFC180  }
0x37: {  	[tilespmem:s4], [sflag:$0x1] =	stream.linear.gather [hbm4b:s11+s4], $0x100, $0x38;
	[tilespmem:$0x1C400] =	vst v63  }
0x38: {  	_ =	swait.ge [sflag:s30], $0x100  }
0x39: {  	[sflag:s30] =	ssyncset.done $0x0  }
0x3a: {  	[sflag:s30] =	ssyncadd.s32 $0xFFFFFF00  }
0x3b: {  	[tilespmem:s24], [sflag:$0x5] =	stream.indirect.gather [hbm4b:s1+s23], $0x80, s20, s23, $0xb8;
	[tilespmem:$0x1C400] =	vst v63  }
0x3c: {  	_ =	swait.ge [sflag:s31], $0x3E80  }
0x3d: {  	[sflag:s31] =	ssyncset.done $0x0  }
0x3e: {  	[sflag:s31] =	ssyncadd.s32 $0xFFFFC180  }
0x3f: {  	[spmem:s2] =	stream.indirect.scatter.add.f32 [tilespmem:s26], [sflag:$0x7], $0x80, s0, s23, $0xb8;
	[tilespmem:$0x1C400] =	vst v63  }
0x40: {  	_ =	swait.ge [sflag:s18], $0x3E80  }
0x41: {  	[sflag:s18] =	ssyncset.done $0x0  }
0x42: {  	s12 =	sadd.s32 $0x0, s15;
	[sflag:s18] =	ssyncadd.s32 $0xFFFFC180  }
0x43: {  	[tilespmem:s19], [sflag:$0x2] =	stream.linear.gather [hbm4b:s12+s4], $0x100, $0x38;
	[tilespmem:$0x1C400] =	vst v63  }
0x44: {  	_ =	swait.ge [sflag:s3], $0x100  }
0x45: {  	[sflag:s3] =	ssyncset.done $0x0  }
0x46: {  	[sflag:s3] =	ssyncadd.s32 $0xFFFFFF00  }
0x47: {  	[tilespmem:s26], [sflag:$0x6] =	stream.indirect.gather [hbm4b:s1+s23], $0x80, s21, s23, $0xb8;
	[tilespmem:$0x1C400] =	vst v63  }
0x48: {  	_ =	swait.ge [sflag:s28], $0x3E80  }
0x49: {  	[sflag:s28] =	ssyncset.done $0x0  }
0x4a: {  	[sflag:s28] =	ssyncadd.s32 $0xFFFFC180  }
0x4b: {  	[spmem:s2] =	stream.indirect.scatter.add.f32 [tilespmem:s24], [sflag:$0x7], $0x80, s5, s23, $0xb8;
	[tilespmem:$0x1C400] =	vst v63  }
0x4c: {  	_ =	swait.ge [sflag:s18], $0x3E80  }
0x4d: {  	[sflag:s18] =	ssyncset.done $0x0  }
0x4e: {  	s11 =	sadd.s32 $0x0, s14;
	[sflag:s18] =	ssyncadd.s32 $0xFFFFC180  }
0x4f: {  	[tilespmem:s20], [sflag:$0x3] =	stream.linear.gather [hbm4b:s11+s4], $0x100, $0x38;
	[tilespmem:$0x1C400] =	vst v63  }
0x50: {  	_ =	swait.ge [sflag:s22], $0x100  }
0x51: {  	[sflag:s22] =	ssyncset.done $0x0  }
0x52: {  	[sflag:s22] =	ssyncadd.s32 $0xFFFFFF00  }
0x53: {  	[tilespmem:s24], [sflag:$0x5] =	stream.indirect.gather [hbm4b:s1+s23], $0x80, s4, s23, $0xb8;
	[tilespmem:$0x1C400] =	vst v63  }
0x54: {  	_ =	swait.ge [sflag:s31], $0x3E80  }
0x55: {  	[sflag:s31] =	ssyncset.done $0x0  }
0x56: {  	[sflag:s31] =	ssyncadd.s32 $0xFFFFC180  }
0x57: {  	[spmem:s2] =	stream.indirect.scatter.add.f32 [tilespmem:s26], [sflag:$0x7], $0x80, s8, s23, $0xb8;
	[tilespmem:$0x1C400] =	vst v63  }
0x58: {  	_ =	swait.ge [sflag:s18], $0x3E80  }
0x59: {  	[sflag:s18] =	ssyncset.done $0x0  }
0x5a: {  	s12 =	sadd.s32 $0x0, s13;
	[sflag:s18] =	ssyncadd.s32 $0xFFFFC180  }
0x5b: {  	[tilespmem:s21], [sflag:$0x4] =	stream.linear.gather [hbm4b:s12+s4], $0x100, $0x38;
	[tilespmem:$0x1C400] =	vst v63  }
0x5c: {  	_ =	swait.ge [sflag:s25], $0x100  }
0x5d: {  	[sflag:s25] =	ssyncset.done $0x0  }
0x5e: {  	s10 =	simm.s32 $0x80;
	[sflag:s25] =	ssyncadd.s32 $0xFFFFFF00  }
.LBB2_2:
0x5f: {  	[tilespmem:s26], [sflag:$0x6] =	stream.indirect.gather [hbm4b:s1+s23], $0x80, s19, s23, $0xb8;
	[tilespmem:$0x1C400] =	vst v63  }
0x60: {  	s11 =	smov.u32 s10  }
0x61: {  	p0 =	sne.s32 s10, $0x900;
	s10 =	sadd.s32 $0x80, s10;
	_ =	swait.ge [sflag:s28], $0x3E80  }
0x62: {  	[sflag:s28] =	ssyncset.done $0x0  }
0x63: {  	[sflag:s28] =	ssyncadd.s32 $0xFFFFC180  }
0x64: {  	[spmem:s2] =	stream.indirect.scatter.add.f32 [tilespmem:s24], [sflag:$0x7], $0x80, s29, s23, $0xb8;
	[tilespmem:$0x1C400] =	vst v63  }
0x65: {  	_ =	swait.ge [sflag:s18], $0x3E80  }
0x66: {  	[sflag:s18] =	ssyncset.done $0x0  }
0x67: {  	s12 =	sadd.s32 s11, s16;
	[sflag:s18] =	ssyncadd.s32 $0xFFFFC180  }
0x68: {  	[tilespmem:s4], [sflag:$0x1] =	stream.linear.gather [hbm4b:s12+s4], $0x100, $0x38;
	[tilespmem:$0x1C400] =	vst v63  }
0x69: {  	_ =	swait.ge [sflag:s30], $0x100  }
0x6a: {  	[sflag:s30] =	ssyncset.done $0x0  }
0x6b: {  	[sflag:s30] =	ssyncadd.s32 $0xFFFFFF00  }
0x6c: {  	[tilespmem:s24], [sflag:$0x5] =	stream.indirect.gather [hbm4b:s1+s23], $0x80, s20, s23, $0xb8;
	[tilespmem:$0x1C400] =	vst v63  }
0x6d: {  	_ =	swait.ge [sflag:s31], $0x3E80  }
0x6e: {  	[sflag:s31] =	ssyncset.done $0x0  }
0x6f: {  	[sflag:s31] =	ssyncadd.s32 $0xFFFFC180  }
0x70: {  	[spmem:s2] =	stream.indirect.scatter.add.f32 [tilespmem:s26], [sflag:$0x7], $0x80, s0, s23, $0xb8;
	[tilespmem:$0x1C400] =	vst v63  }
0x71: {  	_ =	swait.ge [sflag:s18], $0x3E80  }
0x72: {  	[sflag:s18] =	ssyncset.done $0x0  }
0x73: {  	s12 =	sadd.s32 s11, s15;
	[sflag:s18] =	ssyncadd.s32 $0xFFFFC180  }
0x74: {  	[tilespmem:s19], [sflag:$0x2] =	stream.linear.gather [hbm4b:s12+s4], $0x100, $0x38;
	[tilespmem:$0x1C400] =	vst v63  }
0x75: {  	_ =	swait.ge [sflag:s3], $0x100  }
0x76: {  	[sflag:s3] =	ssyncset.done $0x0  }
0x77: {  	[sflag:s3] =	ssyncadd.s32 $0xFFFFFF00  }
0x78: {  	[tilespmem:s26], [sflag:$0x6] =	stream.indirect.gather [hbm4b:s1+s23], $0x80, s21, s23, $0xb8;
	[tilespmem:$0x1C400] =	vst v63  }
0x79: {  	_ =	swait.ge [sflag:s28], $0x3E80  }
0x7a: {  	[sflag:s28] =	ssyncset.done $0x0  }
0x7b: {  	[sflag:s28] =	ssyncadd.s32 $0xFFFFC180  }
0x7c: {  	[spmem:s2] =	stream.indirect.scatter.add.f32 [tilespmem:s24], [sflag:$0x7], $0x80, s5, s23, $0xb8;
	[tilespmem:$0x1C400] =	vst v63  }
0x7d: {  	_ =	swait.ge [sflag:s18], $0x3E80  }
0x7e: {  	[sflag:s18] =	ssyncset.done $0x0  }
0x7f: {  	s12 =	sadd.s32 s11, s14;
	[sflag:s18] =	ssyncadd.s32 $0xFFFFC180  }
0x80: {  	[tilespmem:s20], [sflag:$0x3] =	stream.linear.gather [hbm4b:s12+s4], $0x100, $0x38;
	[tilespmem:$0x1C400] =	vst v63  }
0x81: {  	_ =	swait.ge [sflag:s22], $0x100  }
0x82: {  	[sflag:s22] =	ssyncset.done $0x0  }
0x83: {  	[sflag:s22] =	ssyncadd.s32 $0xFFFFFF00  }
0x84: {  	[tilespmem:s24], [sflag:$0x5] =	stream.indirect.gather [hbm4b:s1+s23], $0x80, s4, s23, $0xb8;
	[tilespmem:$0x1C400] =	vst v63  }
0x85: {  	_ =	swait.ge [sflag:s31], $0x3E80  }
0x86: {  	[sflag:s31] =	ssyncset.done $0x0  }
0x87: {  	[sflag:s31] =	ssyncadd.s32 $0xFFFFC180  }
0x88: {  	[spmem:s2] =	stream.indirect.scatter.add.f32 [tilespmem:s26], [sflag:$0x7], $0x80, s8, s23, $0xb8;
	[tilespmem:$0x1C400] =	vst v63  }
0x89: {  	_ =	swait.ge [sflag:s18], $0x3E80  }
0x8a: {  	[sflag:s18] =	ssyncset.done $0x0  }
.Ltmp0:
0x8b: {  	s11 =	sadd.s32 s11, s13;
	[sflag:s18] =	ssyncadd.s32 $0xFFFFC180;
	(pc) =	sbr.rel @p0 .LBB2_2-.Ltmp0, $4  }
0x8c: {  	[tilespmem:s21], [sflag:$0x4] =	stream.linear.gather [hbm4b:s11+s4], $0x100, $0x38;
	[tilespmem:$0x1C400] =	vst v63  }
0x8d: {  	_ =	swait.ge [sflag:s25], $0x100  }
0x8e: {  	[sflag:s25] =	ssyncset.done $0x0  }
0x8f: {  	[sflag:s25] =	ssyncadd.s32 $0xFFFFFF00  }
0x90: {  	[tilespmem:s26], [sflag:$0x6] =	stream.indirect.gather [hbm4b:s1+s23], $0x80, s19, s23, $0xb8;
	[tilespmem:$0x1C400] =	vst v63  }
0x91: {  	_ =	swait.ge [sflag:s28], $0x3E80  }
0x92: {  	[sflag:s28] =	ssyncset.done $0x0  }
0x93: {  	[sflag:s28] =	ssyncadd.s32 $0xFFFFC180  }
0x94: {  	[spmem:s2] =	stream.indirect.scatter.add.f32 [tilespmem:s24], [sflag:$0x7], $0x80, s29, s23, $0xb8;
	[tilespmem:$0x1C400] =	vst v63  }
0x95: {  	_ =	swait.ge [sflag:s18], $0x3E80  }
0x96: {  	[sflag:s18] =	ssyncset.done $0x0  }
0x97: {  	[sflag:s18] =	ssyncadd.s32 $0xFFFFC180  }
0x98: {  	_ =	swait.ge [sflag:s30], $0x100  }
0x99: {  	[sflag:s30] =	ssyncset.done $0x0  }
0x9a: {  	[sflag:s30] =	ssyncadd.s32 $0xFFFFFF00  }
0x9b: {  	[tilespmem:s24], [sflag:$0x5] =	stream.indirect.gather [hbm4b:s1+s23], $0x80, s20, s23, $0xb8;
	[tilespmem:$0x1C400] =	vst v63  }
0x9c: {  	_ =	swait.ge [sflag:s31], $0x3E80  }
0x9d: {  	[sflag:s31] =	ssyncset.done $0x0  }
0x9e: {  	[sflag:s31] =	ssyncadd.s32 $0xFFFFC180  }
0x9f: {  	[spmem:s2] =	stream.indirect.scatter.add.f32 [tilespmem:s26], [sflag:$0x7], $0x80, s0, s23, $0xb8;
	[tilespmem:$0x1C400] =	vst v63  }
0xa0: {  	_ =	swait.ge [sflag:s18], $0x3E80  }
0xa1: {  	[sflag:s18] =	ssyncset.done $0x0  }
0xa2: {  	[sflag:s18] =	ssyncadd.s32 $0xFFFFC180  }
0xa3: {  	_ =	swait.ge [sflag:s3], $0x100  }
0xa4: {  	[sflag:s3] =	ssyncset.done $0x0  }
0xa5: {  	[sflag:s3] =	ssyncadd.s32 $0xFFFFFF00  }
0xa6: {  	[tilespmem:s26], [sflag:$0x6] =	stream.indirect.gather [hbm4b:s1+s23], $0x80, s21, s23, $0xb8;
	[tilespmem:$0x1C400] =	vst v63  }
0xa7: {  	_ =	swait.ge [sflag:s28], $0x3E80  }
0xa8: {  	[sflag:s28] =	ssyncset.done $0x0  }
0xa9: {  	[sflag:s28] =	ssyncadd.s32 $0xFFFFC180  }
0xaa: {  	[spmem:s2] =	stream.indirect.scatter.add.f32 [tilespmem:s24], [sflag:$0x7], $0x80, s5, s23, $0xb8;
	[tilespmem:$0x1C400] =	vst v63  }
0xab: {  	_ =	swait.ge [sflag:s18], $0x3E80  }
0xac: {  	[sflag:s18] =	ssyncset.done $0x0  }
0xad: {  	[sflag:s18] =	ssyncadd.s32 $0xFFFFC180  }
0xae: {  	_ =	swait.ge [sflag:s31], $0x3E80  }
0xaf: {  	[sflag:s31] =	ssyncset.done $0x0  }
0xb0: {  	[sflag:s31] =	ssyncadd.s32 $0xFFFFC180  }
0xb1: {  	[spmem:s2] =	stream.indirect.scatter.add.f32 [tilespmem:s26], [sflag:$0x7], $0x80, s8, s23, $0xb8;
	[tilespmem:$0x1C400] =	vst v63  }
0xb2: {  	_ =	swait.ge [sflag:s18], $0x3E80  }
0xb3: {  	[sflag:s18] =	ssyncset.done $0x0  }
0xb4: {  	[sflag:s18] =	ssyncadd.s32 $0xFFFFC180  }
0xb5: {  	[bflag:$0x0] =	sbarrier.arrive $0xFFFF  }
0xb6: {  	s10 =	rddreg [dreg:$0x8]  }
0xb7: {  	[hbm:s10], [sflag:s6] =	dma.local [spmem:s17], $0x2800  }
0xb8: {  	_ =	swait.ge [sflag:s18], $0x2800  }
0xb9: {  	s9 =	sadd.s32 $0x1, s9;
	s12 =	rddreg [dreg:$0x9]  }
0xba: {  	p0 =	sne.s32 s9, s12  }
.Ltmp1:
0xbb: {  	_ = 	snop;
	(pc) =	sbr.rel @p0 .LBB2_1-.Ltmp1, $3  }
0xbc: {  	_ =	sdelay $0x1  }
0xbd: {  	[sflag:s18] =	ssyncset.done $0x0  }
0xbe: {  	[sflag:s18] =	ssyncadd.s32 $0xFFFFD800  }
0xbf: {  	_ =	sfence.sel $0x180000  }
0xc0: {  	[bflag:$0x0] =	sbarrier.arrive $0xFFFF  }
0xc1: {  	_ =	strace $0x9000004D  }
0xc2: {  	s0 =	stileid.u32;
	[bflag:$0x2] =	sbarrier.arrive $0xFFFF  }
0xc3: {  	p0 =	sne.s32 s0, $0x0;
	s0 =	rddreg [dreg:$0x3]  }
0xc4: {  	s0 =	sadd.s32 @!p0 $0x100000, s0  }
0xc5: {  	[sflag:s0] =	ssyncadd.tile.s32 @!p0 $0x1;
	_ =	shalt  }
.Lfunc_end2:
_tile_overlayer_lowered:
.L_overlay_start_2:
0xc6: {  	(tag) =	ssettag $0x2  }
0xc7: {  	s0 =	rddreg [dreg:$0x0];
	s2 =	stileid.u32  }
0xc8: {  	s1 =	rddreg [dreg:$0x1];
	p0 =	sne.s32 s2, $0x0  }
0xc9: {  	s3 =	rddreg [dreg:$0x2];
	[bflag:$0x3] =	sbarrier.arrive $0xFFFF;
	s2 =	simm.s32 @!p0 $0x1C07  }
0xca: {  	[timem:s3], [sflag:s2] =	dma.local @!p0 [hbm:s0], s1  }
0xcb: {  	s0 =	simm.s32 @!p0 $0x7  }
0xcc: {  	_ =	swait.ge @!p0 [sflag:s0], s1  }
0xcd: {  	s1 =	ssub.s32 @!p0 $0x0, s1;
	[sflag:s0] =	ssyncset.done @!p0 $0x0  }
0xce: {  	[sflag:s0] =	ssyncadd.s32 @!p0 s1  }
0xcf: {  	[bflag:$0x3] =	sbarrier.arrive $0xFFFF  }
0xd0: {  	_ =	shalt  }

// kernel: kernel.8.cloned.1.call-start
scs
__scs_entry_jumppad:
0x0: {  	(pc) =	sbr.rel $0x88, $3  }
0x1: {  	(tag) =	ssettag $0x0;
	lr =	simm.s32 $0x1  }
0x2: {  	[smem:$0x3F95] =	sst lr;
	_ =	strace $0xD0000000  }
0x3: {  	_ = 	snop  }
0x4: {  	_ = 	snop  }
0x5: {  	_ = 	snop  }
0x6: {  	_ = 	snop  }
0x7: {  	_ = 	snop  }
__scs_overlays_trampoline_lowered:
0x8: {  	[smem:$0x3FA4] =	sst s0  }
0x9: {  	[smem:$0x3FA5] =	sst s1  }
0xa: {  	[smem:$0x3FA6] =	sst s2  }
0xb: {  	[smem:$0x3FA7] =	sst s3  }
0xc: {  	[smem:$0x3FA8] =	sst s4  }
0xd: {  	[smem:$0x3FA9] =	sst s5  }
0xe: {  	[smem:$0x3FAA] =	sst s6  }
0xf: {  	[smem:$0x3FAB] =	sst s7  }
0x10: {  	[smem:$0x3FAC] =	sst s8  }
0x11: {  	[smem:$0x3FAD] =	sst s9;
	s0 =	simm.s32 @!p0 $0x0  }
0x12: {  	s1 =	sld [smem:$0x3F93];
	s0 =	simm.s32 @p0 $0x1  }
0x13: {  	[smem:$0x3FAE] =	sst s0;
	s0 =	simm.s32 @!p1 $0x0  }
0x14: {  	s2 =	sld [smem:$0x3F92];
	s0 =	simm.s32 @p1 $0x1  }
0x15: {  	[smem:$0x3FAF] =	sst s0;
	s0 =	simm.s32 @!p2 $0x0  }
0x16: {  	s3 =	sld [smem:$0x3FDB];
	s0 =	simm.s32 @p2 $0x1  }
0x17: {  	s4 =	simm.s32 $0x1BF5;
	[smem:$0x3FB1] =	sst s0  }
0x18: {  	s0 =	sld [smem:$0x3F94];
	_ =	swait.ge [sflag:s4], $0x0  }
0x19: {  	s7 =	sld [smem:$0x3F95]  }
0x1a: {  	s8 =	sadd.s32 $0xFFFFE003, lr  }
0x1b: {  	s9 =	sadd.s32 $0xFFFFFEF7, lr;
	s5 =	simm.s32 $0xFFFFFFFF;
	p2 =	slt.u32 s8, $0xFFFFF086  }
0x1c: {  	p1 =	slt.u32 s9, $0xF7A;
	s5 =	simm.s32 @!p2 $0x0  }
0x1d: {  	s5 =	simm.s32 @p1 $0x1;
	p0 =	seq.s32 s7, s2  }
0x1e: {  	s7 =	smul.u32 @!p0 $0xF7A, s2;
	p2 =	seq.s32 @!p0 s5, $0x0  }
0x1f: {  	s9 =	smul.u32 $0xF7A, s1;
	s8 =	simm.s32 @!p0 $0x1BF5;
	p2 =	por !p2, p0  }
0x20: {  	[sflag:s8] =	ssyncset.s32 @!p0 $0xFFFFF086;
	s6 =	sadd.s32 @!p0 s3, s7;
	s7 =	simm.s32 @!p0 $0x108  }
0x21: {  	s3 =	sadd.s32 s3, s9;
	s6 =	sadd.s32 @!p0 $0x88, s6;
	s7 =	simm.s32 @p2 $0x1082  }
0x22: {  	[simem:s7], [sflag:s8] =	dma.local @!p0 [hbm:s6], $0xF7A  }
0x23: {  	s9 =	sor.u32 $0xD0000000, s2;
	s6 =	simm.s32 $0x108;
	_ =	swait.ge @!p0 [sflag:s8], $0x0  }
0x24: {  	s3 =	sadd.s32 $0x88, s3;
	s6 =	simm.s32 @!p1 $0x1082;
	[sflag:s4] =	ssyncset.s32 $0xFFFFF086  }
0x25: {  	[simem:s6], [sflag:s4] =	dma.local [hbm:s3], $0xF7A  }
0x26: {  	[smem:$0x3F95] =	sst s1;
	(tag) =	ssettag s2;
	_ =	strace s9  }
0x27: {  	s1 =	sld [smem:$0x3FA5]  }
0x28: {  	s2 =	sld [smem:$0x3FA6]  }
0x29: {  	s4 =	sld [smem:$0x3FA8]  }
0x2a: {  	p0 =	seq.s32 s5, $0x0;
	s5 =	sld [smem:$0x3FA9]  }
0x2b: {  	s6 =	sld [smem:$0x3FAA]  }
0x2c: {  	s7 =	sld [smem:$0x3FAB]  }
0x2d: {  	s3 =	simm.s32 $0x108;
	s8 =	sld [smem:$0x3FAC]  }
0x2e: {  	s3 =	simm.s32 @!p0 $0x1082;
	s9 =	sld [smem:$0x3FAD]  }
0x2f: {  	lr =	sadd.s32 s0, s3;
	s0 =	sld [smem:$0x3FA4]  }
0x30: {  	s3 =	sld [smem:$0x3FA7]  }
0x31: {  	[smem:$0x3FB0] =	sst s10  }
0x32: {  	s10 =	sld [smem:$0x3FAE];
	_ =	sdelay $0x3  }
0x33: {  	p0 =	seq.s32 s10, $0x1;
	s10 =	sld [smem:$0x3FB0];
	_ =	sdelay $0x3  }
0x34: {  	[smem:$0x3FB0] =	sst s10  }
0x35: {  	s10 =	sld [smem:$0x3FAF];
	_ =	sdelay $0x3  }
0x36: {  	p1 =	seq.s32 s10, $0x1;
	s10 =	sld [smem:$0x3FB0];
	_ =	sdelay $0x3  }
0x37: {  	[smem:$0x3FB0] =	sst s10  }
0x38: {  	s10 =	sld [smem:$0x3FB1]  }
0x39: {  	_ = 	snop;
	(pc) =	sbr.ind lr, $3  }
0x3a: {  	_ = 	snop  }
0x3b: {  	_ = 	snop  }
0x3c: {  	p2 =	seq.s32 s10, $0x1;
	s10 =	sld [smem:$0x3FB0]  }
0x3d: {  	_ =	shalt  }
0x3e: {  	_ =	shalt  }
0x3f: {  	_ =	shalt  }
0x40: {  	_ =	shalt  }
0x41: {  	_ =	shalt  }
0x42: {  	_ =	shalt  }
0x43: {  	_ =	shalt  }
0x44: {  	_ =	shalt  }
0x45: {  	_ =	shalt  }
0x46: {  	_ =	shalt  }
0x47: {  	_ =	shalt  }
0x48: {  	_ =	shalt  }
0x49: {  	_ =	shalt  }
0x4a: {  	_ =	shalt  }
0x4b: {  	_ =	shalt  }
0x4c: {  	_ =	shalt  }
0x4d: {  	_ =	shalt  }
0x4e: {  	_ =	shalt  }
0x4f: {  	_ =	shalt  }
0x50: {  	_ =	shalt  }
0x51: {  	_ =	shalt  }
0x52: {  	_ =	shalt  }
0x53: {  	_ =	shalt  }
0x54: {  	_ =	shalt  }
0x55: {  	_ =	shalt  }
0x56: {  	_ =	shalt  }
0x57: {  	_ =	shalt  }
0x58: {  	_ =	shalt  }
0x59: {  	_ =	shalt  }
0x5a: {  	_ =	shalt  }
0x5b: {  	_ =	shalt  }
0x5c: {  	_ =	shalt  }
0x5d: {  	_ =	shalt  }
0x5e: {  	_ =	shalt  }
0x5f: {  	_ =	shalt  }
0x60: {  	_ =	shalt  }
0x61: {  	_ =	shalt  }
0x62: {  	_ =	shalt  }
0x63: {  	_ =	shalt  }
0x64: {  	_ =	shalt  }
0x65: {  	_ =	shalt  }
0x66: {  	_ =	shalt  }
0x67: {  	_ =	shalt  }
0x68: {  	_ =	shalt  }
0x69: {  	_ =	shalt  }
0x6a: {  	_ =	shalt  }
0x6b: {  	_ =	shalt  }
0x6c: {  	_ =	shalt  }
0x6d: {  	_ =	shalt  }
0x6e: {  	_ =	shalt  }
0x6f: {  	_ =	shalt  }
0x70: {  	_ =	shalt  }
0x71: {  	_ =	shalt  }
0x72: {  	_ =	shalt  }
0x73: {  	_ =	shalt  }
0x74: {  	_ =	shalt  }
0x75: {  	_ =	shalt  }
0x76: {  	_ =	shalt  }
0x77: {  	_ =	shalt  }
0x78: {  	_ =	shalt  }
0x79: {  	_ =	shalt  }
0x7a: {  	_ =	shalt  }
0x7b: {  	_ =	shalt  }
0x7c: {  	_ =	shalt  }
0x7d: {  	_ =	shalt  }
0x7e: {  	_ =	shalt  }
0x7f: {  	_ =	shalt  }
0x80: {  	_ =	shalt  }
0x81: {  	_ =	shalt  }
0x82: {  	_ =	shalt  }
0x83: {  	_ =	shalt  }
0x84: {  	_ =	shalt  }
0x85: {  	_ =	shalt  }
0x86: {  	_ =	shalt  }
0x87: {  	_ =	shalt  }
.Lfunc_end0:
.L_simem_size_0:
called_computation_lowered:
.L_overlay_start_0:
0x88: {  	s2 =	sld [smem:$0x3FD9]  }
0x89: {  	s3 =	sld [smem:$0x3FFE];
	_ =	sdelay $0x1  }
0x8a: {  	s1 =	srdreg.scid  }
0x8b: {  	s0 =	sand.u32 $0x1, s1  }
0x8c: {  	s14 =	sshll.u32 s0, $0xA;
	s2 =	sadd.s32 s3, s2  }
0x8d: {  	s2 =	sadd.s32 s2, s14  }
0x8e: {  	[smem:$0x3FBC] =	sst s2  }
0x8f: {  	_ = 	snop  }
0x90: {  	s2 =	sld [smem:$0x3FD0];
	_ =	sdelay $0x2  }
0x91: {  	s15 =	simm.s32 $0xA;
	s4 =	simm.s32 $0x10  }
0x92: {  	[smem:s4], [sflag:s15] =	dma.local [hbm:s2], $0x1  }
0x93: {  	_ =	swait.eq [sflag:s15], $0x1  }
0x94: {  	[sflag:s15] =	ssyncset.done $0x0  }
0x95: {  	s16 =	sld [smem:$0x10];
	[sflag:s15] =	ssyncadd.s32 $0xFFFFFFFF  }
0x96: {  	s17 =	sld [smem:$0x11];
	(tm) =	ssettm $0x1  }
0x97: {  	s18 =	sld [smem:$0x3FFB];
	_ =	sdelay $0x3  }
0x98: {  	_ =	strace s18  }
0x99: {  	s4 =	sld [smem:$0x3FFC];
	_ =	sdelay $0x3  }
0x9a: {  	_ =	strace s4  }
0x9b: {  	s4 =	sld [smem:$0x3FFD];
	_ =	sdelay $0x3  }
0x9c: {  	_ =	strace s4  }
0x9d: {  	_ =	strace $0x8FFFFFFF  }
0x9e: {  	s19 =	sld [smem:$0x3FDB];
	_ =	sdelay $0x1  }
0x9f: {  	s5 =	simm.s32 $_scs_section_size  }
0xa0: {  	s6 =	simm.s32 $_size__tile_overlayer_lowered;
	s7 =	simm.s32 $_tile_overlayer_lowered  }
0xa1: {  	s22 =	simm.s32 $0x1BFF;
	s21 =	sshll.u32 s7, $0x1;
	s4 =	sadd.s32 s5, s19  }
0xa2: {  	s8 =	simm.s32 $0x0;
	s20 =	sshll.u32 s6, $0x1;
	s6 =	sadd.s32 s21, s4  }
0xa3: {  	[timem:s8], [sflag:s22] =	dma.local [hbm:s6], s20  }
0xa4: {  	_ =	swait.ge [sflag:s22], s20  }
0xa5: {  	s5 =	ssub.s32 $0x0, s20;
	[sflag:s22] =	ssyncset.done $0x0  }
0xa6: {  	[sflag:s22] =	ssyncadd.s32 s5;
	_ =	sdelay $0x1  }
0xa7: {  	s23 =	simm.s32 $0x1B8B  }
0xa8: {  	_ =	swait.ge [sflag:s23], $0x1  }
0xa9: {  	[sflag:s23] =	ssyncset.done $0x0  }
0xaa: {  	s25 =	simm.s32 $0x1B8E;
	s24 =	sld [smem:$0x3FFE];
	[sflag:s23] =	ssyncadd.s32 $0xFFFFFFFF  }
0xab: {  	s26 =	simm.s32 $execute0_lowered;
	[smem:$0x3FD2] =	sst s25  }
0xac: {  	s6 =	sshll.u32 s26, $0x1;
	_ =	strace $0x80000046;
	[dreg:$0x1] =	wrdreg $0xFFFFFFFF  }
0xad: {  	s28 =	simm.s32 $_size_execute0_lowered;
	s4 =	sadd.s32 s4, s6;
	[dreg:$0x0] =	wrdreg $0x0  }
0xae: {  	s6 =	sshll.u32 s28, $0x1;
	[dreg:$0x2] =	wrdreg s4  }
0xaf: {  	[dreg:$0x3] =	wrdreg s6  }
0xb0: {  	[dreg:$0x4] =	wrdreg $0xC0  }
0xb1: {  	_ =	task [dreg:s8], $0x5FFFF  }
0xb2: {  	[dreg:$0x1] =	wrdreg $0xFFFFFFFF  }
0xb3: {  	[dreg:$0x0] =	wrdreg $0x60  }
0xb4: {  	[dreg:$0x2] =	wrdreg s16  }
0xb5: {  	[dreg:$0x3] =	wrdreg s17  }
0xb6: {  	[dreg:$0x4] =	wrdreg s24  }
0xb7: {  	[dreg:$0x5] =	wrdreg $0x40800  }
0xb8: {  	[dreg:$0x6] =	wrdreg $0x9  }
0xb9: {  	_ =	task.clear_ibuf [dreg:s8], $0x7FFFF;
	_ =	strace $0x90000046  }
0xba: {  	s29 =	simm.s32 $0x9;
	_ =	strace $0x80000048  }
0xbb: {  	_ =	swait.ge [sflag:s29], $0x1  }
0xbc: {  	[sflag:s29] =	ssyncadd.s32 $0xFFFFFFFF  }
0xbd: {  	_ =	strace $0x90000048  }
0xbe: {  	_ =	sfence  }
0xbf: {  	s30 =	sld [smem:$0x0];
	_ =	sdelay $0x2  }
0xc0: {  	s31 =	sshll.u32 s1, $0xD;
	s1 =	sshrl.u32 s1, $0x2  }
0xc1: {  	s3 =	sand.u32 $0x4000, s31;
	s1 =	sadd.s32 s1, s30  }
0xc2: {  	s0 =	sor.u32 s3, s0;
	s1 =	sshll.u32 s1, $0x11  }
0xc3: {  	s0 =	sor.u32 s1, s0  }
0xc4: {  	s0 =	sadd.s32 $0x8F2B, s0  }
0xc5: {  	[sflag:s0] =	ssyncadd.remote.s32 $0x1  }
0xc6: {  	_ =	sfence.sel $0xFFFF  }
0xc7: {  	[dreg:$0x0] =	wrdreg $0xFFFFFFFF;
	(pc) =	sbr.abs _section_cstart, $3  }
0xc8: {  	[dreg:$0x1] =	wrdreg $0xFFFFFFFF  }
0xc9: {  	_ =	task.clear_ibuf [dreg:s8], $0x2FFFF;
	_ =	strace $0x9FFFFFFF  }
0xca: {  	(tm) =	ssettm $0x7FFFFFFF  }
0xcb: {  	_ =	shalt  }
tec
execute0_lowered:
.L_overlay_start_1:
0x0: {  	(tag) =	ssettag $0x1  }
0x1: {  	s6 =	rddreg [dreg:$0x0]  }
0x2: {  	s1 =	rddreg [dreg:$0x1]  }
0x3: {  	s2 =	srdreg.scid;
	s7 =	rddreg [dreg:$0x2]  }
0x4: {  	s0 =	stileid.u32;
	s3 =	rddreg [dreg:$0x3];
	s4 =	simm.s32 $0x0  }
0x5: {  	s13 =	simm.s32 $0x50;
	s8 =	sand.u32 $0x1, s2;
	s2 =	rddreg [dreg:$0x4]  }
0x6: {  	s14 =	simm.s32 $0x0;
	s9 =	smul.u32 $0x280, s0;
	[smem:$0x7FF] =	sst s4  }
0x7: {  	s30 =	sshll.u32 s0, $0xB;
	s31 =	sshll.u32 s0, $0x6;
	s5 =	smul.u32 $0x2800, s8  }
0x8: {  	_ =	strace $0x80000047;
	s11 =	ssub.s32 $0x2, s8;
	s8 =	sshll.u32 s8, $0xF  }
0x9: {  	s29 =	sshrl.u32 s11, $0x1;
	s12 =	sadd.s32 s9, s3;
	s5 =	sadd.s32 s9, s5  }
0xa: {  	s11 =	ssub.s32 s11, s29;
	s10 =	sshrl.u32 s5, $0x3;
	s5 =	sadd.s32 $0x3600, s7  }
0xb: {  	s9 =	smax.u32 s11, $0x1;
	s10 =	sadd.s32 s10, s7;
	s7 =	sadd.s32 s6, s30  }
0xc: {  	s11 =	simm.s32 $0x1;
	s6 =	sor.u32 $0x1C01, s31;
	s7 =	sadd.s32 s8, s7  }
0xd: {  	s8 =	sadd.s32 $0x3800, s10;
	s10 =	sshrl.u32 s12, $0x3;
	s12 =	simm.s32 $0x4000  }
.LBB2_1:
0xe: {  	[spmem:s10], [sflag:s6] =	dma.local [hbm:s5], $0x50  }
0xf: {  	_ =	swait.ge [sflag:s11], $0x50  }
0x10: {  	[sflag:s11] =	ssyncset.done $0x0  }
0x11: {  	[sflag:s11] =	ssyncadd.s32 $0xFFFFFFB0  }
0x12: {  	[tilespmem:s4], [sflag:$0x1] =	stream.linear.gather [hbm4b:s7+s4], $0x3E80, $0x38;
	[tilespmem:$0x4300] =	vst v63  }
0x13: {  	_ =	swait.ge [sflag:s11], $0x3E80  }
0x14: {  	[sflag:s11] =	ssyncset.done $0x0  }
0x15: {  	[sflag:s11] =	ssyncadd.s32 $0xFFFFC180  }
0x16: {  	[tilespmem:s12], [sflag:$0x1] =	stream.linear.gather [hbm4b:s1+s4], $0x80, $0x38;
	[tilespmem:$0x4300] =	vst v63  }
0x17: {  	_ =	swait.ge [sflag:s11], $0x80  }
0x18: {  	[sflag:s11] =	ssyncset.done $0x0  }
0x19: {  	[sflag:s11] =	ssyncadd.s32 $0xFFFFFF80  }
0x1a: {  	s15 =	simm.s32 $0x0;
	[bflag:$0x0] =	sbarrier.arrive $0xFFFF  }
0x1b: {  	[spmem:s3] =	stream.indirect.scatter.add.f32 [tilespmem:s12], [sflag:$0x1], $0x1, s15, s13, $0xb8;
	[tilespmem:$0x4300] =	vst v63  }
0x1c: {  	_ =	swait.ge [sflag:s11], $0x50  }
0x1d: {  	s15 =	simm.s32 $0x200;
	[sflag:s11] =	ssyncset.done $0x0  }
.LBB2_2:
0x1e: {  	s16 =	sshra.s32 s15, $0x2;
	[sflag:s11] =	ssyncadd.s32 $0xFFFFFFB0;
	p0 =	sne.s32 s15, $0xF800  }
0x1f: {  	[spmem:s3] =	stream.indirect.scatter.add.f32 [tilespmem:s12], [sflag:$0x1], $0x1, s16, s13, $0xb8;
	[tilespmem:$0x4300] =	vst v63  }
.Ltmp0:
0x20: {  	_ = 	snop;
	(pc) =	sbr.rel @p0 .LBB2_2-.Ltmp0, $4  }
0x21: {  	_ = 	snop  }
0x22: {  	s15 =	sadd.s32 $0x200, s15  }
0x23: {  	_ =	swait.ge [sflag:s11], $0x50  }
0x24: {  	[sflag:s11] =	ssyncset.done $0x0  }
0x25: {  	s14 =	sadd.s32 $0x1, s14  }
0x26: {  	[sflag:s11] =	ssyncadd.s32 $0xFFFFFFB0;
	p0 =	sne.s32 s14, s9  }
.Ltmp1:
0x27: {  	[bflag:$0x0] =	sbarrier.arrive $0xFFFF;
	(pc) =	sbr.rel @p0 .LBB2_1-.Ltmp1, $4  }
0x28: {  	[hbm:s8], [sflag:s6] =	dma.local [spmem:s10], $0x50  }
0x29: {  	_ =	swait.ge [sflag:s11], $0x50  }
0x2a: {  	[sflag:s11] =	ssyncset.done $0x0  }
0x2b: {  	[sflag:s11] =	ssyncadd.s32 $0xFFFFFFB0  }
0x2c: {  	_ =	sfence.sel $0x180000  }
0x2d: {  	[bflag:$0x0] =	sbarrier.arrive $0xFFFF  }
0x2e: {  	p0 =	sne.s32 s0, $0x0;
	_ =	strace $0x90000047  }
0x2f: {  	s0 =	sadd.s32 @!p0 $0x100000, s2;
	[bflag:$0x2] =	sbarrier.arrive $0xFFFF  }
0x30: {  	[sflag:s0] =	ssyncadd.tile.s32 @!p0 $0x1;
	_ =	shalt  }
.Lfunc_end2:
_tile_overlayer_lowered:
.L_overlay_start_2:
0x31: {  	(tag) =	ssettag $0x2  }
0x32: {  	s0 =	rddreg [dreg:$0x0];
	s2 =	stileid.u32  }
0x33: {  	s1 =	rddreg [dreg:$0x1];
	p0 =	sne.s32 s2, $0x0  }
0x34: {  	s3 =	rddreg [dreg:$0x2];
	[bflag:$0x3] =	sbarrier.arrive $0xFFFF;
	s2 =	simm.s32 @!p0 $0x1C01  }
0x35: {  	[timem:s3], [sflag:s2] =	dma.local @!p0 [hbm:s0], s1  }
0x36: {  	s0 =	simm.s32 @!p0 $0x1  }
0x37: {  	_ =	swait.ge @!p0 [sflag:s0], s1  }
0x38: {  	s1 =	ssub.s32 @!p0 $0x0, s1;
	[sflag:s0] =	ssyncset.done @!p0 $0x0  }
0x39: {  	[sflag:s0] =	ssyncadd.s32 @!p0 s1  }
0x3a: {  	[bflag:$0x3] =	sbarrier.arrive $0xFFFF  }
0x3b: {  	_ =	shalt  }

</sc_bundles>
